<compile_context>
chip_gen: v7x
topology: tpu7x:2x2x1
jax: 0.10.2.dev20260603
libtpu: 0.0.44.dev20260713+nightly
codegen_flags: <defaults>
</compile_context>

<pallas_src>
import jax
import jax.numpy as jnp
from jax import lax
from jax.experimental import pallas as pl
from jax.experimental.pallas import tpu as pltpu
from jax.experimental.pallas import tpu_sc as plsc

D = 128
N = 10000
E = 320000
SW = D + 16
NC, NS = 2, 16
NW = NC * NS
EW = E // NW
G = 40
NCHUNK = EW // G
NP = 10240
RPT = NP // NS
ZR = 128


def _ab_body(h_ref, w1_ref, b1_ref, a_ref, b_ref):
    hblk = h_ref[...]
    w1a = w1_ref[:, :D]
    w1b = w1_ref[:, D:2 * D]
    dn = (((1,), (1,)), ((), ()))
    a_ref[...] = (
        lax.dot_general(hblk, w1a, dn, preferred_element_type=jnp.float32)
        + b1_ref[...]
    )
    b_ref[...] = lax.dot_general(hblk, w1b, dn, preferred_element_type=jnp.float32)


def _ab_call(h, W1, b1r):
    rb = 1000
    grid = (N // rb,)
    return pl.pallas_call(
        _ab_body,
        grid=grid,
        in_specs=[
            pl.BlockSpec((rb, D), lambda i: (i, 0)),
            pl.BlockSpec((D, 257), lambda i: (0, 0)),
            pl.BlockSpec((1, D), lambda i: (0, 0)),
        ],
        out_specs=[
            pl.BlockSpec((rb, D), lambda i: (i, 0)),
            pl.BlockSpec((rb, D), lambda i: (i, 0)),
        ],
        out_shape=[
            jax.ShapeDtypeStruct((N, D), jnp.float32),
            jax.ShapeDtypeStruct((N, D), jnp.float32),
        ],
    )(h, W1, b1r)


SUP = 10
NSUP = NCHUNK // SUP
LW = SUP * G + 16

SIG_BINS = 2048
SIG_LO = -16.0
SIG_HI = 16.0
SIG_SCALE = SIG_BINS / (SIG_HI - SIG_LO)


def _sc_body(a_hbm, b_hbm, s2d_hbm, r2d_hbm, len2d_hbm, w1c_hbm, out_hbm,
             sidx3, ridx3, len3, arow, brow, acc, w1c_v, sig_tab, s_sh,
             sem_g, sem_s, sem_i):
    core = lax.axis_index("c")
    sub = lax.axis_index("s")
    wid = core * NS + sub

    pltpu.sync_copy(s2d_hbm.at[wid, pl.ds(0, SUP)], sidx3.at[0])
    pltpu.sync_copy(r2d_hbm.at[wid, pl.ds(0, SUP)], ridx3.at[0])
    pltpu.sync_copy(len2d_hbm.at[wid, 0], len3.at[0, pl.ds(0, SUP * G)])
    pltpu.sync_copy(w1c_hbm, w1c_v)
    for jj in (1, 2):
        pltpu.async_copy(s2d_hbm.at[wid, pl.ds(jj * SUP, SUP)],
                         sidx3.at[jj], sem_i.at[jj])
        pltpu.async_copy(r2d_hbm.at[wid, pl.ds(jj * SUP, SUP)],
                         ridx3.at[jj], sem_i.at[jj])
        pltpu.async_copy(len2d_hbm.at[wid, jj],
                         len3.at[jj, pl.ds(0, SUP * G)], sem_i.at[jj])

    zvec = jnp.zeros((16,), jnp.float32)

    def _zrow(i, _):
        for b in (0, 1):
            for g in range(SW // 16):
                acc[b, i, pl.ds(g * 16, 16)] = zvec
        return 0
    lax.fori_loop(0, G, _zrow, 0)
    row0 = sub * RPT
    for z in range(RPT // G):
        pltpu.sync_copy(acc.at[0], s_sh.at[pl.ds(row0 + z * G, G)])

    tail = jnp.where(lax.iota(jnp.int32, 16) == 0,
                     jnp.float32(1.0), jnp.float32(0.0))

    def _tail_row(i, _):
        acc[0, i, pl.ds(D, 16)] = tail
        acc[1, i, pl.ds(D, 16)] = tail
        return 0
    lax.fori_loop(0, G, _tail_row, 0)

    iota_f = lax.iota(jnp.int32, 16).astype(jnp.float32)

    def _fill_tab(jt, _):
        xs = (jt.astype(jnp.float32) * 16.0 + iota_f) / SIG_SCALE + SIG_LO
        sig_tab[pl.ds(jt * 16, 16)] = 1.0 / (1.0 + jnp.exp(-xs))
        return 0
    lax.fori_loop(0, (SIG_BINS + 16) // 16, _fill_tab, 0)

    plsc.subcore_barrier()

    def _step(c, _):
        p = lax.rem(c, 2)
        q = lax.rem(c + 1, 2)
        j = lax.div(c, SUP)
        cc = lax.rem(c, SUP)
        js = lax.rem(j, 3)
        k = c - 1
        jk = lax.div(k, SUP)
        cck = lax.rem(k, SUP)
        jks = lax.rem(jk, 3)

        @pl.when(c < NCHUNK)
        def _front():
            @pl.when(jnp.logical_and(cc == 0, c > 0))
            def _wait_idx():
                pltpu.make_async_copy(s2d_hbm.at[0, pl.ds(0, SUP)],
                                      sidx3.at[js], sem_i.at[js]).wait()
                pltpu.make_async_copy(r2d_hbm.at[0, pl.ds(0, SUP)],
                                      ridx3.at[js], sem_i.at[js]).wait()
                pltpu.make_async_copy(len2d_hbm.at[0, 0],
                                      len3.at[js, pl.ds(0, SUP * G)],
                                      sem_i.at[js]).wait()

            pltpu.async_copy(a_hbm.at[sidx3.at[js, cc]], arow.at[p],
                             sem_g.at[p])
            pltpu.async_copy(b_hbm.at[ridx3.at[js, cc]], brow.at[p],
                             sem_g.at[p])

            @pl.when(jnp.logical_and(cc == 3, j + 2 < NSUP))
            def _load_next():
                jn = j + 2
                jns = lax.rem(jn, 3)
                pltpu.async_copy(s2d_hbm.at[wid, pl.ds(jn * SUP, SUP)],
                                 sidx3.at[jns], sem_i.at[jns])
                pltpu.async_copy(r2d_hbm.at[wid, pl.ds(jn * SUP, SUP)],
                                 ridx3.at[jns], sem_i.at[jns])
                pltpu.async_copy(len2d_hbm.at[wid, jn],
                                 len3.at[jns, pl.ds(0, SUP * G)],
                                 sem_i.at[jns])

        @pl.when(c >= 1)
        def _work():
            pltpu.make_async_copy(
                a_hbm.at[pl.ds(0, G)], arow.at[q], sem_g.at[q]).wait()
            pltpu.make_async_copy(
                b_hbm.at[pl.ds(0, G)], brow.at[q], sem_g.at[q]).wait()

            @pl.when(c >= 3)
            def _drain_prev():
                pltpu.make_async_copy(
                    out_hbm.at[0, pl.ds(0, G)], acc.at[q], sem_s.at[q]).wait()

            lbase = cck * G
            w1cg = [w1c_v[pl.ds(g * 16, 16)] for g in range(D // 16)]

            @plsc.parallel_loop(0, G, 1, unroll=8)
            def _edge(i):
                ln = len3[jks, pl.ds(lbase + i, 16)][0]
                for g in range(D // 16):
                    sl = pl.ds(g * 16, 16)
                    x = arow[q, i, sl] + brow[q, i, sl] + ln * w1cg[g]
                    t = jnp.minimum(jnp.maximum(
                        x * SIG_SCALE + (-SIG_LO * SIG_SCALE), 0.0),
                        float(SIG_BINS - 1))
                    it = t.astype(jnp.int32)
                    frac = t - it.astype(jnp.float32)
                    s0 = plsc.load_gather(sig_tab, [it])
                    s1 = plsc.load_gather(sig_tab, [it + 1])
                    acc[q, i, sl] = x * (s0 + frac * (s1 - s0))

            pltpu.async_copy(acc.at[q], s_sh.at[ridx3.at[jks, cck]],
                             sem_s.at[q], add=True)
        return 0

    lax.fori_loop(0, NCHUNK + 1, _step, 0)

    for b in (0, 1):
        pltpu.make_async_copy(
            out_hbm.at[0, pl.ds(0, G)], acc.at[b], sem_s.at[b]).wait()

    plsc.subcore_barrier()

    for z in range(RPT // G):
        r = row0 + z * G
        pltpu.sync_copy(s_sh.at[pl.ds(r, G)], out_hbm.at[core, pl.ds(r, G)])


def _sc_call(A, B, sender, receiver, edge_len, w1c):
    mesh = plsc.VectorSubcoreMesh(core_axis_name="c", subcore_axis_name="s")
    s2d = sender.reshape(NW, NCHUNK, G)
    r2d = receiver.reshape(NW, NCHUNK, G)
    len2d = edge_len.reshape(NW, NSUP, SUP * G)
    return pl.kernel(
        _sc_body,
        out_type=jax.ShapeDtypeStruct((NC, NP, SW), jnp.float32),
        mesh=mesh,
        scratch_types=[
            pltpu.VMEM((3, SUP, G), jnp.int32),
            pltpu.VMEM((3, SUP, G), jnp.int32),
            pltpu.VMEM((3, LW), jnp.float32),
            pltpu.VMEM((2, G, D), jnp.float32),
            pltpu.VMEM((2, G, D), jnp.float32),
            pltpu.VMEM((2, G, SW), jnp.float32),
            pltpu.VMEM((D,), jnp.float32),
            pltpu.VMEM((SIG_BINS + 16,), jnp.float32),
            pltpu.VMEM_SHARED((NP, SW), jnp.float32),
            pltpu.SemaphoreType.DMA((2,)),
            pltpu.SemaphoreType.DMA((2,)),
            pltpu.SemaphoreType.DMA((3,)),
        ],
        compiler_params=pltpu.CompilerParams(
            use_tc_tiling_on_sc=False,
            needs_layout_passes=False,
        ),
    )(A, B, s2d, r2d, len2d, w1c)


def _out_body(h_ref, s_ref, w2_ref, b2_ref, o_ref):
    s = s_ref[...]
    ssum = s[0] + s[1]
    feat = ssum[:, :D]
    deg = ssum[:, D:D + 1]
    dn = (((1,), (1,)), ((), ()))
    y = lax.dot_general(feat, w2_ref[...], dn, preferred_element_type=jnp.float32)
    o_ref[...] = h_ref[...] + y + deg * b2_ref[...]


def _out_call(h, S, W2, b2r):
    rb = 1000
    grid = (N // rb,)
    return pl.pallas_call(
        _out_body,
        grid=grid,
        in_specs=[
            pl.BlockSpec((rb, D), lambda i: (i, 0)),
            pl.BlockSpec((NC, rb, SW), lambda i: (0, i, 0)),
            pl.BlockSpec((D, D), lambda i: (0, 0)),
            pl.BlockSpec((1, D), lambda i: (0, 0)),
        ],
        out_specs=pl.BlockSpec((rb, D), lambda i: (i, 0)),
        out_shape=jax.ShapeDtypeStruct((N, D), jnp.float32),
    )(h, S, W2, b2r)


@jax.jit
def kernel(h, edge_index, edge_len, W1, b1, W2, b2):
    sender = edge_index[0].astype(jnp.int32)
    receiver = edge_index[1].astype(jnp.int32)
    w1c = W1[:, 2 * D]
    A, B = _ab_call(h, W1, b1.reshape(1, D))
    S = _sc_call(A, B, sender, receiver, edge_len, w1c)
    return _out_call(h, S, W2, b2.reshape(1, D))

# --- scband reference (transcript-rebuilt; emitter-appended) ---
"""Pipeline reference for scband-scalar-message-passing-35691178230141 (READ-ONLY COPY).

The authoritative reference and input builder live on the scoring server;
editing this copy changes nothing except your own understanding.
"""

import jax, jax.numpy as jnp
import numpy as np

HIDDEN_DIM = 128
N_NODES = 10000
N_EDGES = 320000

def setup_inputs(seed: int = 0) -> dict:
    key = jax.random.key(seed)
    k1, k2, k3, k4, k5, k6, k7 = jax.random.split(key, 7)
    h = jax.random.normal(k1, (N_NODES, HIDDEN_DIM), dtype=jnp.float32)
    edge_index = jax.random.randint(k2, (2, N_EDGES), 0, N_NODES, dtype=jnp.int64)
    edge_len = jax.random.uniform(k3, (N_EDGES,), dtype=jnp.float32)
    in_dim = HIDDEN_DIM * 2 + 1
    lim1 = 1.0 / np.sqrt(in_dim)
    lim2 = 1.0 / np.sqrt(HIDDEN_DIM)
    W1 = jax.random.uniform(k4, (HIDDEN_DIM, in_dim), minval=-lim1, maxval=lim1, dtype=jnp.float32)
    b1 = jax.random.uniform(k5, (HIDDEN_DIM,), minval=-lim1, maxval=lim1, dtype=jnp.float32)
    W2 = jax.random.uniform(k6, (HIDDEN_DIM, HIDDEN_DIM), minval=-lim2, maxval=lim2, dtype=jnp.float32)
    b2 = jax.random.uniform(k7, (HIDDEN_DIM,), minval=-lim2, maxval=lim2, dtype=jnp.float32)
    return {"h": h, "edge_index": edge_index, "edge_len": edge_len, "W1": W1, "b1": b1, "W2": W2, "b2": b2}

def reference(h, edge_index, edge_len, W1, b1, W2, b2):
    scalars = h[..., :HIDDEN_DIM]
    rest = h[..., HIDDEN_DIM:]
    sender = edge_index[0]
    receiver = edge_index[1]
    msg_in = jnp.concatenate([scalars[sender], scalars[receiver], edge_len[:, None]], axis=-1)
    x = msg_in @ W1.T + b1
    x = jax.nn.silu(x)
    msgs = x @ W2.T + b2
    msgs = msgs.astype(scalars.dtype)
    agg = jnp.zeros_like(scalars).at[receiver].add(msgs)
    scalars = scalars + agg
    return jnp.concatenate([scalars, rest], axis=-1)

if __name__ == "__main__":
    import jax
    _d = setup_inputs()
    print(jax.jit(kernel)(*tuple(_d.values())))

</pallas_src>

<mosaic_0001>
#map = affine_map<(d0, d1) -> (0, 0)>
#map1 = affine_map<(d0, d1) -> (0, 0, 0)>
#map2 = affine_map<(d0, d1) -> (0)>
module attributes {stable_mosaic.version = 14 : i64} {
  func.func @_sc_body(%arg0: i32, %arg1: i32, %arg2: memref<10000x128xf32, #tpu.memory_space<hbm>>, %arg3: memref<10000x128xf32, #tpu.memory_space<hbm>>, %arg4: memref<32x250x40xi32, #tpu.memory_space<hbm>>, %arg5: memref<32x250x40xi32, #tpu.memory_space<hbm>>, %arg6: memref<32x25x400xf32, #tpu.memory_space<hbm>>, %arg7: memref<128xf32, #tpu.memory_space<hbm>>, %arg8: memref<2x10240x144xf32, #tpu.memory_space<hbm>>, %arg9: memref<3x10x40xi32, #tpu.memory_space<vmem>>, %arg10: memref<3x10x40xi32, #tpu.memory_space<vmem>>, %arg11: memref<3x416xf32, #tpu.memory_space<vmem>>, %arg12: memref<2x40x128xf32, #tpu.memory_space<vmem>>, %arg13: memref<2x40x128xf32, #tpu.memory_space<vmem>>, %arg14: memref<2x40x144xf32, #tpu.memory_space<vmem>>, %arg15: memref<128xf32, #tpu.memory_space<vmem>>, %arg16: memref<2064xf32, #tpu.memory_space<vmem>>, %arg17: memref<10240x144xf32, #tpu.memory_space<vmem_shared>>, %arg18: memref<2x!tpu.dma_semaphore, #tpu.memory_space<semaphore_mem>>, %arg19: memref<2x!tpu.dma_semaphore, #tpu.memory_space<semaphore_mem>>, %arg20: memref<3x!tpu.dma_semaphore, #tpu.memory_space<semaphore_mem>>) attributes {dimension_semantics = [#tpu.dimension_semantics<core_parallel>, #tpu.dimension_semantics<subcore_parallel>], iteration_bounds = array<i64: 2, 16>, scalar_prefetch = 0 : i64, scratch_operands = 12 : i64, tpu.core_type = #tpu.core_type<sc_vector_subcore>, window_params = [{transform_indices = #map}, {transform_indices = #map}, {transform_indices = #map1}, {transform_indices = #map1}, {transform_indices = #map1}, {transform_indices = #map2}, {transform_indices = #map1}]} {
    %mul3A = arith.constant 16 : i32
    %mul3A_0 = arith.muli %arg0, %mul3A : i32
    %add3A = arith.addi %mul3A_0, %arg1 : i32
    %run_scoped3A = arith.constant 0 : i32
    "tpu.region"() ({
      %run_scoped3A_275 = tpu.sem_alloc : memref<!tpu.dma_semaphore, #tpu.memory_space<semaphore_mem>>
      %dma_start3A_276 = arith.constant 0 : i32
      %dma_start3A_277 = arith.constant 0 : i32
      %dma_start3A_278 = tpu.memref_slice %arg9[%run_scoped3A, %dma_start3A_276, %dma_start3A_277] : memref<3x10x40xi32, #tpu.memory_space<vmem>> -> memref<1x10x40xi32, #tpu.memory_space<vmem>>
      %dma_start3A_279 = tpu.memref_squeeze %dma_start3A_278 : memref<1x10x40xi32, #tpu.memory_space<vmem>> -> memref<10x40xi32, #tpu.memory_space<vmem>>
      %dma_start3A_280 = arith.constant 0 : i32
      %dma_start3A_281 = arith.constant 0 : i32
      %dma_start3A_282 = tpu.memref_slice %arg4[%add3A, %dma_start3A_280, %dma_start3A_281] : memref<32x250x40xi32, #tpu.memory_space<hbm>> -> memref<1x10x40xi32, #tpu.memory_space<hbm>>
      %dma_start3A_283 = tpu.memref_squeeze %dma_start3A_282 : memref<1x10x40xi32, #tpu.memory_space<hbm>> -> memref<10x40xi32, #tpu.memory_space<hbm>>
      %dma_start3A_284 = arith.constant 0 : i32
      %dma_start3A_285 = arith.constant 0 : i32
      %dma_start3A_286 = tpu.memref_slice %arg9[%run_scoped3A, %dma_start3A_284, %dma_start3A_285] : memref<3x10x40xi32, #tpu.memory_space<vmem>> -> memref<1x10x40xi32, #tpu.memory_space<vmem>>
      %dma_start3A_287 = tpu.memref_squeeze %dma_start3A_286 : memref<1x10x40xi32, #tpu.memory_space<vmem>> -> memref<10x40xi32, #tpu.memory_space<vmem>>
      %dma_start3A_288 = arith.constant 0 : i32
      %dma_start3A_289 = arith.constant 0 : i32
      %dma_start3A_290 = tpu.memref_slice %arg4[%add3A, %dma_start3A_288, %dma_start3A_289] : memref<32x250x40xi32, #tpu.memory_space<hbm>> -> memref<1x10x40xi32, #tpu.memory_space<hbm>>
      %dma_start3A_291 = tpu.memref_squeeze %dma_start3A_290 : memref<1x10x40xi32, #tpu.memory_space<hbm>> -> memref<10x40xi32, #tpu.memory_space<hbm>>
      tpu.enqueue_dma source(%dma_start3A_291 : memref<10x40xi32, #tpu.memory_space<hbm>>) target(%dma_start3A_287 : memref<10x40xi32, #tpu.memory_space<vmem>>) target_semaphore(%run_scoped3A_275 : memref<!tpu.dma_semaphore, #tpu.memory_space<semaphore_mem>>)
      %dma_wait3A_292 = arith.constant 0 : i32
      %dma_wait3A_293 = arith.constant 0 : i32
      %dma_wait3A_294 = tpu.memref_slice %arg9[%run_scoped3A, %dma_wait3A_292, %dma_wait3A_293] : memref<3x10x40xi32, #tpu.memory_space<vmem>> -> memref<1x10x40xi32, #tpu.memory_space<vmem>>
      %dma_wait3A_295 = tpu.memref_squeeze %dma_wait3A_294 : memref<1x10x40xi32, #tpu.memory_space<vmem>> -> memref<10x40xi32, #tpu.memory_space<vmem>>
      %dma_wait3A_296 = arith.constant 0 : i32
      %dma_wait3A_297 = arith.constant 0 : i32
      %dma_wait3A_298 = tpu.memref_slice %arg4[%add3A, %dma_wait3A_296, %dma_wait3A_297] : memref<32x250x40xi32, #tpu.memory_space<hbm>> -> memref<1x10x40xi32, #tpu.memory_space<hbm>>
      %dma_wait3A_299 = tpu.memref_squeeze %dma_wait3A_298 : memref<1x10x40xi32, #tpu.memory_space<hbm>> -> memref<10x40xi32, #tpu.memory_space<hbm>>
      %dma_wait3A_300 = arith.constant 0 : i32
      %dma_wait3A_301 = arith.constant 0 : i32
      %dma_wait3A_302 = tpu.memref_slice %arg9[%run_scoped3A, %dma_wait3A_300, %dma_wait3A_301] : memref<3x10x40xi32, #tpu.memory_space<vmem>> -> memref<1x10x40xi32, #tpu.memory_space<vmem>>
      %dma_wait3A_303 = tpu.memref_squeeze %dma_wait3A_302 : memref<1x10x40xi32, #tpu.memory_space<vmem>> -> memref<10x40xi32, #tpu.memory_space<vmem>>
      %dma_wait3A_304 = arith.constant 0 : i32
      %dma_wait3A_305 = arith.constant 0 : i32
      %dma_wait3A_306 = tpu.memref_slice %arg4[%add3A, %dma_wait3A_304, %dma_wait3A_305] : memref<32x250x40xi32, #tpu.memory_space<hbm>> -> memref<1x10x40xi32, #tpu.memory_space<hbm>>
      %dma_wait3A_307 = tpu.memref_squeeze %dma_wait3A_306 : memref<1x10x40xi32, #tpu.memory_space<hbm>> -> memref<10x40xi32, #tpu.memory_space<hbm>>
      tpu.wait_dma2 semaphore(%run_scoped3A_275 : memref<!tpu.dma_semaphore, #tpu.memory_space<semaphore_mem>>) src(%dma_wait3A_307 : memref<10x40xi32, #tpu.memory_space<hbm>>) dst(%dma_wait3A_303 : memref<10x40xi32, #tpu.memory_space<vmem>>)
      tpu.yield
    }) : () -> ()
    %run_scoped3A_1 = arith.constant 0 : i32
    "tpu.region"() ({
      %run_scoped3A_275 = tpu.sem_alloc : memref<!tpu.dma_semaphore, #tpu.memory_space<semaphore_mem>>
      %dma_start3A_276 = arith.constant 0 : i32
      %dma_start3A_277 = arith.constant 0 : i32
      %dma_start3A_278 = tpu.memref_slice %arg10[%run_scoped3A_1, %dma_start3A_276, %dma_start3A_277] : memref<3x10x40xi32, #tpu.memory_space<vmem>> -> memref<1x10x40xi32, #tpu.memory_space<vmem>>
      %dma_start3A_279 = tpu.memref_squeeze %dma_start3A_278 : memref<1x10x40xi32, #tpu.memory_space<vmem>> -> memref<10x40xi32, #tpu.memory_space<vmem>>
      %dma_start3A_280 = arith.constant 0 : i32
      %dma_start3A_281 = arith.constant 0 : i32
      %dma_start3A_282 = tpu.memref_slice %arg5[%add3A, %dma_start3A_280, %dma_start3A_281] : memref<32x250x40xi32, #tpu.memory_space<hbm>> -> memref<1x10x40xi32, #tpu.memory_space<hbm>>
      %dma_start3A_283 = tpu.memref_squeeze %dma_start3A_282 : memref<1x10x40xi32, #tpu.memory_space<hbm>> -> memref<10x40xi32, #tpu.memory_space<hbm>>
      %dma_start3A_284 = arith.constant 0 : i32
      %dma_start3A_285 = arith.constant 0 : i32
      %dma_start3A_286 = tpu.memref_slice %arg10[%run_scoped3A_1, %dma_start3A_284, %dma_start3A_285] : memref<3x10x40xi32, #tpu.memory_space<vmem>> -> memref<1x10x40xi32, #tpu.memory_space<vmem>>
      %dma_start3A_287 = tpu.memref_squeeze %dma_start3A_286 : memref<1x10x40xi32, #tpu.memory_space<vmem>> -> memref<10x40xi32, #tpu.memory_space<vmem>>
      %dma_start3A_288 = arith.constant 0 : i32
      %dma_start3A_289 = arith.constant 0 : i32
      %dma_start3A_290 = tpu.memref_slice %arg5[%add3A, %dma_start3A_288, %dma_start3A_289] : memref<32x250x40xi32, #tpu.memory_space<hbm>> -> memref<1x10x40xi32, #tpu.memory_space<hbm>>
      %dma_start3A_291 = tpu.memref_squeeze %dma_start3A_290 : memref<1x10x40xi32, #tpu.memory_space<hbm>> -> memref<10x40xi32, #tpu.memory_space<hbm>>
      tpu.enqueue_dma source(%dma_start3A_291 : memref<10x40xi32, #tpu.memory_space<hbm>>) target(%dma_start3A_287 : memref<10x40xi32, #tpu.memory_space<vmem>>) target_semaphore(%run_scoped3A_275 : memref<!tpu.dma_semaphore, #tpu.memory_space<semaphore_mem>>)
      %dma_wait3A_292 = arith.constant 0 : i32
      %dma_wait3A_293 = arith.constant 0 : i32
      %dma_wait3A_294 = tpu.memref_slice %arg10[%run_scoped3A_1, %dma_wait3A_292, %dma_wait3A_293] : memref<3x10x40xi32, #tpu.memory_space<vmem>> -> memref<1x10x40xi32, #tpu.memory_space<vmem>>
      %dma_wait3A_295 = tpu.memref_squeeze %dma_wait3A_294 : memref<1x10x40xi32, #tpu.memory_space<vmem>> -> memref<10x40xi32, #tpu.memory_space<vmem>>
      %dma_wait3A_296 = arith.constant 0 : i32
      %dma_wait3A_297 = arith.constant 0 : i32
      %dma_wait3A_298 = tpu.memref_slice %arg5[%add3A, %dma_wait3A_296, %dma_wait3A_297] : memref<32x250x40xi32, #tpu.memory_space<hbm>> -> memref<1x10x40xi32, #tpu.memory_space<hbm>>
      %dma_wait3A_299 = tpu.memref_squeeze %dma_wait3A_298 : memref<1x10x40xi32, #tpu.memory_space<hbm>> -> memref<10x40xi32, #tpu.memory_space<hbm>>
      %dma_wait3A_300 = arith.constant 0 : i32
      %dma_wait3A_301 = arith.constant 0 : i32
      %dma_wait3A_302 = tpu.memref_slice %arg10[%run_scoped3A_1, %dma_wait3A_300, %dma_wait3A_301] : memref<3x10x40xi32, #tpu.memory_space<vmem>> -> memref<1x10x40xi32, #tpu.memory_space<vmem>>
      %dma_wait3A_303 = tpu.memref_squeeze %dma_wait3A_302 : memref<1x10x40xi32, #tpu.memory_space<vmem>> -> memref<10x40xi32, #tpu.memory_space<vmem>>
      %dma_wait3A_304 = arith.constant 0 : i32
      %dma_wait3A_305 = arith.constant 0 : i32
      %dma_wait3A_306 = tpu.memref_slice %arg5[%add3A, %dma_wait3A_304, %dma_wait3A_305] : memref<32x250x40xi32, #tpu.memory_space<hbm>> -> memref<1x10x40xi32, #tpu.memory_space<hbm>>
      %dma_wait3A_307 = tpu.memref_squeeze %dma_wait3A_306 : memref<1x10x40xi32, #tpu.memory_space<hbm>> -> memref<10x40xi32, #tpu.memory_space<hbm>>
      tpu.wait_dma2 semaphore(%run_scoped3A_275 : memref<!tpu.dma_semaphore, #tpu.memory_space<semaphore_mem>>) src(%dma_wait3A_307 : memref<10x40xi32, #tpu.memory_space<hbm>>) dst(%dma_wait3A_303 : memref<10x40xi32, #tpu.memory_space<vmem>>)
      tpu.yield
    }) : () -> ()
    %run_scoped3A_2 = arith.constant 0 : i32
    %run_scoped3A_3 = arith.constant 0 : i32
    "tpu.region"() ({
      %run_scoped3A_275 = tpu.sem_alloc : memref<!tpu.dma_semaphore, #tpu.memory_space<semaphore_mem>>
      %dma_start3A_276 = arith.constant 0 : i32
      %dma_start3A_277 = tpu.memref_slice %arg11[%run_scoped3A_3, %dma_start3A_276] : memref<3x416xf32, #tpu.memory_space<vmem>> -> memref<1x400xf32, #tpu.memory_space<vmem>>
      %dma_start3A_278 = tpu.memref_squeeze %dma_start3A_277 : memref<1x400xf32, #tpu.memory_space<vmem>> -> memref<400xf32, #tpu.memory_space<vmem>>
      %dma_start3A_279 = arith.constant 0 : i32
      %dma_start3A_280 = tpu.memref_slice %arg6[%add3A, %run_scoped3A_2, %dma_start3A_279] : memref<32x25x400xf32, #tpu.memory_space<hbm>> -> memref<1x1x400xf32, #tpu.memory_space<hbm>>
      %dma_start3A_281 = tpu.memref_squeeze %dma_start3A_280 : memref<1x1x400xf32, #tpu.memory_space<hbm>> -> memref<400xf32, #tpu.memory_space<hbm>>
      %dma_start3A_282 = arith.constant 0 : i32
      %dma_start3A_283 = tpu.memref_slice %arg11[%run_scoped3A_3, %dma_start3A_282] : memref<3x416xf32, #tpu.memory_space<vmem>> -> memref<1x400xf32, #tpu.memory_space<vmem>>
      %dma_start3A_284 = tpu.memref_squeeze %dma_start3A_283 : memref<1x400xf32, #tpu.memory_space<vmem>> -> memref<400xf32, #tpu.memory_space<vmem>>
      %dma_start3A_285 = arith.constant 0 : i32
      %dma_start3A_286 = tpu.memref_slice %arg6[%add3A, %run_scoped3A_2, %dma_start3A_285] : memref<32x25x400xf32, #tpu.memory_space<hbm>> -> memref<1x1x400xf32, #tpu.memory_space<hbm>>
      %dma_start3A_287 = tpu.memref_squeeze %dma_start3A_286 : memref<1x1x400xf32, #tpu.memory_space<hbm>> -> memref<400xf32, #tpu.memory_space<hbm>>
      tpu.enqueue_dma source(%dma_start3A_287 : memref<400xf32, #tpu.memory_space<hbm>>) target(%dma_start3A_284 : memref<400xf32, #tpu.memory_space<vmem>>) target_semaphore(%run_scoped3A_275 : memref<!tpu.dma_semaphore, #tpu.memory_space<semaphore_mem>>)
      %dma_wait3A_288 = arith.constant 0 : i32
      %dma_wait3A_289 = tpu.memref_slice %arg11[%run_scoped3A_3, %dma_wait3A_288] : memref<3x416xf32, #tpu.memory_space<vmem>> -> memref<1x400xf32, #tpu.memory_space<vmem>>
      %dma_wait3A_290 = tpu.memref_squeeze %dma_wait3A_289 : memref<1x400xf32, #tpu.memory_space<vmem>> -> memref<400xf32, #tpu.memory_space<vmem>>
      %dma_wait3A_291 = arith.constant 0 : i32
      %dma_wait3A_292 = tpu.memref_slice %arg6[%add3A, %run_scoped3A_2, %dma_wait3A_291] : memref<32x25x400xf32, #tpu.memory_space<hbm>> -> memref<1x1x400xf32, #tpu.memory_space<hbm>>
      %dma_wait3A_293 = tpu.memref_squeeze %dma_wait3A_292 : memref<1x1x400xf32, #tpu.memory_space<hbm>> -> memref<400xf32, #tpu.memory_space<hbm>>
      %dma_wait3A_294 = arith.constant 0 : i32
      %dma_wait3A_295 = tpu.memref_slice %arg11[%run_scoped3A_3, %dma_wait3A_294] : memref<3x416xf32, #tpu.memory_space<vmem>> -> memref<1x400xf32, #tpu.memory_space<vmem>>
      %dma_wait3A_296 = tpu.memref_squeeze %dma_wait3A_295 : memref<1x400xf32, #tpu.memory_space<vmem>> -> memref<400xf32, #tpu.memory_space<vmem>>
      %dma_wait3A_297 = arith.constant 0 : i32
      %dma_wait3A_298 = tpu.memref_slice %arg6[%add3A, %run_scoped3A_2, %dma_wait3A_297] : memref<32x25x400xf32, #tpu.memory_space<hbm>> -> memref<1x1x400xf32, #tpu.memory_space<hbm>>
      %dma_wait3A_299 = tpu.memref_squeeze %dma_wait3A_298 : memref<1x1x400xf32, #tpu.memory_space<hbm>> -> memref<400xf32, #tpu.memory_space<hbm>>
      tpu.wait_dma2 semaphore(%run_scoped3A_275 : memref<!tpu.dma_semaphore, #tpu.memory_space<semaphore_mem>>) src(%dma_wait3A_299 : memref<400xf32, #tpu.memory_space<hbm>>) dst(%dma_wait3A_296 : memref<400xf32, #tpu.memory_space<vmem>>)
      tpu.yield
    }) : () -> ()
    "tpu.region"() ({
      %run_scoped3A_275 = tpu.sem_alloc : memref<!tpu.dma_semaphore, #tpu.memory_space<semaphore_mem>>
      tpu.enqueue_dma source(%arg7 : memref<128xf32, #tpu.memory_space<hbm>>) target(%arg15 : memref<128xf32, #tpu.memory_space<vmem>>) target_semaphore(%run_scoped3A_275 : memref<!tpu.dma_semaphore, #tpu.memory_space<semaphore_mem>>)
      tpu.wait_dma2 semaphore(%run_scoped3A_275 : memref<!tpu.dma_semaphore, #tpu.memory_space<semaphore_mem>>) src(%arg7 : memref<128xf32, #tpu.memory_space<hbm>>) dst(%arg15 : memref<128xf32, #tpu.memory_space<vmem>>)
      tpu.yield
    }) : () -> ()
    %dma_start3A = arith.constant 1 : i32
    %dma_start3A_4 = arith.constant 1 : i32
    %dma_start3A_5 = arith.constant 0 : i32
    %dma_start3A_6 = arith.constant 0 : i32
    %dma_start3A_7 = tpu.memref_slice %arg9[%dma_start3A, %dma_start3A_5, %dma_start3A_6] : memref<3x10x40xi32, #tpu.memory_space<vmem>> -> memref<1x10x40xi32, #tpu.memory_space<vmem>>
    %dma_start3A_8 = tpu.memref_squeeze %dma_start3A_7 : memref<1x10x40xi32, #tpu.memory_space<vmem>> -> memref<10x40xi32, #tpu.memory_space<vmem>>
    %dma_start3A_9 = arith.constant 10 : i32
    %dma_start3A_10 = arith.constant 0 : i32
    %dma_start3A_11 = tpu.memref_slice %arg4[%add3A, %dma_start3A_9, %dma_start3A_10] : memref<32x250x40xi32, #tpu.memory_space<hbm>> -> memref<1x10x40xi32, #tpu.memory_space<hbm>>
    %dma_start3A_12 = tpu.memref_squeeze %dma_start3A_11 : memref<1x10x40xi32, #tpu.memory_space<hbm>> -> memref<10x40xi32, #tpu.memory_space<hbm>>
    %dma_start3A_13 = tpu.memref_slice %arg20[%dma_start3A_4] : memref<3x!tpu.dma_semaphore, #tpu.memory_space<semaphore_mem>> -> memref<1x!tpu.dma_semaphore, #tpu.memory_space<semaphore_mem>>
    %dma_start3A_14 = tpu.memref_squeeze %dma_start3A_13 : memref<1x!tpu.dma_semaphore, #tpu.memory_space<semaphore_mem>> -> memref<!tpu.dma_semaphore, #tpu.memory_space<semaphore_mem>>
    %dma_start3A_15 = arith.constant 0 : i32
    %dma_start3A_16 = arith.constant 0 : i32
    %dma_start3A_17 = tpu.memref_slice %arg9[%dma_start3A, %dma_start3A_15, %dma_start3A_16] : memref<3x10x40xi32, #tpu.memory_space<vmem>> -> memref<1x10x40xi32, #tpu.memory_space<vmem>>
    %dma_start3A_18 = tpu.memref_squeeze %dma_start3A_17 : memref<1x10x40xi32, #tpu.memory_space<vmem>> -> memref<10x40xi32, #tpu.memory_space<vmem>>
    %dma_start3A_19 = arith.constant 10 : i32
    %dma_start3A_20 = arith.constant 0 : i32
    %dma_start3A_21 = tpu.memref_slice %arg4[%add3A, %dma_start3A_19, %dma_start3A_20] : memref<32x250x40xi32, #tpu.memory_space<hbm>> -> memref<1x10x40xi32, #tpu.memory_space<hbm>>
    %dma_start3A_22 = tpu.memref_squeeze %dma_start3A_21 : memref<1x10x40xi32, #tpu.memory_space<hbm>> -> memref<10x40xi32, #tpu.memory_space<hbm>>
    tpu.enqueue_dma source(%dma_start3A_22 : memref<10x40xi32, #tpu.memory_space<hbm>>) target(%dma_start3A_18 : memref<10x40xi32, #tpu.memory_space<vmem>>) target_semaphore(%dma_start3A_14 : memref<!tpu.dma_semaphore, #tpu.memory_space<semaphore_mem>>)
    %dma_start3A_23 = arith.constant 1 : i32
    %dma_start3A_24 = arith.constant 1 : i32
    %dma_start3A_25 = arith.constant 0 : i32
    %dma_start3A_26 = arith.constant 0 : i32
    %dma_start3A_27 = tpu.memref_slice %arg10[%dma_start3A_23, %dma_start3A_25, %dma_start3A_26] : memref<3x10x40xi32, #tpu.memory_space<vmem>> -> memref<1x10x40xi32, #tpu.memory_space<vmem>>
    %dma_start3A_28 = tpu.memref_squeeze %dma_start3A_27 : memref<1x10x40xi32, #tpu.memory_space<vmem>> -> memref<10x40xi32, #tpu.memory_space<vmem>>
    %dma_start3A_29 = arith.constant 10 : i32
    %dma_start3A_30 = arith.constant 0 : i32
    %dma_start3A_31 = tpu.memref_slice %arg5[%add3A, %dma_start3A_29, %dma_start3A_30] : memref<32x250x40xi32, #tpu.memory_space<hbm>> -> memref<1x10x40xi32, #tpu.memory_space<hbm>>
    %dma_start3A_32 = tpu.memref_squeeze %dma_start3A_31 : memref<1x10x40xi32, #tpu.memory_space<hbm>> -> memref<10x40xi32, #tpu.memory_space<hbm>>
    %dma_start3A_33 = tpu.memref_slice %arg20[%dma_start3A_24] : memref<3x!tpu.dma_semaphore, #tpu.memory_space<semaphore_mem>> -> memref<1x!tpu.dma_semaphore, #tpu.memory_space<semaphore_mem>>
    %dma_start3A_34 = tpu.memref_squeeze %dma_start3A_33 : memref<1x!tpu.dma_semaphore, #tpu.memory_space<semaphore_mem>> -> memref<!tpu.dma_semaphore, #tpu.memory_space<semaphore_mem>>
    %dma_start3A_35 = arith.constant 0 : i32
    %dma_start3A_36 = arith.constant 0 : i32
    %dma_start3A_37 = tpu.memref_slice %arg10[%dma_start3A_23, %dma_start3A_35, %dma_start3A_36] : memref<3x10x40xi32, #tpu.memory_space<vmem>> -> memref<1x10x40xi32, #tpu.memory_space<vmem>>
    %dma_start3A_38 = tpu.memref_squeeze %dma_start3A_37 : memref<1x10x40xi32, #tpu.memory_space<vmem>> -> memref<10x40xi32, #tpu.memory_space<vmem>>
    %dma_start3A_39 = arith.constant 10 : i32
    %dma_start3A_40 = arith.constant 0 : i32
    %dma_start3A_41 = tpu.memref_slice %arg5[%add3A, %dma_start3A_39, %dma_start3A_40] : memref<32x250x40xi32, #tpu.memory_space<hbm>> -> memref<1x10x40xi32, #tpu.memory_space<hbm>>
    %dma_start3A_42 = tpu.memref_squeeze %dma_start3A_41 : memref<1x10x40xi32, #tpu.memory_space<hbm>> -> memref<10x40xi32, #tpu.memory_space<hbm>>
    tpu.enqueue_dma source(%dma_start3A_42 : memref<10x40xi32, #tpu.memory_space<hbm>>) target(%dma_start3A_38 : memref<10x40xi32, #tpu.memory_space<vmem>>) target_semaphore(%dma_start3A_34 : memref<!tpu.dma_semaphore, #tpu.memory_space<semaphore_mem>>)
    %dma_start3A_43 = arith.constant 1 : i32
    %dma_start3A_44 = arith.constant 1 : i32
    %dma_start3A_45 = arith.constant 1 : i32
    %dma_start3A_46 = arith.constant 0 : i32
    %dma_start3A_47 = tpu.memref_slice %arg11[%dma_start3A_44, %dma_start3A_46] : memref<3x416xf32, #tpu.memory_space<vmem>> -> memref<1x400xf32, #tpu.memory_space<vmem>>
    %dma_start3A_48 = tpu.memref_squeeze %dma_start3A_47 : memref<1x400xf32, #tpu.memory_space<vmem>> -> memref<400xf32, #tpu.memory_space<vmem>>
    %dma_start3A_49 = arith.constant 0 : i32
    %dma_start3A_50 = tpu.memref_slice %arg6[%add3A, %dma_start3A_43, %dma_start3A_49] : memref<32x25x400xf32, #tpu.memory_space<hbm>> -> memref<1x1x400xf32, #tpu.memory_space<hbm>>
    %dma_start3A_51 = tpu.memref_squeeze %dma_start3A_50 : memref<1x1x400xf32, #tpu.memory_space<hbm>> -> memref<400xf32, #tpu.memory_space<hbm>>
    %dma_start3A_52 = tpu.memref_slice %arg20[%dma_start3A_45] : memref<3x!tpu.dma_semaphore, #tpu.memory_space<semaphore_mem>> -> memref<1x!tpu.dma_semaphore, #tpu.memory_space<semaphore_mem>>
    %dma_start3A_53 = tpu.memref_squeeze %dma_start3A_52 : memref<1x!tpu.dma_semaphore, #tpu.memory_space<semaphore_mem>> -> memref<!tpu.dma_semaphore, #tpu.memory_space<semaphore_mem>>
    %dma_start3A_54 = arith.constant 0 : i32
    %dma_start3A_55 = tpu.memref_slice %arg11[%dma_start3A_44, %dma_start3A_54] : memref<3x416xf32, #tpu.memory_space<vmem>> -> memref<1x400xf32, #tpu.memory_space<vmem>>
    %dma_start3A_56 = tpu.memref_squeeze %dma_start3A_55 : memref<1x400xf32, #tpu.memory_space<vmem>> -> memref<400xf32, #tpu.memory_space<vmem>>
    %dma_start3A_57 = arith.constant 0 : i32
    %dma_start3A_58 = tpu.memref_slice %arg6[%add3A, %dma_start3A_43, %dma_start3A_57] : memref<32x25x400xf32, #tpu.memory_space<hbm>> -> memref<1x1x400xf32, #tpu.memory_space<hbm>>
    %dma_start3A_59 = tpu.memref_squeeze %dma_start3A_58 : memref<1x1x400xf32, #tpu.memory_space<hbm>> -> memref<400xf32, #tpu.memory_space<hbm>>
    tpu.enqueue_dma source(%dma_start3A_59 : memref<400xf32, #tpu.memory_space<hbm>>) target(%dma_start3A_56 : memref<400xf32, #tpu.memory_space<vmem>>) target_semaphore(%dma_start3A_53 : memref<!tpu.dma_semaphore, #tpu.memory_space<semaphore_mem>>)
    %dma_start3A_60 = arith.constant 2 : i32
    %dma_start3A_61 = arith.constant 2 : i32
    %dma_start3A_62 = arith.constant 0 : i32
    %dma_start3A_63 = arith.constant 0 : i32
    %dma_start3A_64 = tpu.memref_slice %arg9[%dma_start3A_60, %dma_start3A_62, %dma_start3A_63] : memref<3x10x40xi32, #tpu.memory_space<vmem>> -> memref<1x10x40xi32, #tpu.memory_space<vmem>>
    %dma_start3A_65 = tpu.memref_squeeze %dma_start3A_64 : memref<1x10x40xi32, #tpu.memory_space<vmem>> -> memref<10x40xi32, #tpu.memory_space<vmem>>
    %dma_start3A_66 = arith.constant 20 : i32
    %dma_start3A_67 = arith.constant 0 : i32
    %dma_start3A_68 = tpu.memref_slice %arg4[%add3A, %dma_start3A_66, %dma_start3A_67] : memref<32x250x40xi32, #tpu.memory_space<hbm>> -> memref<1x10x40xi32, #tpu.memory_space<hbm>>
    %dma_start3A_69 = tpu.memref_squeeze %dma_start3A_68 : memref<1x10x40xi32, #tpu.memory_space<hbm>> -> memref<10x40xi32, #tpu.memory_space<hbm>>
    %dma_start3A_70 = tpu.memref_slice %arg20[%dma_start3A_61] : memref<3x!tpu.dma_semaphore, #tpu.memory_space<semaphore_mem>> -> memref<1x!tpu.dma_semaphore, #tpu.memory_space<semaphore_mem>>
    %dma_start3A_71 = tpu.memref_squeeze %dma_start3A_70 : memref<1x!tpu.dma_semaphore, #tpu.memory_space<semaphore_mem>> -> memref<!tpu.dma_semaphore, #tpu.memory_space<semaphore_mem>>
    %dma_start3A_72 = arith.constant 0 : i32
    %dma_start3A_73 = arith.constant 0 : i32
    %dma_start3A_74 = tpu.memref_slice %arg9[%dma_start3A_60, %dma_start3A_72, %dma_start3A_73] : memref<3x10x40xi32, #tpu.memory_space<vmem>> -> memref<1x10x40xi32, #tpu.memory_space<vmem>>
    %dma_start3A_75 = tpu.memref_squeeze %dma_start3A_74 : memref<1x10x40xi32, #tpu.memory_space<vmem>> -> memref<10x40xi32, #tpu.memory_space<vmem>>
    %dma_start3A_76 = arith.constant 20 : i32
    %dma_start3A_77 = arith.constant 0 : i32
    %dma_start3A_78 = tpu.memref_slice %arg4[%add3A, %dma_start3A_76, %dma_start3A_77] : memref<32x250x40xi32, #tpu.memory_space<hbm>> -> memref<1x10x40xi32, #tpu.memory_space<hbm>>
    %dma_start3A_79 = tpu.memref_squeeze %dma_start3A_78 : memref<1x10x40xi32, #tpu.memory_space<hbm>> -> memref<10x40xi32, #tpu.memory_space<hbm>>
    tpu.enqueue_dma source(%dma_start3A_79 : memref<10x40xi32, #tpu.memory_space<hbm>>) target(%dma_start3A_75 : memref<10x40xi32, #tpu.memory_space<vmem>>) target_semaphore(%dma_start3A_71 : memref<!tpu.dma_semaphore, #tpu.memory_space<semaphore_mem>>)
    %dma_start3A_80 = arith.constant 2 : i32
    %dma_start3A_81 = arith.constant 2 : i32
    %dma_start3A_82 = arith.constant 0 : i32
    %dma_start3A_83 = arith.constant 0 : i32
    %dma_start3A_84 = tpu.memref_slice %arg10[%dma_start3A_80, %dma_start3A_82, %dma_start3A_83] : memref<3x10x40xi32, #tpu.memory_space<vmem>> -> memref<1x10x40xi32, #tpu.memory_space<vmem>>
    %dma_start3A_85 = tpu.memref_squeeze %dma_start3A_84 : memref<1x10x40xi32, #tpu.memory_space<vmem>> -> memref<10x40xi32, #tpu.memory_space<vmem>>
    %dma_start3A_86 = arith.constant 20 : i32
    %dma_start3A_87 = arith.constant 0 : i32
    %dma_start3A_88 = tpu.memref_slice %arg5[%add3A, %dma_start3A_86, %dma_start3A_87] : memref<32x250x40xi32, #tpu.memory_space<hbm>> -> memref<1x10x40xi32, #tpu.memory_space<hbm>>
    %dma_start3A_89 = tpu.memref_squeeze %dma_start3A_88 : memref<1x10x40xi32, #tpu.memory_space<hbm>> -> memref<10x40xi32, #tpu.memory_space<hbm>>
    %dma_start3A_90 = tpu.memref_slice %arg20[%dma_start3A_81] : memref<3x!tpu.dma_semaphore, #tpu.memory_space<semaphore_mem>> -> memref<1x!tpu.dma_semaphore, #tpu.memory_space<semaphore_mem>>
    %dma_start3A_91 = tpu.memref_squeeze %dma_start3A_90 : memref<1x!tpu.dma_semaphore, #tpu.memory_space<semaphore_mem>> -> memref<!tpu.dma_semaphore, #tpu.memory_space<semaphore_mem>>
    %dma_start3A_92 = arith.constant 0 : i32
    %dma_start3A_93 = arith.constant 0 : i32
    %dma_start3A_94 = tpu.memref_slice %arg10[%dma_start3A_80, %dma_start3A_92, %dma_start3A_93] : memref<3x10x40xi32, #tpu.memory_space<vmem>> -> memref<1x10x40xi32, #tpu.memory_space<vmem>>
    %dma_start3A_95 = tpu.memref_squeeze %dma_start3A_94 : memref<1x10x40xi32, #tpu.memory_space<vmem>> -> memref<10x40xi32, #tpu.memory_space<vmem>>
    %dma_start3A_96 = arith.constant 20 : i32
    %dma_start3A_97 = arith.constant 0 : i32
    %dma_start3A_98 = tpu.memref_slice %arg5[%add3A, %dma_start3A_96, %dma_start3A_97] : memref<32x250x40xi32, #tpu.memory_space<hbm>> -> memref<1x10x40xi32, #tpu.memory_space<hbm>>
    %dma_start3A_99 = tpu.memref_squeeze %dma_start3A_98 : memref<1x10x40xi32, #tpu.memory_space<hbm>> -> memref<10x40xi32, #tpu.memory_space<hbm>>
    tpu.enqueue_dma source(%dma_start3A_99 : memref<10x40xi32, #tpu.memory_space<hbm>>) target(%dma_start3A_95 : memref<10x40xi32, #tpu.memory_space<vmem>>) target_semaphore(%dma_start3A_91 : memref<!tpu.dma_semaphore, #tpu.memory_space<semaphore_mem>>)
    %dma_start3A_100 = arith.constant 2 : i32
    %dma_start3A_101 = arith.constant 2 : i32
    %dma_start3A_102 = arith.constant 2 : i32
    %dma_start3A_103 = arith.constant 0 : i32
    %dma_start3A_104 = tpu.memref_slice %arg11[%dma_start3A_101, %dma_start3A_103] : memref<3x416xf32, #tpu.memory_space<vmem>> -> memref<1x400xf32, #tpu.memory_space<vmem>>
    %dma_start3A_105 = tpu.memref_squeeze %dma_start3A_104 : memref<1x400xf32, #tpu.memory_space<vmem>> -> memref<400xf32, #tpu.memory_space<vmem>>
    %dma_start3A_106 = arith.constant 0 : i32
    %dma_start3A_107 = tpu.memref_slice %arg6[%add3A, %dma_start3A_100, %dma_start3A_106] : memref<32x25x400xf32, #tpu.memory_space<hbm>> -> memref<1x1x400xf32, #tpu.memory_space<hbm>>
    %dma_start3A_108 = tpu.memref_squeeze %dma_start3A_107 : memref<1x1x400xf32, #tpu.memory_space<hbm>> -> memref<400xf32, #tpu.memory_space<hbm>>
    %dma_start3A_109 = tpu.memref_slice %arg20[%dma_start3A_102] : memref<3x!tpu.dma_semaphore, #tpu.memory_space<semaphore_mem>> -> memref<1x!tpu.dma_semaphore, #tpu.memory_space<semaphore_mem>>
    %dma_start3A_110 = tpu.memref_squeeze %dma_start3A_109 : memref<1x!tpu.dma_semaphore, #tpu.memory_space<semaphore_mem>> -> memref<!tpu.dma_semaphore, #tpu.memory_space<semaphore_mem>>
    %dma_start3A_111 = arith.constant 0 : i32
    %dma_start3A_112 = tpu.memref_slice %arg11[%dma_start3A_101, %dma_start3A_111] : memref<3x416xf32, #tpu.memory_space<vmem>> -> memref<1x400xf32, #tpu.memory_space<vmem>>
    %dma_start3A_113 = tpu.memref_squeeze %dma_start3A_112 : memref<1x400xf32, #tpu.memory_space<vmem>> -> memref<400xf32, #tpu.memory_space<vmem>>
    %dma_start3A_114 = arith.constant 0 : i32
    %dma_start3A_115 = tpu.memref_slice %arg6[%add3A, %dma_start3A_100, %dma_start3A_114] : memref<32x25x400xf32, #tpu.memory_space<hbm>> -> memref<1x1x400xf32, #tpu.memory_space<hbm>>
    %dma_start3A_116 = tpu.memref_squeeze %dma_start3A_115 : memref<1x1x400xf32, #tpu.memory_space<hbm>> -> memref<400xf32, #tpu.memory_space<hbm>>
    tpu.enqueue_dma source(%dma_start3A_116 : memref<400xf32, #tpu.memory_space<hbm>>) target(%dma_start3A_113 : memref<400xf32, #tpu.memory_space<vmem>>) target_semaphore(%dma_start3A_110 : memref<!tpu.dma_semaphore, #tpu.memory_space<semaphore_mem>>)
    %broadcast_in_dim3A = arith.constant 0.000000e+00 : f32
    %broadcast_in_dim3A_117 = vector.broadcast %broadcast_in_dim3A : f32 to vector<16xf32>
    %scan3A = arith.constant 0 : i32
    %scan3A_118 = arith.constant 0 : i32
    %scan3A_119 = arith.constant 40 : i32
    %scan3A_120 = arith.addi %scan3A_118, %scan3A_119 : i32
    %scan3A_121 = arith.constant 1 : i32
    %scan3A_122 = scf.for %scan3A_275 = %scan3A_118 to %scan3A_120 step %scan3A_121 iter_args(%scan3A_276 = %scan3A) -> (i32)  : i32 {
      %swap3A = arith.constant 0 : i32
      %swap3A_277 = arith.index_cast %swap3A : i32 to index
      %swap3A_278 = arith.index_cast %scan3A_275 : i32 to index
      %swap3A_279 = arith.constant 0 : index
      %swap3A_280 = tpu.vector_load %arg14[%swap3A_277, %swap3A_278, %swap3A_279] {strides = array<i32>} : memref<2x40x144xf32, #tpu.memory_space<vmem>>, vector<16xf32>,
      tpu.vector_store %arg14[%swap3A_277, %swap3A_278, %swap3A_279], %broadcast_in_dim3A_117 {strides = array<i32>} : memref<2x40x144xf32, #tpu.memory_space<vmem>>, vector<16xf32>,
      %swap3A_281 = arith.constant 0 : i32
      %swap3A_282 = arith.index_cast %swap3A_281 : i32 to index
      %swap3A_283 = arith.index_cast %scan3A_275 : i32 to index
      %swap3A_284 = arith.constant 16 : index
      %swap3A_285 = tpu.vector_load %arg14[%swap3A_282, %swap3A_283, %swap3A_284] {strides = array<i32>} : memref<2x40x144xf32, #tpu.memory_space<vmem>>, vector<16xf32>,
      tpu.vector_store %arg14[%swap3A_282, %swap3A_283, %swap3A_284], %broadcast_in_dim3A_117 {strides = array<i32>} : memref<2x40x144xf32, #tpu.memory_space<vmem>>, vector<16xf32>,
      %swap3A_286 = arith.constant 0 : i32
      %swap3A_287 = arith.index_cast %swap3A_286 : i32 to index
      %swap3A_288 = arith.index_cast %scan3A_275 : i32 to index
      %swap3A_289 = arith.constant 32 : index
      %swap3A_290 = tpu.vector_load %arg14[%swap3A_287, %swap3A_288, %swap3A_289] {strides = array<i32>} : memref<2x40x144xf32, #tpu.memory_space<vmem>>, vector<16xf32>,
      tpu.vector_store %arg14[%swap3A_287, %swap3A_288, %swap3A_289], %broadcast_in_dim3A_117 {strides = array<i32>} : memref<2x40x144xf32, #tpu.memory_space<vmem>>, vector<16xf32>,
      %swap3A_291 = arith.constant 0 : i32
      %swap3A_292 = arith.index_cast %swap3A_291 : i32 to index
      %swap3A_293 = arith.index_cast %scan3A_275 : i32 to index
      %swap3A_294 = arith.constant 48 : index
      %swap3A_295 = tpu.vector_load %arg14[%swap3A_292, %swap3A_293, %swap3A_294] {strides = array<i32>} : memref<2x40x144xf32, #tpu.memory_space<vmem>>, vector<16xf32>,
      tpu.vector_store %arg14[%swap3A_292, %swap3A_293, %swap3A_294], %broadcast_in_dim3A_117 {strides = array<i32>} : memref<2x40x144xf32, #tpu.memory_space<vmem>>, vector<16xf32>,
      %swap3A_296 = arith.constant 0 : i32
      %swap3A_297 = arith.index_cast %swap3A_296 : i32 to index
      %swap3A_298 = arith.index_cast %scan3A_275 : i32 to index
      %swap3A_299 = arith.constant 64 : index
      %swap3A_300 = tpu.vector_load %arg14[%swap3A_297, %swap3A_298, %swap3A_299] {strides = array<i32>} : memref<2x40x144xf32, #tpu.memory_space<vmem>>, vector<16xf32>,
      tpu.vector_store %arg14[%swap3A_297, %swap3A_298, %swap3A_299], %broadcast_in_dim3A_117 {strides = array<i32>} : memref<2x40x144xf32, #tpu.memory_space<vmem>>, vector<16xf32>,
      %swap3A_301 = arith.constant 0 : i32
      %swap3A_302 = arith.index_cast %swap3A_301 : i32 to index
      %swap3A_303 = arith.index_cast %scan3A_275 : i32 to index
      %swap3A_304 = arith.constant 80 : index
      %swap3A_305 = tpu.vector_load %arg14[%swap3A_302, %swap3A_303, %swap3A_304] {strides = array<i32>} : memref<2x40x144xf32, #tpu.memory_space<vmem>>, vector<16xf32>,
      tpu.vector_store %arg14[%swap3A_302, %swap3A_303, %swap3A_304], %broadcast_in_dim3A_117 {strides = array<i32>} : memref<2x40x144xf32, #tpu.memory_space<vmem>>, vector<16xf32>,
      %swap3A_306 = arith.constant 0 : i32
      %swap3A_307 = arith.index_cast %swap3A_306 : i32 to index
      %swap3A_308 = arith.index_cast %scan3A_275 : i32 to index
      %swap3A_309 = arith.constant 96 : index
      %swap3A_310 = tpu.vector_load %arg14[%swap3A_307, %swap3A_308, %swap3A_309] {strides = array<i32>} : memref<2x40x144xf32, #tpu.memory_space<vmem>>, vector<16xf32>,
      tpu.vector_store %arg14[%swap3A_307, %swap3A_308, %swap3A_309], %broadcast_in_dim3A_117 {strides = array<i32>} : memref<2x40x144xf32, #tpu.memory_space<vmem>>, vector<16xf32>,
      %swap3A_311 = arith.constant 0 : i32
      %swap3A_312 = arith.index_cast %swap3A_311 : i32 to index
      %swap3A_313 = arith.index_cast %scan3A_275 : i32 to index
      %swap3A_314 = arith.constant 112 : index
      %swap3A_315 = tpu.vector_load %arg14[%swap3A_312, %swap3A_313, %swap3A_314] {strides = array<i32>} : memref<2x40x144xf32, #tpu.memory_space<vmem>>, vector<16xf32>,
      tpu.vector_store %arg14[%swap3A_312, %swap3A_313, %swap3A_314], %broadcast_in_dim3A_117 {strides = array<i32>} : memref<2x40x144xf32, #tpu.memory_space<vmem>>, vector<16xf32>,
      %swap3A_316 = arith.constant 0 : i32
      %swap3A_317 = arith.index_cast %swap3A_316 : i32 to index
      %swap3A_318 = arith.index_cast %scan3A_275 : i32 to index
      %swap3A_319 = arith.constant 128 : index
      %swap3A_320 = tpu.vector_load %arg14[%swap3A_317, %swap3A_318, %swap3A_319] {strides = array<i32>} : memref<2x40x144xf32, #tpu.memory_space<vmem>>, vector<16xf32>,
      tpu.vector_store %arg14[%swap3A_317, %swap3A_318, %swap3A_319], %broadcast_in_dim3A_117 {strides = array<i32>} : memref<2x40x144xf32, #tpu.memory_space<vmem>>, vector<16xf32>,
      %swap3A_321 = arith.constant 1 : i32
      %swap3A_322 = arith.index_cast %swap3A_321 : i32 to index
      %swap3A_323 = arith.index_cast %scan3A_275 : i32 to index
      %swap3A_324 = arith.constant 0 : index
      %swap3A_325 = tpu.vector_load %arg14[%swap3A_322, %swap3A_323, %swap3A_324] {strides = array<i32>} : memref<2x40x144xf32, #tpu.memory_space<vmem>>, vector<16xf32>,
      tpu.vector_store %arg14[%swap3A_322, %swap3A_323, %swap3A_324], %broadcast_in_dim3A_117 {strides = array<i32>} : memref<2x40x144xf32, #tpu.memory_space<vmem>>, vector<16xf32>,
      %swap3A_326 = arith.constant 1 : i32
      %swap3A_327 = arith.index_cast %swap3A_326 : i32 to index
      %swap3A_328 = arith.index_cast %scan3A_275 : i32 to index
      %swap3A_329 = arith.constant 16 : index
      %swap3A_330 = tpu.vector_load %arg14[%swap3A_327, %swap3A_328, %swap3A_329] {strides = array<i32>} : memref<2x40x144xf32, #tpu.memory_space<vmem>>, vector<16xf32>,
      tpu.vector_store %arg14[%swap3A_327, %swap3A_328, %swap3A_329], %broadcast_in_dim3A_117 {strides = array<i32>} : memref<2x40x144xf32, #tpu.memory_space<vmem>>, vector<16xf32>,
      %swap3A_331 = arith.constant 1 : i32
      %swap3A_332 = arith.index_cast %swap3A_331 : i32 to index
      %swap3A_333 = arith.index_cast %scan3A_275 : i32 to index
      %swap3A_334 = arith.constant 32 : index
      %swap3A_335 = tpu.vector_load %arg14[%swap3A_332, %swap3A_333, %swap3A_334] {strides = array<i32>} : memref<2x40x144xf32, #tpu.memory_space<vmem>>, vector<16xf32>,
      tpu.vector_store %arg14[%swap3A_332, %swap3A_333, %swap3A_334], %broadcast_in_dim3A_117 {strides = array<i32>} : memref<2x40x144xf32, #tpu.memory_space<vmem>>, vector<16xf32>,
      %swap3A_336 = arith.constant 1 : i32
      %swap3A_337 = arith.index_cast %swap3A_336 : i32 to index
      %swap3A_338 = arith.index_cast %scan3A_275 : i32 to index
      %swap3A_339 = arith.constant 48 : index
      %swap3A_340 = tpu.vector_load %arg14[%swap3A_337, %swap3A_338, %swap3A_339] {strides = array<i32>} : memref<2x40x144xf32, #tpu.memory_space<vmem>>, vector<16xf32>,
      tpu.vector_store %arg14[%swap3A_337, %swap3A_338, %swap3A_339], %broadcast_in_dim3A_117 {strides = array<i32>} : memref<2x40x144xf32, #tpu.memory_space<vmem>>, vector<16xf32>,
      %swap3A_341 = arith.constant 1 : i32
      %swap3A_342 = arith.index_cast %swap3A_341 : i32 to index
      %swap3A_343 = arith.index_cast %scan3A_275 : i32 to index
      %swap3A_344 = arith.constant 64 : index
      %swap3A_345 = tpu.vector_load %arg14[%swap3A_342, %swap3A_343, %swap3A_344] {strides = array<i32>} : memref<2x40x144xf32, #tpu.memory_space<vmem>>, vector<16xf32>,
      tpu.vector_store %arg14[%swap3A_342, %swap3A_343, %swap3A_344], %broadcast_in_dim3A_117 {strides = array<i32>} : memref<2x40x144xf32, #tpu.memory_space<vmem>>, vector<16xf32>,
      %swap3A_346 = arith.constant 1 : i32
      %swap3A_347 = arith.index_cast %swap3A_346 : i32 to index
      %swap3A_348 = arith.index_cast %scan3A_275 : i32 to index
      %swap3A_349 = arith.constant 80 : index
      %swap3A_350 = tpu.vector_load %arg14[%swap3A_347, %swap3A_348, %swap3A_349] {strides = array<i32>} : memref<2x40x144xf32, #tpu.memory_space<vmem>>, vector<16xf32>,
      tpu.vector_store %arg14[%swap3A_347, %swap3A_348, %swap3A_349], %broadcast_in_dim3A_117 {strides = array<i32>} : memref<2x40x144xf32, #tpu.memory_space<vmem>>, vector<16xf32>,
      %swap3A_351 = arith.constant 1 : i32
      %swap3A_352 = arith.index_cast %swap3A_351 : i32 to index
      %swap3A_353 = arith.index_cast %scan3A_275 : i32 to index
      %swap3A_354 = arith.constant 96 : index
      %swap3A_355 = tpu.vector_load %arg14[%swap3A_352, %swap3A_353, %swap3A_354] {strides = array<i32>} : memref<2x40x144xf32, #tpu.memory_space<vmem>>, vector<16xf32>,
      tpu.vector_store %arg14[%swap3A_352, %swap3A_353, %swap3A_354], %broadcast_in_dim3A_117 {strides = array<i32>} : memref<2x40x144xf32, #tpu.memory_space<vmem>>, vector<16xf32>,
      %swap3A_356 = arith.constant 1 : i32
      %swap3A_357 = arith.index_cast %swap3A_356 : i32 to index
      %swap3A_358 = arith.index_cast %scan3A_275 : i32 to index
      %swap3A_359 = arith.constant 112 : index
      %swap3A_360 = tpu.vector_load %arg14[%swap3A_357, %swap3A_358, %swap3A_359] {strides = array<i32>} : memref<2x40x144xf32, #tpu.memory_space<vmem>>, vector<16xf32>,
      tpu.vector_store %arg14[%swap3A_357, %swap3A_358, %swap3A_359], %broadcast_in_dim3A_117 {strides = array<i32>} : memref<2x40x144xf32, #tpu.memory_space<vmem>>, vector<16xf32>,
      %swap3A_361 = arith.constant 1 : i32
      %swap3A_362 = arith.index_cast %swap3A_361 : i32 to index
      %swap3A_363 = arith.index_cast %scan3A_275 : i32 to index
      %swap3A_364 = arith.constant 128 : index
      %swap3A_365 = tpu.vector_load %arg14[%swap3A_362, %swap3A_363, %swap3A_364] {strides = array<i32>} : memref<2x40x144xf32, #tpu.memory_space<vmem>>, vector<16xf32>,
      tpu.vector_store %arg14[%swap3A_362, %swap3A_363, %swap3A_364], %broadcast_in_dim3A_117 {strides = array<i32>} : memref<2x40x144xf32, #tpu.memory_space<vmem>>, vector<16xf32>,
      %scan3A_366 = arith.constant 0 : i32
      scf.yield %scan3A_366 : i32
    }
    %scan3A_123 = arith.constant 40 : i32
    %mul3A_124 = arith.constant 640 : i32
    %mul3A_125 = arith.muli %arg1, %mul3A_124 : i32
    %add3A_126 = arith.constant 0 : i32
    %add3A_127 = arith.addi %mul3A_125, %add3A_126 : i32
    %run_scoped3A_128 = arith.constant 0 : i32
    "tpu.region"() ({
      %run_scoped3A_275 = tpu.sem_alloc : memref<!tpu.dma_semaphore, #tpu.memory_space<semaphore_mem>>
      %dma_start3A_276 = arith.constant 0 : i32
      %dma_start3A_277 = arith.constant 0 : i32
      %dma_start3A_278 = tpu.memref_slice %arg14[%run_scoped3A_128, %dma_start3A_276, %dma_start3A_277] : memref<2x40x144xf32, #tpu.memory_space<vmem>> -> memref<1x40x144xf32, #tpu.memory_space<vmem>>
      %dma_start3A_279 = tpu.memref_squeeze %dma_start3A_278 : memref<1x40x144xf32, #tpu.memory_space<vmem>> -> memref<40x144xf32, #tpu.memory_space<vmem>>
      %dma_start3A_280 = arith.constant 0 : i32
      %dma_start3A_281 = tpu.memref_slice %arg17[%add3A_127, %dma_start3A_280] : memref<10240x144xf32, #tpu.memory_space<vmem_shared>> -> memref<40x144xf32, #tpu.memory_space<vmem_shared>>
      %dma_start3A_282 = arith.constant 0 : i32
      %dma_start3A_283 = tpu.memref_slice %arg17[%add3A_127, %dma_start3A_282] : memref<10240x144xf32, #tpu.memory_space<vmem_shared>> -> memref<40x144xf32, #tpu.memory_space<vmem_shared>>
      %dma_start3A_284 = arith.constant 0 : i32
      %dma_start3A_285 = arith.constant 0 : i32
      %dma_start3A_286 = tpu.memref_slice %arg14[%run_scoped3A_128, %dma_start3A_284, %dma_start3A_285] : memref<2x40x144xf32, #tpu.memory_space<vmem>> -> memref<1x40x144xf32, #tpu.memory_space<vmem>>
      %dma_start3A_287 = tpu.memref_squeeze %dma_start3A_286 : memref<1x40x144xf32, #tpu.memory_space<vmem>> -> memref<40x144xf32, #tpu.memory_space<vmem>>
      tpu.enqueue_dma source(%dma_start3A_287 : memref<40x144xf32, #tpu.memory_space<vmem>>) target(%dma_start3A_283 : memref<40x144xf32, #tpu.memory_space<vmem_shared>>) target_semaphore(%run_scoped3A_275 : memref<!tpu.dma_semaphore, #tpu.memory_space<semaphore_mem>>)
      %dma_wait3A_288 = arith.constant 0 : i32
      %dma_wait3A_289 = arith.constant 0 : i32
      %dma_wait3A_290 = tpu.memref_slice %arg14[%run_scoped3A_128, %dma_wait3A_288, %dma_wait3A_289] : memref<2x40x144xf32, #tpu.memory_space<vmem>> -> memref<1x40x144xf32, #tpu.memory_space<vmem>>
      %dma_wait3A_291 = tpu.memref_squeeze %dma_wait3A_290 : memref<1x40x144xf32, #tpu.memory_space<vmem>> -> memref<40x144xf32, #tpu.memory_space<vmem>>
      %dma_wait3A_292 = arith.constant 0 : i32
      %dma_wait3A_293 = tpu.memref_slice %arg17[%add3A_127, %dma_wait3A_292] : memref<10240x144xf32, #tpu.memory_space<vmem_shared>> -> memref<40x144xf32, #tpu.memory_space<vmem_shared>>
      %dma_wait3A_294 = arith.constant 0 : i32
      %dma_wait3A_295 = tpu.memref_slice %arg17[%add3A_127, %dma_wait3A_294] : memref<10240x144xf32, #tpu.memory_space<vmem_shared>> -> memref<40x144xf32, #tpu.memory_space<vmem_shared>>
      %dma_wait3A_296 = arith.constant 0 : i32
      %dma_wait3A_297 = arith.constant 0 : i32
      %dma_wait3A_298 = tpu.memref_slice %arg14[%run_scoped3A_128, %dma_wait3A_296, %dma_wait3A_297] : memref<2x40x144xf32, #tpu.memory_space<vmem>> -> memref<1x40x144xf32, #tpu.memory_space<vmem>>
      %dma_wait3A_299 = tpu.memref_squeeze %dma_wait3A_298 : memref<1x40x144xf32, #tpu.memory_space<vmem>> -> memref<40x144xf32, #tpu.memory_space<vmem>>
      tpu.wait_dma2 semaphore(%run_scoped3A_275 : memref<!tpu.dma_semaphore, #tpu.memory_space<semaphore_mem>>) src(%dma_wait3A_299 : memref<40x144xf32, #tpu.memory_space<vmem>>) dst(%dma_wait3A_295 : memref<40x144xf32, #tpu.memory_space<vmem_shared>>)
      tpu.yield
    }) : () -> ()
    %add3A_129 = arith.constant 40 : i32
    %add3A_130 = arith.addi %mul3A_125, %add3A_129 : i32
    %run_scoped3A_131 = arith.constant 0 : i32
    "tpu.region"() ({
      %run_scoped3A_275 = tpu.sem_alloc : memref<!tpu.dma_semaphore, #tpu.memory_space<semaphore_mem>>
      %dma_start3A_276 = arith.constant 0 : i32
      %dma_start3A_277 = arith.constant 0 : i32
      %dma_start3A_278 = tpu.memref_slice %arg14[%run_scoped3A_131, %dma_start3A_276, %dma_start3A_277] : memref<2x40x144xf32, #tpu.memory_space<vmem>> -> memref<1x40x144xf32, #tpu.memory_space<vmem>>
      %dma_start3A_279 = tpu.memref_squeeze %dma_start3A_278 : memref<1x40x144xf32, #tpu.memory_space<vmem>> -> memref<40x144xf32, #tpu.memory_space<vmem>>
      %dma_start3A_280 = arith.constant 0 : i32
      %dma_start3A_281 = tpu.memref_slice %arg17[%add3A_130, %dma_start3A_280] : memref<10240x144xf32, #tpu.memory_space<vmem_shared>> -> memref<40x144xf32, #tpu.memory_space<vmem_shared>>
      %dma_start3A_282 = arith.constant 0 : i32
      %dma_start3A_283 = tpu.memref_slice %arg17[%add3A_130, %dma_start3A_282] : memref<10240x144xf32, #tpu.memory_space<vmem_shared>> -> memref<40x144xf32, #tpu.memory_space<vmem_shared>>
      %dma_start3A_284 = arith.constant 0 : i32
      %dma_start3A_285 = arith.constant 0 : i32
      %dma_start3A_286 = tpu.memref_slice %arg14[%run_scoped3A_131, %dma_start3A_284, %dma_start3A_285] : memref<2x40x144xf32, #tpu.memory_space<vmem>> -> memref<1x40x144xf32, #tpu.memory_space<vmem>>
      %dma_start3A_287 = tpu.memref_squeeze %dma_start3A_286 : memref<1x40x144xf32, #tpu.memory_space<vmem>> -> memref<40x144xf32, #tpu.memory_space<vmem>>
      tpu.enqueue_dma source(%dma_start3A_287 : memref<40x144xf32, #tpu.memory_space<vmem>>) target(%dma_start3A_283 : memref<40x144xf32, #tpu.memory_space<vmem_shared>>) target_semaphore(%run_scoped3A_275 : memref<!tpu.dma_semaphore, #tpu.memory_space<semaphore_mem>>)
      %dma_wait3A_288 = arith.constant 0 : i32
      %dma_wait3A_289 = arith.constant 0 : i32
      %dma_wait3A_290 = tpu.memref_slice %arg14[%run_scoped3A_131, %dma_wait3A_288, %dma_wait3A_289] : memref<2x40x144xf32, #tpu.memory_space<vmem>> -> memref<1x40x144xf32, #tpu.memory_space<vmem>>
      %dma_wait3A_291 = tpu.memref_squeeze %dma_wait3A_290 : memref<1x40x144xf32, #tpu.memory_space<vmem>> -> memref<40x144xf32, #tpu.memory_space<vmem>>
      %dma_wait3A_292 = arith.constant 0 : i32
      %dma_wait3A_293 = tpu.memref_slice %arg17[%add3A_130, %dma_wait3A_292] : memref<10240x144xf32, #tpu.memory_space<vmem_shared>> -> memref<40x144xf32, #tpu.memory_space<vmem_shared>>
      %dma_wait3A_294 = arith.constant 0 : i32
      %dma_wait3A_295 = tpu.memref_slice %arg17[%add3A_130, %dma_wait3A_294] : memref<10240x144xf32, #tpu.memory_space<vmem_shared>> -> memref<40x144xf32, #tpu.memory_space<vmem_shared>>
      %dma_wait3A_296 = arith.constant 0 : i32
      %dma_wait3A_297 = arith.constant 0 : i32
      %dma_wait3A_298 = tpu.memref_slice %arg14[%run_scoped3A_131, %dma_wait3A_296, %dma_wait3A_297] : memref<2x40x144xf32, #tpu.memory_space<vmem>> -> memref<1x40x144xf32, #tpu.memory_space<vmem>>
      %dma_wait3A_299 = tpu.memref_squeeze %dma_wait3A_298 : memref<1x40x144xf32, #tpu.memory_space<vmem>> -> memref<40x144xf32, #tpu.memory_space<vmem>>
      tpu.wait_dma2 semaphore(%run_scoped3A_275 : memref<!tpu.dma_semaphore, #tpu.memory_space<semaphore_mem>>) src(%dma_wait3A_299 : memref<40x144xf32, #tpu.memory_space<vmem>>) dst(%dma_wait3A_295 : memref<40x144xf32, #tpu.memory_space<vmem_shared>>)
      tpu.yield
    }) : () -> ()
    %add3A_132 = arith.constant 80 : i32
    %add3A_133 = arith.addi %mul3A_125, %add3A_132 : i32
    %run_scoped3A_134 = arith.constant 0 : i32
    "tpu.region"() ({
      %run_scoped3A_275 = tpu.sem_alloc : memref<!tpu.dma_semaphore, #tpu.memory_space<semaphore_mem>>
      %dma_start3A_276 = arith.constant 0 : i32
      %dma_start3A_277 = arith.constant 0 : i32
      %dma_start3A_278 = tpu.memref_slice %arg14[%run_scoped3A_134, %dma_start3A_276, %dma_start3A_277] : memref<2x40x144xf32, #tpu.memory_space<vmem>> -> memref<1x40x144xf32, #tpu.memory_space<vmem>>
      %dma_start3A_279 = tpu.memref_squeeze %dma_start3A_278 : memref<1x40x144xf32, #tpu.memory_space<vmem>> -> memref<40x144xf32, #tpu.memory_space<vmem>>
      %dma_start3A_280 = arith.constant 0 : i32
      %dma_start3A_281 = tpu.memref_slice %arg17[%add3A_133, %dma_start3A_280] : memref<10240x144xf32, #tpu.memory_space<vmem_shared>> -> memref<40x144xf32, #tpu.memory_space<vmem_shared>>
      %dma_start3A_282 = arith.constant 0 : i32
      %dma_start3A_283 = tpu.memref_slice %arg17[%add3A_133, %dma_start3A_282] : memref<10240x144xf32, #tpu.memory_space<vmem_shared>> -> memref<40x144xf32, #tpu.memory_space<vmem_shared>>
      %dma_start3A_284 = arith.constant 0 : i32
      %dma_start3A_285 = arith.constant 0 : i32
      %dma_start3A_286 = tpu.memref_slice %arg14[%run_scoped3A_134, %dma_start3A_284, %dma_start3A_285] : memref<2x40x144xf32, #tpu.memory_space<vmem>> -> memref<1x40x144xf32, #tpu.memory_space<vmem>>
      %dma_start3A_287 = tpu.memref_squeeze %dma_start3A_286 : memref<1x40x144xf32, #tpu.memory_space<vmem>> -> memref<40x144xf32, #tpu.memory_space<vmem>>
      tpu.enqueue_dma source(%dma_start3A_287 : memref<40x144xf32, #tpu.memory_space<vmem>>) target(%dma_start3A_283 : memref<40x144xf32, #tpu.memory_space<vmem_shared>>) target_semaphore(%run_scoped3A_275 : memref<!tpu.dma_semaphore, #tpu.memory_space<semaphore_mem>>)
      %dma_wait3A_288 = arith.constant 0 : i32
      %dma_wait3A_289 = arith.constant 0 : i32
      %dma_wait3A_290 = tpu.memref_slice %arg14[%run_scoped3A_134, %dma_wait3A_288, %dma_wait3A_289] : memref<2x40x144xf32, #tpu.memory_space<vmem>> -> memref<1x40x144xf32, #tpu.memory_space<vmem>>
      %dma_wait3A_291 = tpu.memref_squeeze %dma_wait3A_290 : memref<1x40x144xf32, #tpu.memory_space<vmem>> -> memref<40x144xf32, #tpu.memory_space<vmem>>
      %dma_wait3A_292 = arith.constant 0 : i32
      %dma_wait3A_293 = tpu.memref_slice %arg17[%add3A_133, %dma_wait3A_292] : memref<10240x144xf32, #tpu.memory_space<vmem_shared>> -> memref<40x144xf32, #tpu.memory_space<vmem_shared>>
      %dma_wait3A_294 = arith.constant 0 : i32
      %dma_wait3A_295 = tpu.memref_slice %arg17[%add3A_133, %dma_wait3A_294] : memref<10240x144xf32, #tpu.memory_space<vmem_shared>> -> memref<40x144xf32, #tpu.memory_space<vmem_shared>>
      %dma_wait3A_296 = arith.constant 0 : i32
      %dma_wait3A_297 = arith.constant 0 : i32
      %dma_wait3A_298 = tpu.memref_slice %arg14[%run_scoped3A_134, %dma_wait3A_296, %dma_wait3A_297] : memref<2x40x144xf32, #tpu.memory_space<vmem>> -> memref<1x40x144xf32, #tpu.memory_space<vmem>>
      %dma_wait3A_299 = tpu.memref_squeeze %dma_wait3A_298 : memref<1x40x144xf32, #tpu.memory_space<vmem>> -> memref<40x144xf32, #tpu.memory_space<vmem>>
      tpu.wait_dma2 semaphore(%run_scoped3A_275 : memref<!tpu.dma_semaphore, #tpu.memory_space<semaphore_mem>>) src(%dma_wait3A_299 : memref<40x144xf32, #tpu.memory_space<vmem>>) dst(%dma_wait3A_295 : memref<40x144xf32, #tpu.memory_space<vmem_shared>>)
      tpu.yield
    }) : () -> ()
    %add3A_135 = arith.constant 120 : i32
    %add3A_136 = arith.addi %mul3A_125, %add3A_135 : i32
    %run_scoped3A_137 = arith.constant 0 : i32
    "tpu.region"() ({
      %run_scoped3A_275 = tpu.sem_alloc : memref<!tpu.dma_semaphore, #tpu.memory_space<semaphore_mem>>
      %dma_start3A_276 = arith.constant 0 : i32
      %dma_start3A_277 = arith.constant 0 : i32
      %dma_start3A_278 = tpu.memref_slice %arg14[%run_scoped3A_137, %dma_start3A_276, %dma_start3A_277] : memref<2x40x144xf32, #tpu.memory_space<vmem>> -> memref<1x40x144xf32, #tpu.memory_space<vmem>>
      %dma_start3A_279 = tpu.memref_squeeze %dma_start3A_278 : memref<1x40x144xf32, #tpu.memory_space<vmem>> -> memref<40x144xf32, #tpu.memory_space<vmem>>
      %dma_start3A_280 = arith.constant 0 : i32
      %dma_start3A_281 = tpu.memref_slice %arg17[%add3A_136, %dma_start3A_280] : memref<10240x144xf32, #tpu.memory_space<vmem_shared>> -> memref<40x144xf32, #tpu.memory_space<vmem_shared>>
      %dma_start3A_282 = arith.constant 0 : i32
      %dma_start3A_283 = tpu.memref_slice %arg17[%add3A_136, %dma_start3A_282] : memref<10240x144xf32, #tpu.memory_space<vmem_shared>> -> memref<40x144xf32, #tpu.memory_space<vmem_shared>>
      %dma_start3A_284 = arith.constant 0 : i32
      %dma_start3A_285 = arith.constant 0 : i32
      %dma_start3A_286 = tpu.memref_slice %arg14[%run_scoped3A_137, %dma_start3A_284, %dma_start3A_285] : memref<2x40x144xf32, #tpu.memory_space<vmem>> -> memref<1x40x144xf32, #tpu.memory_space<vmem>>
      %dma_start3A_287 = tpu.memref_squeeze %dma_start3A_286 : memref<1x40x144xf32, #tpu.memory_space<vmem>> -> memref<40x144xf32, #tpu.memory_space<vmem>>
      tpu.enqueue_dma source(%dma_start3A_287 : memref<40x144xf32, #tpu.memory_space<vmem>>) target(%dma_start3A_283 : memref<40x144xf32, #tpu.memory_space<vmem_shared>>) target_semaphore(%run_scoped3A_275 : memref<!tpu.dma_semaphore, #tpu.memory_space<semaphore_mem>>)
      %dma_wait3A_288 = arith.constant 0 : i32
      %dma_wait3A_289 = arith.constant 0 : i32
      %dma_wait3A_290 = tpu.memref_slice %arg14[%run_scoped3A_137, %dma_wait3A_288, %dma_wait3A_289] : memref<2x40x144xf32, #tpu.memory_space<vmem>> -> memref<1x40x144xf32, #tpu.memory_space<vmem>>
      %dma_wait3A_291 = tpu.memref_squeeze %dma_wait3A_290 : memref<1x40x144xf32, #tpu.memory_space<vmem>> -> memref<40x144xf32, #tpu.memory_space<vmem>>
      %dma_wait3A_292 = arith.constant 0 : i32
      %dma_wait3A_293 = tpu.memref_slice %arg17[%add3A_136, %dma_wait3A_292] : memref<10240x144xf32, #tpu.memory_space<vmem_shared>> -> memref<40x144xf32, #tpu.memory_space<vmem_shared>>
      %dma_wait3A_294 = arith.constant 0 : i32
      %dma_wait3A_295 = tpu.memref_slice %arg17[%add3A_136, %dma_wait3A_294] : memref<10240x144xf32, #tpu.memory_space<vmem_shared>> -> memref<40x144xf32, #tpu.memory_space<vmem_shared>>
      %dma_wait3A_296 = arith.constant 0 : i32
      %dma_wait3A_297 = arith.constant 0 : i32
      %dma_wait3A_298 = tpu.memref_slice %arg14[%run_scoped3A_137, %dma_wait3A_296, %dma_wait3A_297] : memref<2x40x144xf32, #tpu.memory_space<vmem>> -> memref<1x40x144xf32, #tpu.memory_space<vmem>>
      %dma_wait3A_299 = tpu.memref_squeeze %dma_wait3A_298 : memref<1x40x144xf32, #tpu.memory_space<vmem>> -> memref<40x144xf32, #tpu.memory_space<vmem>>
      tpu.wait_dma2 semaphore(%run_scoped3A_275 : memref<!tpu.dma_semaphore, #tpu.memory_space<semaphore_mem>>) src(%dma_wait3A_299 : memref<40x144xf32, #tpu.memory_space<vmem>>) dst(%dma_wait3A_295 : memref<40x144xf32, #tpu.memory_space<vmem_shared>>)
      tpu.yield
    }) : () -> ()
    %add3A_138 = arith.constant 160 : i32
    %add3A_139 = arith.addi %mul3A_125, %add3A_138 : i32
    %run_scoped3A_140 = arith.constant 0 : i32
    "tpu.region"() ({
      %run_scoped3A_275 = tpu.sem_alloc : memref<!tpu.dma_semaphore, #tpu.memory_space<semaphore_mem>>
      %dma_start3A_276 = arith.constant 0 : i32
      %dma_start3A_277 = arith.constant 0 : i32
      %dma_start3A_278 = tpu.memref_slice %arg14[%run_scoped3A_140, %dma_start3A_276, %dma_start3A_277] : memref<2x40x144xf32, #tpu.memory_space<vmem>> -> memref<1x40x144xf32, #tpu.memory_space<vmem>>
      %dma_start3A_279 = tpu.memref_squeeze %dma_start3A_278 : memref<1x40x144xf32, #tpu.memory_space<vmem>> -> memref<40x144xf32, #tpu.memory_space<vmem>>
      %dma_start3A_280 = arith.constant 0 : i32
      %dma_start3A_281 = tpu.memref_slice %arg17[%add3A_139, %dma_start3A_280] : memref<10240x144xf32, #tpu.memory_space<vmem_shared>> -> memref<40x144xf32, #tpu.memory_space<vmem_shared>>
      %dma_start3A_282 = arith.constant 0 : i32
      %dma_start3A_283 = tpu.memref_slice %arg17[%add3A_139, %dma_start3A_282] : memref<10240x144xf32, #tpu.memory_space<vmem_shared>> -> memref<40x144xf32, #tpu.memory_space<vmem_shared>>
      %dma_start3A_284 = arith.constant 0 : i32
      %dma_start3A_285 = arith.constant 0 : i32
      %dma_start3A_286 = tpu.memref_slice %arg14[%run_scoped3A_140, %dma_start3A_284, %dma_start3A_285] : memref<2x40x144xf32, #tpu.memory_space<vmem>> -> memref<1x40x144xf32, #tpu.memory_space<vmem>>
      %dma_start3A_287 = tpu.memref_squeeze %dma_start3A_286 : memref<1x40x144xf32, #tpu.memory_space<vmem>> -> memref<40x144xf32, #tpu.memory_space<vmem>>
      tpu.enqueue_dma source(%dma_start3A_287 : memref<40x144xf32, #tpu.memory_space<vmem>>) target(%dma_start3A_283 : memref<40x144xf32, #tpu.memory_space<vmem_shared>>) target_semaphore(%run_scoped3A_275 : memref<!tpu.dma_semaphore, #tpu.memory_space<semaphore_mem>>)
      %dma_wait3A_288 = arith.constant 0 : i32
      %dma_wait3A_289 = arith.constant 0 : i32
      %dma_wait3A_290 = tpu.memref_slice %arg14[%run_scoped3A_140, %dma_wait3A_288, %dma_wait3A_289] : memref<2x40x144xf32, #tpu.memory_space<vmem>> -> memref<1x40x144xf32, #tpu.memory_space<vmem>>
      %dma_wait3A_291 = tpu.memref_squeeze %dma_wait3A_290 : memref<1x40x144xf32, #tpu.memory_space<vmem>> -> memref<40x144xf32, #tpu.memory_space<vmem>>
      %dma_wait3A_292 = arith.constant 0 : i32
      %dma_wait3A_293 = tpu.memref_slice %arg17[%add3A_139, %dma_wait3A_292] : memref<10240x144xf32, #tpu.memory_space<vmem_shared>> -> memref<40x144xf32, #tpu.memory_space<vmem_shared>>
      %dma_wait3A_294 = arith.constant 0 : i32
      %dma_wait3A_295 = tpu.memref_slice %arg17[%add3A_139, %dma_wait3A_294] : memref<10240x144xf32, #tpu.memory_space<vmem_shared>> -> memref<40x144xf32, #tpu.memory_space<vmem_shared>>
      %dma_wait3A_296 = arith.constant 0 : i32
      %dma_wait3A_297 = arith.constant 0 : i32
      %dma_wait3A_298 = tpu.memref_slice %arg14[%run_scoped3A_140, %dma_wait3A_296, %dma_wait3A_297] : memref<2x40x144xf32, #tpu.memory_space<vmem>> -> memref<1x40x144xf32, #tpu.memory_space<vmem>>
      %dma_wait3A_299 = tpu.memref_squeeze %dma_wait3A_298 : memref<1x40x144xf32, #tpu.memory_space<vmem>> -> memref<40x144xf32, #tpu.memory_space<vmem>>
      tpu.wait_dma2 semaphore(%run_scoped3A_275 : memref<!tpu.dma_semaphore, #tpu.memory_space<semaphore_mem>>) src(%dma_wait3A_299 : memref<40x144xf32, #tpu.memory_space<vmem>>) dst(%dma_wait3A_295 : memref<40x144xf32, #tpu.memory_space<vmem_shared>>)
      tpu.yield
    }) : () -> ()
    %add3A_141 = arith.constant 200 : i32
    %add3A_142 = arith.addi %mul3A_125, %add3A_141 : i32
    %run_scoped3A_143 = arith.constant 0 : i32
    "tpu.region"() ({
      %run_scoped3A_275 = tpu.sem_alloc : memref<!tpu.dma_semaphore, #tpu.memory_space<semaphore_mem>>
      %dma_start3A_276 = arith.constant 0 : i32
      %dma_start3A_277 = arith.constant 0 : i32
      %dma_start3A_278 = tpu.memref_slice %arg14[%run_scoped3A_143, %dma_start3A_276, %dma_start3A_277] : memref<2x40x144xf32, #tpu.memory_space<vmem>> -> memref<1x40x144xf32, #tpu.memory_space<vmem>>
      %dma_start3A_279 = tpu.memref_squeeze %dma_start3A_278 : memref<1x40x144xf32, #tpu.memory_space<vmem>> -> memref<40x144xf32, #tpu.memory_space<vmem>>
      %dma_start3A_280 = arith.constant 0 : i32
      %dma_start3A_281 = tpu.memref_slice %arg17[%add3A_142, %dma_start3A_280] : memref<10240x144xf32, #tpu.memory_space<vmem_shared>> -> memref<40x144xf32, #tpu.memory_space<vmem_shared>>
      %dma_start3A_282 = arith.constant 0 : i32
      %dma_start3A_283 = tpu.memref_slice %arg17[%add3A_142, %dma_start3A_282] : memref<10240x144xf32, #tpu.memory_space<vmem_shared>> -> memref<40x144xf32, #tpu.memory_space<vmem_shared>>
      %dma_start3A_284 = arith.constant 0 : i32
      %dma_start3A_285 = arith.constant 0 : i32
      %dma_start3A_286 = tpu.memref_slice %arg14[%run_scoped3A_143, %dma_start3A_284, %dma_start3A_285] : memref<2x40x144xf32, #tpu.memory_space<vmem>> -> memref<1x40x144xf32, #tpu.memory_space<vmem>>
      %dma_start3A_287 = tpu.memref_squeeze %dma_start3A_286 : memref<1x40x144xf32, #tpu.memory_space<vmem>> -> memref<40x144xf32, #tpu.memory_space<vmem>>
      tpu.enqueue_dma source(%dma_start3A_287 : memref<40x144xf32, #tpu.memory_space<vmem>>) target(%dma_start3A_283 : memref<40x144xf32, #tpu.memory_space<vmem_shared>>) target_semaphore(%run_scoped3A_275 : memref<!tpu.dma_semaphore, #tpu.memory_space<semaphore_mem>>)
      %dma_wait3A_288 = arith.constant 0 : i32
      %dma_wait3A_289 = arith.constant 0 : i32
      %dma_wait3A_290 = tpu.memref_slice %arg14[%run_scoped3A_143, %dma_wait3A_288, %dma_wait3A_289] : memref<2x40x144xf32, #tpu.memory_space<vmem>> -> memref<1x40x144xf32, #tpu.memory_space<vmem>>
      %dma_wait3A_291 = tpu.memref_squeeze %dma_wait3A_290 : memref<1x40x144xf32, #tpu.memory_space<vmem>> -> memref<40x144xf32, #tpu.memory_space<vmem>>
      %dma_wait3A_292 = arith.constant 0 : i32
      %dma_wait3A_293 = tpu.memref_slice %arg17[%add3A_142, %dma_wait3A_292] : memref<10240x144xf32, #tpu.memory_space<vmem_shared>> -> memref<40x144xf32, #tpu.memory_space<vmem_shared>>
      %dma_wait3A_294 = arith.constant 0 : i32
      %dma_wait3A_295 = tpu.memref_slice %arg17[%add3A_142, %dma_wait3A_294] : memref<10240x144xf32, #tpu.memory_space<vmem_shared>> -> memref<40x144xf32, #tpu.memory_space<vmem_shared>>
      %dma_wait3A_296 = arith.constant 0 : i32
      %dma_wait3A_297 = arith.constant 0 : i32
      %dma_wait3A_298 = tpu.memref_slice %arg14[%run_scoped3A_143, %dma_wait3A_296, %dma_wait3A_297] : memref<2x40x144xf32, #tpu.memory_space<vmem>> -> memref<1x40x144xf32, #tpu.memory_space<vmem>>
      %dma_wait3A_299 = tpu.memref_squeeze %dma_wait3A_298 : memref<1x40x144xf32, #tpu.memory_space<vmem>> -> memref<40x144xf32, #tpu.memory_space<vmem>>
      tpu.wait_dma2 semaphore(%run_scoped3A_275 : memref<!tpu.dma_semaphore, #tpu.memory_space<semaphore_mem>>) src(%dma_wait3A_299 : memref<40x144xf32, #tpu.memory_space<vmem>>) dst(%dma_wait3A_295 : memref<40x144xf32, #tpu.memory_space<vmem_shared>>)
      tpu.yield
    }) : () -> ()
    %add3A_144 = arith.constant 240 : i32
    %add3A_145 = arith.addi %mul3A_125, %add3A_144 : i32
    %run_scoped3A_146 = arith.constant 0 : i32
    "tpu.region"() ({
      %run_scoped3A_275 = tpu.sem_alloc : memref<!tpu.dma_semaphore, #tpu.memory_space<semaphore_mem>>
      %dma_start3A_276 = arith.constant 0 : i32
      %dma_start3A_277 = arith.constant 0 : i32
      %dma_start3A_278 = tpu.memref_slice %arg14[%run_scoped3A_146, %dma_start3A_276, %dma_start3A_277] : memref<2x40x144xf32, #tpu.memory_space<vmem>> -> memref<1x40x144xf32, #tpu.memory_space<vmem>>
      %dma_start3A_279 = tpu.memref_squeeze %dma_start3A_278 : memref<1x40x144xf32, #tpu.memory_space<vmem>> -> memref<40x144xf32, #tpu.memory_space<vmem>>
      %dma_start3A_280 = arith.constant 0 : i32
      %dma_start3A_281 = tpu.memref_slice %arg17[%add3A_145, %dma_start3A_280] : memref<10240x144xf32, #tpu.memory_space<vmem_shared>> -> memref<40x144xf32, #tpu.memory_space<vmem_shared>>
      %dma_start3A_282 = arith.constant 0 : i32
      %dma_start3A_283 = tpu.memref_slice %arg17[%add3A_145, %dma_start3A_282] : memref<10240x144xf32, #tpu.memory_space<vmem_shared>> -> memref<40x144xf32, #tpu.memory_space<vmem_shared>>
      %dma_start3A_284 = arith.constant 0 : i32
      %dma_start3A_285 = arith.constant 0 : i32
      %dma_start3A_286 = tpu.memref_slice %arg14[%run_scoped3A_146, %dma_start3A_284, %dma_start3A_285] : memref<2x40x144xf32, #tpu.memory_space<vmem>> -> memref<1x40x144xf32, #tpu.memory_space<vmem>>
      %dma_start3A_287 = tpu.memref_squeeze %dma_start3A_286 : memref<1x40x144xf32, #tpu.memory_space<vmem>> -> memref<40x144xf32, #tpu.memory_space<vmem>>
      tpu.enqueue_dma source(%dma_start3A_287 : memref<40x144xf32, #tpu.memory_space<vmem>>) target(%dma_start3A_283 : memref<40x144xf32, #tpu.memory_space<vmem_shared>>) target_semaphore(%run_scoped3A_275 : memref<!tpu.dma_semaphore, #tpu.memory_space<semaphore_mem>>)
      %dma_wait3A_288 = arith.constant 0 : i32
      %dma_wait3A_289 = arith.constant 0 : i32
      %dma_wait3A_290 = tpu.memref_slice %arg14[%run_scoped3A_146, %dma_wait3A_288, %dma_wait3A_289] : memref<2x40x144xf32, #tpu.memory_space<vmem>> -> memref<1x40x144xf32, #tpu.memory_space<vmem>>
      %dma_wait3A_291 = tpu.memref_squeeze %dma_wait3A_290 : memref<1x40x144xf32, #tpu.memory_space<vmem>> -> memref<40x144xf32, #tpu.memory_space<vmem>>
      %dma_wait3A_292 = arith.constant 0 : i32
      %dma_wait3A_293 = tpu.memref_slice %arg17[%add3A_145, %dma_wait3A_292] : memref<10240x144xf32, #tpu.memory_space<vmem_shared>> -> memref<40x144xf32, #tpu.memory_space<vmem_shared>>
      %dma_wait3A_294 = arith.constant 0 : i32
      %dma_wait3A_295 = tpu.memref_slice %arg17[%add3A_145, %dma_wait3A_294] : memref<10240x144xf32, #tpu.memory_space<vmem_shared>> -> memref<40x144xf32, #tpu.memory_space<vmem_shared>>
      %dma_wait3A_296 = arith.constant 0 : i32
      %dma_wait3A_297 = arith.constant 0 : i32
      %dma_wait3A_298 = tpu.memref_slice %arg14[%run_scoped3A_146, %dma_wait3A_296, %dma_wait3A_297] : memref<2x40x144xf32, #tpu.memory_space<vmem>> -> memref<1x40x144xf32, #tpu.memory_space<vmem>>
      %dma_wait3A_299 = tpu.memref_squeeze %dma_wait3A_298 : memref<1x40x144xf32, #tpu.memory_space<vmem>> -> memref<40x144xf32, #tpu.memory_space<vmem>>
      tpu.wait_dma2 semaphore(%run_scoped3A_275 : memref<!tpu.dma_semaphore, #tpu.memory_space<semaphore_mem>>) src(%dma_wait3A_299 : memref<40x144xf32, #tpu.memory_space<vmem>>) dst(%dma_wait3A_295 : memref<40x144xf32, #tpu.memory_space<vmem_shared>>)
      tpu.yield
    }) : () -> ()
    %add3A_147 = arith.constant 280 : i32
    %add3A_148 = arith.addi %mul3A_125, %add3A_147 : i32
    %run_scoped3A_149 = arith.constant 0 : i32
    "tpu.region"() ({
      %run_scoped3A_275 = tpu.sem_alloc : memref<!tpu.dma_semaphore, #tpu.memory_space<semaphore_mem>>
      %dma_start3A_276 = arith.constant 0 : i32
      %dma_start3A_277 = arith.constant 0 : i32
      %dma_start3A_278 = tpu.memref_slice %arg14[%run_scoped3A_149, %dma_start3A_276, %dma_start3A_277] : memref<2x40x144xf32, #tpu.memory_space<vmem>> -> memref<1x40x144xf32, #tpu.memory_space<vmem>>
      %dma_start3A_279 = tpu.memref_squeeze %dma_start3A_278 : memref<1x40x144xf32, #tpu.memory_space<vmem>> -> memref<40x144xf32, #tpu.memory_space<vmem>>
      %dma_start3A_280 = arith.constant 0 : i32
      %dma_start3A_281 = tpu.memref_slice %arg17[%add3A_148, %dma_start3A_280] : memref<10240x144xf32, #tpu.memory_space<vmem_shared>> -> memref<40x144xf32, #tpu.memory_space<vmem_shared>>
      %dma_start3A_282 = arith.constant 0 : i32
      %dma_start3A_283 = tpu.memref_slice %arg17[%add3A_148, %dma_start3A_282] : memref<10240x144xf32, #tpu.memory_space<vmem_shared>> -> memref<40x144xf32, #tpu.memory_space<vmem_shared>>
      %dma_start3A_284 = arith.constant 0 : i32
      %dma_start3A_285 = arith.constant 0 : i32
      %dma_start3A_286 = tpu.memref_slice %arg14[%run_scoped3A_149, %dma_start3A_284, %dma_start3A_285] : memref<2x40x144xf32, #tpu.memory_space<vmem>> -> memref<1x40x144xf32, #tpu.memory_space<vmem>>
      %dma_start3A_287 = tpu.memref_squeeze %dma_start3A_286 : memref<1x40x144xf32, #tpu.memory_space<vmem>> -> memref<40x144xf32, #tpu.memory_space<vmem>>
      tpu.enqueue_dma source(%dma_start3A_287 : memref<40x144xf32, #tpu.memory_space<vmem>>) target(%dma_start3A_283 : memref<40x144xf32, #tpu.memory_space<vmem_shared>>) target_semaphore(%run_scoped3A_275 : memref<!tpu.dma_semaphore, #tpu.memory_space<semaphore_mem>>)
      %dma_wait3A_288 = arith.constant 0 : i32
      %dma_wait3A_289 = arith.constant 0 : i32
      %dma_wait3A_290 = tpu.memref_slice %arg14[%run_scoped3A_149, %dma_wait3A_288, %dma_wait3A_289] : memref<2x40x144xf32, #tpu.memory_space<vmem>> -> memref<1x40x144xf32, #tpu.memory_space<vmem>>
      %dma_wait3A_291 = tpu.memref_squeeze %dma_wait3A_290 : memref<1x40x144xf32, #tpu.memory_space<vmem>> -> memref<40x144xf32, #tpu.memory_space<vmem>>
      %dma_wait3A_292 = arith.constant 0 : i32
      %dma_wait3A_293 = tpu.memref_slice %arg17[%add3A_148, %dma_wait3A_292] : memref<10240x144xf32, #tpu.memory_space<vmem_shared>> -> memref<40x144xf32, #tpu.memory_space<vmem_shared>>
      %dma_wait3A_294 = arith.constant 0 : i32
      %dma_wait3A_295 = tpu.memref_slice %arg17[%add3A_148, %dma_wait3A_294] : memref<10240x144xf32, #tpu.memory_space<vmem_shared>> -> memref<40x144xf32, #tpu.memory_space<vmem_shared>>
      %dma_wait3A_296 = arith.constant 0 : i32
      %dma_wait3A_297 = arith.constant 0 : i32
      %dma_wait3A_298 = tpu.memref_slice %arg14[%run_scoped3A_149, %dma_wait3A_296, %dma_wait3A_297] : memref<2x40x144xf32, #tpu.memory_space<vmem>> -> memref<1x40x144xf32, #tpu.memory_space<vmem>>
      %dma_wait3A_299 = tpu.memref_squeeze %dma_wait3A_298 : memref<1x40x144xf32, #tpu.memory_space<vmem>> -> memref<40x144xf32, #tpu.memory_space<vmem>>
      tpu.wait_dma2 semaphore(%run_scoped3A_275 : memref<!tpu.dma_semaphore, #tpu.memory_space<semaphore_mem>>) src(%dma_wait3A_299 : memref<40x144xf32, #tpu.memory_space<vmem>>) dst(%dma_wait3A_295 : memref<40x144xf32, #tpu.memory_space<vmem_shared>>)
      tpu.yield
    }) : () -> ()
    %add3A_150 = arith.constant 320 : i32
    %add3A_151 = arith.addi %mul3A_125, %add3A_150 : i32
    %run_scoped3A_152 = arith.constant 0 : i32
    "tpu.region"() ({
      %run_scoped3A_275 = tpu.sem_alloc : memref<!tpu.dma_semaphore, #tpu.memory_space<semaphore_mem>>
      %dma_start3A_276 = arith.constant 0 : i32
      %dma_start3A_277 = arith.constant 0 : i32
      %dma_start3A_278 = tpu.memref_slice %arg14[%run_scoped3A_152, %dma_start3A_276, %dma_start3A_277] : memref<2x40x144xf32, #tpu.memory_space<vmem>> -> memref<1x40x144xf32, #tpu.memory_space<vmem>>
      %dma_start3A_279 = tpu.memref_squeeze %dma_start3A_278 : memref<1x40x144xf32, #tpu.memory_space<vmem>> -> memref<40x144xf32, #tpu.memory_space<vmem>>
      %dma_start3A_280 = arith.constant 0 : i32
      %dma_start3A_281 = tpu.memref_slice %arg17[%add3A_151, %dma_start3A_280] : memref<10240x144xf32, #tpu.memory_space<vmem_shared>> -> memref<40x144xf32, #tpu.memory_space<vmem_shared>>
      %dma_start3A_282 = arith.constant 0 : i32
      %dma_start3A_283 = tpu.memref_slice %arg17[%add3A_151, %dma_start3A_282] : memref<10240x144xf32, #tpu.memory_space<vmem_shared>> -> memref<40x144xf32, #tpu.memory_space<vmem_shared>>
      %dma_start3A_284 = arith.constant 0 : i32
      %dma_start3A_285 = arith.constant 0 : i32
      %dma_start3A_286 = tpu.memref_slice %arg14[%run_scoped3A_152, %dma_start3A_284, %dma_start3A_285] : memref<2x40x144xf32, #tpu.memory_space<vmem>> -> memref<1x40x144xf32, #tpu.memory_space<vmem>>
      %dma_start3A_287 = tpu.memref_squeeze %dma_start3A_286 : memref<1x40x144xf32, #tpu.memory_space<vmem>> -> memref<40x144xf32, #tpu.memory_space<vmem>>
      tpu.enqueue_dma source(%dma_start3A_287 : memref<40x144xf32, #tpu.memory_space<vmem>>) target(%dma_start3A_283 : memref<40x144xf32, #tpu.memory_space<vmem_shared>>) target_semaphore(%run_scoped3A_275 : memref<!tpu.dma_semaphore, #tpu.memory_space<semaphore_mem>>)
      %dma_wait3A_288 = arith.constant 0 : i32
      %dma_wait3A_289 = arith.constant 0 : i32
      %dma_wait3A_290 = tpu.memref_slice %arg14[%run_scoped3A_152, %dma_wait3A_288, %dma_wait3A_289] : memref<2x40x144xf32, #tpu.memory_space<vmem>> -> memref<1x40x144xf32, #tpu.memory_space<vmem>>
      %dma_wait3A_291 = tpu.memref_squeeze %dma_wait3A_290 : memref<1x40x144xf32, #tpu.memory_space<vmem>> -> memref<40x144xf32, #tpu.memory_space<vmem>>
      %dma_wait3A_292 = arith.constant 0 : i32
      %dma_wait3A_293 = tpu.memref_slice %arg17[%add3A_151, %dma_wait3A_292] : memref<10240x144xf32, #tpu.memory_space<vmem_shared>> -> memref<40x144xf32, #tpu.memory_space<vmem_shared>>
      %dma_wait3A_294 = arith.constant 0 : i32
      %dma_wait3A_295 = tpu.memref_slice %arg17[%add3A_151, %dma_wait3A_294] : memref<10240x144xf32, #tpu.memory_space<vmem_shared>> -> memref<40x144xf32, #tpu.memory_space<vmem_shared>>
      %dma_wait3A_296 = arith.constant 0 : i32
      %dma_wait3A_297 = arith.constant 0 : i32
      %dma_wait3A_298 = tpu.memref_slice %arg14[%run_scoped3A_152, %dma_wait3A_296, %dma_wait3A_297] : memref<2x40x144xf32, #tpu.memory_space<vmem>> -> memref<1x40x144xf32, #tpu.memory_space<vmem>>
      %dma_wait3A_299 = tpu.memref_squeeze %dma_wait3A_298 : memref<1x40x144xf32, #tpu.memory_space<vmem>> -> memref<40x144xf32, #tpu.memory_space<vmem>>
      tpu.wait_dma2 semaphore(%run_scoped3A_275 : memref<!tpu.dma_semaphore, #tpu.memory_space<semaphore_mem>>) src(%dma_wait3A_299 : memref<40x144xf32, #tpu.memory_space<vmem>>) dst(%dma_wait3A_295 : memref<40x144xf32, #tpu.memory_space<vmem_shared>>)
      tpu.yield
    }) : () -> ()
    %add3A_153 = arith.constant 360 : i32
    %add3A_154 = arith.addi %mul3A_125, %add3A_153 : i32
    %run_scoped3A_155 = arith.constant 0 : i32
    "tpu.region"() ({
      %run_scoped3A_275 = tpu.sem_alloc : memref<!tpu.dma_semaphore, #tpu.memory_space<semaphore_mem>>
      %dma_start3A_276 = arith.constant 0 : i32
      %dma_start3A_277 = arith.constant 0 : i32
      %dma_start3A_278 = tpu.memref_slice %arg14[%run_scoped3A_155, %dma_start3A_276, %dma_start3A_277] : memref<2x40x144xf32, #tpu.memory_space<vmem>> -> memref<1x40x144xf32, #tpu.memory_space<vmem>>
      %dma_start3A_279 = tpu.memref_squeeze %dma_start3A_278 : memref<1x40x144xf32, #tpu.memory_space<vmem>> -> memref<40x144xf32, #tpu.memory_space<vmem>>
      %dma_start3A_280 = arith.constant 0 : i32
      %dma_start3A_281 = tpu.memref_slice %arg17[%add3A_154, %dma_start3A_280] : memref<10240x144xf32, #tpu.memory_space<vmem_shared>> -> memref<40x144xf32, #tpu.memory_space<vmem_shared>>
      %dma_start3A_282 = arith.constant 0 : i32
      %dma_start3A_283 = tpu.memref_slice %arg17[%add3A_154, %dma_start3A_282] : memref<10240x144xf32, #tpu.memory_space<vmem_shared>> -> memref<40x144xf32, #tpu.memory_space<vmem_shared>>
      %dma_start3A_284 = arith.constant 0 : i32
      %dma_start3A_285 = arith.constant 0 : i32
      %dma_start3A_286 = tpu.memref_slice %arg14[%run_scoped3A_155, %dma_start3A_284, %dma_start3A_285] : memref<2x40x144xf32, #tpu.memory_space<vmem>> -> memref<1x40x144xf32, #tpu.memory_space<vmem>>
      %dma_start3A_287 = tpu.memref_squeeze %dma_start3A_286 : memref<1x40x144xf32, #tpu.memory_space<vmem>> -> memref<40x144xf32, #tpu.memory_space<vmem>>
      tpu.enqueue_dma source(%dma_start3A_287 : memref<40x144xf32, #tpu.memory_space<vmem>>) target(%dma_start3A_283 : memref<40x144xf32, #tpu.memory_space<vmem_shared>>) target_semaphore(%run_scoped3A_275 : memref<!tpu.dma_semaphore, #tpu.memory_space<semaphore_mem>>)
      %dma_wait3A_288 = arith.constant 0 : i32
      %dma_wait3A_289 = arith.constant 0 : i32
      %dma_wait3A_290 = tpu.memref_slice %arg14[%run_scoped3A_155, %dma_wait3A_288, %dma_wait3A_289] : memref<2x40x144xf32, #tpu.memory_space<vmem>> -> memref<1x40x144xf32, #tpu.memory_space<vmem>>
      %dma_wait3A_291 = tpu.memref_squeeze %dma_wait3A_290 : memref<1x40x144xf32, #tpu.memory_space<vmem>> -> memref<40x144xf32, #tpu.memory_space<vmem>>
      %dma_wait3A_292 = arith.constant 0 : i32
      %dma_wait3A_293 = tpu.memref_slice %arg17[%add3A_154, %dma_wait3A_292] : memref<10240x144xf32, #tpu.memory_space<vmem_shared>> -> memref<40x144xf32, #tpu.memory_space<vmem_shared>>
      %dma_wait3A_294 = arith.constant 0 : i32
      %dma_wait3A_295 = tpu.memref_slice %arg17[%add3A_154, %dma_wait3A_294] : memref<10240x144xf32, #tpu.memory_space<vmem_shared>> -> memref<40x144xf32, #tpu.memory_space<vmem_shared>>
      %dma_wait3A_296 = arith.constant 0 : i32
      %dma_wait3A_297 = arith.constant 0 : i32
      %dma_wait3A_298 = tpu.memref_slice %arg14[%run_scoped3A_155, %dma_wait3A_296, %dma_wait3A_297] : memref<2x40x144xf32, #tpu.memory_space<vmem>> -> memref<1x40x144xf32, #tpu.memory_space<vmem>>
      %dma_wait3A_299 = tpu.memref_squeeze %dma_wait3A_298 : memref<1x40x144xf32, #tpu.memory_space<vmem>> -> memref<40x144xf32, #tpu.memory_space<vmem>>
      tpu.wait_dma2 semaphore(%run_scoped3A_275 : memref<!tpu.dma_semaphore, #tpu.memory_space<semaphore_mem>>) src(%dma_wait3A_299 : memref<40x144xf32, #tpu.memory_space<vmem>>) dst(%dma_wait3A_295 : memref<40x144xf32, #tpu.memory_space<vmem_shared>>)
      tpu.yield
    }) : () -> ()
    %add3A_156 = arith.constant 400 : i32
    %add3A_157 = arith.addi %mul3A_125, %add3A_156 : i32
    %run_scoped3A_158 = arith.constant 0 : i32
    "tpu.region"() ({
      %run_scoped3A_275 = tpu.sem_alloc : memref<!tpu.dma_semaphore, #tpu.memory_space<semaphore_mem>>
      %dma_start3A_276 = arith.constant 0 : i32
      %dma_start3A_277 = arith.constant 0 : i32
      %dma_start3A_278 = tpu.memref_slice %arg14[%run_scoped3A_158, %dma_start3A_276, %dma_start3A_277] : memref<2x40x144xf32, #tpu.memory_space<vmem>> -> memref<1x40x144xf32, #tpu.memory_space<vmem>>
      %dma_start3A_279 = tpu.memref_squeeze %dma_start3A_278 : memref<1x40x144xf32, #tpu.memory_space<vmem>> -> memref<40x144xf32, #tpu.memory_space<vmem>>
      %dma_start3A_280 = arith.constant 0 : i32
      %dma_start3A_281 = tpu.memref_slice %arg17[%add3A_157, %dma_start3A_280] : memref<10240x144xf32, #tpu.memory_space<vmem_shared>> -> memref<40x144xf32, #tpu.memory_space<vmem_shared>>
      %dma_start3A_282 = arith.constant 0 : i32
      %dma_start3A_283 = tpu.memref_slice %arg17[%add3A_157, %dma_start3A_282] : memref<10240x144xf32, #tpu.memory_space<vmem_shared>> -> memref<40x144xf32, #tpu.memory_space<vmem_shared>>
      %dma_start3A_284 = arith.constant 0 : i32
      %dma_start3A_285 = arith.constant 0 : i32
      %dma_start3A_286 = tpu.memref_slice %arg14[%run_scoped3A_158, %dma_start3A_284, %dma_start3A_285] : memref<2x40x144xf32, #tpu.memory_space<vmem>> -> memref<1x40x144xf32, #tpu.memory_space<vmem>>
      %dma_start3A_287 = tpu.memref_squeeze %dma_start3A_286 : memref<1x40x144xf32, #tpu.memory_space<vmem>> -> memref<40x144xf32, #tpu.memory_space<vmem>>
      tpu.enqueue_dma source(%dma_start3A_287 : memref<40x144xf32, #tpu.memory_space<vmem>>) target(%dma_start3A_283 : memref<40x144xf32, #tpu.memory_space<vmem_shared>>) target_semaphore(%run_scoped3A_275 : memref<!tpu.dma_semaphore, #tpu.memory_space<semaphore_mem>>)
      %dma_wait3A_288 = arith.constant 0 : i32
      %dma_wait3A_289 = arith.constant 0 : i32
      %dma_wait3A_290 = tpu.memref_slice %arg14[%run_scoped3A_158, %dma_wait3A_288, %dma_wait3A_289] : memref<2x40x144xf32, #tpu.memory_space<vmem>> -> memref<1x40x144xf32, #tpu.memory_space<vmem>>
      %dma_wait3A_291 = tpu.memref_squeeze %dma_wait3A_290 : memref<1x40x144xf32, #tpu.memory_space<vmem>> -> memref<40x144xf32, #tpu.memory_space<vmem>>
      %dma_wait3A_292 = arith.constant 0 : i32
      %dma_wait3A_293 = tpu.memref_slice %arg17[%add3A_157, %dma_wait3A_292] : memref<10240x144xf32, #tpu.memory_space<vmem_shared>> -> memref<40x144xf32, #tpu.memory_space<vmem_shared>>
      %dma_wait3A_294 = arith.constant 0 : i32
      %dma_wait3A_295 = tpu.memref_slice %arg17[%add3A_157, %dma_wait3A_294] : memref<10240x144xf32, #tpu.memory_space<vmem_shared>> -> memref<40x144xf32, #tpu.memory_space<vmem_shared>>
      %dma_wait3A_296 = arith.constant 0 : i32
      %dma_wait3A_297 = arith.constant 0 : i32
      %dma_wait3A_298 = tpu.memref_slice %arg14[%run_scoped3A_158, %dma_wait3A_296, %dma_wait3A_297] : memref<2x40x144xf32, #tpu.memory_space<vmem>> -> memref<1x40x144xf32, #tpu.memory_space<vmem>>
      %dma_wait3A_299 = tpu.memref_squeeze %dma_wait3A_298 : memref<1x40x144xf32, #tpu.memory_space<vmem>> -> memref<40x144xf32, #tpu.memory_space<vmem>>
      tpu.wait_dma2 semaphore(%run_scoped3A_275 : memref<!tpu.dma_semaphore, #tpu.memory_space<semaphore_mem>>) src(%dma_wait3A_299 : memref<40x144xf32, #tpu.memory_space<vmem>>) dst(%dma_wait3A_295 : memref<40x144xf32, #tpu.memory_space<vmem_shared>>)
      tpu.yield
    }) : () -> ()
    %add3A_159 = arith.constant 440 : i32
    %add3A_160 = arith.addi %mul3A_125, %add3A_159 : i32
    %run_scoped3A_161 = arith.constant 0 : i32
    "tpu.region"() ({
      %run_scoped3A_275 = tpu.sem_alloc : memref<!tpu.dma_semaphore, #tpu.memory_space<semaphore_mem>>
      %dma_start3A_276 = arith.constant 0 : i32
      %dma_start3A_277 = arith.constant 0 : i32
      %dma_start3A_278 = tpu.memref_slice %arg14[%run_scoped3A_161, %dma_start3A_276, %dma_start3A_277] : memref<2x40x144xf32, #tpu.memory_space<vmem>> -> memref<1x40x144xf32, #tpu.memory_space<vmem>>
      %dma_start3A_279 = tpu.memref_squeeze %dma_start3A_278 : memref<1x40x144xf32, #tpu.memory_space<vmem>> -> memref<40x144xf32, #tpu.memory_space<vmem>>
      %dma_start3A_280 = arith.constant 0 : i32
      %dma_start3A_281 = tpu.memref_slice %arg17[%add3A_160, %dma_start3A_280] : memref<10240x144xf32, #tpu.memory_space<vmem_shared>> -> memref<40x144xf32, #tpu.memory_space<vmem_shared>>
      %dma_start3A_282 = arith.constant 0 : i32
      %dma_start3A_283 = tpu.memref_slice %arg17[%add3A_160, %dma_start3A_282] : memref<10240x144xf32, #tpu.memory_space<vmem_shared>> -> memref<40x144xf32, #tpu.memory_space<vmem_shared>>
      %dma_start3A_284 = arith.constant 0 : i32
      %dma_start3A_285 = arith.constant 0 : i32
      %dma_start3A_286 = tpu.memref_slice %arg14[%run_scoped3A_161, %dma_start3A_284, %dma_start3A_285] : memref<2x40x144xf32, #tpu.memory_space<vmem>> -> memref<1x40x144xf32, #tpu.memory_space<vmem>>
      %dma_start3A_287 = tpu.memref_squeeze %dma_start3A_286 : memref<1x40x144xf32, #tpu.memory_space<vmem>> -> memref<40x144xf32, #tpu.memory_space<vmem>>
      tpu.enqueue_dma source(%dma_start3A_287 : memref<40x144xf32, #tpu.memory_space<vmem>>) target(%dma_start3A_283 : memref<40x144xf32, #tpu.memory_space<vmem_shared>>) target_semaphore(%run_scoped3A_275 : memref<!tpu.dma_semaphore, #tpu.memory_space<semaphore_mem>>)
      %dma_wait3A_288 = arith.constant 0 : i32
      %dma_wait3A_289 = arith.constant 0 : i32
      %dma_wait3A_290 = tpu.memref_slice %arg14[%run_scoped3A_161, %dma_wait3A_288, %dma_wait3A_289] : memref<2x40x144xf32, #tpu.memory_space<vmem>> -> memref<1x40x144xf32, #tpu.memory_space<vmem>>
      %dma_wait3A_291 = tpu.memref_squeeze %dma_wait3A_290 : memref<1x40x144xf32, #tpu.memory_space<vmem>> -> memref<40x144xf32, #tpu.memory_space<vmem>>
      %dma_wait3A_292 = arith.constant 0 : i32
      %dma_wait3A_293 = tpu.memref_slice %arg17[%add3A_160, %dma_wait3A_292] : memref<10240x144xf32, #tpu.memory_space<vmem_shared>> -> memref<40x144xf32, #tpu.memory_space<vmem_shared>>
      %dma_wait3A_294 = arith.constant 0 : i32
      %dma_wait3A_295 = tpu.memref_slice %arg17[%add3A_160, %dma_wait3A_294] : memref<10240x144xf32, #tpu.memory_space<vmem_shared>> -> memref<40x144xf32, #tpu.memory_space<vmem_shared>>
      %dma_wait3A_296 = arith.constant 0 : i32
      %dma_wait3A_297 = arith.constant 0 : i32
      %dma_wait3A_298 = tpu.memref_slice %arg14[%run_scoped3A_161, %dma_wait3A_296, %dma_wait3A_297] : memref<2x40x144xf32, #tpu.memory_space<vmem>> -> memref<1x40x144xf32, #tpu.memory_space<vmem>>
      %dma_wait3A_299 = tpu.memref_squeeze %dma_wait3A_298 : memref<1x40x144xf32, #tpu.memory_space<vmem>> -> memref<40x144xf32, #tpu.memory_space<vmem>>
      tpu.wait_dma2 semaphore(%run_scoped3A_275 : memref<!tpu.dma_semaphore, #tpu.memory_space<semaphore_mem>>) src(%dma_wait3A_299 : memref<40x144xf32, #tpu.memory_space<vmem>>) dst(%dma_wait3A_295 : memref<40x144xf32, #tpu.memory_space<vmem_shared>>)
      tpu.yield
    }) : () -> ()
    %add3A_162 = arith.constant 480 : i32
    %add3A_163 = arith.addi %mul3A_125, %add3A_162 : i32
    %run_scoped3A_164 = arith.constant 0 : i32
    "tpu.region"() ({
      %run_scoped3A_275 = tpu.sem_alloc : memref<!tpu.dma_semaphore, #tpu.memory_space<semaphore_mem>>
      %dma_start3A_276 = arith.constant 0 : i32
      %dma_start3A_277 = arith.constant 0 : i32
      %dma_start3A_278 = tpu.memref_slice %arg14[%run_scoped3A_164, %dma_start3A_276, %dma_start3A_277] : memref<2x40x144xf32, #tpu.memory_space<vmem>> -> memref<1x40x144xf32, #tpu.memory_space<vmem>>
      %dma_start3A_279 = tpu.memref_squeeze %dma_start3A_278 : memref<1x40x144xf32, #tpu.memory_space<vmem>> -> memref<40x144xf32, #tpu.memory_space<vmem>>
      %dma_start3A_280 = arith.constant 0 : i32
      %dma_start3A_281 = tpu.memref_slice %arg17[%add3A_163, %dma_start3A_280] : memref<10240x144xf32, #tpu.memory_space<vmem_shared>> -> memref<40x144xf32, #tpu.memory_space<vmem_shared>>
      %dma_start3A_282 = arith.constant 0 : i32
      %dma_start3A_283 = tpu.memref_slice %arg17[%add3A_163, %dma_start3A_282] : memref<10240x144xf32, #tpu.memory_space<vmem_shared>> -> memref<40x144xf32, #tpu.memory_space<vmem_shared>>
      %dma_start3A_284 = arith.constant 0 : i32
      %dma_start3A_285 = arith.constant 0 : i32
      %dma_start3A_286 = tpu.memref_slice %arg14[%run_scoped3A_164, %dma_start3A_284, %dma_start3A_285] : memref<2x40x144xf32, #tpu.memory_space<vmem>> -> memref<1x40x144xf32, #tpu.memory_space<vmem>>
      %dma_start3A_287 = tpu.memref_squeeze %dma_start3A_286 : memref<1x40x144xf32, #tpu.memory_space<vmem>> -> memref<40x144xf32, #tpu.memory_space<vmem>>
      tpu.enqueue_dma source(%dma_start3A_287 : memref<40x144xf32, #tpu.memory_space<vmem>>) target(%dma_start3A_283 : memref<40x144xf32, #tpu.memory_space<vmem_shared>>) target_semaphore(%run_scoped3A_275 : memref<!tpu.dma_semaphore, #tpu.memory_space<semaphore_mem>>)
      %dma_wait3A_288 = arith.constant 0 : i32
      %dma_wait3A_289 = arith.constant 0 : i32
      %dma_wait3A_290 = tpu.memref_slice %arg14[%run_scoped3A_164, %dma_wait3A_288, %dma_wait3A_289] : memref<2x40x144xf32, #tpu.memory_space<vmem>> -> memref<1x40x144xf32, #tpu.memory_space<vmem>>
      %dma_wait3A_291 = tpu.memref_squeeze %dma_wait3A_290 : memref<1x40x144xf32, #tpu.memory_space<vmem>> -> memref<40x144xf32, #tpu.memory_space<vmem>>
      %dma_wait3A_292 = arith.constant 0 : i32
      %dma_wait3A_293 = tpu.memref_slice %arg17[%add3A_163, %dma_wait3A_292] : memref<10240x144xf32, #tpu.memory_space<vmem_shared>> -> memref<40x144xf32, #tpu.memory_space<vmem_shared>>
      %dma_wait3A_294 = arith.constant 0 : i32
      %dma_wait3A_295 = tpu.memref_slice %arg17[%add3A_163, %dma_wait3A_294] : memref<10240x144xf32, #tpu.memory_space<vmem_shared>> -> memref<40x144xf32, #tpu.memory_space<vmem_shared>>
      %dma_wait3A_296 = arith.constant 0 : i32
      %dma_wait3A_297 = arith.constant 0 : i32
      %dma_wait3A_298 = tpu.memref_slice %arg14[%run_scoped3A_164, %dma_wait3A_296, %dma_wait3A_297] : memref<2x40x144xf32, #tpu.memory_space<vmem>> -> memref<1x40x144xf32, #tpu.memory_space<vmem>>
      %dma_wait3A_299 = tpu.memref_squeeze %dma_wait3A_298 : memref<1x40x144xf32, #tpu.memory_space<vmem>> -> memref<40x144xf32, #tpu.memory_space<vmem>>
      tpu.wait_dma2 semaphore(%run_scoped3A_275 : memref<!tpu.dma_semaphore, #tpu.memory_space<semaphore_mem>>) src(%dma_wait3A_299 : memref<40x144xf32, #tpu.memory_space<vmem>>) dst(%dma_wait3A_295 : memref<40x144xf32, #tpu.memory_space<vmem_shared>>)
      tpu.yield
    }) : () -> ()
    %add3A_165 = arith.constant 520 : i32
    %add3A_166 = arith.addi %mul3A_125, %add3A_165 : i32
    %run_scoped3A_167 = arith.constant 0 : i32
    "tpu.region"() ({
      %run_scoped3A_275 = tpu.sem_alloc : memref<!tpu.dma_semaphore, #tpu.memory_space<semaphore_mem>>
      %dma_start3A_276 = arith.constant 0 : i32
      %dma_start3A_277 = arith.constant 0 : i32
      %dma_start3A_278 = tpu.memref_slice %arg14[%run_scoped3A_167, %dma_start3A_276, %dma_start3A_277] : memref<2x40x144xf32, #tpu.memory_space<vmem>> -> memref<1x40x144xf32, #tpu.memory_space<vmem>>
      %dma_start3A_279 = tpu.memref_squeeze %dma_start3A_278 : memref<1x40x144xf32, #tpu.memory_space<vmem>> -> memref<40x144xf32, #tpu.memory_space<vmem>>
      %dma_start3A_280 = arith.constant 0 : i32
      %dma_start3A_281 = tpu.memref_slice %arg17[%add3A_166, %dma_start3A_280] : memref<10240x144xf32, #tpu.memory_space<vmem_shared>> -> memref<40x144xf32, #tpu.memory_space<vmem_shared>>
      %dma_start3A_282 = arith.constant 0 : i32
      %dma_start3A_283 = tpu.memref_slice %arg17[%add3A_166, %dma_start3A_282] : memref<10240x144xf32, #tpu.memory_space<vmem_shared>> -> memref<40x144xf32, #tpu.memory_space<vmem_shared>>
      %dma_start3A_284 = arith.constant 0 : i32
      %dma_start3A_285 = arith.constant 0 : i32
      %dma_start3A_286 = tpu.memref_slice %arg14[%run_scoped3A_167, %dma_start3A_284, %dma_start3A_285] : memref<2x40x144xf32, #tpu.memory_space<vmem>> -> memref<1x40x144xf32, #tpu.memory_space<vmem>>
      %dma_start3A_287 = tpu.memref_squeeze %dma_start3A_286 : memref<1x40x144xf32, #tpu.memory_space<vmem>> -> memref<40x144xf32, #tpu.memory_space<vmem>>
      tpu.enqueue_dma source(%dma_start3A_287 : memref<40x144xf32, #tpu.memory_space<vmem>>) target(%dma_start3A_283 : memref<40x144xf32, #tpu.memory_space<vmem_shared>>) target_semaphore(%run_scoped3A_275 : memref<!tpu.dma_semaphore, #tpu.memory_space<semaphore_mem>>)
      %dma_wait3A_288 = arith.constant 0 : i32
      %dma_wait3A_289 = arith.constant 0 : i32
      %dma_wait3A_290 = tpu.memref_slice %arg14[%run_scoped3A_167, %dma_wait3A_288, %dma_wait3A_289] : memref<2x40x144xf32, #tpu.memory_space<vmem>> -> memref<1x40x144xf32, #tpu.memory_space<vmem>>
      %dma_wait3A_291 = tpu.memref_squeeze %dma_wait3A_290 : memref<1x40x144xf32, #tpu.memory_space<vmem>> -> memref<40x144xf32, #tpu.memory_space<vmem>>
      %dma_wait3A_292 = arith.constant 0 : i32
      %dma_wait3A_293 = tpu.memref_slice %arg17[%add3A_166, %dma_wait3A_292] : memref<10240x144xf32, #tpu.memory_space<vmem_shared>> -> memref<40x144xf32, #tpu.memory_space<vmem_shared>>
      %dma_wait3A_294 = arith.constant 0 : i32
      %dma_wait3A_295 = tpu.memref_slice %arg17[%add3A_166, %dma_wait3A_294] : memref<10240x144xf32, #tpu.memory_space<vmem_shared>> -> memref<40x144xf32, #tpu.memory_space<vmem_shared>>
      %dma_wait3A_296 = arith.constant 0 : i32
      %dma_wait3A_297 = arith.constant 0 : i32
      %dma_wait3A_298 = tpu.memref_slice %arg14[%run_scoped3A_167, %dma_wait3A_296, %dma_wait3A_297] : memref<2x40x144xf32, #tpu.memory_space<vmem>> -> memref<1x40x144xf32, #tpu.memory_space<vmem>>
      %dma_wait3A_299 = tpu.memref_squeeze %dma_wait3A_298 : memref<1x40x144xf32, #tpu.memory_space<vmem>> -> memref<40x144xf32, #tpu.memory_space<vmem>>
      tpu.wait_dma2 semaphore(%run_scoped3A_275 : memref<!tpu.dma_semaphore, #tpu.memory_space<semaphore_mem>>) src(%dma_wait3A_299 : memref<40x144xf32, #tpu.memory_space<vmem>>) dst(%dma_wait3A_295 : memref<40x144xf32, #tpu.memory_space<vmem_shared>>)
      tpu.yield
    }) : () -> ()
    %add3A_168 = arith.constant 560 : i32
    %add3A_169 = arith.addi %mul3A_125, %add3A_168 : i32
    %run_scoped3A_170 = arith.constant 0 : i32
    "tpu.region"() ({
      %run_scoped3A_275 = tpu.sem_alloc : memref<!tpu.dma_semaphore, #tpu.memory_space<semaphore_mem>>
      %dma_start3A_276 = arith.constant 0 : i32
      %dma_start3A_277 = arith.constant 0 : i32
      %dma_start3A_278 = tpu.memref_slice %arg14[%run_scoped3A_170, %dma_start3A_276, %dma_start3A_277] : memref<2x40x144xf32, #tpu.memory_space<vmem>> -> memref<1x40x144xf32, #tpu.memory_space<vmem>>
      %dma_start3A_279 = tpu.memref_squeeze %dma_start3A_278 : memref<1x40x144xf32, #tpu.memory_space<vmem>> -> memref<40x144xf32, #tpu.memory_space<vmem>>
      %dma_start3A_280 = arith.constant 0 : i32
      %dma_start3A_281 = tpu.memref_slice %arg17[%add3A_169, %dma_start3A_280] : memref<10240x144xf32, #tpu.memory_space<vmem_shared>> -> memref<40x144xf32, #tpu.memory_space<vmem_shared>>
      %dma_start3A_282 = arith.constant 0 : i32
      %dma_start3A_283 = tpu.memref_slice %arg17[%add3A_169, %dma_start3A_282] : memref<10240x144xf32, #tpu.memory_space<vmem_shared>> -> memref<40x144xf32, #tpu.memory_space<vmem_shared>>
      %dma_start3A_284 = arith.constant 0 : i32
      %dma_start3A_285 = arith.constant 0 : i32
      %dma_start3A_286 = tpu.memref_slice %arg14[%run_scoped3A_170, %dma_start3A_284, %dma_start3A_285] : memref<2x40x144xf32, #tpu.memory_space<vmem>> -> memref<1x40x144xf32, #tpu.memory_space<vmem>>
      %dma_start3A_287 = tpu.memref_squeeze %dma_start3A_286 : memref<1x40x144xf32, #tpu.memory_space<vmem>> -> memref<40x144xf32, #tpu.memory_space<vmem>>
      tpu.enqueue_dma source(%dma_start3A_287 : memref<40x144xf32, #tpu.memory_space<vmem>>) target(%dma_start3A_283 : memref<40x144xf32, #tpu.memory_space<vmem_shared>>) target_semaphore(%run_scoped3A_275 : memref<!tpu.dma_semaphore, #tpu.memory_space<semaphore_mem>>)
      %dma_wait3A_288 = arith.constant 0 : i32
      %dma_wait3A_289 = arith.constant 0 : i32
      %dma_wait3A_290 = tpu.memref_slice %arg14[%run_scoped3A_170, %dma_wait3A_288, %dma_wait3A_289] : memref<2x40x144xf32, #tpu.memory_space<vmem>> -> memref<1x40x144xf32, #tpu.memory_space<vmem>>
      %dma_wait3A_291 = tpu.memref_squeeze %dma_wait3A_290 : memref<1x40x144xf32, #tpu.memory_space<vmem>> -> memref<40x144xf32, #tpu.memory_space<vmem>>
      %dma_wait3A_292 = arith.constant 0 : i32
      %dma_wait3A_293 = tpu.memref_slice %arg17[%add3A_169, %dma_wait3A_292] : memref<10240x144xf32, #tpu.memory_space<vmem_shared>> -> memref<40x144xf32, #tpu.memory_space<vmem_shared>>
      %dma_wait3A_294 = arith.constant 0 : i32
      %dma_wait3A_295 = tpu.memref_slice %arg17[%add3A_169, %dma_wait3A_294] : memref<10240x144xf32, #tpu.memory_space<vmem_shared>> -> memref<40x144xf32, #tpu.memory_space<vmem_shared>>
      %dma_wait3A_296 = arith.constant 0 : i32
      %dma_wait3A_297 = arith.constant 0 : i32
      %dma_wait3A_298 = tpu.memref_slice %arg14[%run_scoped3A_170, %dma_wait3A_296, %dma_wait3A_297] : memref<2x40x144xf32, #tpu.memory_space<vmem>> -> memref<1x40x144xf32, #tpu.memory_space<vmem>>
      %dma_wait3A_299 = tpu.memref_squeeze %dma_wait3A_298 : memref<1x40x144xf32, #tpu.memory_space<vmem>> -> memref<40x144xf32, #tpu.memory_space<vmem>>
      tpu.wait_dma2 semaphore(%run_scoped3A_275 : memref<!tpu.dma_semaphore, #tpu.memory_space<semaphore_mem>>) src(%dma_wait3A_299 : memref<40x144xf32, #tpu.memory_space<vmem>>) dst(%dma_wait3A_295 : memref<40x144xf32, #tpu.memory_space<vmem_shared>>)
      tpu.yield
    }) : () -> ()
    %add3A_171 = arith.constant 600 : i32
    %add3A_172 = arith.addi %mul3A_125, %add3A_171 : i32
    %run_scoped3A_173 = arith.constant 0 : i32
    "tpu.region"() ({
      %run_scoped3A_275 = tpu.sem_alloc : memref<!tpu.dma_semaphore, #tpu.memory_space<semaphore_mem>>
      %dma_start3A_276 = arith.constant 0 : i32
      %dma_start3A_277 = arith.constant 0 : i32
      %dma_start3A_278 = tpu.memref_slice %arg14[%run_scoped3A_173, %dma_start3A_276, %dma_start3A_277] : memref<2x40x144xf32, #tpu.memory_space<vmem>> -> memref<1x40x144xf32, #tpu.memory_space<vmem>>
      %dma_start3A_279 = tpu.memref_squeeze %dma_start3A_278 : memref<1x40x144xf32, #tpu.memory_space<vmem>> -> memref<40x144xf32, #tpu.memory_space<vmem>>
      %dma_start3A_280 = arith.constant 0 : i32
      %dma_start3A_281 = tpu.memref_slice %arg17[%add3A_172, %dma_start3A_280] : memref<10240x144xf32, #tpu.memory_space<vmem_shared>> -> memref<40x144xf32, #tpu.memory_space<vmem_shared>>
      %dma_start3A_282 = arith.constant 0 : i32
      %dma_start3A_283 = tpu.memref_slice %arg17[%add3A_172, %dma_start3A_282] : memref<10240x144xf32, #tpu.memory_space<vmem_shared>> -> memref<40x144xf32, #tpu.memory_space<vmem_shared>>
      %dma_start3A_284 = arith.constant 0 : i32
      %dma_start3A_285 = arith.constant 0 : i32
      %dma_start3A_286 = tpu.memref_slice %arg14[%run_scoped3A_173, %dma_start3A_284, %dma_start3A_285] : memref<2x40x144xf32, #tpu.memory_space<vmem>> -> memref<1x40x144xf32, #tpu.memory_space<vmem>>
      %dma_start3A_287 = tpu.memref_squeeze %dma_start3A_286 : memref<1x40x144xf32, #tpu.memory_space<vmem>> -> memref<40x144xf32, #tpu.memory_space<vmem>>
      tpu.enqueue_dma source(%dma_start3A_287 : memref<40x144xf32, #tpu.memory_space<vmem>>) target(%dma_start3A_283 : memref<40x144xf32, #tpu.memory_space<vmem_shared>>) target_semaphore(%run_scoped3A_275 : memref<!tpu.dma_semaphore, #tpu.memory_space<semaphore_mem>>)
      %dma_wait3A_288 = arith.constant 0 : i32
      %dma_wait3A_289 = arith.constant 0 : i32
      %dma_wait3A_290 = tpu.memref_slice %arg14[%run_scoped3A_173, %dma_wait3A_288, %dma_wait3A_289] : memref<2x40x144xf32, #tpu.memory_space<vmem>> -> memref<1x40x144xf32, #tpu.memory_space<vmem>>
      %dma_wait3A_291 = tpu.memref_squeeze %dma_wait3A_290 : memref<1x40x144xf32, #tpu.memory_space<vmem>> -> memref<40x144xf32, #tpu.memory_space<vmem>>
      %dma_wait3A_292 = arith.constant 0 : i32
      %dma_wait3A_293 = tpu.memref_slice %arg17[%add3A_172, %dma_wait3A_292] : memref<10240x144xf32, #tpu.memory_space<vmem_shared>> -> memref<40x144xf32, #tpu.memory_space<vmem_shared>>
      %dma_wait3A_294 = arith.constant 0 : i32
      %dma_wait3A_295 = tpu.memref_slice %arg17[%add3A_172, %dma_wait3A_294] : memref<10240x144xf32, #tpu.memory_space<vmem_shared>> -> memref<40x144xf32, #tpu.memory_space<vmem_shared>>
      %dma_wait3A_296 = arith.constant 0 : i32
      %dma_wait3A_297 = arith.constant 0 : i32
      %dma_wait3A_298 = tpu.memref_slice %arg14[%run_scoped3A_173, %dma_wait3A_296, %dma_wait3A_297] : memref<2x40x144xf32, #tpu.memory_space<vmem>> -> memref<1x40x144xf32, #tpu.memory_space<vmem>>
      %dma_wait3A_299 = tpu.memref_squeeze %dma_wait3A_298 : memref<1x40x144xf32, #tpu.memory_space<vmem>> -> memref<40x144xf32, #tpu.memory_space<vmem>>
      tpu.wait_dma2 semaphore(%run_scoped3A_275 : memref<!tpu.dma_semaphore, #tpu.memory_space<semaphore_mem>>) src(%dma_wait3A_299 : memref<40x144xf32, #tpu.memory_space<vmem>>) dst(%dma_wait3A_295 : memref<40x144xf32, #tpu.memory_space<vmem_shared>>)
      tpu.yield
    }) : () -> ()
    %iota3A = tpu.iota {dimensions = array<i32: 0>} : vector<16xi32>
    %eq3A = arith.constant 0 : i32
    %eq3A_174 = vector.broadcast %eq3A : i32 to vector<16xi32>
    %eq3A_175 = arith.cmpi eq, %iota3A, %eq3A_174 : vector<16xi32>
    %jit3A = arith.constant 1.000000e+00 : f32
    %jit3A_176 = arith.constant 0.000000e+00 : f32
    %broadcast_in_dim3A_177 = vector.broadcast %jit3A : f32 to vector<16xf32>
    %broadcast_in_dim3A_178 = vector.broadcast %jit3A_176 : f32 to vector<16xf32>
    %select_n3A = arith.select %eq3A_175, %broadcast_in_dim3A_177, %broadcast_in_dim3A_178 : vector<16xi1>, vector<16xf32>
    %scan3A_179 = arith.constant 0 : i32
    %scan3A_180 = arith.constant 0 : i32
    %scan3A_181 = arith.constant 40 : i32
    %scan3A_182 = arith.addi %scan3A_180, %scan3A_181 : i32
    %scan3A_183 = arith.constant 1 : i32
    %scan3A_184 = scf.for %scan3A_275 = %scan3A_180 to %scan3A_182 step %scan3A_183 iter_args(%scan3A_276 = %scan3A_179) -> (i32)  : i32 {
      %swap3A = arith.constant 0 : i32
      %swap3A_277 = arith.index_cast %swap3A : i32 to index
      %swap3A_278 = arith.index_cast %scan3A_275 : i32 to index
      %swap3A_279 = arith.constant 128 : index
      %swap3A_280 = tpu.vector_load %arg14[%swap3A_277, %swap3A_278, %swap3A_279] {strides = array<i32>} : memref<2x40x144xf32, #tpu.memory_space<vmem>>, vector<16xf32>,
      tpu.vector_store %arg14[%swap3A_277, %swap3A_278, %swap3A_279], %select_n3A {strides = array<i32>} : memref<2x40x144xf32, #tpu.memory_space<vmem>>, vector<16xf32>,
      %swap3A_281 = arith.constant 1 : i32
      %swap3A_282 = arith.index_cast %swap3A_281 : i32 to index
      %swap3A_283 = arith.index_cast %scan3A_275 : i32 to index
      %swap3A_284 = arith.constant 128 : index
      %swap3A_285 = tpu.vector_load %arg14[%swap3A_282, %swap3A_283, %swap3A_284] {strides = array<i32>} : memref<2x40x144xf32, #tpu.memory_space<vmem>>, vector<16xf32>,
      tpu.vector_store %arg14[%swap3A_282, %swap3A_283, %swap3A_284], %select_n3A {strides = array<i32>} : memref<2x40x144xf32, #tpu.memory_space<vmem>>, vector<16xf32>,
      %scan3A_286 = arith.constant 0 : i32
      scf.yield %scan3A_286 : i32
    }
    %scan3A_185 = arith.constant 40 : i32
    %iota3A_186 = tpu.iota {dimensions = array<i32: 0>} : vector<16xi32>
    %convert_element_type3A = arith.sitofp %iota3A_186 : vector<16xi32> to vector<16xf32>
    %scan3A_187 = arith.constant 0 : i32
    %scan3A_188 = arith.constant 0 : i32
    %scan3A_189 = arith.constant 129 : i32
    %scan3A_190 = arith.addi %scan3A_188, %scan3A_189 : i32
    %scan3A_191 = arith.constant 1 : i32
    %scan3A_192 = scf.for %scan3A_275 = %scan3A_188 to %scan3A_190 step %scan3A_191 iter_args(%scan3A_276 = %scan3A_187) -> (i32)  : i32 {
      %convert_element_type3A_277 = arith.sitofp %scan3A_275 : i32 to f32
      %mul3A_278 = arith.constant 1.600000e+01 : f32
      %mul3A_279 = arith.mulf %convert_element_type3A_277, %mul3A_278 : f32
      %add3A_280 = vector.broadcast %mul3A_279 : f32 to vector<16xf32>
      %add3A_281 = arith.addf %add3A_280, %convert_element_type3A : vector<16xf32>
      %div3A = arith.constant 6.400000e+01 : f32
      %div3A_282 = vector.broadcast %div3A : f32 to vector<16xf32>
      %div3A_283 = arith.divf %add3A_281, %div3A_282 : vector<16xf32>
      %add3A_284 = arith.constant -1.600000e+01 : f32
      %add3A_285 = vector.broadcast %add3A_284 : f32 to vector<16xf32>
      %add3A_286 = arith.addf %div3A_283, %add3A_285 : vector<16xf32>
      %neg3A = arith.constant 0.000000e+00 : f32
      %neg3A_287 = vector.broadcast %neg3A : f32 to vector<16xf32>
      %neg3A_288 = arith.subf %neg3A_287, %add3A_286 : vector<16xf32>
      %exp3A = math.exp %neg3A_288 : vector<16xf32>
      %add3A_289 = arith.constant 1.000000e+00 : f32
      %add3A_290 = vector.broadcast %add3A_289 : f32 to vector<16xf32>
      %add3A_291 = arith.addf %add3A_290, %exp3A : vector<16xf32>
      %div3A_292 = arith.constant 1.000000e+00 : f32
      %div3A_293 = vector.broadcast %div3A_292 : f32 to vector<16xf32>
      %div3A_294 = arith.divf %div3A_293, %add3A_291 : vector<16xf32>
      %mul3A_295 = arith.constant 16 : i32
      %mul3A_296 = arith.muli %scan3A_275, %mul3A_295 : i32
      %swap3A = arith.index_cast %mul3A_296 : i32 to index
      %swap3A_297 = tpu.vector_load %arg16[%swap3A] {strides = array<i32>} : memref<2064xf32, #tpu.memory_space<vmem>>, vector<16xf32>,
      tpu.vector_store %arg16[%swap3A], %div3A_294 {strides = array<i32>} : memref<2064xf32, #tpu.memory_space<vmem>>, vector<16xf32>,
      %scan3A_298 = arith.constant 0 : i32
      scf.yield %scan3A_298 : i32
    }
    %scan3A_193 = arith.constant 129 : i32
    %barrier3A = arith.constant 0 : index
    tpu.barrier barrier_id(%barrier3A)
    %scan3A_194 = arith.constant 0 : i32
    %scan3A_195 = arith.constant 0 : i32
    %scan3A_196 = arith.constant 251 : i32
    %scan3A_197 = arith.addi %scan3A_195, %scan3A_196 : i32
    %scan3A_198 = arith.constant 1 : i32
    %scan3A_199 = scf.for %scan3A_275 = %scan3A_195 to %scan3A_197 step %scan3A_198 iter_args(%scan3A_276 = %scan3A_194) -> (i32)  : i32 {
      %rem3A = arith.constant 2 : i32
      %rem3A_277 = arith.remsi %scan3A_275, %rem3A : i32
      %add3A_278 = arith.constant 1 : i32
      %add3A_279 = arith.addi %scan3A_275, %add3A_278 : i32
      %rem3A_280 = arith.constant 2 : i32
      %rem3A_281 = arith.remsi %add3A_279, %rem3A_280 : i32
      %div3A = arith.constant 10 : i32
      %div3A_282 = arith.divsi %scan3A_275, %div3A : i32
      %rem3A_283 = arith.constant 10 : i32
      %rem3A_284 = arith.remsi %scan3A_275, %rem3A_283 : i32
      %rem3A_285 = arith.constant 3 : i32
      %rem3A_286 = arith.remsi %div3A_282, %rem3A_285 : i32
      %sub3A = arith.constant 1 : i32
      %sub3A_287 = arith.subi %scan3A_275, %sub3A : i32
      %div3A_288 = arith.constant 10 : i32
      %div3A_289 = arith.divsi %sub3A_287, %div3A_288 : i32
      %rem3A_290 = arith.constant 10 : i32
      %rem3A_291 = arith.remsi %sub3A_287, %rem3A_290 : i32
      %rem3A_292 = arith.constant 3 : i32
      %rem3A_293 = arith.remsi %div3A_289, %rem3A_292 : i32
      %lt3A = arith.constant 250 : i32
      %lt3A_294 = arith.cmpi slt, %scan3A_275, %lt3A : i32
      %convert_element_type3A_295 = arith.extui %lt3A_294 : i1 to i32
      %cond3A = arith.constant 0 : i32
      %cond3A_296 = arith.cmpi ne, %convert_element_type3A_295, %cond3A : i32
      scf.if %cond3A_296 {
        %eq3A_302 = arith.constant 0 : i32
        %eq3A_303 = arith.cmpi eq, %rem3A_284, %eq3A_302 : i32
        %gt3A = arith.constant 0 : i32
        %gt3A_304 = arith.cmpi sgt, %scan3A_275, %gt3A : i32
        %and3A = arith.andi %eq3A_303, %gt3A_304 : i1
        %convert_element_type3A_305 = arith.extui %and3A : i1 to i32
        %cond3A_306 = arith.constant 0 : i32
        %cond3A_307 = arith.cmpi ne, %convert_element_type3A_305, %cond3A_306 : i32
        scf.if %cond3A_307 {
          %dma_wait3A_342 = arith.constant 0 : i32
          %dma_wait3A_343 = arith.constant 0 : i32
          %dma_wait3A_344 = arith.constant 0 : i32
          %dma_wait3A_345 = tpu.memref_slice %arg9[%rem3A_286, %dma_wait3A_343, %dma_wait3A_344] : memref<3x10x40xi32, #tpu.memory_space<vmem>> -> memref<1x10x40xi32, #tpu.memory_space<vmem>>
          %dma_wait3A_346 = tpu.memref_squeeze %dma_wait3A_345 : memref<1x10x40xi32, #tpu.memory_space<vmem>> -> memref<10x40xi32, #tpu.memory_space<vmem>>
          %dma_wait3A_347 = arith.constant 0 : i32
          %dma_wait3A_348 = arith.constant 0 : i32
          %dma_wait3A_349 = tpu.memref_slice %arg4[%dma_wait3A_342, %dma_wait3A_347, %dma_wait3A_348] : memref<32x250x40xi32, #tpu.memory_space<hbm>> -> memref<1x10x40xi32, #tpu.memory_space<hbm>>
          %dma_wait3A_350 = tpu.memref_squeeze %dma_wait3A_349 : memref<1x10x40xi32, #tpu.memory_space<hbm>> -> memref<10x40xi32, #tpu.memory_space<hbm>>
          %dma_wait3A_351 = tpu.memref_slice %arg20[%rem3A_286] : memref<3x!tpu.dma_semaphore, #tpu.memory_space<semaphore_mem>> -> memref<1x!tpu.dma_semaphore, #tpu.memory_space<semaphore_mem>>
          %dma_wait3A_352 = tpu.memref_squeeze %dma_wait3A_351 : memref<1x!tpu.dma_semaphore, #tpu.memory_space<semaphore_mem>> -> memref<!tpu.dma_semaphore, #tpu.memory_space<semaphore_mem>>
          %dma_wait3A_353 = arith.constant 0 : i32
          %dma_wait3A_354 = arith.constant 0 : i32
          %dma_wait3A_355 = tpu.memref_slice %arg9[%rem3A_286, %dma_wait3A_353, %dma_wait3A_354] : memref<3x10x40xi32, #tpu.memory_space<vmem>> -> memref<1x10x40xi32, #tpu.memory_space<vmem>>
          %dma_wait3A_356 = tpu.memref_squeeze %dma_wait3A_355 : memref<1x10x40xi32, #tpu.memory_space<vmem>> -> memref<10x40xi32, #tpu.memory_space<vmem>>
          %dma_wait3A_357 = arith.constant 0 : i32
          %dma_wait3A_358 = arith.constant 0 : i32
          %dma_wait3A_359 = tpu.memref_slice %arg4[%dma_wait3A_342, %dma_wait3A_357, %dma_wait3A_358] : memref<32x250x40xi32, #tpu.memory_space<hbm>> -> memref<1x10x40xi32, #tpu.memory_space<hbm>>
          %dma_wait3A_360 = tpu.memref_squeeze %dma_wait3A_359 : memref<1x10x40xi32, #tpu.memory_space<hbm>> -> memref<10x40xi32, #tpu.memory_space<hbm>>
          tpu.wait_dma2 semaphore(%dma_wait3A_352 : memref<!tpu.dma_semaphore, #tpu.memory_space<semaphore_mem>>) src(%dma_wait3A_360 : memref<10x40xi32, #tpu.memory_space<hbm>>) dst(%dma_wait3A_356 : memref<10x40xi32, #tpu.memory_space<vmem>>)
          %dma_wait3A_361 = arith.constant 0 : i32
          %dma_wait3A_362 = arith.constant 0 : i32
          %dma_wait3A_363 = arith.constant 0 : i32
          %dma_wait3A_364 = tpu.memref_slice %arg10[%rem3A_286, %dma_wait3A_362, %dma_wait3A_363] : memref<3x10x40xi32, #tpu.memory_space<vmem>> -> memref<1x10x40xi32, #tpu.memory_space<vmem>>
          %dma_wait3A_365 = tpu.memref_squeeze %dma_wait3A_364 : memref<1x10x40xi32, #tpu.memory_space<vmem>> -> memref<10x40xi32, #tpu.memory_space<vmem>>
          %dma_wait3A_366 = arith.constant 0 : i32
          %dma_wait3A_367 = arith.constant 0 : i32
          %dma_wait3A_368 = tpu.memref_slice %arg5[%dma_wait3A_361, %dma_wait3A_366, %dma_wait3A_367] : memref<32x250x40xi32, #tpu.memory_space<hbm>> -> memref<1x10x40xi32, #tpu.memory_space<hbm>>
          %dma_wait3A_369 = tpu.memref_squeeze %dma_wait3A_368 : memref<1x10x40xi32, #tpu.memory_space<hbm>> -> memref<10x40xi32, #tpu.memory_space<hbm>>
          %dma_wait3A_370 = tpu.memref_slice %arg20[%rem3A_286] : memref<3x!tpu.dma_semaphore, #tpu.memory_space<semaphore_mem>> -> memref<1x!tpu.dma_semaphore, #tpu.memory_space<semaphore_mem>>
          %dma_wait3A_371 = tpu.memref_squeeze %dma_wait3A_370 : memref<1x!tpu.dma_semaphore, #tpu.memory_space<semaphore_mem>> -> memref<!tpu.dma_semaphore, #tpu.memory_space<semaphore_mem>>
          %dma_wait3A_372 = arith.constant 0 : i32
          %dma_wait3A_373 = arith.constant 0 : i32
          %dma_wait3A_374 = tpu.memref_slice %arg10[%rem3A_286, %dma_wait3A_372, %dma_wait3A_373] : memref<3x10x40xi32, #tpu.memory_space<vmem>> -> memref<1x10x40xi32, #tpu.memory_space<vmem>>
          %dma_wait3A_375 = tpu.memref_squeeze %dma_wait3A_374 : memref<1x10x40xi32, #tpu.memory_space<vmem>> -> memref<10x40xi32, #tpu.memory_space<vmem>>
          %dma_wait3A_376 = arith.constant 0 : i32
          %dma_wait3A_377 = arith.constant 0 : i32
          %dma_wait3A_378 = tpu.memref_slice %arg5[%dma_wait3A_361, %dma_wait3A_376, %dma_wait3A_377] : memref<32x250x40xi32, #tpu.memory_space<hbm>> -> memref<1x10x40xi32, #tpu.memory_space<hbm>>
          %dma_wait3A_379 = tpu.memref_squeeze %dma_wait3A_378 : memref<1x10x40xi32, #tpu.memory_space<hbm>> -> memref<10x40xi32, #tpu.memory_space<hbm>>
          tpu.wait_dma2 semaphore(%dma_wait3A_371 : memref<!tpu.dma_semaphore, #tpu.memory_space<semaphore_mem>>) src(%dma_wait3A_379 : memref<10x40xi32, #tpu.memory_space<hbm>>) dst(%dma_wait3A_375 : memref<10x40xi32, #tpu.memory_space<vmem>>)
          %dma_wait3A_380 = arith.constant 0 : i32
          %dma_wait3A_381 = arith.constant 0 : i32
          %dma_wait3A_382 = arith.constant 0 : i32
          %dma_wait3A_383 = tpu.memref_slice %arg11[%rem3A_286, %dma_wait3A_382] : memref<3x416xf32, #tpu.memory_space<vmem>> -> memref<1x400xf32, #tpu.memory_space<vmem>>
          %dma_wait3A_384 = tpu.memref_squeeze %dma_wait3A_383 : memref<1x400xf32, #tpu.memory_space<vmem>> -> memref<400xf32, #tpu.memory_space<vmem>>
          %dma_wait3A_385 = arith.constant 0 : i32
          %dma_wait3A_386 = tpu.memref_slice %arg6[%dma_wait3A_380, %dma_wait3A_381, %dma_wait3A_385] : memref<32x25x400xf32, #tpu.memory_space<hbm>> -> memref<1x1x400xf32, #tpu.memory_space<hbm>>
          %dma_wait3A_387 = tpu.memref_squeeze %dma_wait3A_386 : memref<1x1x400xf32, #tpu.memory_space<hbm>> -> memref<400xf32, #tpu.memory_space<hbm>>
          %dma_wait3A_388 = tpu.memref_slice %arg20[%rem3A_286] : memref<3x!tpu.dma_semaphore, #tpu.memory_space<semaphore_mem>> -> memref<1x!tpu.dma_semaphore, #tpu.memory_space<semaphore_mem>>
          %dma_wait3A_389 = tpu.memref_squeeze %dma_wait3A_388 : memref<1x!tpu.dma_semaphore, #tpu.memory_space<semaphore_mem>> -> memref<!tpu.dma_semaphore, #tpu.memory_space<semaphore_mem>>
          %dma_wait3A_390 = arith.constant 0 : i32
          %dma_wait3A_391 = tpu.memref_slice %arg11[%rem3A_286, %dma_wait3A_390] : memref<3x416xf32, #tpu.memory_space<vmem>> -> memref<1x400xf32, #tpu.memory_space<vmem>>
          %dma_wait3A_392 = tpu.memref_squeeze %dma_wait3A_391 : memref<1x400xf32, #tpu.memory_space<vmem>> -> memref<400xf32, #tpu.memory_space<vmem>>
          %dma_wait3A_393 = arith.constant 0 : i32
          %dma_wait3A_394 = tpu.memref_slice %arg6[%dma_wait3A_380, %dma_wait3A_381, %dma_wait3A_393] : memref<32x25x400xf32, #tpu.memory_space<hbm>> -> memref<1x1x400xf32, #tpu.memory_space<hbm>>
          %dma_wait3A_395 = tpu.memref_squeeze %dma_wait3A_394 : memref<1x1x400xf32, #tpu.memory_space<hbm>> -> memref<400xf32, #tpu.memory_space<hbm>>
          tpu.wait_dma2 semaphore(%dma_wait3A_389 : memref<!tpu.dma_semaphore, #tpu.memory_space<semaphore_mem>>) src(%dma_wait3A_395 : memref<400xf32, #tpu.memory_space<hbm>>) dst(%dma_wait3A_392 : memref<400xf32, #tpu.memory_space<vmem>>)
        } else {
        }
        %dma_start3A_308 = arith.constant 0 : i32
        %dma_start3A_309 = arith.constant 0 : i32
        %dma_start3A_310 = tpu.memref_slice %arg12[%rem3A_277, %dma_start3A_308, %dma_start3A_309] : memref<2x40x128xf32, #tpu.memory_space<vmem>> -> memref<1x40x128xf32, #tpu.memory_space<vmem>>
        %dma_start3A_311 = tpu.memref_squeeze %dma_start3A_310 : memref<1x40x128xf32, #tpu.memory_space<vmem>> -> memref<40x128xf32, #tpu.memory_space<vmem>>
        %dma_start3A_312 = arith.constant 0 : i32
        %dma_start3A_313 = tpu.memref_slice %arg9[%rem3A_286, %rem3A_284, %dma_start3A_312] : memref<3x10x40xi32, #tpu.memory_space<vmem>> -> memref<1x1x40xi32, #tpu.memory_space<vmem>>
        %dma_start3A_314 = tpu.memref_squeeze %dma_start3A_313 : memref<1x1x40xi32, #tpu.memory_space<vmem>> -> memref<40xi32, #tpu.memory_space<vmem>>
        %dma_start3A_315 = arith.constant 0 : i32
        %dma_start3A_316 = arith.constant 0 : i32
        %dma_start3A_317 = tpu.memref_slice %arg2[%dma_start3A_315, %dma_start3A_316] : memref<10000x128xf32, #tpu.memory_space<hbm>> -> memref<10000x128xf32, #tpu.memory_space<hbm>>
        %dma_start3A_318 = tpu.memref_slice %arg18[%rem3A_277] : memref<2x!tpu.dma_semaphore, #tpu.memory_space<semaphore_mem>> -> memref<1x!tpu.dma_semaphore, #tpu.memory_space<semaphore_mem>>
        %dma_start3A_319 = tpu.memref_squeeze %dma_start3A_318 : memref<1x!tpu.dma_semaphore, #tpu.memory_space<semaphore_mem>> -> memref<!tpu.dma_semaphore, #tpu.memory_space<semaphore_mem>>
        tpu.enqueue_indirect_dma source(%dma_start3A_317 : memref<10000x128xf32, #tpu.memory_space<hbm>>) target(%dma_start3A_311 : memref<40x128xf32, #tpu.memory_space<vmem>>) offsets(%dma_start3A_314 : memref<40xi32, #tpu.memory_space<vmem>>) semaphore(%dma_start3A_319 : memref<!tpu.dma_semaphore, #tpu.memory_space<semaphore_mem>>)
        %dma_start3A_320 = arith.constant 0 : i32
        %dma_start3A_321 = arith.constant 0 : i32
        %dma_start3A_322 = tpu.memref_slice %arg13[%rem3A_277, %dma_start3A_320, %dma_start3A_321] : memref<2x40x128xf32, #tpu.memory_space<vmem>> -> memref<1x40x128xf32, #tpu.memory_space<vmem>>
        %dma_start3A_323 = tpu.memref_squeeze %dma_start3A_322 : memref<1x40x128xf32, #tpu.memory_space<vmem>> -> memref<40x128xf32, #tpu.memory_space<vmem>>
        %dma_start3A_324 = arith.constant 0 : i32
        %dma_start3A_325 = tpu.memref_slice %arg10[%rem3A_286, %rem3A_284, %dma_start3A_324] : memref<3x10x40xi32, #tpu.memory_space<vmem>> -> memref<1x1x40xi32, #tpu.memory_space<vmem>>
        %dma_start3A_326 = tpu.memref_squeeze %dma_start3A_325 : memref<1x1x40xi32, #tpu.memory_space<vmem>> -> memref<40xi32, #tpu.memory_space<vmem>>
        %dma_start3A_327 = arith.constant 0 : i32
        %dma_start3A_328 = arith.constant 0 : i32
        %dma_start3A_329 = tpu.memref_slice %arg3[%dma_start3A_327, %dma_start3A_328] : memref<10000x128xf32, #tpu.memory_space<hbm>> -> memref<10000x128xf32, #tpu.memory_space<hbm>>
        %dma_start3A_330 = tpu.memref_slice %arg18[%rem3A_277] : memref<2x!tpu.dma_semaphore, #tpu.memory_space<semaphore_mem>> -> memref<1x!tpu.dma_semaphore, #tpu.memory_space<semaphore_mem>>
        %dma_start3A_331 = tpu.memref_squeeze %dma_start3A_330 : memref<1x!tpu.dma_semaphore, #tpu.memory_space<semaphore_mem>> -> memref<!tpu.dma_semaphore, #tpu.memory_space<semaphore_mem>>
        tpu.enqueue_indirect_dma source(%dma_start3A_329 : memref<10000x128xf32, #tpu.memory_space<hbm>>) target(%dma_start3A_323 : memref<40x128xf32, #tpu.memory_space<vmem>>) offsets(%dma_start3A_326 : memref<40xi32, #tpu.memory_space<vmem>>) semaphore(%dma_start3A_331 : memref<!tpu.dma_semaphore, #tpu.memory_space<semaphore_mem>>)
        %eq3A_332 = arith.constant 3 : i32
        %eq3A_333 = arith.cmpi eq, %rem3A_284, %eq3A_332 : i32
        %add3A_334 = arith.constant 2 : i32
        %add3A_335 = arith.addi %div3A_282, %add3A_334 : i32
        %lt3A_336 = arith.constant 25 : i32
        %lt3A_337 = arith.cmpi slt, %add3A_335, %lt3A_336 : i32
        %and3A_338 = arith.andi %eq3A_333, %lt3A_337 : i1
        %convert_element_type3A_339 = arith.extui %and3A_338 : i1 to i32
        %cond3A_340 = arith.constant 0 : i32
        %cond3A_341 = arith.cmpi ne, %convert_element_type3A_339, %cond3A_340 : i32
        scf.if %cond3A_341 {
          %add3A_342 = arith.constant 2 : i32
          %add3A_343 = arith.addi %div3A_282, %add3A_342 : i32
          %rem3A_344 = arith.constant 3 : i32
          %rem3A_345 = arith.remsi %add3A_343, %rem3A_344 : i32
          %mul3A_346 = arith.constant 10 : i32
          %mul3A_347 = arith.muli %add3A_343, %mul3A_346 : i32
          %dma_start3A_348 = arith.constant 0 : i32
          %dma_start3A_349 = arith.constant 0 : i32
          %dma_start3A_350 = tpu.memref_slice %arg9[%rem3A_345, %dma_start3A_348, %dma_start3A_349] : memref<3x10x40xi32, #tpu.memory_space<vmem>> -> memref<1x10x40xi32, #tpu.memory_space<vmem>>
          %dma_start3A_351 = tpu.memref_squeeze %dma_start3A_350 : memref<1x10x40xi32, #tpu.memory_space<vmem>> -> memref<10x40xi32, #tpu.memory_space<vmem>>
          %dma_start3A_352 = arith.constant 0 : i32
          %dma_start3A_353 = tpu.memref_slice %arg4[%add3A, %mul3A_347, %dma_start3A_352] : memref<32x250x40xi32, #tpu.memory_space<hbm>> -> memref<1x10x40xi32, #tpu.memory_space<hbm>>
          %dma_start3A_354 = tpu.memref_squeeze %dma_start3A_353 : memref<1x10x40xi32, #tpu.memory_space<hbm>> -> memref<10x40xi32, #tpu.memory_space<hbm>>
          %dma_start3A_355 = tpu.memref_slice %arg20[%rem3A_345] : memref<3x!tpu.dma_semaphore, #tpu.memory_space<semaphore_mem>> -> memref<1x!tpu.dma_semaphore, #tpu.memory_space<semaphore_mem>>
          %dma_start3A_356 = tpu.memref_squeeze %dma_start3A_355 : memref<1x!tpu.dma_semaphore, #tpu.memory_space<semaphore_mem>> -> memref<!tpu.dma_semaphore, #tpu.memory_space<semaphore_mem>>
          %dma_start3A_357 = arith.constant 0 : i32
          %dma_start3A_358 = arith.constant 0 : i32
          %dma_start3A_359 = tpu.memref_slice %arg9[%rem3A_345, %dma_start3A_357, %dma_start3A_358] : memref<3x10x40xi32, #tpu.memory_space<vmem>> -> memref<1x10x40xi32, #tpu.memory_space<vmem>>
          %dma_start3A_360 = tpu.memref_squeeze %dma_start3A_359 : memref<1x10x40xi32, #tpu.memory_space<vmem>> -> memref<10x40xi32, #tpu.memory_space<vmem>>
          %dma_start3A_361 = arith.constant 0 : i32
          %dma_start3A_362 = tpu.memref_slice %arg4[%add3A, %mul3A_347, %dma_start3A_361] : memref<32x250x40xi32, #tpu.memory_space<hbm>> -> memref<1x10x40xi32, #tpu.memory_space<hbm>>
          %dma_start3A_363 = tpu.memref_squeeze %dma_start3A_362 : memref<1x10x40xi32, #tpu.memory_space<hbm>> -> memref<10x40xi32, #tpu.memory_space<hbm>>
          tpu.enqueue_dma source(%dma_start3A_363 : memref<10x40xi32, #tpu.memory_space<hbm>>) target(%dma_start3A_360 : memref<10x40xi32, #tpu.memory_space<vmem>>) target_semaphore(%dma_start3A_356 : memref<!tpu.dma_semaphore, #tpu.memory_space<semaphore_mem>>)
          %mul3A_364 = arith.constant 10 : i32
          %mul3A_365 = arith.muli %add3A_343, %mul3A_364 : i32
          %dma_start3A_366 = arith.constant 0 : i32
          %dma_start3A_367 = arith.constant 0 : i32
          %dma_start3A_368 = tpu.memref_slice %arg10[%rem3A_345, %dma_start3A_366, %dma_start3A_367] : memref<3x10x40xi32, #tpu.memory_space<vmem>> -> memref<1x10x40xi32, #tpu.memory_space<vmem>>
          %dma_start3A_369 = tpu.memref_squeeze %dma_start3A_368 : memref<1x10x40xi32, #tpu.memory_space<vmem>> -> memref<10x40xi32, #tpu.memory_space<vmem>>
          %dma_start3A_370 = arith.constant 0 : i32
          %dma_start3A_371 = tpu.memref_slice %arg5[%add3A, %mul3A_365, %dma_start3A_370] : memref<32x250x40xi32, #tpu.memory_space<hbm>> -> memref<1x10x40xi32, #tpu.memory_space<hbm>>
          %dma_start3A_372 = tpu.memref_squeeze %dma_start3A_371 : memref<1x10x40xi32, #tpu.memory_space<hbm>> -> memref<10x40xi32, #tpu.memory_space<hbm>>
          %dma_start3A_373 = tpu.memref_slice %arg20[%rem3A_345] : memref<3x!tpu.dma_semaphore, #tpu.memory_space<semaphore_mem>> -> memref<1x!tpu.dma_semaphore, #tpu.memory_space<semaphore_mem>>
          %dma_start3A_374 = tpu.memref_squeeze %dma_start3A_373 : memref<1x!tpu.dma_semaphore, #tpu.memory_space<semaphore_mem>> -> memref<!tpu.dma_semaphore, #tpu.memory_space<semaphore_mem>>
          %dma_start3A_375 = arith.constant 0 : i32
          %dma_start3A_376 = arith.constant 0 : i32
          %dma_start3A_377 = tpu.memref_slice %arg10[%rem3A_345, %dma_start3A_375, %dma_start3A_376] : memref<3x10x40xi32, #tpu.memory_space<vmem>> -> memref<1x10x40xi32, #tpu.memory_space<vmem>>
          %dma_start3A_378 = tpu.memref_squeeze %dma_start3A_377 : memref<1x10x40xi32, #tpu.memory_space<vmem>> -> memref<10x40xi32, #tpu.memory_space<vmem>>
          %dma_start3A_379 = arith.constant 0 : i32
          %dma_start3A_380 = tpu.memref_slice %arg5[%add3A, %mul3A_365, %dma_start3A_379] : memref<32x250x40xi32, #tpu.memory_space<hbm>> -> memref<1x10x40xi32, #tpu.memory_space<hbm>>
          %dma_start3A_381 = tpu.memref_squeeze %dma_start3A_380 : memref<1x10x40xi32, #tpu.memory_space<hbm>> -> memref<10x40xi32, #tpu.memory_space<hbm>>
          tpu.enqueue_dma source(%dma_start3A_381 : memref<10x40xi32, #tpu.memory_space<hbm>>) target(%dma_start3A_378 : memref<10x40xi32, #tpu.memory_space<vmem>>) target_semaphore(%dma_start3A_374 : memref<!tpu.dma_semaphore, #tpu.memory_space<semaphore_mem>>)
          %dma_start3A_382 = arith.constant 0 : i32
          %dma_start3A_383 = tpu.memref_slice %arg11[%rem3A_345, %dma_start3A_382] : memref<3x416xf32, #tpu.memory_space<vmem>> -> memref<1x400xf32, #tpu.memory_space<vmem>>
          %dma_start3A_384 = tpu.memref_squeeze %dma_start3A_383 : memref<1x400xf32, #tpu.memory_space<vmem>> -> memref<400xf32, #tpu.memory_space<vmem>>
          %dma_start3A_385 = arith.constant 0 : i32
          %dma_start3A_386 = tpu.memref_slice %arg6[%add3A, %add3A_343, %dma_start3A_385] : memref<32x25x400xf32, #tpu.memory_space<hbm>> -> memref<1x1x400xf32, #tpu.memory_space<hbm>>
          %dma_start3A_387 = tpu.memref_squeeze %dma_start3A_386 : memref<1x1x400xf32, #tpu.memory_space<hbm>> -> memref<400xf32, #tpu.memory_space<hbm>>
          %dma_start3A_388 = tpu.memref_slice %arg20[%rem3A_345] : memref<3x!tpu.dma_semaphore, #tpu.memory_space<semaphore_mem>> -> memref<1x!tpu.dma_semaphore, #tpu.memory_space<semaphore_mem>>
          %dma_start3A_389 = tpu.memref_squeeze %dma_start3A_388 : memref<1x!tpu.dma_semaphore, #tpu.memory_space<semaphore_mem>> -> memref<!tpu.dma_semaphore, #tpu.memory_space<semaphore_mem>>
          %dma_start3A_390 = arith.constant 0 : i32
          %dma_start3A_391 = tpu.memref_slice %arg11[%rem3A_345, %dma_start3A_390] : memref<3x416xf32, #tpu.memory_space<vmem>> -> memref<1x400xf32, #tpu.memory_space<vmem>>
          %dma_start3A_392 = tpu.memref_squeeze %dma_start3A_391 : memref<1x400xf32, #tpu.memory_space<vmem>> -> memref<400xf32, #tpu.memory_space<vmem>>
          %dma_start3A_393 = arith.constant 0 : i32
          %dma_start3A_394 = tpu.memref_slice %arg6[%add3A, %add3A_343, %dma_start3A_393] : memref<32x25x400xf32, #tpu.memory_space<hbm>> -> memref<1x1x400xf32, #tpu.memory_space<hbm>>
          %dma_start3A_395 = tpu.memref_squeeze %dma_start3A_394 : memref<1x1x400xf32, #tpu.memory_space<hbm>> -> memref<400xf32, #tpu.memory_space<hbm>>
          tpu.enqueue_dma source(%dma_start3A_395 : memref<400xf32, #tpu.memory_space<hbm>>) target(%dma_start3A_392 : memref<400xf32, #tpu.memory_space<vmem>>) target_semaphore(%dma_start3A_389 : memref<!tpu.dma_semaphore, #tpu.memory_space<semaphore_mem>>)
        } else {
        }
      } else {
      }
      %ge3A = arith.constant 1 : i32
      %ge3A_297 = arith.cmpi sge, %scan3A_275, %ge3A : i32
      %convert_element_type3A_298 = arith.extui %ge3A_297 : i1 to i32
      %cond3A_299 = arith.constant 0 : i32
      %cond3A_300 = arith.cmpi ne, %convert_element_type3A_298, %cond3A_299 : i32
      scf.if %cond3A_300 {
        %dma_wait3A_302 = arith.constant 0 : i32
        %dma_wait3A_303 = arith.constant 0 : i32
        %dma_wait3A_304 = tpu.memref_slice %arg12[%rem3A_281, %dma_wait3A_302, %dma_wait3A_303] : memref<2x40x128xf32, #tpu.memory_space<vmem>> -> memref<1x40x128xf32, #tpu.memory_space<vmem>>
        %dma_wait3A_305 = tpu.memref_squeeze %dma_wait3A_304 : memref<1x40x128xf32, #tpu.memory_space<vmem>> -> memref<40x128xf32, #tpu.memory_space<vmem>>
        %dma_wait3A_306 = arith.constant 0 : i32
        %dma_wait3A_307 = arith.constant 0 : i32
        %dma_wait3A_308 = tpu.memref_slice %arg2[%dma_wait3A_306, %dma_wait3A_307] : memref<10000x128xf32, #tpu.memory_space<hbm>> -> memref<40x128xf32, #tpu.memory_space<hbm>>
        %dma_wait3A_309 = tpu.memref_slice %arg18[%rem3A_281] : memref<2x!tpu.dma_semaphore, #tpu.memory_space<semaphore_mem>> -> memref<1x!tpu.dma_semaphore, #tpu.memory_space<semaphore_mem>>
        %dma_wait3A_310 = tpu.memref_squeeze %dma_wait3A_309 : memref<1x!tpu.dma_semaphore, #tpu.memory_space<semaphore_mem>> -> memref<!tpu.dma_semaphore, #tpu.memory_space<semaphore_mem>>
        %dma_wait3A_311 = arith.constant 0 : i32
        %dma_wait3A_312 = arith.constant 0 : i32
        %dma_wait3A_313 = tpu.memref_slice %arg12[%rem3A_281, %dma_wait3A_311, %dma_wait3A_312] : memref<2x40x128xf32, #tpu.memory_space<vmem>> -> memref<1x40x128xf32, #tpu.memory_space<vmem>>
        %dma_wait3A_314 = tpu.memref_squeeze %dma_wait3A_313 : memref<1x40x128xf32, #tpu.memory_space<vmem>> -> memref<40x128xf32, #tpu.memory_space<vmem>>
        %dma_wait3A_315 = arith.constant 0 : i32
        %dma_wait3A_316 = arith.constant 0 : i32
        %dma_wait3A_317 = tpu.memref_slice %arg2[%dma_wait3A_315, %dma_wait3A_316] : memref<10000x128xf32, #tpu.memory_space<hbm>> -> memref<40x128xf32, #tpu.memory_space<hbm>>
        tpu.wait_dma2 semaphore(%dma_wait3A_310 : memref<!tpu.dma_semaphore, #tpu.memory_space<semaphore_mem>>) src(%dma_wait3A_317 : memref<40x128xf32, #tpu.memory_space<hbm>>) dst(%dma_wait3A_314 : memref<40x128xf32, #tpu.memory_space<vmem>>)
        %dma_wait3A_318 = arith.constant 0 : i32
        %dma_wait3A_319 = arith.constant 0 : i32
        %dma_wait3A_320 = tpu.memref_slice %arg13[%rem3A_281, %dma_wait3A_318, %dma_wait3A_319] : memref<2x40x128xf32, #tpu.memory_space<vmem>> -> memref<1x40x128xf32, #tpu.memory_space<vmem>>
        %dma_wait3A_321 = tpu.memref_squeeze %dma_wait3A_320 : memref<1x40x128xf32, #tpu.memory_space<vmem>> -> memref<40x128xf32, #tpu.memory_space<vmem>>
        %dma_wait3A_322 = arith.constant 0 : i32
        %dma_wait3A_323 = arith.constant 0 : i32
        %dma_wait3A_324 = tpu.memref_slice %arg3[%dma_wait3A_322, %dma_wait3A_323] : memref<10000x128xf32, #tpu.memory_space<hbm>> -> memref<40x128xf32, #tpu.memory_space<hbm>>
        %dma_wait3A_325 = tpu.memref_slice %arg18[%rem3A_281] : memref<2x!tpu.dma_semaphore, #tpu.memory_space<semaphore_mem>> -> memref<1x!tpu.dma_semaphore, #tpu.memory_space<semaphore_mem>>
        %dma_wait3A_326 = tpu.memref_squeeze %dma_wait3A_325 : memref<1x!tpu.dma_semaphore, #tpu.memory_space<semaphore_mem>> -> memref<!tpu.dma_semaphore, #tpu.memory_space<semaphore_mem>>
        %dma_wait3A_327 = arith.constant 0 : i32
        %dma_wait3A_328 = arith.constant 0 : i32
        %dma_wait3A_329 = tpu.memref_slice %arg13[%rem3A_281, %dma_wait3A_327, %dma_wait3A_328] : memref<2x40x128xf32, #tpu.memory_space<vmem>> -> memref<1x40x128xf32, #tpu.memory_space<vmem>>
        %dma_wait3A_330 = tpu.memref_squeeze %dma_wait3A_329 : memref<1x40x128xf32, #tpu.memory_space<vmem>> -> memref<40x128xf32, #tpu.memory_space<vmem>>
        %dma_wait3A_331 = arith.constant 0 : i32
        %dma_wait3A_332 = arith.constant 0 : i32
        %dma_wait3A_333 = tpu.memref_slice %arg3[%dma_wait3A_331, %dma_wait3A_332] : memref<10000x128xf32, #tpu.memory_space<hbm>> -> memref<40x128xf32, #tpu.memory_space<hbm>>
        tpu.wait_dma2 semaphore(%dma_wait3A_326 : memref<!tpu.dma_semaphore, #tpu.memory_space<semaphore_mem>>) src(%dma_wait3A_333 : memref<40x128xf32, #tpu.memory_space<hbm>>) dst(%dma_wait3A_330 : memref<40x128xf32, #tpu.memory_space<vmem>>)
        %ge3A_334 = arith.constant 3 : i32
        %ge3A_335 = arith.cmpi sge, %scan3A_275, %ge3A_334 : i32
        %convert_element_type3A_336 = arith.extui %ge3A_335 : i1 to i32
        %cond3A_337 = arith.constant 0 : i32
        %cond3A_338 = arith.cmpi ne, %convert_element_type3A_336, %cond3A_337 : i32
        scf.if %cond3A_338 {
          %dma_wait3A_370 = arith.constant 0 : i32
          %dma_wait3A_371 = arith.constant 0 : i32
          %dma_wait3A_372 = arith.constant 0 : i32
          %dma_wait3A_373 = tpu.memref_slice %arg14[%rem3A_281, %dma_wait3A_371, %dma_wait3A_372] : memref<2x40x144xf32, #tpu.memory_space<vmem>> -> memref<1x40x144xf32, #tpu.memory_space<vmem>>
          %dma_wait3A_374 = tpu.memref_squeeze %dma_wait3A_373 : memref<1x40x144xf32, #tpu.memory_space<vmem>> -> memref<40x144xf32, #tpu.memory_space<vmem>>
          %dma_wait3A_375 = arith.constant 0 : i32
          %dma_wait3A_376 = arith.constant 0 : i32
          %dma_wait3A_377 = tpu.memref_slice %arg8[%dma_wait3A_370, %dma_wait3A_375, %dma_wait3A_376] : memref<2x10240x144xf32, #tpu.memory_space<hbm>> -> memref<1x40x144xf32, #tpu.memory_space<hbm>>
          %dma_wait3A_378 = tpu.memref_squeeze %dma_wait3A_377 : memref<1x40x144xf32, #tpu.memory_space<hbm>> -> memref<40x144xf32, #tpu.memory_space<hbm>>
          %dma_wait3A_379 = tpu.memref_slice %arg19[%rem3A_281] : memref<2x!tpu.dma_semaphore, #tpu.memory_space<semaphore_mem>> -> memref<1x!tpu.dma_semaphore, #tpu.memory_space<semaphore_mem>>
          %dma_wait3A_380 = tpu.memref_squeeze %dma_wait3A_379 : memref<1x!tpu.dma_semaphore, #tpu.memory_space<semaphore_mem>> -> memref<!tpu.dma_semaphore, #tpu.memory_space<semaphore_mem>>
          %dma_wait3A_381 = arith.constant 0 : i32
          %dma_wait3A_382 = arith.constant 0 : i32
          %dma_wait3A_383 = tpu.memref_slice %arg14[%rem3A_281, %dma_wait3A_381, %dma_wait3A_382] : memref<2x40x144xf32, #tpu.memory_space<vmem>> -> memref<1x40x144xf32, #tpu.memory_space<vmem>>
          %dma_wait3A_384 = tpu.memref_squeeze %dma_wait3A_383 : memref<1x40x144xf32, #tpu.memory_space<vmem>> -> memref<40x144xf32, #tpu.memory_space<vmem>>
          %dma_wait3A_385 = arith.constant 0 : i32
          %dma_wait3A_386 = arith.constant 0 : i32
          %dma_wait3A_387 = tpu.memref_slice %arg8[%dma_wait3A_370, %dma_wait3A_385, %dma_wait3A_386] : memref<2x10240x144xf32, #tpu.memory_space<hbm>> -> memref<1x40x144xf32, #tpu.memory_space<hbm>>
          %dma_wait3A_388 = tpu.memref_squeeze %dma_wait3A_387 : memref<1x40x144xf32, #tpu.memory_space<hbm>> -> memref<40x144xf32, #tpu.memory_space<hbm>>
          tpu.wait_dma2 semaphore(%dma_wait3A_380 : memref<!tpu.dma_semaphore, #tpu.memory_space<semaphore_mem>>) src(%dma_wait3A_388 : memref<40x144xf32, #tpu.memory_space<hbm>>) dst(%dma_wait3A_384 : memref<40x144xf32, #tpu.memory_space<vmem>>)
        } else {
        }
        %mul3A_339 = arith.constant 40 : i32
        %mul3A_340 = arith.muli %rem3A_291, %mul3A_339 : i32
        %get3A = arith.constant 0 : index
        %get3A_341 = tpu.vector_load %arg15[%get3A] {strides = array<i32>} : memref<128xf32, #tpu.memory_space<vmem>>, vector<16xf32>,
        %get3A_342 = arith.constant 16 : index
        %get3A_343 = tpu.vector_load %arg15[%get3A_342] {strides = array<i32>} : memref<128xf32, #tpu.memory_space<vmem>>, vector<16xf32>,
        %get3A_344 = arith.constant 32 : index
        %get3A_345 = tpu.vector_load %arg15[%get3A_344] {strides = array<i32>} : memref<128xf32, #tpu.memory_space<vmem>>, vector<16xf32>,
        %get3A_346 = arith.constant 48 : index
        %get3A_347 = tpu.vector_load %arg15[%get3A_346] {strides = array<i32>} : memref<128xf32, #tpu.memory_space<vmem>>, vector<16xf32>,
        %get3A_348 = arith.constant 64 : index
        %get3A_349 = tpu.vector_load %arg15[%get3A_348] {strides = array<i32>} : memref<128xf32, #tpu.memory_space<vmem>>, vector<16xf32>,
        %get3A_350 = arith.constant 80 : index
        %get3A_351 = tpu.vector_load %arg15[%get3A_350] {strides = array<i32>} : memref<128xf32, #tpu.memory_space<vmem>>, vector<16xf32>,
        %get3A_352 = arith.constant 96 : index
        %get3A_353 = tpu.vector_load %arg15[%get3A_352] {strides = array<i32>} : memref<128xf32, #tpu.memory_space<vmem>>, vector<16xf32>,
        %get3A_354 = arith.constant 112 : index
        %get3A_355 = tpu.vector_load %arg15[%get3A_354] {strides = array<i32>} : memref<128xf32, #tpu.memory_space<vmem>>, vector<16xf32>,
        %parallel_loop3A = arith.constant 0 : i32
        %parallel_loop3A_356 = arith.constant 40 : i32
        %parallel_loop3A_357 = arith.constant 1 : i32
        scf.for %parallel_loop3A_370 = %parallel_loop3A to %parallel_loop3A_356 step %parallel_loop3A_357  : i32 {
          %parallel_loop3A_371 = arith.addi %mul3A_340, %parallel_loop3A_370 : i32
          %parallel_loop3A_372 = arith.index_cast %rem3A_293 : i32 to index
          %parallel_loop3A_373 = arith.index_cast %parallel_loop3A_371 : i32 to index
          %parallel_loop3A_374 = tpu.vector_load %arg11[%parallel_loop3A_372, %parallel_loop3A_373] {strides = array<i32>} : memref<3x416xf32, #tpu.memory_space<vmem>>, vector<16xf32>,
          %parallel_loop3A_375 = vector.extract_strided_slice %parallel_loop3A_374 {offsets = [0], sizes = [1], strides = [1]} : vector<16xf32> to vector<1xf32>
          %parallel_loop3A_376 = vector.extract %parallel_loop3A_375[0] : f32 from vector<1xf32>
          %parallel_loop3A_377 = arith.index_cast %rem3A_281 : i32 to index
          %parallel_loop3A_378 = arith.index_cast %parallel_loop3A_370 : i32 to index
          %parallel_loop3A_379 = arith.constant 0 : index
          %parallel_loop3A_380 = tpu.vector_load %arg12[%parallel_loop3A_377, %parallel_loop3A_378, %parallel_loop3A_379] {strides = array<i32>} : memref<2x40x128xf32, #tpu.memory_space<vmem>>, vector<16xf32>,
          %parallel_loop3A_381 = arith.index_cast %rem3A_281 : i32 to index
          %parallel_loop3A_382 = arith.index_cast %parallel_loop3A_370 : i32 to index
          %parallel_loop3A_383 = arith.constant 0 : index
          %parallel_loop3A_384 = tpu.vector_load %arg13[%parallel_loop3A_381, %parallel_loop3A_382, %parallel_loop3A_383] {strides = array<i32>} : memref<2x40x128xf32, #tpu.memory_space<vmem>>, vector<16xf32>,
          %parallel_loop3A_385 = arith.addf %parallel_loop3A_380, %parallel_loop3A_384 : vector<16xf32>
          %parallel_loop3A_386 = vector.broadcast %parallel_loop3A_376 : f32 to vector<16xf32>
          %parallel_loop3A_387 = arith.mulf %parallel_loop3A_386, %get3A_341 : vector<16xf32>
          %parallel_loop3A_388 = arith.addf %parallel_loop3A_385, %parallel_loop3A_387 : vector<16xf32>
          %parallel_loop3A_389 = arith.constant 6.400000e+01 : f32
          %parallel_loop3A_390 = vector.broadcast %parallel_loop3A_389 : f32 to vector<16xf32>
          %parallel_loop3A_391 = arith.mulf %parallel_loop3A_388, %parallel_loop3A_390 : vector<16xf32>
          %parallel_loop3A_392 = arith.constant 1.024000e+03 : f32
          %parallel_loop3A_393 = vector.broadcast %parallel_loop3A_392 : f32 to vector<16xf32>
          %parallel_loop3A_394 = arith.addf %parallel_loop3A_391, %parallel_loop3A_393 : vector<16xf32>
          %parallel_loop3A_395 = arith.constant 0.000000e+00 : f32
          %parallel_loop3A_396 = vector.broadcast %parallel_loop3A_395 : f32 to vector<16xf32>
          %parallel_loop3A_397 = arith.maximumf %parallel_loop3A_394, %parallel_loop3A_396 : vector<16xf32>
          %parallel_loop3A_398 = arith.constant 2.047000e+03 : f32
          %parallel_loop3A_399 = vector.broadcast %parallel_loop3A_398 : f32 to vector<16xf32>
          %parallel_loop3A_400 = arith.minimumf %parallel_loop3A_397, %parallel_loop3A_399 : vector<16xf32>
          %parallel_loop3A_401 = arith.fptosi %parallel_loop3A_400 : vector<16xf32> to vector<16xi32>
          %parallel_loop3A_402 = arith.sitofp %parallel_loop3A_401 : vector<16xi32> to vector<16xf32>
          %parallel_loop3A_403 = arith.subf %parallel_loop3A_400, %parallel_loop3A_402 : vector<16xf32>
          %parallel_loop3A_404 = tpu.vector_load_idx %arg16[%parallel_loop3A_401] : memref<2064xf32, #tpu.memory_space<vmem>>[vector<16xi32>], vector<16xf32>,
          %parallel_loop3A_405 = arith.constant 1 : i32
          %parallel_loop3A_406 = vector.broadcast %parallel_loop3A_405 : i32 to vector<16xi32>
          %parallel_loop3A_407 = arith.addi %parallel_loop3A_401, %parallel_loop3A_406 : vector<16xi32>
          %parallel_loop3A_408 = tpu.vector_load_idx %arg16[%parallel_loop3A_407] : memref<2064xf32, #tpu.memory_space<vmem>>[vector<16xi32>], vector<16xf32>,
          %parallel_loop3A_409 = arith.subf %parallel_loop3A_408, %parallel_loop3A_404 : vector<16xf32>
          %parallel_loop3A_410 = arith.mulf %parallel_loop3A_403, %parallel_loop3A_409 : vector<16xf32>
          %parallel_loop3A_411 = arith.addf %parallel_loop3A_404, %parallel_loop3A_410 : vector<16xf32>
          %parallel_loop3A_412 = arith.mulf %parallel_loop3A_388, %parallel_loop3A_411 : vector<16xf32>
          %parallel_loop3A_413 = arith.index_cast %rem3A_281 : i32 to index
          %parallel_loop3A_414 = arith.index_cast %parallel_loop3A_370 : i32 to index
          %parallel_loop3A_415 = arith.constant 0 : index
          %parallel_loop3A_416 = tpu.vector_load %arg14[%parallel_loop3A_413, %parallel_loop3A_414, %parallel_loop3A_415] {strides = array<i32>} : memref<2x40x144xf32, #tpu.memory_space<vmem>>, vector<16xf32>,
          tpu.vector_store %arg14[%parallel_loop3A_413, %parallel_loop3A_414, %parallel_loop3A_415], %parallel_loop3A_412 {strides = array<i32>} : memref<2x40x144xf32, #tpu.memory_space<vmem>>, vector<16xf32>,
          %parallel_loop3A_417 = arith.index_cast %rem3A_281 : i32 to index
          %parallel_loop3A_418 = arith.index_cast %parallel_loop3A_370 : i32 to index
          %parallel_loop3A_419 = arith.constant 16 : index
          %parallel_loop3A_420 = tpu.vector_load %arg12[%parallel_loop3A_417, %parallel_loop3A_418, %parallel_loop3A_419] {strides = array<i32>} : memref<2x40x128xf32, #tpu.memory_space<vmem>>, vector<16xf32>,
          %parallel_loop3A_421 = arith.index_cast %rem3A_281 : i32 to index
          %parallel_loop3A_422 = arith.index_cast %parallel_loop3A_370 : i32 to index
          %parallel_loop3A_423 = arith.constant 16 : index
          %parallel_loop3A_424 = tpu.vector_load %arg13[%parallel_loop3A_421, %parallel_loop3A_422, %parallel_loop3A_423] {strides = array<i32>} : memref<2x40x128xf32, #tpu.memory_space<vmem>>, vector<16xf32>,
          %parallel_loop3A_425 = arith.addf %parallel_loop3A_420, %parallel_loop3A_424 : vector<16xf32>
          %parallel_loop3A_426 = vector.broadcast %parallel_loop3A_376 : f32 to vector<16xf32>
          %parallel_loop3A_427 = arith.mulf %parallel_loop3A_426, %get3A_343 : vector<16xf32>
          %parallel_loop3A_428 = arith.addf %parallel_loop3A_425, %parallel_loop3A_427 : vector<16xf32>
          %parallel_loop3A_429 = arith.constant 6.400000e+01 : f32
          %parallel_loop3A_430 = vector.broadcast %parallel_loop3A_429 : f32 to vector<16xf32>
          %parallel_loop3A_431 = arith.mulf %parallel_loop3A_428, %parallel_loop3A_430 : vector<16xf32>
          %parallel_loop3A_432 = arith.constant 1.024000e+03 : f32
          %parallel_loop3A_433 = vector.broadcast %parallel_loop3A_432 : f32 to vector<16xf32>
          %parallel_loop3A_434 = arith.addf %parallel_loop3A_431, %parallel_loop3A_433 : vector<16xf32>
          %parallel_loop3A_435 = arith.constant 0.000000e+00 : f32
          %parallel_loop3A_436 = vector.broadcast %parallel_loop3A_435 : f32 to vector<16xf32>
          %parallel_loop3A_437 = arith.maximumf %parallel_loop3A_434, %parallel_loop3A_436 : vector<16xf32>
          %parallel_loop3A_438 = arith.constant 2.047000e+03 : f32
          %parallel_loop3A_439 = vector.broadcast %parallel_loop3A_438 : f32 to vector<16xf32>
          %parallel_loop3A_440 = arith.minimumf %parallel_loop3A_437, %parallel_loop3A_439 : vector<16xf32>
          %parallel_loop3A_441 = arith.fptosi %parallel_loop3A_440 : vector<16xf32> to vector<16xi32>
          %parallel_loop3A_442 = arith.sitofp %parallel_loop3A_441 : vector<16xi32> to vector<16xf32>
          %parallel_loop3A_443 = arith.subf %parallel_loop3A_440, %parallel_loop3A_442 : vector<16xf32>
          %parallel_loop3A_444 = tpu.vector_load_idx %arg16[%parallel_loop3A_441] : memref<2064xf32, #tpu.memory_space<vmem>>[vector<16xi32>], vector<16xf32>,
          %parallel_loop3A_445 = arith.constant 1 : i32
          %parallel_loop3A_446 = vector.broadcast %parallel_loop3A_445 : i32 to vector<16xi32>
          %parallel_loop3A_447 = arith.addi %parallel_loop3A_441, %parallel_loop3A_446 : vector<16xi32>
          %parallel_loop3A_448 = tpu.vector_load_idx %arg16[%parallel_loop3A_447] : memref<2064xf32, #tpu.memory_space<vmem>>[vector<16xi32>], vector<16xf32>,
          %parallel_loop3A_449 = arith.subf %parallel_loop3A_448, %parallel_loop3A_444 : vector<16xf32>
          %parallel_loop3A_450 = arith.mulf %parallel_loop3A_443, %parallel_loop3A_449 : vector<16xf32>
          %parallel_loop3A_451 = arith.addf %parallel_loop3A_444, %parallel_loop3A_450 : vector<16xf32>
          %parallel_loop3A_452 = arith.mulf %parallel_loop3A_428, %parallel_loop3A_451 : vector<16xf32>
          %parallel_loop3A_453 = arith.index_cast %rem3A_281 : i32 to index
          %parallel_loop3A_454 = arith.index_cast %parallel_loop3A_370 : i32 to index
          %parallel_loop3A_455 = arith.constant 16 : index
          %parallel_loop3A_456 = tpu.vector_load %arg14[%parallel_loop3A_453, %parallel_loop3A_454, %parallel_loop3A_455] {strides = array<i32>} : memref<2x40x144xf32, #tpu.memory_space<vmem>>, vector<16xf32>,
          tpu.vector_store %arg14[%parallel_loop3A_453, %parallel_loop3A_454, %parallel_loop3A_455], %parallel_loop3A_452 {strides = array<i32>} : memref<2x40x144xf32, #tpu.memory_space<vmem>>, vector<16xf32>,
          %parallel_loop3A_457 = arith.index_cast %rem3A_281 : i32 to index
          %parallel_loop3A_458 = arith.index_cast %parallel_loop3A_370 : i32 to index
          %parallel_loop3A_459 = arith.constant 32 : index
          %parallel_loop3A_460 = tpu.vector_load %arg12[%parallel_loop3A_457, %parallel_loop3A_458, %parallel_loop3A_459] {strides = array<i32>} : memref<2x40x128xf32, #tpu.memory_space<vmem>>, vector<16xf32>,
          %parallel_loop3A_461 = arith.index_cast %rem3A_281 : i32 to index
          %parallel_loop3A_462 = arith.index_cast %parallel_loop3A_370 : i32 to index
          %parallel_loop3A_463 = arith.constant 32 : index
          %parallel_loop3A_464 = tpu.vector_load %arg13[%parallel_loop3A_461, %parallel_loop3A_462, %parallel_loop3A_463] {strides = array<i32>} : memref<2x40x128xf32, #tpu.memory_space<vmem>>, vector<16xf32>,
          %parallel_loop3A_465 = arith.addf %parallel_loop3A_460, %parallel_loop3A_464 : vector<16xf32>
          %parallel_loop3A_466 = vector.broadcast %parallel_loop3A_376 : f32 to vector<16xf32>
          %parallel_loop3A_467 = arith.mulf %parallel_loop3A_466, %get3A_345 : vector<16xf32>
          %parallel_loop3A_468 = arith.addf %parallel_loop3A_465, %parallel_loop3A_467 : vector<16xf32>
          %parallel_loop3A_469 = arith.constant 6.400000e+01 : f32
          %parallel_loop3A_470 = vector.broadcast %parallel_loop3A_469 : f32 to vector<16xf32>
          %parallel_loop3A_471 = arith.mulf %parallel_loop3A_468, %parallel_loop3A_470 : vector<16xf32>
          %parallel_loop3A_472 = arith.constant 1.024000e+03 : f32
          %parallel_loop3A_473 = vector.broadcast %parallel_loop3A_472 : f32 to vector<16xf32>
          %parallel_loop3A_474 = arith.addf %parallel_loop3A_471, %parallel_loop3A_473 : vector<16xf32>
          %parallel_loop3A_475 = arith.constant 0.000000e+00 : f32
          %parallel_loop3A_476 = vector.broadcast %parallel_loop3A_475 : f32 to vector<16xf32>
          %parallel_loop3A_477 = arith.maximumf %parallel_loop3A_474, %parallel_loop3A_476 : vector<16xf32>
          %parallel_loop3A_478 = arith.constant 2.047000e+03 : f32
          %parallel_loop3A_479 = vector.broadcast %parallel_loop3A_478 : f32 to vector<16xf32>
          %parallel_loop3A_480 = arith.minimumf %parallel_loop3A_477, %parallel_loop3A_479 : vector<16xf32>
          %parallel_loop3A_481 = arith.fptosi %parallel_loop3A_480 : vector<16xf32> to vector<16xi32>
          %parallel_loop3A_482 = arith.sitofp %parallel_loop3A_481 : vector<16xi32> to vector<16xf32>
          %parallel_loop3A_483 = arith.subf %parallel_loop3A_480, %parallel_loop3A_482 : vector<16xf32>
          %parallel_loop3A_484 = tpu.vector_load_idx %arg16[%parallel_loop3A_481] : memref<2064xf32, #tpu.memory_space<vmem>>[vector<16xi32>], vector<16xf32>,
          %parallel_loop3A_485 = arith.constant 1 : i32
          %parallel_loop3A_486 = vector.broadcast %parallel_loop3A_485 : i32 to vector<16xi32>
          %parallel_loop3A_487 = arith.addi %parallel_loop3A_481, %parallel_loop3A_486 : vector<16xi32>
          %parallel_loop3A_488 = tpu.vector_load_idx %arg16[%parallel_loop3A_487] : memref<2064xf32, #tpu.memory_space<vmem>>[vector<16xi32>], vector<16xf32>,
          %parallel_loop3A_489 = arith.subf %parallel_loop3A_488, %parallel_loop3A_484 : vector<16xf32>
          %parallel_loop3A_490 = arith.mulf %parallel_loop3A_483, %parallel_loop3A_489 : vector<16xf32>
          %parallel_loop3A_491 = arith.addf %parallel_loop3A_484, %parallel_loop3A_490 : vector<16xf32>
          %parallel_loop3A_492 = arith.mulf %parallel_loop3A_468, %parallel_loop3A_491 : vector<16xf32>
          %parallel_loop3A_493 = arith.index_cast %rem3A_281 : i32 to index
          %parallel_loop3A_494 = arith.index_cast %parallel_loop3A_370 : i32 to index
          %parallel_loop3A_495 = arith.constant 32 : index
          %parallel_loop3A_496 = tpu.vector_load %arg14[%parallel_loop3A_493, %parallel_loop3A_494, %parallel_loop3A_495] {strides = array<i32>} : memref<2x40x144xf32, #tpu.memory_space<vmem>>, vector<16xf32>,
          tpu.vector_store %arg14[%parallel_loop3A_493, %parallel_loop3A_494, %parallel_loop3A_495], %parallel_loop3A_492 {strides = array<i32>} : memref<2x40x144xf32, #tpu.memory_space<vmem>>, vector<16xf32>,
          %parallel_loop3A_497 = arith.index_cast %rem3A_281 : i32 to index
          %parallel_loop3A_498 = arith.index_cast %parallel_loop3A_370 : i32 to index
          %parallel_loop3A_499 = arith.constant 48 : index
          %parallel_loop3A_500 = tpu.vector_load %arg12[%parallel_loop3A_497, %parallel_loop3A_498, %parallel_loop3A_499] {strides = array<i32>} : memref<2x40x128xf32, #tpu.memory_space<vmem>>, vector<16xf32>,
          %parallel_loop3A_501 = arith.index_cast %rem3A_281 : i32 to index
          %parallel_loop3A_502 = arith.index_cast %parallel_loop3A_370 : i32 to index
          %parallel_loop3A_503 = arith.constant 48 : index
          %parallel_loop3A_504 = tpu.vector_load %arg13[%parallel_loop3A_501, %parallel_loop3A_502, %parallel_loop3A_503] {strides = array<i32>} : memref<2x40x128xf32, #tpu.memory_space<vmem>>, vector<16xf32>,
          %parallel_loop3A_505 = arith.addf %parallel_loop3A_500, %parallel_loop3A_504 : vector<16xf32>
          %parallel_loop3A_506 = vector.broadcast %parallel_loop3A_376 : f32 to vector<16xf32>
          %parallel_loop3A_507 = arith.mulf %parallel_loop3A_506, %get3A_347 : vector<16xf32>
          %parallel_loop3A_508 = arith.addf %parallel_loop3A_505, %parallel_loop3A_507 : vector<16xf32>
          %parallel_loop3A_509 = arith.constant 6.400000e+01 : f32
          %parallel_loop3A_510 = vector.broadcast %parallel_loop3A_509 : f32 to vector<16xf32>
          %parallel_loop3A_511 = arith.mulf %parallel_loop3A_508, %parallel_loop3A_510 : vector<16xf32>
          %parallel_loop3A_512 = arith.constant 1.024000e+03 : f32
          %parallel_loop3A_513 = vector.broadcast %parallel_loop3A_512 : f32 to vector<16xf32>
          %parallel_loop3A_514 = arith.addf %parallel_loop3A_511, %parallel_loop3A_513 : vector<16xf32>
          %parallel_loop3A_515 = arith.constant 0.000000e+00 : f32
          %parallel_loop3A_516 = vector.broadcast %parallel_loop3A_515 : f32 to vector<16xf32>
          %parallel_loop3A_517 = arith.maximumf %parallel_loop3A_514, %parallel_loop3A_516 : vector<16xf32>
          %parallel_loop3A_518 = arith.constant 2.047000e+03 : f32
          %parallel_loop3A_519 = vector.broadcast %parallel_loop3A_518 : f32 to vector<16xf32>
          %parallel_loop3A_520 = arith.minimumf %parallel_loop3A_517, %parallel_loop3A_519 : vector<16xf32>
          %parallel_loop3A_521 = arith.fptosi %parallel_loop3A_520 : vector<16xf32> to vector<16xi32>
          %parallel_loop3A_522 = arith.sitofp %parallel_loop3A_521 : vector<16xi32> to vector<16xf32>
          %parallel_loop3A_523 = arith.subf %parallel_loop3A_520, %parallel_loop3A_522 : vector<16xf32>
          %parallel_loop3A_524 = tpu.vector_load_idx %arg16[%parallel_loop3A_521] : memref<2064xf32, #tpu.memory_space<vmem>>[vector<16xi32>], vector<16xf32>,
          %parallel_loop3A_525 = arith.constant 1 : i32
          %parallel_loop3A_526 = vector.broadcast %parallel_loop3A_525 : i32 to vector<16xi32>
          %parallel_loop3A_527 = arith.addi %parallel_loop3A_521, %parallel_loop3A_526 : vector<16xi32>
          %parallel_loop3A_528 = tpu.vector_load_idx %arg16[%parallel_loop3A_527] : memref<2064xf32, #tpu.memory_space<vmem>>[vector<16xi32>], vector<16xf32>,
          %parallel_loop3A_529 = arith.subf %parallel_loop3A_528, %parallel_loop3A_524 : vector<16xf32>
          %parallel_loop3A_530 = arith.mulf %parallel_loop3A_523, %parallel_loop3A_529 : vector<16xf32>
          %parallel_loop3A_531 = arith.addf %parallel_loop3A_524, %parallel_loop3A_530 : vector<16xf32>
          %parallel_loop3A_532 = arith.mulf %parallel_loop3A_508, %parallel_loop3A_531 : vector<16xf32>
          %parallel_loop3A_533 = arith.index_cast %rem3A_281 : i32 to index
          %parallel_loop3A_534 = arith.index_cast %parallel_loop3A_370 : i32 to index
          %parallel_loop3A_535 = arith.constant 48 : index
          %parallel_loop3A_536 = tpu.vector_load %arg14[%parallel_loop3A_533, %parallel_loop3A_534, %parallel_loop3A_535] {strides = array<i32>} : memref<2x40x144xf32, #tpu.memory_space<vmem>>, vector<16xf32>,
          tpu.vector_store %arg14[%parallel_loop3A_533, %parallel_loop3A_534, %parallel_loop3A_535], %parallel_loop3A_532 {strides = array<i32>} : memref<2x40x144xf32, #tpu.memory_space<vmem>>, vector<16xf32>,
          %parallel_loop3A_537 = arith.index_cast %rem3A_281 : i32 to index
          %parallel_loop3A_538 = arith.index_cast %parallel_loop3A_370 : i32 to index
          %parallel_loop3A_539 = arith.constant 64 : index
          %parallel_loop3A_540 = tpu.vector_load %arg12[%parallel_loop3A_537, %parallel_loop3A_538, %parallel_loop3A_539] {strides = array<i32>} : memref<2x40x128xf32, #tpu.memory_space<vmem>>, vector<16xf32>,
          %parallel_loop3A_541 = arith.index_cast %rem3A_281 : i32 to index
          %parallel_loop3A_542 = arith.index_cast %parallel_loop3A_370 : i32 to index
          %parallel_loop3A_543 = arith.constant 64 : index
          %parallel_loop3A_544 = tpu.vector_load %arg13[%parallel_loop3A_541, %parallel_loop3A_542, %parallel_loop3A_543] {strides = array<i32>} : memref<2x40x128xf32, #tpu.memory_space<vmem>>, vector<16xf32>,
          %parallel_loop3A_545 = arith.addf %parallel_loop3A_540, %parallel_loop3A_544 : vector<16xf32>
          %parallel_loop3A_546 = vector.broadcast %parallel_loop3A_376 : f32 to vector<16xf32>
          %parallel_loop3A_547 = arith.mulf %parallel_loop3A_546, %get3A_349 : vector<16xf32>
          %parallel_loop3A_548 = arith.addf %parallel_loop3A_545, %parallel_loop3A_547 : vector<16xf32>
          %parallel_loop3A_549 = arith.constant 6.400000e+01 : f32
          %parallel_loop3A_550 = vector.broadcast %parallel_loop3A_549 : f32 to vector<16xf32>
          %parallel_loop3A_551 = arith.mulf %parallel_loop3A_548, %parallel_loop3A_550 : vector<16xf32>
          %parallel_loop3A_552 = arith.constant 1.024000e+03 : f32
          %parallel_loop3A_553 = vector.broadcast %parallel_loop3A_552 : f32 to vector<16xf32>
          %parallel_loop3A_554 = arith.addf %parallel_loop3A_551, %parallel_loop3A_553 : vector<16xf32>
          %parallel_loop3A_555 = arith.constant 0.000000e+00 : f32
          %parallel_loop3A_556 = vector.broadcast %parallel_loop3A_555 : f32 to vector<16xf32>
          %parallel_loop3A_557 = arith.maximumf %parallel_loop3A_554, %parallel_loop3A_556 : vector<16xf32>
          %parallel_loop3A_558 = arith.constant 2.047000e+03 : f32
          %parallel_loop3A_559 = vector.broadcast %parallel_loop3A_558 : f32 to vector<16xf32>
          %parallel_loop3A_560 = arith.minimumf %parallel_loop3A_557, %parallel_loop3A_559 : vector<16xf32>
          %parallel_loop3A_561 = arith.fptosi %parallel_loop3A_560 : vector<16xf32> to vector<16xi32>
          %parallel_loop3A_562 = arith.sitofp %parallel_loop3A_561 : vector<16xi32> to vector<16xf32>
          %parallel_loop3A_563 = arith.subf %parallel_loop3A_560, %parallel_loop3A_562 : vector<16xf32>
          %parallel_loop3A_564 = tpu.vector_load_idx %arg16[%parallel_loop3A_561] : memref<2064xf32, #tpu.memory_space<vmem>>[vector<16xi32>], vector<16xf32>,
          %parallel_loop3A_565 = arith.constant 1 : i32
          %parallel_loop3A_566 = vector.broadcast %parallel_loop3A_565 : i32 to vector<16xi32>
          %parallel_loop3A_567 = arith.addi %parallel_loop3A_561, %parallel_loop3A_566 : vector<16xi32>
          %parallel_loop3A_568 = tpu.vector_load_idx %arg16[%parallel_loop3A_567] : memref<2064xf32, #tpu.memory_space<vmem>>[vector<16xi32>], vector<16xf32>,
          %parallel_loop3A_569 = arith.subf %parallel_loop3A_568, %parallel_loop3A_564 : vector<16xf32>
          %parallel_loop3A_570 = arith.mulf %parallel_loop3A_563, %parallel_loop3A_569 : vector<16xf32>
          %parallel_loop3A_571 = arith.addf %parallel_loop3A_564, %parallel_loop3A_570 : vector<16xf32>
          %parallel_loop3A_572 = arith.mulf %parallel_loop3A_548, %parallel_loop3A_571 : vector<16xf32>
          %parallel_loop3A_573 = arith.index_cast %rem3A_281 : i32 to index
          %parallel_loop3A_574 = arith.index_cast %parallel_loop3A_370 : i32 to index
          %parallel_loop3A_575 = arith.constant 64 : index
          %parallel_loop3A_576 = tpu.vector_load %arg14[%parallel_loop3A_573, %parallel_loop3A_574, %parallel_loop3A_575] {strides = array<i32>} : memref<2x40x144xf32, #tpu.memory_space<vmem>>, vector<16xf32>,
          tpu.vector_store %arg14[%parallel_loop3A_573, %parallel_loop3A_574, %parallel_loop3A_575], %parallel_loop3A_572 {strides = array<i32>} : memref<2x40x144xf32, #tpu.memory_space<vmem>>, vector<16xf32>,
          %parallel_loop3A_577 = arith.index_cast %rem3A_281 : i32 to index
          %parallel_loop3A_578 = arith.index_cast %parallel_loop3A_370 : i32 to index
          %parallel_loop3A_579 = arith.constant 80 : index
          %parallel_loop3A_580 = tpu.vector_load %arg12[%parallel_loop3A_577, %parallel_loop3A_578, %parallel_loop3A_579] {strides = array<i32>} : memref<2x40x128xf32, #tpu.memory_space<vmem>>, vector<16xf32>,
          %parallel_loop3A_581 = arith.index_cast %rem3A_281 : i32 to index
          %parallel_loop3A_582 = arith.index_cast %parallel_loop3A_370 : i32 to index
          %parallel_loop3A_583 = arith.constant 80 : index
          %parallel_loop3A_584 = tpu.vector_load %arg13[%parallel_loop3A_581, %parallel_loop3A_582, %parallel_loop3A_583] {strides = array<i32>} : memref<2x40x128xf32, #tpu.memory_space<vmem>>, vector<16xf32>,
          %parallel_loop3A_585 = arith.addf %parallel_loop3A_580, %parallel_loop3A_584 : vector<16xf32>
          %parallel_loop3A_586 = vector.broadcast %parallel_loop3A_376 : f32 to vector<16xf32>
          %parallel_loop3A_587 = arith.mulf %parallel_loop3A_586, %get3A_351 : vector<16xf32>
          %parallel_loop3A_588 = arith.addf %parallel_loop3A_585, %parallel_loop3A_587 : vector<16xf32>
          %parallel_loop3A_589 = arith.constant 6.400000e+01 : f32
          %parallel_loop3A_590 = vector.broadcast %parallel_loop3A_589 : f32 to vector<16xf32>
          %parallel_loop3A_591 = arith.mulf %parallel_loop3A_588, %parallel_loop3A_590 : vector<16xf32>
          %parallel_loop3A_592 = arith.constant 1.024000e+03 : f32
          %parallel_loop3A_593 = vector.broadcast %parallel_loop3A_592 : f32 to vector<16xf32>
          %parallel_loop3A_594 = arith.addf %parallel_loop3A_591, %parallel_loop3A_593 : vector<16xf32>
          %parallel_loop3A_595 = arith.constant 0.000000e+00 : f32
          %parallel_loop3A_596 = vector.broadcast %parallel_loop3A_595 : f32 to vector<16xf32>
          %parallel_loop3A_597 = arith.maximumf %parallel_loop3A_594, %parallel_loop3A_596 : vector<16xf32>
          %parallel_loop3A_598 = arith.constant 2.047000e+03 : f32
          %parallel_loop3A_599 = vector.broadcast %parallel_loop3A_598 : f32 to vector<16xf32>
          %parallel_loop3A_600 = arith.minimumf %parallel_loop3A_597, %parallel_loop3A_599 : vector<16xf32>
          %parallel_loop3A_601 = arith.fptosi %parallel_loop3A_600 : vector<16xf32> to vector<16xi32>
          %parallel_loop3A_602 = arith.sitofp %parallel_loop3A_601 : vector<16xi32> to vector<16xf32>
          %parallel_loop3A_603 = arith.subf %parallel_loop3A_600, %parallel_loop3A_602 : vector<16xf32>
          %parallel_loop3A_604 = tpu.vector_load_idx %arg16[%parallel_loop3A_601] : memref<2064xf32, #tpu.memory_space<vmem>>[vector<16xi32>], vector<16xf32>,
          %parallel_loop3A_605 = arith.constant 1 : i32
          %parallel_loop3A_606 = vector.broadcast %parallel_loop3A_605 : i32 to vector<16xi32>
          %parallel_loop3A_607 = arith.addi %parallel_loop3A_601, %parallel_loop3A_606 : vector<16xi32>
          %parallel_loop3A_608 = tpu.vector_load_idx %arg16[%parallel_loop3A_607] : memref<2064xf32, #tpu.memory_space<vmem>>[vector<16xi32>], vector<16xf32>,
          %parallel_loop3A_609 = arith.subf %parallel_loop3A_608, %parallel_loop3A_604 : vector<16xf32>
          %parallel_loop3A_610 = arith.mulf %parallel_loop3A_603, %parallel_loop3A_609 : vector<16xf32>
          %parallel_loop3A_611 = arith.addf %parallel_loop3A_604, %parallel_loop3A_610 : vector<16xf32>
          %parallel_loop3A_612 = arith.mulf %parallel_loop3A_588, %parallel_loop3A_611 : vector<16xf32>
          %parallel_loop3A_613 = arith.index_cast %rem3A_281 : i32 to index
          %parallel_loop3A_614 = arith.index_cast %parallel_loop3A_370 : i32 to index
          %parallel_loop3A_615 = arith.constant 80 : index
          %parallel_loop3A_616 = tpu.vector_load %arg14[%parallel_loop3A_613, %parallel_loop3A_614, %parallel_loop3A_615] {strides = array<i32>} : memref<2x40x144xf32, #tpu.memory_space<vmem>>, vector<16xf32>,
          tpu.vector_store %arg14[%parallel_loop3A_613, %parallel_loop3A_614, %parallel_loop3A_615], %parallel_loop3A_612 {strides = array<i32>} : memref<2x40x144xf32, #tpu.memory_space<vmem>>, vector<16xf32>,
          %parallel_loop3A_617 = arith.index_cast %rem3A_281 : i32 to index
          %parallel_loop3A_618 = arith.index_cast %parallel_loop3A_370 : i32 to index
          %parallel_loop3A_619 = arith.constant 96 : index
          %parallel_loop3A_620 = tpu.vector_load %arg12[%parallel_loop3A_617, %parallel_loop3A_618, %parallel_loop3A_619] {strides = array<i32>} : memref<2x40x128xf32, #tpu.memory_space<vmem>>, vector<16xf32>,
          %parallel_loop3A_621 = arith.index_cast %rem3A_281 : i32 to index
          %parallel_loop3A_622 = arith.index_cast %parallel_loop3A_370 : i32 to index
          %parallel_loop3A_623 = arith.constant 96 : index
          %parallel_loop3A_624 = tpu.vector_load %arg13[%parallel_loop3A_621, %parallel_loop3A_622, %parallel_loop3A_623] {strides = array<i32>} : memref<2x40x128xf32, #tpu.memory_space<vmem>>, vector<16xf32>,
          %parallel_loop3A_625 = arith.addf %parallel_loop3A_620, %parallel_loop3A_624 : vector<16xf32>
          %parallel_loop3A_626 = vector.broadcast %parallel_loop3A_376 : f32 to vector<16xf32>
          %parallel_loop3A_627 = arith.mulf %parallel_loop3A_626, %get3A_353 : vector<16xf32>
          %parallel_loop3A_628 = arith.addf %parallel_loop3A_625, %parallel_loop3A_627 : vector<16xf32>
          %parallel_loop3A_629 = arith.constant 6.400000e+01 : f32
          %parallel_loop3A_630 = vector.broadcast %parallel_loop3A_629 : f32 to vector<16xf32>
          %parallel_loop3A_631 = arith.mulf %parallel_loop3A_628, %parallel_loop3A_630 : vector<16xf32>
          %parallel_loop3A_632 = arith.constant 1.024000e+03 : f32
          %parallel_loop3A_633 = vector.broadcast %parallel_loop3A_632 : f32 to vector<16xf32>
          %parallel_loop3A_634 = arith.addf %parallel_loop3A_631, %parallel_loop3A_633 : vector<16xf32>
          %parallel_loop3A_635 = arith.constant 0.000000e+00 : f32
          %parallel_loop3A_636 = vector.broadcast %parallel_loop3A_635 : f32 to vector<16xf32>
          %parallel_loop3A_637 = arith.maximumf %parallel_loop3A_634, %parallel_loop3A_636 : vector<16xf32>
          %parallel_loop3A_638 = arith.constant 2.047000e+03 : f32
          %parallel_loop3A_639 = vector.broadcast %parallel_loop3A_638 : f32 to vector<16xf32>
          %parallel_loop3A_640 = arith.minimumf %parallel_loop3A_637, %parallel_loop3A_639 : vector<16xf32>
          %parallel_loop3A_641 = arith.fptosi %parallel_loop3A_640 : vector<16xf32> to vector<16xi32>
          %parallel_loop3A_642 = arith.sitofp %parallel_loop3A_641 : vector<16xi32> to vector<16xf32>
          %parallel_loop3A_643 = arith.subf %parallel_loop3A_640, %parallel_loop3A_642 : vector<16xf32>
          %parallel_loop3A_644 = tpu.vector_load_idx %arg16[%parallel_loop3A_641] : memref<2064xf32, #tpu.memory_space<vmem>>[vector<16xi32>], vector<16xf32>,
          %parallel_loop3A_645 = arith.constant 1 : i32
          %parallel_loop3A_646 = vector.broadcast %parallel_loop3A_645 : i32 to vector<16xi32>
          %parallel_loop3A_647 = arith.addi %parallel_loop3A_641, %parallel_loop3A_646 : vector<16xi32>
          %parallel_loop3A_648 = tpu.vector_load_idx %arg16[%parallel_loop3A_647] : memref<2064xf32, #tpu.memory_space<vmem>>[vector<16xi32>], vector<16xf32>,
          %parallel_loop3A_649 = arith.subf %parallel_loop3A_648, %parallel_loop3A_644 : vector<16xf32>
          %parallel_loop3A_650 = arith.mulf %parallel_loop3A_643, %parallel_loop3A_649 : vector<16xf32>
          %parallel_loop3A_651 = arith.addf %parallel_loop3A_644, %parallel_loop3A_650 : vector<16xf32>
          %parallel_loop3A_652 = arith.mulf %parallel_loop3A_628, %parallel_loop3A_651 : vector<16xf32>
          %parallel_loop3A_653 = arith.index_cast %rem3A_281 : i32 to index
          %parallel_loop3A_654 = arith.index_cast %parallel_loop3A_370 : i32 to index
          %parallel_loop3A_655 = arith.constant 96 : index
          %parallel_loop3A_656 = tpu.vector_load %arg14[%parallel_loop3A_653, %parallel_loop3A_654, %parallel_loop3A_655] {strides = array<i32>} : memref<2x40x144xf32, #tpu.memory_space<vmem>>, vector<16xf32>,
          tpu.vector_store %arg14[%parallel_loop3A_653, %parallel_loop3A_654, %parallel_loop3A_655], %parallel_loop3A_652 {strides = array<i32>} : memref<2x40x144xf32, #tpu.memory_space<vmem>>, vector<16xf32>,
          %parallel_loop3A_657 = arith.index_cast %rem3A_281 : i32 to index
          %parallel_loop3A_658 = arith.index_cast %parallel_loop3A_370 : i32 to index
          %parallel_loop3A_659 = arith.constant 112 : index
          %parallel_loop3A_660 = tpu.vector_load %arg12[%parallel_loop3A_657, %parallel_loop3A_658, %parallel_loop3A_659] {strides = array<i32>} : memref<2x40x128xf32, #tpu.memory_space<vmem>>, vector<16xf32>,
          %parallel_loop3A_661 = arith.index_cast %rem3A_281 : i32 to index
          %parallel_loop3A_662 = arith.index_cast %parallel_loop3A_370 : i32 to index
          %parallel_loop3A_663 = arith.constant 112 : index
          %parallel_loop3A_664 = tpu.vector_load %arg13[%parallel_loop3A_661, %parallel_loop3A_662, %parallel_loop3A_663] {strides = array<i32>} : memref<2x40x128xf32, #tpu.memory_space<vmem>>, vector<16xf32>,
          %parallel_loop3A_665 = arith.addf %parallel_loop3A_660, %parallel_loop3A_664 : vector<16xf32>
          %parallel_loop3A_666 = vector.broadcast %parallel_loop3A_376 : f32 to vector<16xf32>
          %parallel_loop3A_667 = arith.mulf %parallel_loop3A_666, %get3A_355 : vector<16xf32>
          %parallel_loop3A_668 = arith.addf %parallel_loop3A_665, %parallel_loop3A_667 : vector<16xf32>
          %parallel_loop3A_669 = arith.constant 6.400000e+01 : f32
          %parallel_loop3A_670 = vector.broadcast %parallel_loop3A_669 : f32 to vector<16xf32>
          %parallel_loop3A_671 = arith.mulf %parallel_loop3A_668, %parallel_loop3A_670 : vector<16xf32>
          %parallel_loop3A_672 = arith.constant 1.024000e+03 : f32
          %parallel_loop3A_673 = vector.broadcast %parallel_loop3A_672 : f32 to vector<16xf32>
          %parallel_loop3A_674 = arith.addf %parallel_loop3A_671, %parallel_loop3A_673 : vector<16xf32>
          %parallel_loop3A_675 = arith.constant 0.000000e+00 : f32
          %parallel_loop3A_676 = vector.broadcast %parallel_loop3A_675 : f32 to vector<16xf32>
          %parallel_loop3A_677 = arith.maximumf %parallel_loop3A_674, %parallel_loop3A_676 : vector<16xf32>
          %parallel_loop3A_678 = arith.constant 2.047000e+03 : f32
          %parallel_loop3A_679 = vector.broadcast %parallel_loop3A_678 : f32 to vector<16xf32>
          %parallel_loop3A_680 = arith.minimumf %parallel_loop3A_677, %parallel_loop3A_679 : vector<16xf32>
          %parallel_loop3A_681 = arith.fptosi %parallel_loop3A_680 : vector<16xf32> to vector<16xi32>
          %parallel_loop3A_682 = arith.sitofp %parallel_loop3A_681 : vector<16xi32> to vector<16xf32>
          %parallel_loop3A_683 = arith.subf %parallel_loop3A_680, %parallel_loop3A_682 : vector<16xf32>
          %parallel_loop3A_684 = tpu.vector_load_idx %arg16[%parallel_loop3A_681] : memref<2064xf32, #tpu.memory_space<vmem>>[vector<16xi32>], vector<16xf32>,
          %parallel_loop3A_685 = arith.constant 1 : i32
          %parallel_loop3A_686 = vector.broadcast %parallel_loop3A_685 : i32 to vector<16xi32>
          %parallel_loop3A_687 = arith.addi %parallel_loop3A_681, %parallel_loop3A_686 : vector<16xi32>
          %parallel_loop3A_688 = tpu.vector_load_idx %arg16[%parallel_loop3A_687] : memref<2064xf32, #tpu.memory_space<vmem>>[vector<16xi32>], vector<16xf32>,
          %parallel_loop3A_689 = arith.subf %parallel_loop3A_688, %parallel_loop3A_684 : vector<16xf32>
          %parallel_loop3A_690 = arith.mulf %parallel_loop3A_683, %parallel_loop3A_689 : vector<16xf32>
          %parallel_loop3A_691 = arith.addf %parallel_loop3A_684, %parallel_loop3A_690 : vector<16xf32>
          %parallel_loop3A_692 = arith.mulf %parallel_loop3A_668, %parallel_loop3A_691 : vector<16xf32>
          %parallel_loop3A_693 = arith.index_cast %rem3A_281 : i32 to index
          %parallel_loop3A_694 = arith.index_cast %parallel_loop3A_370 : i32 to index
          %parallel_loop3A_695 = arith.constant 112 : index
          %parallel_loop3A_696 = tpu.vector_load %arg14[%parallel_loop3A_693, %parallel_loop3A_694, %parallel_loop3A_695] {strides = array<i32>} : memref<2x40x144xf32, #tpu.memory_space<vmem>>, vector<16xf32>,
          tpu.vector_store %arg14[%parallel_loop3A_693, %parallel_loop3A_694, %parallel_loop3A_695], %parallel_loop3A_692 {strides = array<i32>} : memref<2x40x144xf32, #tpu.memory_space<vmem>>, vector<16xf32>,
        } {sc.loop_unroll_factor = 8 : i64, sc.parallel_access}
        %dma_start3A_358 = arith.constant 0 : i32
        %dma_start3A_359 = arith.constant 0 : i32
        %dma_start3A_360 = tpu.memref_slice %arg14[%rem3A_281, %dma_start3A_358, %dma_start3A_359] : memref<2x40x144xf32, #tpu.memory_space<vmem>> -> memref<1x40x144xf32, #tpu.memory_space<vmem>>
        %dma_start3A_361 = tpu.memref_squeeze %dma_start3A_360 : memref<1x40x144xf32, #tpu.memory_space<vmem>> -> memref<40x144xf32, #tpu.memory_space<vmem>>
        %dma_start3A_362 = arith.constant 0 : i32
        %dma_start3A_363 = tpu.memref_slice %arg10[%rem3A_293, %rem3A_291, %dma_start3A_362] : memref<3x10x40xi32, #tpu.memory_space<vmem>> -> memref<1x1x40xi32, #tpu.memory_space<vmem>>
        %dma_start3A_364 = tpu.memref_squeeze %dma_start3A_363 : memref<1x1x40xi32, #tpu.memory_space<vmem>> -> memref<40xi32, #tpu.memory_space<vmem>>
        %dma_start3A_365 = arith.constant 0 : i32
        %dma_start3A_366 = arith.constant 0 : i32
        %dma_start3A_367 = tpu.memref_slice %arg17[%dma_start3A_365, %dma_start3A_366] : memref<10240x144xf32, #tpu.memory_space<vmem_shared>> -> memref<10240x144xf32, #tpu.memory_space<vmem_shared>>
        %dma_start3A_368 = tpu.memref_slice %arg19[%rem3A_281] : memref<2x!tpu.dma_semaphore, #tpu.memory_space<semaphore_mem>> -> memref<1x!tpu.dma_semaphore, #tpu.memory_space<semaphore_mem>>
        %dma_start3A_369 = tpu.memref_squeeze %dma_start3A_368 : memref<1x!tpu.dma_semaphore, #tpu.memory_space<semaphore_mem>> -> memref<!tpu.dma_semaphore, #tpu.memory_space<semaphore_mem>>
        tpu.enqueue_indirect_dma source(%dma_start3A_361 : memref<40x144xf32, #tpu.memory_space<vmem>>) target(%dma_start3A_367 : memref<10240x144xf32, #tpu.memory_space<vmem_shared>>) offsets(%dma_start3A_364 : memref<40xi32, #tpu.memory_space<vmem>>) semaphore(%dma_start3A_369 : memref<!tpu.dma_semaphore, #tpu.memory_space<semaphore_mem>>) {add = true}
      } else {
      }
      %scan3A_301 = arith.constant 0 : i32
      scf.yield %scan3A_301 : i32
    }
    %scan3A_200 = arith.constant 251 : i32
    %dma_wait3A = arith.constant 0 : i32
    %dma_wait3A_201 = arith.constant 0 : i32
    %dma_wait3A_202 = arith.constant 0 : i32
    %dma_wait3A_203 = arith.constant 0 : i32
    %dma_wait3A_204 = arith.constant 0 : i32
    %dma_wait3A_205 = tpu.memref_slice %arg14[%dma_wait3A_201, %dma_wait3A_203, %dma_wait3A_204] : memref<2x40x144xf32, #tpu.memory_space<vmem>> -> memref<1x40x144xf32, #tpu.memory_space<vmem>>
    %dma_wait3A_206 = tpu.memref_squeeze %dma_wait3A_205 : memref<1x40x144xf32, #tpu.memory_space<vmem>> -> memref<40x144xf32, #tpu.memory_space<vmem>>
    %dma_wait3A_207 = arith.constant 0 : i32
    %dma_wait3A_208 = arith.constant 0 : i32
    %dma_wait3A_209 = tpu.memref_slice %arg8[%dma_wait3A, %dma_wait3A_207, %dma_wait3A_208] : memref<2x10240x144xf32, #tpu.memory_space<hbm>> -> memref<1x40x144xf32, #tpu.memory_space<hbm>>
    %dma_wait3A_210 = tpu.memref_squeeze %dma_wait3A_209 : memref<1x40x144xf32, #tpu.memory_space<hbm>> -> memref<40x144xf32, #tpu.memory_space<hbm>>
    %dma_wait3A_211 = tpu.memref_slice %arg19[%dma_wait3A_202] : memref<2x!tpu.dma_semaphore, #tpu.memory_space<semaphore_mem>> -> memref<1x!tpu.dma_semaphore, #tpu.memory_space<semaphore_mem>>
    %dma_wait3A_212 = tpu.memref_squeeze %dma_wait3A_211 : memref<1x!tpu.dma_semaphore, #tpu.memory_space<semaphore_mem>> -> memref<!tpu.dma_semaphore, #tpu.memory_space<semaphore_mem>>
    %dma_wait3A_213 = arith.constant 0 : i32
    %dma_wait3A_214 = arith.constant 0 : i32
    %dma_wait3A_215 = tpu.memref_slice %arg14[%dma_wait3A_201, %dma_wait3A_213, %dma_wait3A_214] : memref<2x40x144xf32, #tpu.memory_space<vmem>> -> memref<1x40x144xf32, #tpu.memory_space<vmem>>
    %dma_wait3A_216 = tpu.memref_squeeze %dma_wait3A_215 : memref<1x40x144xf32, #tpu.memory_space<vmem>> -> memref<40x144xf32, #tpu.memory_space<vmem>>
    %dma_wait3A_217 = arith.constant 0 : i32
    %dma_wait3A_218 = arith.constant 0 : i32
    %dma_wait3A_219 = tpu.memref_slice %arg8[%dma_wait3A, %dma_wait3A_217, %dma_wait3A_218] : memref<2x10240x144xf32, #tpu.memory_space<hbm>> -> memref<1x40x144xf32, #tpu.memory_space<hbm>>
    %dma_wait3A_220 = tpu.memref_squeeze %dma_wait3A_219 : memref<1x40x144xf32, #tpu.memory_space<hbm>> -> memref<40x144xf32, #tpu.memory_space<hbm>>
    tpu.wait_dma2 semaphore(%dma_wait3A_212 : memref<!tpu.dma_semaphore, #tpu.memory_space<semaphore_mem>>) src(%dma_wait3A_220 : memref<40x144xf32, #tpu.memory_space<hbm>>) dst(%dma_wait3A_216 : memref<40x144xf32, #tpu.memory_space<vmem>>)
    %dma_wait3A_221 = arith.constant 0 : i32
    %dma_wait3A_222 = arith.constant 1 : i32
    %dma_wait3A_223 = arith.constant 1 : i32
    %dma_wait3A_224 = arith.constant 0 : i32
    %dma_wait3A_225 = arith.constant 0 : i32
    %dma_wait3A_226 = tpu.memref_slice %arg14[%dma_wait3A_222, %dma_wait3A_224, %dma_wait3A_225] : memref<2x40x144xf32, #tpu.memory_space<vmem>> -> memref<1x40x144xf32, #tpu.memory_space<vmem>>
    %dma_wait3A_227 = tpu.memref_squeeze %dma_wait3A_226 : memref<1x40x144xf32, #tpu.memory_space<vmem>> -> memref<40x144xf32, #tpu.memory_space<vmem>>
    %dma_wait3A_228 = arith.constant 0 : i32
    %dma_wait3A_229 = arith.constant 0 : i32
    %dma_wait3A_230 = tpu.memref_slice %arg8[%dma_wait3A_221, %dma_wait3A_228, %dma_wait3A_229] : memref<2x10240x144xf32, #tpu.memory_space<hbm>> -> memref<1x40x144xf32, #tpu.memory_space<hbm>>
    %dma_wait3A_231 = tpu.memref_squeeze %dma_wait3A_230 : memref<1x40x144xf32, #tpu.memory_space<hbm>> -> memref<40x144xf32, #tpu.memory_space<hbm>>
    %dma_wait3A_232 = tpu.memref_slice %arg19[%dma_wait3A_223] : memref<2x!tpu.dma_semaphore, #tpu.memory_space<semaphore_mem>> -> memref<1x!tpu.dma_semaphore, #tpu.memory_space<semaphore_mem>>
    %dma_wait3A_233 = tpu.memref_squeeze %dma_wait3A_232 : memref<1x!tpu.dma_semaphore, #tpu.memory_space<semaphore_mem>> -> memref<!tpu.dma_semaphore, #tpu.memory_space<semaphore_mem>>
    %dma_wait3A_234 = arith.constant 0 : i32
    %dma_wait3A_235 = arith.constant 0 : i32
    %dma_wait3A_236 = tpu.memref_slice %arg14[%dma_wait3A_222, %dma_wait3A_234, %dma_wait3A_235] : memref<2x40x144xf32, #tpu.memory_space<vmem>> -> memref<1x40x144xf32, #tpu.memory_space<vmem>>
    %dma_wait3A_237 = tpu.memref_squeeze %dma_wait3A_236 : memref<1x40x144xf32, #tpu.memory_space<vmem>> -> memref<40x144xf32, #tpu.memory_space<vmem>>
    %dma_wait3A_238 = arith.constant 0 : i32
    %dma_wait3A_239 = arith.constant 0 : i32
    %dma_wait3A_240 = tpu.memref_slice %arg8[%dma_wait3A_221, %dma_wait3A_238, %dma_wait3A_239] : memref<2x10240x144xf32, #tpu.memory_space<hbm>> -> memref<1x40x144xf32, #tpu.memory_space<hbm>>
    %dma_wait3A_241 = tpu.memref_squeeze %dma_wait3A_240 : memref<1x40x144xf32, #tpu.memory_space<hbm>> -> memref<40x144xf32, #tpu.memory_space<hbm>>
    tpu.wait_dma2 semaphore(%dma_wait3A_233 : memref<!tpu.dma_semaphore, #tpu.memory_space<semaphore_mem>>) src(%dma_wait3A_241 : memref<40x144xf32, #tpu.memory_space<hbm>>) dst(%dma_wait3A_237 : memref<40x144xf32, #tpu.memory_space<vmem>>)
    %barrier3A_242 = arith.constant 0 : index
    tpu.barrier barrier_id(%barrier3A_242)
    %add3A_243 = arith.constant 0 : i32
    %add3A_244 = arith.addi %mul3A_125, %add3A_243 : i32
    "tpu.region"() ({
      %run_scoped3A_275 = tpu.sem_alloc : memref<!tpu.dma_semaphore, #tpu.memory_space<semaphore_mem>>
      %dma_start3A_276 = arith.constant 0 : i32
      %dma_start3A_277 = tpu.memref_slice %arg8[%arg0, %add3A_244, %dma_start3A_276] : memref<2x10240x144xf32, #tpu.memory_space<hbm>> -> memref<1x40x144xf32, #tpu.memory_space<hbm>>
      %dma_start3A_278 = tpu.memref_squeeze %dma_start3A_277 : memref<1x40x144xf32, #tpu.memory_space<hbm>> -> memref<40x144xf32, #tpu.memory_space<hbm>>
      %dma_start3A_279 = arith.constant 0 : i32
      %dma_start3A_280 = tpu.memref_slice %arg17[%add3A_244, %dma_start3A_279] : memref<10240x144xf32, #tpu.memory_space<vmem_shared>> -> memref<40x144xf32, #tpu.memory_space<vmem_shared>>
      tpu.enqueue_dma source(%dma_start3A_280 : memref<40x144xf32, #tpu.memory_space<vmem_shared>>) target(%dma_start3A_278 : memref<40x144xf32, #tpu.memory_space<hbm>>) target_semaphore(%run_scoped3A_275 : memref<!tpu.dma_semaphore, #tpu.memory_space<semaphore_mem>>)
      %dma_wait3A_281 = arith.constant 0 : i32
      %dma_wait3A_282 = tpu.memref_slice %arg8[%arg0, %add3A_244, %dma_wait3A_281] : memref<2x10240x144xf32, #tpu.memory_space<hbm>> -> memref<1x40x144xf32, #tpu.memory_space<hbm>>
      %dma_wait3A_283 = tpu.memref_squeeze %dma_wait3A_282 : memref<1x40x144xf32, #tpu.memory_space<hbm>> -> memref<40x144xf32, #tpu.memory_space<hbm>>
      %dma_wait3A_284 = arith.constant 0 : i32
      %dma_wait3A_285 = tpu.memref_slice %arg17[%add3A_244, %dma_wait3A_284] : memref<10240x144xf32, #tpu.memory_space<vmem_shared>> -> memref<40x144xf32, #tpu.memory_space<vmem_shared>>
      tpu.wait_dma2 semaphore(%run_scoped3A_275 : memref<!tpu.dma_semaphore, #tpu.memory_space<semaphore_mem>>) src(%dma_wait3A_285 : memref<40x144xf32, #tpu.memory_space<vmem_shared>>) dst(%dma_wait3A_283 : memref<40x144xf32, #tpu.memory_space<hbm>>)
      tpu.yield
    }) : () -> ()
    %add3A_245 = arith.constant 40 : i32
    %add3A_246 = arith.addi %mul3A_125, %add3A_245 : i32
    "tpu.region"() ({
      %run_scoped3A_275 = tpu.sem_alloc : memref<!tpu.dma_semaphore, #tpu.memory_space<semaphore_mem>>
      %dma_start3A_276 = arith.constant 0 : i32
      %dma_start3A_277 = tpu.memref_slice %arg8[%arg0, %add3A_246, %dma_start3A_276] : memref<2x10240x144xf32, #tpu.memory_space<hbm>> -> memref<1x40x144xf32, #tpu.memory_space<hbm>>
      %dma_start3A_278 = tpu.memref_squeeze %dma_start3A_277 : memref<1x40x144xf32, #tpu.memory_space<hbm>> -> memref<40x144xf32, #tpu.memory_space<hbm>>
      %dma_start3A_279 = arith.constant 0 : i32
      %dma_start3A_280 = tpu.memref_slice %arg17[%add3A_246, %dma_start3A_279] : memref<10240x144xf32, #tpu.memory_space<vmem_shared>> -> memref<40x144xf32, #tpu.memory_space<vmem_shared>>
      tpu.enqueue_dma source(%dma_start3A_280 : memref<40x144xf32, #tpu.memory_space<vmem_shared>>) target(%dma_start3A_278 : memref<40x144xf32, #tpu.memory_space<hbm>>) target_semaphore(%run_scoped3A_275 : memref<!tpu.dma_semaphore, #tpu.memory_space<semaphore_mem>>)
      %dma_wait3A_281 = arith.constant 0 : i32
      %dma_wait3A_282 = tpu.memref_slice %arg8[%arg0, %add3A_246, %dma_wait3A_281] : memref<2x10240x144xf32, #tpu.memory_space<hbm>> -> memref<1x40x144xf32, #tpu.memory_space<hbm>>
      %dma_wait3A_283 = tpu.memref_squeeze %dma_wait3A_282 : memref<1x40x144xf32, #tpu.memory_space<hbm>> -> memref<40x144xf32, #tpu.memory_space<hbm>>
      %dma_wait3A_284 = arith.constant 0 : i32
      %dma_wait3A_285 = tpu.memref_slice %arg17[%add3A_246, %dma_wait3A_284] : memref<10240x144xf32, #tpu.memory_space<vmem_shared>> -> memref<40x144xf32, #tpu.memory_space<vmem_shared>>
      tpu.wait_dma2 semaphore(%run_scoped3A_275 : memref<!tpu.dma_semaphore, #tpu.memory_space<semaphore_mem>>) src(%dma_wait3A_285 : memref<40x144xf32, #tpu.memory_space<vmem_shared>>) dst(%dma_wait3A_283 : memref<40x144xf32, #tpu.memory_space<hbm>>)
      tpu.yield
    }) : () -> ()
    %add3A_247 = arith.constant 80 : i32
    %add3A_248 = arith.addi %mul3A_125, %add3A_247 : i32
    "tpu.region"() ({
      %run_scoped3A_275 = tpu.sem_alloc : memref<!tpu.dma_semaphore, #tpu.memory_space<semaphore_mem>>
      %dma_start3A_276 = arith.constant 0 : i32
      %dma_start3A_277 = tpu.memref_slice %arg8[%arg0, %add3A_248, %dma_start3A_276] : memref<2x10240x144xf32, #tpu.memory_space<hbm>> -> memref<1x40x144xf32, #tpu.memory_space<hbm>>
      %dma_start3A_278 = tpu.memref_squeeze %dma_start3A_277 : memref<1x40x144xf32, #tpu.memory_space<hbm>> -> memref<40x144xf32, #tpu.memory_space<hbm>>
      %dma_start3A_279 = arith.constant 0 : i32
      %dma_start3A_280 = tpu.memref_slice %arg17[%add3A_248, %dma_start3A_279] : memref<10240x144xf32, #tpu.memory_space<vmem_shared>> -> memref<40x144xf32, #tpu.memory_space<vmem_shared>>
      tpu.enqueue_dma source(%dma_start3A_280 : memref<40x144xf32, #tpu.memory_space<vmem_shared>>) target(%dma_start3A_278 : memref<40x144xf32, #tpu.memory_space<hbm>>) target_semaphore(%run_scoped3A_275 : memref<!tpu.dma_semaphore, #tpu.memory_space<semaphore_mem>>)
      %dma_wait3A_281 = arith.constant 0 : i32
      %dma_wait3A_282 = tpu.memref_slice %arg8[%arg0, %add3A_248, %dma_wait3A_281] : memref<2x10240x144xf32, #tpu.memory_space<hbm>> -> memref<1x40x144xf32, #tpu.memory_space<hbm>>
      %dma_wait3A_283 = tpu.memref_squeeze %dma_wait3A_282 : memref<1x40x144xf32, #tpu.memory_space<hbm>> -> memref<40x144xf32, #tpu.memory_space<hbm>>
      %dma_wait3A_284 = arith.constant 0 : i32
      %dma_wait3A_285 = tpu.memref_slice %arg17[%add3A_248, %dma_wait3A_284] : memref<10240x144xf32, #tpu.memory_space<vmem_shared>> -> memref<40x144xf32, #tpu.memory_space<vmem_shared>>
      tpu.wait_dma2 semaphore(%run_scoped3A_275 : memref<!tpu.dma_semaphore, #tpu.memory_space<semaphore_mem>>) src(%dma_wait3A_285 : memref<40x144xf32, #tpu.memory_space<vmem_shared>>) dst(%dma_wait3A_283 : memref<40x144xf32, #tpu.memory_space<hbm>>)
      tpu.yield
    }) : () -> ()
    %add3A_249 = arith.constant 120 : i32
    %add3A_250 = arith.addi %mul3A_125, %add3A_249 : i32
    "tpu.region"() ({
      %run_scoped3A_275 = tpu.sem_alloc : memref<!tpu.dma_semaphore, #tpu.memory_space<semaphore_mem>>
      %dma_start3A_276 = arith.constant 0 : i32
      %dma_start3A_277 = tpu.memref_slice %arg8[%arg0, %add3A_250, %dma_start3A_276] : memref<2x10240x144xf32, #tpu.memory_space<hbm>> -> memref<1x40x144xf32, #tpu.memory_space<hbm>>
      %dma_start3A_278 = tpu.memref_squeeze %dma_start3A_277 : memref<1x40x144xf32, #tpu.memory_space<hbm>> -> memref<40x144xf32, #tpu.memory_space<hbm>>
      %dma_start3A_279 = arith.constant 0 : i32
      %dma_start3A_280 = tpu.memref_slice %arg17[%add3A_250, %dma_start3A_279] : memref<10240x144xf32, #tpu.memory_space<vmem_shared>> -> memref<40x144xf32, #tpu.memory_space<vmem_shared>>
      tpu.enqueue_dma source(%dma_start3A_280 : memref<40x144xf32, #tpu.memory_space<vmem_shared>>) target(%dma_start3A_278 : memref<40x144xf32, #tpu.memory_space<hbm>>) target_semaphore(%run_scoped3A_275 : memref<!tpu.dma_semaphore, #tpu.memory_space<semaphore_mem>>)
      %dma_wait3A_281 = arith.constant 0 : i32
      %dma_wait3A_282 = tpu.memref_slice %arg8[%arg0, %add3A_250, %dma_wait3A_281] : memref<2x10240x144xf32, #tpu.memory_space<hbm>> -> memref<1x40x144xf32, #tpu.memory_space<hbm>>
      %dma_wait3A_283 = tpu.memref_squeeze %dma_wait3A_282 : memref<1x40x144xf32, #tpu.memory_space<hbm>> -> memref<40x144xf32, #tpu.memory_space<hbm>>
      %dma_wait3A_284 = arith.constant 0 : i32
      %dma_wait3A_285 = tpu.memref_slice %arg17[%add3A_250, %dma_wait3A_284] : memref<10240x144xf32, #tpu.memory_space<vmem_shared>> -> memref<40x144xf32, #tpu.memory_space<vmem_shared>>
      tpu.wait_dma2 semaphore(%run_scoped3A_275 : memref<!tpu.dma_semaphore, #tpu.memory_space<semaphore_mem>>) src(%dma_wait3A_285 : memref<40x144xf32, #tpu.memory_space<vmem_shared>>) dst(%dma_wait3A_283 : memref<40x144xf32, #tpu.memory_space<hbm>>)
      tpu.yield
    }) : () -> ()
    %add3A_251 = arith.constant 160 : i32
    %add3A_252 = arith.addi %mul3A_125, %add3A_251 : i32
    "tpu.region"() ({
      %run_scoped3A_275 = tpu.sem_alloc : memref<!tpu.dma_semaphore, #tpu.memory_space<semaphore_mem>>
      %dma_start3A_276 = arith.constant 0 : i32
      %dma_start3A_277 = tpu.memref_slice %arg8[%arg0, %add3A_252, %dma_start3A_276] : memref<2x10240x144xf32, #tpu.memory_space<hbm>> -> memref<1x40x144xf32, #tpu.memory_space<hbm>>
      %dma_start3A_278 = tpu.memref_squeeze %dma_start3A_277 : memref<1x40x144xf32, #tpu.memory_space<hbm>> -> memref<40x144xf32, #tpu.memory_space<hbm>>
      %dma_start3A_279 = arith.constant 0 : i32
      %dma_start3A_280 = tpu.memref_slice %arg17[%add3A_252, %dma_start3A_279] : memref<10240x144xf32, #tpu.memory_space<vmem_shared>> -> memref<40x144xf32, #tpu.memory_space<vmem_shared>>
      tpu.enqueue_dma source(%dma_start3A_280 : memref<40x144xf32, #tpu.memory_space<vmem_shared>>) target(%dma_start3A_278 : memref<40x144xf32, #tpu.memory_space<hbm>>) target_semaphore(%run_scoped3A_275 : memref<!tpu.dma_semaphore, #tpu.memory_space<semaphore_mem>>)
      %dma_wait3A_281 = arith.constant 0 : i32
      %dma_wait3A_282 = tpu.memref_slice %arg8[%arg0, %add3A_252, %dma_wait3A_281] : memref<2x10240x144xf32, #tpu.memory_space<hbm>> -> memref<1x40x144xf32, #tpu.memory_space<hbm>>
      %dma_wait3A_283 = tpu.memref_squeeze %dma_wait3A_282 : memref<1x40x144xf32, #tpu.memory_space<hbm>> -> memref<40x144xf32, #tpu.memory_space<hbm>>
      %dma_wait3A_284 = arith.constant 0 : i32
      %dma_wait3A_285 = tpu.memref_slice %arg17[%add3A_252, %dma_wait3A_284] : memref<10240x144xf32, #tpu.memory_space<vmem_shared>> -> memref<40x144xf32, #tpu.memory_space<vmem_shared>>
      tpu.wait_dma2 semaphore(%run_scoped3A_275 : memref<!tpu.dma_semaphore, #tpu.memory_space<semaphore_mem>>) src(%dma_wait3A_285 : memref<40x144xf32, #tpu.memory_space<vmem_shared>>) dst(%dma_wait3A_283 : memref<40x144xf32, #tpu.memory_space<hbm>>)
      tpu.yield
    }) : () -> ()
    %add3A_253 = arith.constant 200 : i32
    %add3A_254 = arith.addi %mul3A_125, %add3A_253 : i32
    "tpu.region"() ({
      %run_scoped3A_275 = tpu.sem_alloc : memref<!tpu.dma_semaphore, #tpu.memory_space<semaphore_mem>>
      %dma_start3A_276 = arith.constant 0 : i32
      %dma_start3A_277 = tpu.memref_slice %arg8[%arg0, %add3A_254, %dma_start3A_276] : memref<2x10240x144xf32, #tpu.memory_space<hbm>> -> memref<1x40x144xf32, #tpu.memory_space<hbm>>
      %dma_start3A_278 = tpu.memref_squeeze %dma_start3A_277 : memref<1x40x144xf32, #tpu.memory_space<hbm>> -> memref<40x144xf32, #tpu.memory_space<hbm>>
      %dma_start3A_279 = arith.constant 0 : i32
      %dma_start3A_280 = tpu.memref_slice %arg17[%add3A_254, %dma_start3A_279] : memref<10240x144xf32, #tpu.memory_space<vmem_shared>> -> memref<40x144xf32, #tpu.memory_space<vmem_shared>>
      tpu.enqueue_dma source(%dma_start3A_280 : memref<40x144xf32, #tpu.memory_space<vmem_shared>>) target(%dma_start3A_278 : memref<40x144xf32, #tpu.memory_space<hbm>>) target_semaphore(%run_scoped3A_275 : memref<!tpu.dma_semaphore, #tpu.memory_space<semaphore_mem>>)
      %dma_wait3A_281 = arith.constant 0 : i32
      %dma_wait3A_282 = tpu.memref_slice %arg8[%arg0, %add3A_254, %dma_wait3A_281] : memref<2x10240x144xf32, #tpu.memory_space<hbm>> -> memref<1x40x144xf32, #tpu.memory_space<hbm>>
      %dma_wait3A_283 = tpu.memref_squeeze %dma_wait3A_282 : memref<1x40x144xf32, #tpu.memory_space<hbm>> -> memref<40x144xf32, #tpu.memory_space<hbm>>
      %dma_wait3A_284 = arith.constant 0 : i32
      %dma_wait3A_285 = tpu.memref_slice %arg17[%add3A_254, %dma_wait3A_284] : memref<10240x144xf32, #tpu.memory_space<vmem_shared>> -> memref<40x144xf32, #tpu.memory_space<vmem_shared>>
      tpu.wait_dma2 semaphore(%run_scoped3A_275 : memref<!tpu.dma_semaphore, #tpu.memory_space<semaphore_mem>>) src(%dma_wait3A_285 : memref<40x144xf32, #tpu.memory_space<vmem_shared>>) dst(%dma_wait3A_283 : memref<40x144xf32, #tpu.memory_space<hbm>>)
      tpu.yield
    }) : () -> ()
    %add3A_255 = arith.constant 240 : i32
    %add3A_256 = arith.addi %mul3A_125, %add3A_255 : i32
    "tpu.region"() ({
      %run_scoped3A_275 = tpu.sem_alloc : memref<!tpu.dma_semaphore, #tpu.memory_space<semaphore_mem>>
      %dma_start3A_276 = arith.constant 0 : i32
      %dma_start3A_277 = tpu.memref_slice %arg8[%arg0, %add3A_256, %dma_start3A_276] : memref<2x10240x144xf32, #tpu.memory_space<hbm>> -> memref<1x40x144xf32, #tpu.memory_space<hbm>>
      %dma_start3A_278 = tpu.memref_squeeze %dma_start3A_277 : memref<1x40x144xf32, #tpu.memory_space<hbm>> -> memref<40x144xf32, #tpu.memory_space<hbm>>
      %dma_start3A_279 = arith.constant 0 : i32
      %dma_start3A_280 = tpu.memref_slice %arg17[%add3A_256, %dma_start3A_279] : memref<10240x144xf32, #tpu.memory_space<vmem_shared>> -> memref<40x144xf32, #tpu.memory_space<vmem_shared>>
      tpu.enqueue_dma source(%dma_start3A_280 : memref<40x144xf32, #tpu.memory_space<vmem_shared>>) target(%dma_start3A_278 : memref<40x144xf32, #tpu.memory_space<hbm>>) target_semaphore(%run_scoped3A_275 : memref<!tpu.dma_semaphore, #tpu.memory_space<semaphore_mem>>)
      %dma_wait3A_281 = arith.constant 0 : i32
      %dma_wait3A_282 = tpu.memref_slice %arg8[%arg0, %add3A_256, %dma_wait3A_281] : memref<2x10240x144xf32, #tpu.memory_space<hbm>> -> memref<1x40x144xf32, #tpu.memory_space<hbm>>
      %dma_wait3A_283 = tpu.memref_squeeze %dma_wait3A_282 : memref<1x40x144xf32, #tpu.memory_space<hbm>> -> memref<40x144xf32, #tpu.memory_space<hbm>>
      %dma_wait3A_284 = arith.constant 0 : i32
      %dma_wait3A_285 = tpu.memref_slice %arg17[%add3A_256, %dma_wait3A_284] : memref<10240x144xf32, #tpu.memory_space<vmem_shared>> -> memref<40x144xf32, #tpu.memory_space<vmem_shared>>
      tpu.wait_dma2 semaphore(%run_scoped3A_275 : memref<!tpu.dma_semaphore, #tpu.memory_space<semaphore_mem>>) src(%dma_wait3A_285 : memref<40x144xf32, #tpu.memory_space<vmem_shared>>) dst(%dma_wait3A_283 : memref<40x144xf32, #tpu.memory_space<hbm>>)
      tpu.yield
    }) : () -> ()
    %add3A_257 = arith.constant 280 : i32
    %add3A_258 = arith.addi %mul3A_125, %add3A_257 : i32
    "tpu.region"() ({
      %run_scoped3A_275 = tpu.sem_alloc : memref<!tpu.dma_semaphore, #tpu.memory_space<semaphore_mem>>
      %dma_start3A_276 = arith.constant 0 : i32
      %dma_start3A_277 = tpu.memref_slice %arg8[%arg0, %add3A_258, %dma_start3A_276] : memref<2x10240x144xf32, #tpu.memory_space<hbm>> -> memref<1x40x144xf32, #tpu.memory_space<hbm>>
      %dma_start3A_278 = tpu.memref_squeeze %dma_start3A_277 : memref<1x40x144xf32, #tpu.memory_space<hbm>> -> memref<40x144xf32, #tpu.memory_space<hbm>>
      %dma_start3A_279 = arith.constant 0 : i32
      %dma_start3A_280 = tpu.memref_slice %arg17[%add3A_258, %dma_start3A_279] : memref<10240x144xf32, #tpu.memory_space<vmem_shared>> -> memref<40x144xf32, #tpu.memory_space<vmem_shared>>
      tpu.enqueue_dma source(%dma_start3A_280 : memref<40x144xf32, #tpu.memory_space<vmem_shared>>) target(%dma_start3A_278 : memref<40x144xf32, #tpu.memory_space<hbm>>) target_semaphore(%run_scoped3A_275 : memref<!tpu.dma_semaphore, #tpu.memory_space<semaphore_mem>>)
      %dma_wait3A_281 = arith.constant 0 : i32
      %dma_wait3A_282 = tpu.memref_slice %arg8[%arg0, %add3A_258, %dma_wait3A_281] : memref<2x10240x144xf32, #tpu.memory_space<hbm>> -> memref<1x40x144xf32, #tpu.memory_space<hbm>>
      %dma_wait3A_283 = tpu.memref_squeeze %dma_wait3A_282 : memref<1x40x144xf32, #tpu.memory_space<hbm>> -> memref<40x144xf32, #tpu.memory_space<hbm>>
      %dma_wait3A_284 = arith.constant 0 : i32
      %dma_wait3A_285 = tpu.memref_slice %arg17[%add3A_258, %dma_wait3A_284] : memref<10240x144xf32, #tpu.memory_space<vmem_shared>> -> memref<40x144xf32, #tpu.memory_space<vmem_shared>>
      tpu.wait_dma2 semaphore(%run_scoped3A_275 : memref<!tpu.dma_semaphore, #tpu.memory_space<semaphore_mem>>) src(%dma_wait3A_285 : memref<40x144xf32, #tpu.memory_space<vmem_shared>>) dst(%dma_wait3A_283 : memref<40x144xf32, #tpu.memory_space<hbm>>)
      tpu.yield
    }) : () -> ()
    %add3A_259 = arith.constant 320 : i32
    %add3A_260 = arith.addi %mul3A_125, %add3A_259 : i32
    "tpu.region"() ({
      %run_scoped3A_275 = tpu.sem_alloc : memref<!tpu.dma_semaphore, #tpu.memory_space<semaphore_mem>>
      %dma_start3A_276 = arith.constant 0 : i32
      %dma_start3A_277 = tpu.memref_slice %arg8[%arg0, %add3A_260, %dma_start3A_276] : memref<2x10240x144xf32, #tpu.memory_space<hbm>> -> memref<1x40x144xf32, #tpu.memory_space<hbm>>
      %dma_start3A_278 = tpu.memref_squeeze %dma_start3A_277 : memref<1x40x144xf32, #tpu.memory_space<hbm>> -> memref<40x144xf32, #tpu.memory_space<hbm>>
      %dma_start3A_279 = arith.constant 0 : i32
      %dma_start3A_280 = tpu.memref_slice %arg17[%add3A_260, %dma_start3A_279] : memref<10240x144xf32, #tpu.memory_space<vmem_shared>> -> memref<40x144xf32, #tpu.memory_space<vmem_shared>>
      tpu.enqueue_dma source(%dma_start3A_280 : memref<40x144xf32, #tpu.memory_space<vmem_shared>>) target(%dma_start3A_278 : memref<40x144xf32, #tpu.memory_space<hbm>>) target_semaphore(%run_scoped3A_275 : memref<!tpu.dma_semaphore, #tpu.memory_space<semaphore_mem>>)
      %dma_wait3A_281 = arith.constant 0 : i32
      %dma_wait3A_282 = tpu.memref_slice %arg8[%arg0, %add3A_260, %dma_wait3A_281] : memref<2x10240x144xf32, #tpu.memory_space<hbm>> -> memref<1x40x144xf32, #tpu.memory_space<hbm>>
      %dma_wait3A_283 = tpu.memref_squeeze %dma_wait3A_282 : memref<1x40x144xf32, #tpu.memory_space<hbm>> -> memref<40x144xf32, #tpu.memory_space<hbm>>
      %dma_wait3A_284 = arith.constant 0 : i32
      %dma_wait3A_285 = tpu.memref_slice %arg17[%add3A_260, %dma_wait3A_284] : memref<10240x144xf32, #tpu.memory_space<vmem_shared>> -> memref<40x144xf32, #tpu.memory_space<vmem_shared>>
      tpu.wait_dma2 semaphore(%run_scoped3A_275 : memref<!tpu.dma_semaphore, #tpu.memory_space<semaphore_mem>>) src(%dma_wait3A_285 : memref<40x144xf32, #tpu.memory_space<vmem_shared>>) dst(%dma_wait3A_283 : memref<40x144xf32, #tpu.memory_space<hbm>>)
      tpu.yield
    }) : () -> ()
    %add3A_261 = arith.constant 360 : i32
    %add3A_262 = arith.addi %mul3A_125, %add3A_261 : i32
    "tpu.region"() ({
      %run_scoped3A_275 = tpu.sem_alloc : memref<!tpu.dma_semaphore, #tpu.memory_space<semaphore_mem>>
      %dma_start3A_276 = arith.constant 0 : i32
      %dma_start3A_277 = tpu.memref_slice %arg8[%arg0, %add3A_262, %dma_start3A_276] : memref<2x10240x144xf32, #tpu.memory_space<hbm>> -> memref<1x40x144xf32, #tpu.memory_space<hbm>>
      %dma_start3A_278 = tpu.memref_squeeze %dma_start3A_277 : memref<1x40x144xf32, #tpu.memory_space<hbm>> -> memref<40x144xf32, #tpu.memory_space<hbm>>
      %dma_start3A_279 = arith.constant 0 : i32
      %dma_start3A_280 = tpu.memref_slice %arg17[%add3A_262, %dma_start3A_279] : memref<10240x144xf32, #tpu.memory_space<vmem_shared>> -> memref<40x144xf32, #tpu.memory_space<vmem_shared>>
      tpu.enqueue_dma source(%dma_start3A_280 : memref<40x144xf32, #tpu.memory_space<vmem_shared>>) target(%dma_start3A_278 : memref<40x144xf32, #tpu.memory_space<hbm>>) target_semaphore(%run_scoped3A_275 : memref<!tpu.dma_semaphore, #tpu.memory_space<semaphore_mem>>)
      %dma_wait3A_281 = arith.constant 0 : i32
      %dma_wait3A_282 = tpu.memref_slice %arg8[%arg0, %add3A_262, %dma_wait3A_281] : memref<2x10240x144xf32, #tpu.memory_space<hbm>> -> memref<1x40x144xf32, #tpu.memory_space<hbm>>
      %dma_wait3A_283 = tpu.memref_squeeze %dma_wait3A_282 : memref<1x40x144xf32, #tpu.memory_space<hbm>> -> memref<40x144xf32, #tpu.memory_space<hbm>>
      %dma_wait3A_284 = arith.constant 0 : i32
      %dma_wait3A_285 = tpu.memref_slice %arg17[%add3A_262, %dma_wait3A_284] : memref<10240x144xf32, #tpu.memory_space<vmem_shared>> -> memref<40x144xf32, #tpu.memory_space<vmem_shared>>
      tpu.wait_dma2 semaphore(%run_scoped3A_275 : memref<!tpu.dma_semaphore, #tpu.memory_space<semaphore_mem>>) src(%dma_wait3A_285 : memref<40x144xf32, #tpu.memory_space<vmem_shared>>) dst(%dma_wait3A_283 : memref<40x144xf32, #tpu.memory_space<hbm>>)
      tpu.yield
    }) : () -> ()
    %add3A_263 = arith.constant 400 : i32
    %add3A_264 = arith.addi %mul3A_125, %add3A_263 : i32
    "tpu.region"() ({
      %run_scoped3A_275 = tpu.sem_alloc : memref<!tpu.dma_semaphore, #tpu.memory_space<semaphore_mem>>
      %dma_start3A_276 = arith.constant 0 : i32
      %dma_start3A_277 = tpu.memref_slice %arg8[%arg0, %add3A_264, %dma_start3A_276] : memref<2x10240x144xf32, #tpu.memory_space<hbm>> -> memref<1x40x144xf32, #tpu.memory_space<hbm>>
      %dma_start3A_278 = tpu.memref_squeeze %dma_start3A_277 : memref<1x40x144xf32, #tpu.memory_space<hbm>> -> memref<40x144xf32, #tpu.memory_space<hbm>>
      %dma_start3A_279 = arith.constant 0 : i32
      %dma_start3A_280 = tpu.memref_slice %arg17[%add3A_264, %dma_start3A_279] : memref<10240x144xf32, #tpu.memory_space<vmem_shared>> -> memref<40x144xf32, #tpu.memory_space<vmem_shared>>
      tpu.enqueue_dma source(%dma_start3A_280 : memref<40x144xf32, #tpu.memory_space<vmem_shared>>) target(%dma_start3A_278 : memref<40x144xf32, #tpu.memory_space<hbm>>) target_semaphore(%run_scoped3A_275 : memref<!tpu.dma_semaphore, #tpu.memory_space<semaphore_mem>>)
      %dma_wait3A_281 = arith.constant 0 : i32
      %dma_wait3A_282 = tpu.memref_slice %arg8[%arg0, %add3A_264, %dma_wait3A_281] : memref<2x10240x144xf32, #tpu.memory_space<hbm>> -> memref<1x40x144xf32, #tpu.memory_space<hbm>>
      %dma_wait3A_283 = tpu.memref_squeeze %dma_wait3A_282 : memref<1x40x144xf32, #tpu.memory_space<hbm>> -> memref<40x144xf32, #tpu.memory_space<hbm>>
      %dma_wait3A_284 = arith.constant 0 : i32
      %dma_wait3A_285 = tpu.memref_slice %arg17[%add3A_264, %dma_wait3A_284] : memref<10240x144xf32, #tpu.memory_space<vmem_shared>> -> memref<40x144xf32, #tpu.memory_space<vmem_shared>>
      tpu.wait_dma2 semaphore(%run_scoped3A_275 : memref<!tpu.dma_semaphore, #tpu.memory_space<semaphore_mem>>) src(%dma_wait3A_285 : memref<40x144xf32, #tpu.memory_space<vmem_shared>>) dst(%dma_wait3A_283 : memref<40x144xf32, #tpu.memory_space<hbm>>)
      tpu.yield
    }) : () -> ()
    %add3A_265 = arith.constant 440 : i32
    %add3A_266 = arith.addi %mul3A_125, %add3A_265 : i32
    "tpu.region"() ({
      %run_scoped3A_275 = tpu.sem_alloc : memref<!tpu.dma_semaphore, #tpu.memory_space<semaphore_mem>>
      %dma_start3A_276 = arith.constant 0 : i32
      %dma_start3A_277 = tpu.memref_slice %arg8[%arg0, %add3A_266, %dma_start3A_276] : memref<2x10240x144xf32, #tpu.memory_space<hbm>> -> memref<1x40x144xf32, #tpu.memory_space<hbm>>
      %dma_start3A_278 = tpu.memref_squeeze %dma_start3A_277 : memref<1x40x144xf32, #tpu.memory_space<hbm>> -> memref<40x144xf32, #tpu.memory_space<hbm>>
      %dma_start3A_279 = arith.constant 0 : i32
      %dma_start3A_280 = tpu.memref_slice %arg17[%add3A_266, %dma_start3A_279] : memref<10240x144xf32, #tpu.memory_space<vmem_shared>> -> memref<40x144xf32, #tpu.memory_space<vmem_shared>>
      tpu.enqueue_dma source(%dma_start3A_280 : memref<40x144xf32, #tpu.memory_space<vmem_shared>>) target(%dma_start3A_278 : memref<40x144xf32, #tpu.memory_space<hbm>>) target_semaphore(%run_scoped3A_275 : memref<!tpu.dma_semaphore, #tpu.memory_space<semaphore_mem>>)
      %dma_wait3A_281 = arith.constant 0 : i32
      %dma_wait3A_282 = tpu.memref_slice %arg8[%arg0, %add3A_266, %dma_wait3A_281] : memref<2x10240x144xf32, #tpu.memory_space<hbm>> -> memref<1x40x144xf32, #tpu.memory_space<hbm>>
      %dma_wait3A_283 = tpu.memref_squeeze %dma_wait3A_282 : memref<1x40x144xf32, #tpu.memory_space<hbm>> -> memref<40x144xf32, #tpu.memory_space<hbm>>
      %dma_wait3A_284 = arith.constant 0 : i32
      %dma_wait3A_285 = tpu.memref_slice %arg17[%add3A_266, %dma_wait3A_284] : memref<10240x144xf32, #tpu.memory_space<vmem_shared>> -> memref<40x144xf32, #tpu.memory_space<vmem_shared>>
      tpu.wait_dma2 semaphore(%run_scoped3A_275 : memref<!tpu.dma_semaphore, #tpu.memory_space<semaphore_mem>>) src(%dma_wait3A_285 : memref<40x144xf32, #tpu.memory_space<vmem_shared>>) dst(%dma_wait3A_283 : memref<40x144xf32, #tpu.memory_space<hbm>>)
      tpu.yield
    }) : () -> ()
    %add3A_267 = arith.constant 480 : i32
    %add3A_268 = arith.addi %mul3A_125, %add3A_267 : i32
    "tpu.region"() ({
      %run_scoped3A_275 = tpu.sem_alloc : memref<!tpu.dma_semaphore, #tpu.memory_space<semaphore_mem>>
      %dma_start3A_276 = arith.constant 0 : i32
      %dma_start3A_277 = tpu.memref_slice %arg8[%arg0, %add3A_268, %dma_start3A_276] : memref<2x10240x144xf32, #tpu.memory_space<hbm>> -> memref<1x40x144xf32, #tpu.memory_space<hbm>>
      %dma_start3A_278 = tpu.memref_squeeze %dma_start3A_277 : memref<1x40x144xf32, #tpu.memory_space<hbm>> -> memref<40x144xf32, #tpu.memory_space<hbm>>
      %dma_start3A_279 = arith.constant 0 : i32
      %dma_start3A_280 = tpu.memref_slice %arg17[%add3A_268, %dma_start3A_279] : memref<10240x144xf32, #tpu.memory_space<vmem_shared>> -> memref<40x144xf32, #tpu.memory_space<vmem_shared>>
      tpu.enqueue_dma source(%dma_start3A_280 : memref<40x144xf32, #tpu.memory_space<vmem_shared>>) target(%dma_start3A_278 : memref<40x144xf32, #tpu.memory_space<hbm>>) target_semaphore(%run_scoped3A_275 : memref<!tpu.dma_semaphore, #tpu.memory_space<semaphore_mem>>)
      %dma_wait3A_281 = arith.constant 0 : i32
      %dma_wait3A_282 = tpu.memref_slice %arg8[%arg0, %add3A_268, %dma_wait3A_281] : memref<2x10240x144xf32, #tpu.memory_space<hbm>> -> memref<1x40x144xf32, #tpu.memory_space<hbm>>
      %dma_wait3A_283 = tpu.memref_squeeze %dma_wait3A_282 : memref<1x40x144xf32, #tpu.memory_space<hbm>> -> memref<40x144xf32, #tpu.memory_space<hbm>>
      %dma_wait3A_284 = arith.constant 0 : i32
      %dma_wait3A_285 = tpu.memref_slice %arg17[%add3A_268, %dma_wait3A_284] : memref<10240x144xf32, #tpu.memory_space<vmem_shared>> -> memref<40x144xf32, #tpu.memory_space<vmem_shared>>
      tpu.wait_dma2 semaphore(%run_scoped3A_275 : memref<!tpu.dma_semaphore, #tpu.memory_space<semaphore_mem>>) src(%dma_wait3A_285 : memref<40x144xf32, #tpu.memory_space<vmem_shared>>) dst(%dma_wait3A_283 : memref<40x144xf32, #tpu.memory_space<hbm>>)
      tpu.yield
    }) : () -> ()
    %add3A_269 = arith.constant 520 : i32
    %add3A_270 = arith.addi %mul3A_125, %add3A_269 : i32
    "tpu.region"() ({
      %run_scoped3A_275 = tpu.sem_alloc : memref<!tpu.dma_semaphore, #tpu.memory_space<semaphore_mem>>
      %dma_start3A_276 = arith.constant 0 : i32
      %dma_start3A_277 = tpu.memref_slice %arg8[%arg0, %add3A_270, %dma_start3A_276] : memref<2x10240x144xf32, #tpu.memory_space<hbm>> -> memref<1x40x144xf32, #tpu.memory_space<hbm>>
      %dma_start3A_278 = tpu.memref_squeeze %dma_start3A_277 : memref<1x40x144xf32, #tpu.memory_space<hbm>> -> memref<40x144xf32, #tpu.memory_space<hbm>>
      %dma_start3A_279 = arith.constant 0 : i32
      %dma_start3A_280 = tpu.memref_slice %arg17[%add3A_270, %dma_start3A_279] : memref<10240x144xf32, #tpu.memory_space<vmem_shared>> -> memref<40x144xf32, #tpu.memory_space<vmem_shared>>
      tpu.enqueue_dma source(%dma_start3A_280 : memref<40x144xf32, #tpu.memory_space<vmem_shared>>) target(%dma_start3A_278 : memref<40x144xf32, #tpu.memory_space<hbm>>) target_semaphore(%run_scoped3A_275 : memref<!tpu.dma_semaphore, #tpu.memory_space<semaphore_mem>>)
      %dma_wait3A_281 = arith.constant 0 : i32
      %dma_wait3A_282 = tpu.memref_slice %arg8[%arg0, %add3A_270, %dma_wait3A_281] : memref<2x10240x144xf32, #tpu.memory_space<hbm>> -> memref<1x40x144xf32, #tpu.memory_space<hbm>>
      %dma_wait3A_283 = tpu.memref_squeeze %dma_wait3A_282 : memref<1x40x144xf32, #tpu.memory_space<hbm>> -> memref<40x144xf32, #tpu.memory_space<hbm>>
      %dma_wait3A_284 = arith.constant 0 : i32
      %dma_wait3A_285 = tpu.memref_slice %arg17[%add3A_270, %dma_wait3A_284] : memref<10240x144xf32, #tpu.memory_space<vmem_shared>> -> memref<40x144xf32, #tpu.memory_space<vmem_shared>>
      tpu.wait_dma2 semaphore(%run_scoped3A_275 : memref<!tpu.dma_semaphore, #tpu.memory_space<semaphore_mem>>) src(%dma_wait3A_285 : memref<40x144xf32, #tpu.memory_space<vmem_shared>>) dst(%dma_wait3A_283 : memref<40x144xf32, #tpu.memory_space<hbm>>)
      tpu.yield
    }) : () -> ()
    %add3A_271 = arith.constant 560 : i32
    %add3A_272 = arith.addi %mul3A_125, %add3A_271 : i32
    "tpu.region"() ({
      %run_scoped3A_275 = tpu.sem_alloc : memref<!tpu.dma_semaphore, #tpu.memory_space<semaphore_mem>>
      %dma_start3A_276 = arith.constant 0 : i32
      %dma_start3A_277 = tpu.memref_slice %arg8[%arg0, %add3A_272, %dma_start3A_276] : memref<2x10240x144xf32, #tpu.memory_space<hbm>> -> memref<1x40x144xf32, #tpu.memory_space<hbm>>
      %dma_start3A_278 = tpu.memref_squeeze %dma_start3A_277 : memref<1x40x144xf32, #tpu.memory_space<hbm>> -> memref<40x144xf32, #tpu.memory_space<hbm>>
      %dma_start3A_279 = arith.constant 0 : i32
      %dma_start3A_280 = tpu.memref_slice %arg17[%add3A_272, %dma_start3A_279] : memref<10240x144xf32, #tpu.memory_space<vmem_shared>> -> memref<40x144xf32, #tpu.memory_space<vmem_shared>>
      tpu.enqueue_dma source(%dma_start3A_280 : memref<40x144xf32, #tpu.memory_space<vmem_shared>>) target(%dma_start3A_278 : memref<40x144xf32, #tpu.memory_space<hbm>>) target_semaphore(%run_scoped3A_275 : memref<!tpu.dma_semaphore, #tpu.memory_space<semaphore_mem>>)
      %dma_wait3A_281 = arith.constant 0 : i32
      %dma_wait3A_282 = tpu.memref_slice %arg8[%arg0, %add3A_272, %dma_wait3A_281] : memref<2x10240x144xf32, #tpu.memory_space<hbm>> -> memref<1x40x144xf32, #tpu.memory_space<hbm>>
      %dma_wait3A_283 = tpu.memref_squeeze %dma_wait3A_282 : memref<1x40x144xf32, #tpu.memory_space<hbm>> -> memref<40x144xf32, #tpu.memory_space<hbm>>
      %dma_wait3A_284 = arith.constant 0 : i32
      %dma_wait3A_285 = tpu.memref_slice %arg17[%add3A_272, %dma_wait3A_284] : memref<10240x144xf32, #tpu.memory_space<vmem_shared>> -> memref<40x144xf32, #tpu.memory_space<vmem_shared>>
      tpu.wait_dma2 semaphore(%run_scoped3A_275 : memref<!tpu.dma_semaphore, #tpu.memory_space<semaphore_mem>>) src(%dma_wait3A_285 : memref<40x144xf32, #tpu.memory_space<vmem_shared>>) dst(%dma_wait3A_283 : memref<40x144xf32, #tpu.memory_space<hbm>>)
      tpu.yield
    }) : () -> ()
    %add3A_273 = arith.constant 600 : i32
    %add3A_274 = arith.addi %mul3A_125, %add3A_273 : i32
    "tpu.region"() ({
      %run_scoped3A_275 = tpu.sem_alloc : memref<!tpu.dma_semaphore, #tpu.memory_space<semaphore_mem>>
      %dma_start3A_276 = arith.constant 0 : i32
      %dma_start3A_277 = tpu.memref_slice %arg8[%arg0, %add3A_274, %dma_start3A_276] : memref<2x10240x144xf32, #tpu.memory_space<hbm>> -> memref<1x40x144xf32, #tpu.memory_space<hbm>>
      %dma_start3A_278 = tpu.memref_squeeze %dma_start3A_277 : memref<1x40x144xf32, #tpu.memory_space<hbm>> -> memref<40x144xf32, #tpu.memory_space<hbm>>
      %dma_start3A_279 = arith.constant 0 : i32
      %dma_start3A_280 = tpu.memref_slice %arg17[%add3A_274, %dma_start3A_279] : memref<10240x144xf32, #tpu.memory_space<vmem_shared>> -> memref<40x144xf32, #tpu.memory_space<vmem_shared>>
      tpu.enqueue_dma source(%dma_start3A_280 : memref<40x144xf32, #tpu.memory_space<vmem_shared>>) target(%dma_start3A_278 : memref<40x144xf32, #tpu.memory_space<hbm>>) target_semaphore(%run_scoped3A_275 : memref<!tpu.dma_semaphore, #tpu.memory_space<semaphore_mem>>)
      %dma_wait3A_281 = arith.constant 0 : i32
      %dma_wait3A_282 = tpu.memref_slice %arg8[%arg0, %add3A_274, %dma_wait3A_281] : memref<2x10240x144xf32, #tpu.memory_space<hbm>> -> memref<1x40x144xf32, #tpu.memory_space<hbm>>
      %dma_wait3A_283 = tpu.memref_squeeze %dma_wait3A_282 : memref<1x40x144xf32, #tpu.memory_space<hbm>> -> memref<40x144xf32, #tpu.memory_space<hbm>>
      %dma_wait3A_284 = arith.constant 0 : i32
      %dma_wait3A_285 = tpu.memref_slice %arg17[%add3A_274, %dma_wait3A_284] : memref<10240x144xf32, #tpu.memory_space<vmem_shared>> -> memref<40x144xf32, #tpu.memory_space<vmem_shared>>
      tpu.wait_dma2 semaphore(%run_scoped3A_275 : memref<!tpu.dma_semaphore, #tpu.memory_space<semaphore_mem>>) src(%dma_wait3A_285 : memref<40x144xf32, #tpu.memory_space<vmem_shared>>) dst(%dma_wait3A_283 : memref<40x144xf32, #tpu.memory_space<hbm>>)
      tpu.yield
    }) : () -> ()
    return
  }
}

module attributes {stable_mosaic.version = 14 : i64} {
  func.func @_out_body(%arg0: i32, %arg1: memref<1000x128xf32, #tpu.memory_space<vmem>>, %arg2: memref<2x1000x144xf32, #tpu.memory_space<vmem>>, %arg3: memref<128x128xf32, #tpu.memory_space<vmem>>, %arg4: memref<1x128xf32, #tpu.memory_space<vmem>>, %arg5: memref<1000x128xf32, #tpu.memory_space<vmem>>) attributes {dimension_semantics = [#tpu.dimension_semantics<arbitrary>], iteration_bounds = array<i64: 10>, scalar_prefetch = 0 : i64, scratch_operands = 0 : i64, tpu.core_type = #tpu.core_type<tc>, window_params = [{transform_indices = @transform_0, window_bounds = array<i64: 1000, 128>}, {transform_indices = @transform_1, window_bounds = array<i64: 2, 1000, 144>}, {pipeline_mode = #tpu.pipeline_mode<synchronous>, transform_indices = @transform_2, window_bounds = array<i64: 128, 128>}, {pipeline_mode = #tpu.pipeline_mode<synchronous>, transform_indices = @transform_3, window_bounds = array<i64: 1, 128>}, {transform_indices = @transform_4, window_bounds = array<i64: 1000, 128>}]} {
    %get3A = arith.constant 0 : index
    %get3A_0 = arith.constant 0 : index
    %get3A_1 = arith.constant 0 : index
    %get3A_2 = vector.load %arg2[%get3A, %get3A_0, %get3A_1] : memref<2x1000x144xf32, #tpu.memory_space<vmem>>, vector<2x1000x144xf32>
    %slice3A = vector.extract_strided_slice %get3A_2 {offsets = [0, 0, 0], sizes = [1, 1000, 144], strides = [1, 1, 1]} : vector<2x1000x144xf32> to vector<1x1000x144xf32>
    %squeeze3A = vector.shape_cast %slice3A : vector<1x1000x144xf32> to vector<1000x144xf32>
    %slice3A_3 = vector.extract_strided_slice %get3A_2 {offsets = [1, 0, 0], sizes = [1, 1000, 144], strides = [1, 1, 1]} : vector<2x1000x144xf32> to vector<1x1000x144xf32>
    %squeeze3A_4 = vector.shape_cast %slice3A_3 : vector<1x1000x144xf32> to vector<1000x144xf32>
    %add3A = arith.addf %squeeze3A, %squeeze3A_4 : vector<1000x144xf32>
    %slice3A_5 = vector.extract_strided_slice %add3A {offsets = [0, 0], sizes = [1000, 128], strides = [1, 1]} : vector<1000x144xf32> to vector<1000x128xf32>
    %slice3A_6 = vector.extract_strided_slice %add3A {offsets = [0, 128], sizes = [1000, 1], strides = [1, 1]} : vector<1000x144xf32> to vector<1000x1xf32>
    %get3A_7 = arith.constant 0 : index
    %get3A_8 = arith.constant 0 : index
    %get3A_9 = vector.load %arg3[%get3A_7, %get3A_8] : memref<128x128xf32, #tpu.memory_space<vmem>>, vector<128x128xf32>
    %dot_general3A = arith.constant dense<0.000000e+00> : vector<1000x128xf32>
    %dot_general3A_10 = tpu.matmul %slice3A_5, %get3A_9, %dot_general3A {dimension_numbers = #tpu.dot_dimension_numbers<[1], [1], [0], [0], [0, 0, 1, 0], [], []>, transpose_lhs_hint = false} : vector<1000x128xf32>, vector<128x128xf32>, vector<1000x128xf32> -> vector<1000x128xf32>
    %get3A_11 = arith.constant 0 : index
    %get3A_12 = arith.constant 0 : index
    %get3A_13 = vector.load %arg1[%get3A_11, %get3A_12] : memref<1000x128xf32, #tpu.memory_space<vmem>>, vector<1000x128xf32>
    %add3A_14 = arith.addf %get3A_13, %dot_general3A_10 : vector<1000x128xf32>
    %get3A_15 = arith.constant 0 : index
    %get3A_16 = arith.constant 0 : index
    %get3A_17 = vector.load %arg4[%get3A_15, %get3A_16] : memref<1x128xf32, #tpu.memory_space<vmem>>, vector<1x128xf32>
    %mul3A = vector.broadcast %slice3A_6 : vector<1000x1xf32> to vector<1000x128xf32>
    %mul3A_18 = vector.broadcast %get3A_17 : vector<1x128xf32> to vector<1000x128xf32>
    %mul3A_19 = arith.mulf %mul3A, %mul3A_18 : vector<1000x128xf32>
    %add3A_20 = arith.addf %add3A_14, %mul3A_19 : vector<1000x128xf32>
    %swap3A = arith.constant 0 : index
    %swap3A_21 = arith.constant 0 : index
    %swap3A_22 = vector.load %arg5[%swap3A, %swap3A_21] : memref<1000x128xf32, #tpu.memory_space<vmem>>, vector<1000x128xf32>
    tpu.vector_store %arg5[%swap3A, %swap3A_21], %add3A_20 {strides = array<i32>} : memref<1000x128xf32, #tpu.memory_space<vmem>>, vector<1000x128xf32>,
    return
  }
  func.func @transform_0(%arg0: i32) -> (i32, i32) {
    %c0_i32 = arith.constant 0 : i32
    %c0_i32_0 = arith.constant 0 : i32
    return %arg0, %c0_i32 : i32, i32
  }
  func.func @transform_1(%arg0: i32) -> (i32, i32, i32) {
    %c0_i32 = arith.constant 0 : i32
    %c0_i32_0 = arith.constant 0 : i32
    %c0_i32_1 = arith.constant 0 : i32
    return %c0_i32, %arg0, %c0_i32_0 : i32, i32, i32
  }
  func.func @transform_2(%arg0: i32) -> (i32, i32) {
    %c0_i32 = arith.constant 0 : i32
    %c0_i32_0 = arith.constant 0 : i32
    %c0_i32_1 = arith.constant 0 : i32
    return %c0_i32, %c0_i32_0 : i32, i32
  }
  func.func @transform_3(%arg0: i32) -> (i32, i32) {
    %c0_i32 = arith.constant 0 : i32
    %c0_i32_0 = arith.constant 0 : i32
    %c0_i32_1 = arith.constant 0 : i32
    return %c0_i32, %c0_i32_0 : i32, i32
  }
  func.func @transform_4(%arg0: i32) -> (i32, i32) {
    %c0_i32 = arith.constant 0 : i32
    %c0_i32_0 = arith.constant 0 : i32
    return %arg0, %c0_i32 : i32, i32
  }
}

module attributes {stable_mosaic.version = 14 : i64} {
  func.func @_ab_body(%arg0: i32, %arg1: memref<1000x128xf32, #tpu.memory_space<vmem>>, %arg2: memref<128x257xf32, #tpu.memory_space<vmem>>, %arg3: memref<1x128xf32, #tpu.memory_space<vmem>>, %arg4: memref<1000x128xf32, #tpu.memory_space<vmem>>, %arg5: memref<1000x128xf32, #tpu.memory_space<vmem>>) attributes {dimension_semantics = [#tpu.dimension_semantics<arbitrary>], iteration_bounds = array<i64: 10>, scalar_prefetch = 0 : i64, scratch_operands = 0 : i64, tpu.core_type = #tpu.core_type<tc>, window_params = [{transform_indices = @transform_0, window_bounds = array<i64: 1000, 128>}, {pipeline_mode = #tpu.pipeline_mode<synchronous>, transform_indices = @transform_1, window_bounds = array<i64: 128, 257>}, {pipeline_mode = #tpu.pipeline_mode<synchronous>, transform_indices = @transform_2, window_bounds = array<i64: 1, 128>}, {transform_indices = @transform_3, window_bounds = array<i64: 1000, 128>}, {transform_indices = @transform_4, window_bounds = array<i64: 1000, 128>}]} {
    %get3A = arith.constant 0 : index
    %get3A_0 = arith.constant 0 : index
    %get3A_1 = vector.load %arg1[%get3A, %get3A_0] : memref<1000x128xf32, #tpu.memory_space<vmem>>, vector<1000x128xf32>
    %get3A_2 = arith.constant 0 : index
    %get3A_3 = arith.constant 0 : index
    %get3A_4 = vector.load %arg2[%get3A_2, %get3A_3] : memref<128x257xf32, #tpu.memory_space<vmem>>, vector<128x128xf32>
    %get3A_5 = arith.constant 0 : index
    %get3A_6 = arith.constant 128 : index
    %get3A_7 = vector.load %arg2[%get3A_5, %get3A_6] : memref<128x257xf32, #tpu.memory_space<vmem>>, vector<128x128xf32>
    %dot_general3A = arith.constant dense<0.000000e+00> : vector<1000x128xf32>
    %dot_general3A_8 = tpu.matmul %get3A_1, %get3A_4, %dot_general3A {dimension_numbers = #tpu.dot_dimension_numbers<[1], [1], [0], [0], [0, 0, 1, 0], [], []>, transpose_lhs_hint = false} : vector<1000x128xf32>, vector<128x128xf32>, vector<1000x128xf32> -> vector<1000x128xf32>
    %get3A_9 = arith.constant 0 : index
    %get3A_10 = arith.constant 0 : index
    %get3A_11 = vector.load %arg3[%get3A_9, %get3A_10] : memref<1x128xf32, #tpu.memory_space<vmem>>, vector<1x128xf32>
    %add3A = vector.broadcast %get3A_11 : vector<1x128xf32> to vector<1000x128xf32>
    %add3A_12 = arith.addf %dot_general3A_8, %add3A : vector<1000x128xf32>
    %swap3A = arith.constant 0 : index
    %swap3A_13 = arith.constant 0 : index
    %swap3A_14 = vector.load %arg4[%swap3A, %swap3A_13] : memref<1000x128xf32, #tpu.memory_space<vmem>>, vector<1000x128xf32>
    tpu.vector_store %arg4[%swap3A, %swap3A_13], %add3A_12 {strides = array<i32>} : memref<1000x128xf32, #tpu.memory_space<vmem>>, vector<1000x128xf32>,
    %dot_general3A_15 = arith.constant dense<0.000000e+00> : vector<1000x128xf32>
    %dot_general3A_16 = tpu.matmul %get3A_1, %get3A_7, %dot_general3A_15 {dimension_numbers = #tpu.dot_dimension_numbers<[1], [1], [0], [0], [0, 0, 1, 0], [], []>, transpose_lhs_hint = false} : vector<1000x128xf32>, vector<128x128xf32>, vector<1000x128xf32> -> vector<1000x128xf32>
    %swap3A_17 = arith.constant 0 : index
    %swap3A_18 = arith.constant 0 : index
    %swap3A_19 = vector.load %arg5[%swap3A_17, %swap3A_18] : memref<1000x128xf32, #tpu.memory_space<vmem>>, vector<1000x128xf32>
    tpu.vector_store %arg5[%swap3A_17, %swap3A_18], %dot_general3A_16 {strides = array<i32>} : memref<1000x128xf32, #tpu.memory_space<vmem>>, vector<1000x128xf32>,
    return
  }
  func.func @transform_0(%arg0: i32) -> (i32, i32) {
    %c0_i32 = arith.constant 0 : i32
    %c0_i32_0 = arith.constant 0 : i32
    return %arg0, %c0_i32 : i32, i32
  }
  func.func @transform_1(%arg0: i32) -> (i32, i32) {
    %c0_i32 = arith.constant 0 : i32
    %c0_i32_0 = arith.constant 0 : i32
    %c0_i32_1 = arith.constant 0 : i32
    return %c0_i32, %c0_i32_0 : i32, i32
  }
  func.func @transform_2(%arg0: i32) -> (i32, i32) {
    %c0_i32 = arith.constant 0 : i32
    %c0_i32_0 = arith.constant 0 : i32
    %c0_i32_1 = arith.constant 0 : i32
    return %c0_i32, %c0_i32_0 : i32, i32
  }
  func.func @transform_3(%arg0: i32) -> (i32, i32) {
    %c0_i32 = arith.constant 0 : i32
    %c0_i32_0 = arith.constant 0 : i32
    return %arg0, %c0_i32 : i32, i32
  }
  func.func @transform_4(%arg0: i32) -> (i32, i32) {
    %c0_i32 = arith.constant 0 : i32
    %c0_i32_0 = arith.constant 0 : i32
    return %arg0, %c0_i32 : i32, i32
  }
}

</mosaic_0001>

<sc_bundles>
// kernel: kernel.5.cloned.1.call-start
scs
__scs_entry_jumppad:
0x0: {  	(pc) =	sbr.rel $0x88, $3  }
0x1: {  	(tag) =	ssettag $0x0;
	lr =	simm.s32 $0x1  }
0x2: {  	[smem:$0x3F9A] =	sst lr;
	_ =	strace $0xD0000000  }
0x3: {  	_ = 	snop  }
0x4: {  	_ = 	snop  }
0x5: {  	_ = 	snop  }
0x6: {  	_ = 	snop  }
0x7: {  	_ = 	snop  }
__scs_overlays_trampoline_lowered:
0x8: {  	[smem:$0x3FA9] =	sst s0  }
0x9: {  	[smem:$0x3FAA] =	sst s1  }
0xa: {  	[smem:$0x3FAB] =	sst s2  }
0xb: {  	[smem:$0x3FAC] =	sst s3  }
0xc: {  	[smem:$0x3FAD] =	sst s4  }
0xd: {  	[smem:$0x3FAE] =	sst s5  }
0xe: {  	[smem:$0x3FAF] =	sst s6  }
0xf: {  	[smem:$0x3FB0] =	sst s7  }
0x10: {  	[smem:$0x3FB1] =	sst s8  }
0x11: {  	[smem:$0x3FB2] =	sst s9;
	s0 =	simm.s32 @!p0 $0x0  }
0x12: {  	s1 =	sld [smem:$0x3F98];
	s0 =	simm.s32 @p0 $0x1  }
0x13: {  	[smem:$0x3FB3] =	sst s0;
	s0 =	simm.s32 @!p1 $0x0  }
0x14: {  	s2 =	sld [smem:$0x3F97];
	s0 =	simm.s32 @p1 $0x1  }
0x15: {  	[smem:$0x3FB4] =	sst s0;
	s0 =	simm.s32 @!p2 $0x0  }
0x16: {  	s3 =	sld [smem:$0x3FDB];
	s0 =	simm.s32 @p2 $0x1  }
0x17: {  	s4 =	simm.s32 $0x1BF5;
	[smem:$0x3FB6] =	sst s0  }
0x18: {  	s0 =	sld [smem:$0x3F99];
	_ =	swait.ge [sflag:s4], $0x0  }
0x19: {  	s7 =	sld [smem:$0x3F9A]  }
0x1a: {  	s8 =	sadd.s32 $0xFFFFE003, lr  }
0x1b: {  	s9 =	sadd.s32 $0xFFFFFEF7, lr;
	s5 =	simm.s32 $0xFFFFFFFF;
	p2 =	slt.u32 s8, $0xFFFFF086  }
0x1c: {  	p1 =	slt.u32 s9, $0xF7A;
	s5 =	simm.s32 @!p2 $0x0  }
0x1d: {  	s5 =	simm.s32 @p1 $0x1;
	p0 =	seq.s32 s7, s2  }
0x1e: {  	s7 =	smul.u32 @!p0 $0xF7A, s2;
	p2 =	seq.s32 @!p0 s5, $0x0  }
0x1f: {  	s9 =	smul.u32 $0xF7A, s1;
	s8 =	simm.s32 @!p0 $0x1BF5;
	p2 =	por !p2, p0  }
0x20: {  	[sflag:s8] =	ssyncset.s32 @!p0 $0xFFFFF086;
	s6 =	sadd.s32 @!p0 s3, s7;
	s7 =	simm.s32 @!p0 $0x108  }
0x21: {  	s3 =	sadd.s32 s3, s9;
	s6 =	sadd.s32 @!p0 $0x88, s6;
	s7 =	simm.s32 @p2 $0x1082  }
0x22: {  	[simem:s7], [sflag:s8] =	dma.local @!p0 [hbm:s6], $0xF7A  }
0x23: {  	s9 =	sor.u32 $0xD0000000, s2;
	s6 =	simm.s32 $0x108;
	_ =	swait.ge @!p0 [sflag:s8], $0x0  }
0x24: {  	s3 =	sadd.s32 $0x88, s3;
	s6 =	simm.s32 @!p1 $0x1082;
	[sflag:s4] =	ssyncset.s32 $0xFFFFF086  }
0x25: {  	[simem:s6], [sflag:s4] =	dma.local [hbm:s3], $0xF7A  }
0x26: {  	[smem:$0x3F9A] =	sst s1;
	(tag) =	ssettag s2;
	_ =	strace s9  }
0x27: {  	s1 =	sld [smem:$0x3FAA]  }
0x28: {  	s2 =	sld [smem:$0x3FAB]  }
0x29: {  	s4 =	sld [smem:$0x3FAD]  }
0x2a: {  	p0 =	seq.s32 s5, $0x0;
	s5 =	sld [smem:$0x3FAE]  }
0x2b: {  	s6 =	sld [smem:$0x3FAF]  }
0x2c: {  	s7 =	sld [smem:$0x3FB0]  }
0x2d: {  	s3 =	simm.s32 $0x108;
	s8 =	sld [smem:$0x3FB1]  }
0x2e: {  	s3 =	simm.s32 @!p0 $0x1082;
	s9 =	sld [smem:$0x3FB2]  }
0x2f: {  	lr =	sadd.s32 s0, s3;
	s0 =	sld [smem:$0x3FA9]  }
0x30: {  	s3 =	sld [smem:$0x3FAC]  }
0x31: {  	[smem:$0x3FB5] =	sst s10  }
0x32: {  	s10 =	sld [smem:$0x3FB3];
	_ =	sdelay $0x3  }
0x33: {  	p0 =	seq.s32 s10, $0x1;
	s10 =	sld [smem:$0x3FB5];
	_ =	sdelay $0x3  }
0x34: {  	[smem:$0x3FB5] =	sst s10  }
0x35: {  	s10 =	sld [smem:$0x3FB4];
	_ =	sdelay $0x3  }
0x36: {  	p1 =	seq.s32 s10, $0x1;
	s10 =	sld [smem:$0x3FB5];
	_ =	sdelay $0x3  }
0x37: {  	[smem:$0x3FB5] =	sst s10  }
0x38: {  	s10 =	sld [smem:$0x3FB6]  }
0x39: {  	_ = 	snop;
	(pc) =	sbr.ind lr, $3  }
0x3a: {  	_ = 	snop  }
0x3b: {  	_ = 	snop  }
0x3c: {  	p2 =	seq.s32 s10, $0x1;
	s10 =	sld [smem:$0x3FB5]  }
0x3d: {  	_ =	shalt  }
0x3e: {  	_ =	shalt  }
0x3f: {  	_ =	shalt  }
0x40: {  	_ =	shalt  }
0x41: {  	_ =	shalt  }
0x42: {  	_ =	shalt  }
0x43: {  	_ =	shalt  }
0x44: {  	_ =	shalt  }
0x45: {  	_ =	shalt  }
0x46: {  	_ =	shalt  }
0x47: {  	_ =	shalt  }
0x48: {  	_ =	shalt  }
0x49: {  	_ =	shalt  }
0x4a: {  	_ =	shalt  }
0x4b: {  	_ =	shalt  }
0x4c: {  	_ =	shalt  }
0x4d: {  	_ =	shalt  }
0x4e: {  	_ =	shalt  }
0x4f: {  	_ =	shalt  }
0x50: {  	_ =	shalt  }
0x51: {  	_ =	shalt  }
0x52: {  	_ =	shalt  }
0x53: {  	_ =	shalt  }
0x54: {  	_ =	shalt  }
0x55: {  	_ =	shalt  }
0x56: {  	_ =	shalt  }
0x57: {  	_ =	shalt  }
0x58: {  	_ =	shalt  }
0x59: {  	_ =	shalt  }
0x5a: {  	_ =	shalt  }
0x5b: {  	_ =	shalt  }
0x5c: {  	_ =	shalt  }
0x5d: {  	_ =	shalt  }
0x5e: {  	_ =	shalt  }
0x5f: {  	_ =	shalt  }
0x60: {  	_ =	shalt  }
0x61: {  	_ =	shalt  }
0x62: {  	_ =	shalt  }
0x63: {  	_ =	shalt  }
0x64: {  	_ =	shalt  }
0x65: {  	_ =	shalt  }
0x66: {  	_ =	shalt  }
0x67: {  	_ =	shalt  }
0x68: {  	_ =	shalt  }
0x69: {  	_ =	shalt  }
0x6a: {  	_ =	shalt  }
0x6b: {  	_ =	shalt  }
0x6c: {  	_ =	shalt  }
0x6d: {  	_ =	shalt  }
0x6e: {  	_ =	shalt  }
0x6f: {  	_ =	shalt  }
0x70: {  	_ =	shalt  }
0x71: {  	_ =	shalt  }
0x72: {  	_ =	shalt  }
0x73: {  	_ =	shalt  }
0x74: {  	_ =	shalt  }
0x75: {  	_ =	shalt  }
0x76: {  	_ =	shalt  }
0x77: {  	_ =	shalt  }
0x78: {  	_ =	shalt  }
0x79: {  	_ =	shalt  }
0x7a: {  	_ =	shalt  }
0x7b: {  	_ =	shalt  }
0x7c: {  	_ =	shalt  }
0x7d: {  	_ =	shalt  }
0x7e: {  	_ =	shalt  }
0x7f: {  	_ =	shalt  }
0x80: {  	_ =	shalt  }
0x81: {  	_ =	shalt  }
0x82: {  	_ =	shalt  }
0x83: {  	_ =	shalt  }
0x84: {  	_ =	shalt  }
0x85: {  	_ =	shalt  }
0x86: {  	_ =	shalt  }
0x87: {  	_ =	shalt  }
.Lfunc_end0:
.L_simem_size_0:
called_computation_lowered:
.L_overlay_start_0:
0x88: {  	s2 =	sld [smem:$0x3FD9]  }
0x89: {  	s3 =	sld [smem:$0x3FFE];
	_ =	sdelay $0x1  }
0x8a: {  	s1 =	srdreg.scid  }
0x8b: {  	s0 =	sand.u32 $0x1, s1  }
0x8c: {  	s17 =	sshll.u32 s0, $0xA;
	s2 =	sadd.s32 s3, s2  }
0x8d: {  	s2 =	sadd.s32 s2, s17  }
0x8e: {  	[smem:$0x3FC1] =	sst s2  }
0x8f: {  	_ = 	snop  }
0x90: {  	s2 =	sld [smem:$0x3FC7]  }
0x91: {  	s18 =	sld [smem:$0x3FD0];
	(tm) =	ssettm $0x1  }
0x92: {  	s4 =	sld [smem:$0x3FFB];
	_ =	sdelay $0x3  }
0x93: {  	_ =	strace s4  }
0x94: {  	s4 =	sld [smem:$0x3FFC];
	_ =	sdelay $0x3  }
0x95: {  	_ =	strace s4  }
0x96: {  	s4 =	sld [smem:$0x3FFD];
	_ =	sdelay $0x3  }
0x97: {  	_ =	strace s4  }
0x98: {  	_ =	strace $0x8FFFFFFF  }
0x99: {  	s19 =	sld [smem:$0x3FDB];
	_ =	sdelay $0x1  }
0x9a: {  	s5 =	simm.s32 $_scs_section_size  }
0x9b: {  	s6 =	simm.s32 $_size__tile_overlayer_lowered;
	s7 =	simm.s32 $_tile_overlayer_lowered  }
0x9c: {  	s22 =	simm.s32 $0x1BFF;
	s21 =	sshll.u32 s7, $0x1;
	s4 =	sadd.s32 s5, s19  }
0x9d: {  	s8 =	simm.s32 $0x0;
	s20 =	sshll.u32 s6, $0x1;
	s6 =	sadd.s32 s21, s4  }
0x9e: {  	[timem:s8], [sflag:s22] =	dma.local [hbm:s6], s20  }
0x9f: {  	_ =	swait.ge [sflag:s22], s20  }
0xa0: {  	s5 =	ssub.s32 $0x0, s20;
	[sflag:s22] =	ssyncset.done $0x0  }
0xa1: {  	[sflag:s22] =	ssyncadd.s32 s5;
	_ =	sdelay $0x1  }
0xa2: {  	s23 =	simm.s32 $0x1B8B  }
0xa3: {  	_ =	swait.ge [sflag:s23], $0x1  }
0xa4: {  	[sflag:s23] =	ssyncset.done $0x0  }
0xa5: {  	s25 =	simm.s32 $0x1B8E;
	s24 =	sld [smem:$0x3FFE];
	[sflag:s23] =	ssyncadd.s32 $0xFFFFFFFF  }
0xa6: {  	s26 =	simm.s32 $execute0_lowered;
	[smem:$0x3FD2] =	sst s25  }
0xa7: {  	s6 =	sshll.u32 s26, $0x1;
	_ =	strace $0x80000046;
	[dreg:$0x1] =	wrdreg $0xFFFFFFFF  }
0xa8: {  	s28 =	simm.s32 $_size_execute0_lowered;
	s4 =	sadd.s32 s4, s6;
	[dreg:$0x0] =	wrdreg $0x0  }
0xa9: {  	s6 =	sshll.u32 s28, $0x1;
	[dreg:$0x2] =	wrdreg s4  }
0xaa: {  	[dreg:$0x3] =	wrdreg s6  }
0xab: {  	[dreg:$0x4] =	wrdreg $0xC0  }
0xac: {  	_ =	task [dreg:s8], $0x5FFFF  }
0xad: {  	[dreg:$0x1] =	wrdreg $0xFFFFFFFF  }
0xae: {  	[dreg:$0x0] =	wrdreg $0x60  }
0xaf: {  	[dreg:$0x2] =	wrdreg s18  }
0xb0: {  	[dreg:$0x3] =	wrdreg s24  }
0xb1: {  	[dreg:$0x4] =	wrdreg s2  }
0xb2: {  	[dreg:$0x5] =	wrdreg $0x93D00  }
0xb3: {  	[dreg:$0x6] =	wrdreg $0x9  }
0xb4: {  	_ =	task.clear_ibuf [dreg:s8], $0x7FFFF;
	_ =	strace $0x90000046  }
0xb5: {  	s29 =	simm.s32 $0x9;
	_ =	strace $0x80000048  }
0xb6: {  	_ =	swait.ge [sflag:s29], $0x1  }
0xb7: {  	[sflag:s29] =	ssyncadd.s32 $0xFFFFFFFF  }
0xb8: {  	_ =	strace $0x90000048  }
0xb9: {  	_ =	sfence  }
0xba: {  	s30 =	sld [smem:$0x0];
	_ =	sdelay $0x2  }
0xbb: {  	s31 =	sshll.u32 s1, $0xD;
	s1 =	sshrl.u32 s1, $0x2  }
0xbc: {  	s3 =	sand.u32 $0x4000, s31;
	s1 =	sadd.s32 s1, s30  }
0xbd: {  	s0 =	sor.u32 s3, s0;
	s1 =	sshll.u32 s1, $0x11  }
0xbe: {  	s0 =	sor.u32 s1, s0  }
0xbf: {  	s0 =	sadd.s32 $0x8F2B, s0  }
0xc0: {  	[sflag:s0] =	ssyncadd.remote.s32 $0x1  }
0xc1: {  	_ =	sfence.sel $0xFFFF  }
0xc2: {  	[dreg:$0x0] =	wrdreg $0xFFFFFFFF;
	(pc) =	sbr.abs _section_cstart, $3  }
0xc3: {  	[dreg:$0x1] =	wrdreg $0xFFFFFFFF  }
0xc4: {  	_ =	task.clear_ibuf [dreg:s8], $0x2FFFF;
	_ =	strace $0x9FFFFFFF  }
0xc5: {  	(tm) =	ssettm $0x7FFFFFFF  }
tec
execute0_lowered:
.L_overlay_start_1:
0x0: {  	(tag) =	ssettag $0x1  }
0x1: {  	s13 =	rddreg [dreg:$0x1];
	s1 =	simm.s32 $0x0;
	s0 =	srdreg.scid  }
0x2: {  	s6 =	stileid.u32;
	[smem:$0x7FF] =	sst s1;
	s2 =	sand.u32 $0x1, s0  }
0x3: {  	s3 =	smul.u32 $0x16800, s6;
	s14 =	sadd.s32 $0x3BA00, s13;
	s0 =	ssub.s32 $0x2, s2  }
0x4: {  	s4 =	sshll.u32 s2, $0x4;
	s19 =	smul.u32 $0x168000, s2;
	s5 =	sshrl.u32 s0, $0x1  }
0x5: {  	s4 =	sor.u32 s6, s4;
	s11 =	sadd.s32 $0x1680, s3;
	s12 =	sadd.s32 $0x2D00, s3  }
0x6: {  	s8 =	sadd.s32 $0x4380, s3;
	s9 =	sadd.s32 $0x5A00, s3;
	s10 =	sadd.s32 $0x7080, s3  }
0x7: {  	s6 =	sadd.s32 $0xB400, s3;
	s2 =	sadd.s32 $0xCA80, s3;
	s0 =	ssub.s32 s0, s5  }
0x8: {  	s23 =	smul.u32 $0x2710, s4;
	s4 =	sadd.s32 $0x8700, s3;
	s5 =	sadd.s32 $0x9D80, s3  }
0x9: {  	s7 =	sadd.s32 s3, s19;
	s16 =	sadd.s32 s19, s11;
	s17 =	sadd.s32 s19, s8  }
0xa: {  	s21 =	sadd.s32 s19, s10;
	s28 =	sadd.s32 s19, s6;
	s29 =	sadd.s32 s19, s2  }
0xb: {  	s15 =	sshrl.u32 s7, $0x3;
	s7 =	sadd.s32 $0xE100, s3;
	s30 =	sshrl.u32 s16, $0x3  }
0xc: {  	s16 =	sadd.s32 s19, s12;
	s22 =	sadd.s32 s19, s4;
	s24 =	sadd.s32 s19, s5  }
0xd: {  	s15 =	sadd.s32 s14, s15;
	s26 =	sshrl.u32 s24, $0x3;
	s24 =	rddreg [dreg:$0x2]  }
0xe: {  	[dreg:$0x6] =	wrdreg s15;
	s15 =	sadd.s32 s14, s30;
	s30 =	sadd.s32 s19, s7  }
0xf: {  	[dreg:$0x7] =	wrdreg s15;
	s15 =	sshrl.u32 s16, $0x3;
	s16 =	sshrl.u32 s17, $0x3  }
0x10: {  	s17 =	sadd.s32 s19, s9;
	s15 =	sadd.s32 s14, s15;
	s18 =	sadd.s32 s14, s16  }
0x11: {  	s20 =	sshrl.u32 s17, $0x3;
	s16 =	sshrl.u32 s22, $0x3;
	[dreg:$0x8] =	wrdreg s15  }
0x12: {  	s17 =	sadd.s32 $0xF780, s3;
	[dreg:$0x9] =	wrdreg s18;
	s15 =	sadd.s32 s14, s20  }
0x13: {  	s25 =	sadd.s32 s14, s16;
	[dreg:$0xa] =	wrdreg s15;
	s15 =	sshrl.u32 s21, $0x3  }
0x14: {  	s16 =	sshrl.u32 s29, $0x3;
	[dreg:$0xc] =	wrdreg s25;
	s15 =	sadd.s32 s14, s15  }
0x15: {  	s18 =	sshrl.u32 s30, $0x3;
	[dreg:$0xb] =	wrdreg s15;
	s15 =	sadd.s32 s14, s26  }
0x16: {  	s16 =	sadd.s32 s14, s16;
	[dreg:$0xd] =	wrdreg s15;
	s15 =	sshrl.u32 s28, $0x3  }
0x17: {  	[dreg:$0xf] =	wrdreg s16;
	s16 =	sadd.s32 $0x12480, s3;
	s15 =	sadd.s32 s14, s15  }
0x18: {  	[dreg:$0xe] =	wrdreg s15;
	s15 =	sadd.s32 s14, s18;
	s18 =	sadd.s32 s19, s17  }
0x19: {  	[dreg:$0x10] =	wrdreg s15;
	s15 =	sadd.s32 $0x10E00, s3;
	s18 =	sshrl.u32 s18, $0x3  }
0x1a: {  	s21 =	sadd.s32 s19, s16;
	s20 =	sadd.s32 s19, s15;
	s18 =	sadd.s32 s14, s18  }
0x1b: {  	s21 =	sshrl.u32 s21, $0x3;
	s20 =	sshrl.u32 s20, $0x3;
	[dreg:$0x11] =	wrdreg s18  }
0x1c: {  	s18 =	sadd.s32 s14, s21;
	s21 =	sadd.s32 $0x13B00, s3;
	s20 =	sadd.s32 s14, s20  }
0x1d: {  	[dreg:$0x13] =	wrdreg s18;
	s18 =	sadd.s32 $0x15180, s3;
	s22 =	sadd.s32 s19, s21  }
0x1e: {  	[dreg:$0x12] =	wrdreg s20;
	s22 =	sshrl.u32 s22, $0x3;
	s19 =	sadd.s32 s19, s18  }
0x1f: {  	s20 =	rddreg [dreg:$0x3];
	s22 =	sadd.s32 s14, s22;
	s19 =	sshrl.u32 s19, $0x3  }
0x20: {  	[dreg:$0x14] =	wrdreg s22;
	s14 =	sadd.s32 s14, s19  }
0x21: {  	[dreg:$0x15] =	wrdreg s14  }
0x22: {  	s22 =	sadd.s32 $0xAA00, s13;
	_ =	strace $0x80000047;
	[dreg:$0x5] =	wrdreg s23  }
0x23: {  	s3 =	sadd.s32 s3, s20;
	[dreg:$0x16] =	wrdreg s22  }
0x24: {  	s2 =	sadd.s32 s2, s20;
	[smem:$0x7ED] =	sst s3  }
0x25: {  	s0 =	smax.u32 s0, $0x1;
	[smem:$0x7F2] =	sst s2  }
0x26: {  	s8 =	sadd.s32 s8, s20;
	[smem:$0x7F8] =	sst s0  }
0x27: {  	s9 =	sadd.s32 s9, s20;
	[smem:$0x7F9] =	sst s8  }
0x28: {  	s10 =	sadd.s32 s10, s20;
	[smem:$0x7FA] =	sst s9  }
0x29: {  	s26 =	sadd.s32 $0xC00, s13;
	s6 =	sadd.s32 s6, s20;
	[smem:$0x7FB] =	sst s10  }
0x2a: {  	s7 =	sadd.s32 s7, s20;
	s14 =	sshrl.u32 s23, $0x3;
	[smem:$0x7FC] =	sst s6  }
0x2b: {  	s23 =	sadd.s32 $0x14800, s13;
	s13 =	sadd.s32 $0xA00, s13;
	[smem:$0x7FD] =	sst s7  }
0x2c: {  	s25 =	sadd.s32 $0x32, s14;
	s19 =	sadd.s32 s22, s14;
	[dreg:$0x17] =	wrdreg s13  }
0x2d: {  	s28 =	sadd.s32 s22, s25;
	[dreg:$0x1b] =	wrdreg s19  }
0x2e: {  	s29 =	sadd.s32 s26, s25;
	[dreg:$0x18] =	wrdreg s28  }
0x2f: {  	vm0 =	vcmask $0x300;
	v0 =	vimm.f32 $1.500000000e+01;
	s30 =	sadd.s32 s24, s25;
	[dreg:$0x19] =	wrdreg s29  }
0x30: {  	vm1 =	vcmask $0x704;
	v0 =	vsel vm0, $0x0, v0;
	s25 =	sadd.s32 s26, s14;
	[dreg:$0x1a] =	wrdreg s30  }
0x31: {  	vm15 =	vcmask $0xB08;
	v0 =	vsel vm1, $0x3F800000, v0;
	s19 =	sadd.s32 s4, s20;
	[dreg:$0x1c] =	wrdreg s25  }
0x32: {  	vm4 =	vcmask $0xF0C;
	v0 =	vsel vm15, $0x40000000, v0;
	s28 =	sadd.s32 s24, s14;
	s29 =	sadd.s32 $0x64, s14;
	[smem:$0x7F0] =	sst s19  }
0x33: {  	vm5 =	vcmask $0x1310;
	v0 =	vsel vm4, $0x40400000, v0;
	[dreg:$0x1d] =	wrdreg s28;
	s14 =	sadd.s32 s22, s29  }
0x34: {  	v1 =	vimm.f32 $6.400000000e+01;
	vm6 =	vcmask $0x1714;
	v0 =	vsel vm5, $0x40800000, v0;
	s30 =	sadd.s32 s26, s29;
	[dreg:$0x1e] =	wrdreg s14  }
0x35: {  	vm7 =	vcmask $0x1B18;
	v0 =	vsel vm6, $0x40A00000, v0;
	(erf) = vrcp.f32 v1;
	s13 =	sadd.s32 s24, s29;
	[dreg:$0x1f] =	wrdreg s30  }
0x36: {  	vm8 =	vcmask $0x1F1C;
	v0 =	vsel vm7, $0x40C00000, v0;
	s22 =	sadd.s32 s5, s20;
	[smem:$0x7EC] =	sst s13  }
0x37: {  	vm9 =	vcmask $0x2320;
	v0 =	vsel vm8, $0x40E00000, v0;
	s24 =	sadd.s32 s17, s20;
	[smem:$0x7F1] =	sst s22  }
0x38: {  	vm10 =	vcmask $0x2724;
	v0 =	vsel vm9, $0x41000000, v0;
	s25 =	smov.u32 s26;
	s26 =	sadd.s32 s15, s20;
	[smem:$0x7F3] =	sst s24  }
0x39: {  	vm11 =	vcmask $0x2B28;
	v0 =	vsel vm10, $0x41100000, v0;
	s28 =	sadd.s32 s16, s20;
	[smem:$0x7F4] =	sst s26  }
0x3a: {  	vm12 =	vcmask $0x2F2C;
	v0 =	vsel vm11, $0x41200000, v0;
	s29 =	sadd.s32 s21, s20;
	[smem:$0x7F5] =	sst s28  }
0x3b: {  	vm13 =	vcmask $0x3330;
	v0 =	vsel vm12, $0x41300000, v0;
	s13 =	sadd.s32 s11, s20;
	[smem:$0x7F6] =	sst s29  }
0x3c: {  	s31 =	simm.s32 $0x8;
	vm14 =	vcmask $0x3734;
	v1 =	vsel vm13, $0x41400000, v0;
	s14 =	sadd.s32 s12, s20;
	[smem:$0x7EE] =	sst s13  }
0x3d: {  	vm15 =	vcmask $0x3B38;
	s0 =	simm.s32 $0x8BC0;
	v0 =	vimm.f32 $0.0e+00;
	v3 =	vsel vm14, $0x41500000, v1;
	s30 =	sadd.s32 s18, s20;
	[smem:$0x7EF] =	sst s14  }
0x3e: {  	s3 =	simm.s32 $0x28;
	s4 =	simm.s32 $0x0;
	v1 =	vsel vm0, $0x3F800000, v0;
	v3 =	vsel vm15, $0x41600000, v3;
	[smem:$0x7F7] =	sst s30;
	v2 =	vpop (erf)  }
.LBB2_1:
0x3f: {  	[smem:$0x7EB] =	sst s4  }
0x40: {  	s2 =	rddreg [dreg:$0x1b]  }
0x41: {  	[tilespmem:s1], [sflag:$0x8] =	stream.linear.gather [hbm4b:s2+s1], $0x190, $0x38;
	[tilespmem:$0x1FBD0] =	vst v63  }
0x42: {  	_ =	swait.ge [sflag:s31], $0x190  }
0x43: {  	[sflag:s31] =	ssyncset.done $0x0  }
0x44: {  	s5 =	simm.s32 $0x4B0;
	s4 =	rddreg [dreg:$0x1c];
	[sflag:s31] =	ssyncadd.s32 $0xFFFFFE70  }
0x45: {  	[tilespmem:s5], [sflag:$0x8] =	stream.linear.gather [hbm4b:s4+s1], $0x190, $0x38;
	[tilespmem:$0x1FBD0] =	vst v63  }
0x46: {  	_ =	swait.ge [sflag:s31], $0x190  }
0x47: {  	[sflag:s31] =	ssyncset.done $0x0  }
0x48: {  	s12 =	simm.s32 $0x960;
	s11 =	rddreg [dreg:$0x1d];
	[sflag:s31] =	ssyncadd.s32 $0xFFFFFE70  }
0x49: {  	[tilespmem:s12], [sflag:$0x8] =	stream.linear.gather [hbm4b:s11+s1], $0x190, $0x38;
	[tilespmem:$0x1FBD0] =	vst v63  }
0x4a: {  	_ =	swait.ge [sflag:s31], $0x190  }
0x4b: {  	[sflag:s31] =	ssyncset.done $0x0  }
0x4c: {  	s14 =	simm.s32 $0x8B40;
	s13 =	rddreg [dreg:$0x17];
	[sflag:s31] =	ssyncadd.s32 $0xFFFFFE70  }
0x4d: {  	[tilespmem:s14], [sflag:$0x8] =	stream.linear.gather [hbm4b:s13+s1], $0x80, $0x38;
	[tilespmem:$0x1FBD0] =	vst v63  }
0x4e: {  	_ =	swait.ge [sflag:s31], $0x80  }
0x4f: {  	[sflag:s31] =	ssyncset.done $0x0;
	s15 =	rddreg [dreg:$0x18]  }
0x50: {  	s16 =	simm.s32 $0x190;
	s17 =	rddreg [dreg:$0x19];
	[sflag:s31] =	ssyncadd.s32 $0xFFFFFF80  }
0x51: {  	[tilespmem:s16], [sflag:$0x6] =	stream.linear.gather [hbm4b:s15+s1], $0x190, $0x38;
	[tilespmem:$0x1FBD0] =	vst v63  }
0x52: {  	s18 =	simm.s32 $0x640;
	s19 =	rddreg [dreg:$0x1a]  }
0x53: {  	[tilespmem:s18], [sflag:$0x6] =	stream.linear.gather [hbm4b:s17+s1], $0x190, $0x38;
	[tilespmem:$0x1FBD0] =	vst v63  }
0x54: {  	s21 =	simm.s32 $0xB00;
	s22 =	rddreg [dreg:$0x1e]  }
0x55: {  	[tilespmem:s21], [sflag:$0x6] =	stream.linear.gather [hbm4b:s19+s1], $0x190, $0x38;
	[tilespmem:$0x1FBD0] =	vst v63  }
0x56: {  	s24 =	simm.s32 $0x320;
	s26 =	rddreg [dreg:$0x1f]  }
0x57: {  	[tilespmem:s24], [sflag:$0x7] =	stream.linear.gather [hbm4b:s22+s1], $0x190, $0x38;
	[tilespmem:$0x1FBD0] =	vst v63  }
0x58: {  	s28 =	simm.s32 $0x7D0;
	s29 =	sld [smem:$0x7EC]  }
0x59: {  	[tilespmem:s28], [sflag:$0x7] =	stream.linear.gather [hbm4b:s26+s1], $0x190, $0x38;
	[tilespmem:$0x1FBD0] =	vst v63  }
0x5a: {  	s30 =	simm.s32 $0xCA0;
	s2 =	simm.s32 $0x40;
	s4 =	simm.s32 $0x340  }
0x5b: {  	[tilespmem:s30], [sflag:$0x7] =	stream.linear.gather [hbm4b:s29+s1], $0x190, $0x38;
	[tilespmem:$0x1FBD0] =	vst v63  }
.LBB2_2:
0x5c: {  	p0 =	sne.s32 s4, $0x58C0;
	[tilespmem:s2+$0x7500] =	vst v0  }
0x5d: {  	[tilespmem:s2+$0x5E00] =	vst v0  }
0x5e: {  	[tilespmem:s2+$0x5E10] =	vst v0  }
0x5f: {  	[tilespmem:s2+$0x5E20] =	vst v0  }
0x60: {  	[tilespmem:s2+$0x5E30] =	vst v0  }
0x61: {  	[tilespmem:s2+$0x5E40] =	vst v0  }
0x62: {  	[tilespmem:s2+$0x5E50] =	vst v0  }
0x63: {  	[tilespmem:s2+$0x5E60] =	vst v0  }
0x64: {  	[tilespmem:s2+$0x5E70] =	vst v0  }
0x65: {  	[tilespmem:s2+$0x5E80] =	vst v0  }
0x66: {  	[tilespmem:s2+$0x7480] =	vst v0  }
0x67: {  	[tilespmem:s2+$0x7490] =	vst v0  }
0x68: {  	[tilespmem:s2+$0x74A0] =	vst v0  }
.Ltmp0:
0x69: {  	[tilespmem:s2+$0x74B0] =	vst v0;
	(pc) =	sbr.rel @p0 .LBB2_2-.Ltmp0, $4  }
0x6a: {  	[tilespmem:s2+$0x74C0] =	vst v0  }
0x6b: {  	[tilespmem:s2+$0x74D0] =	vst v0  }
0x6c: {  	[tilespmem:s2+$0x74E0] =	vst v0  }
0x6d: {  	[tilespmem:s2+$0x74F0] =	vst v0;
	s2 =	sshra.s32 s4, $0x2;
	s4 =	sadd.s32 $0x240, s4  }
0x6e: {  	[tilespmem:s2+$0x7500] =	vst v0  }
0x6f: {  	[tilespmem:s2+$0x5E00] =	vst v0  }
0x70: {  	[tilespmem:s2+$0x5E10] =	vst v0  }
0x71: {  	[tilespmem:s2+$0x5E20] =	vst v0  }
0x72: {  	[tilespmem:s2+$0x5E30] =	vst v0  }
0x73: {  	[tilespmem:s2+$0x5E40] =	vst v0  }
0x74: {  	[tilespmem:s2+$0x5E50] =	vst v0  }
0x75: {  	[tilespmem:s2+$0x5E60] =	vst v0  }
0x76: {  	[tilespmem:s2+$0x5E70] =	vst v0  }
0x77: {  	[tilespmem:s2+$0x5E80] =	vst v0  }
0x78: {  	[tilespmem:s2+$0x7480] =	vst v0  }
0x79: {  	[tilespmem:s2+$0x7490] =	vst v0  }
0x7a: {  	[tilespmem:s2+$0x74A0] =	vst v0  }
0x7b: {  	[tilespmem:s2+$0x74B0] =	vst v0  }
0x7c: {  	[tilespmem:s2+$0x74C0] =	vst v0  }
0x7d: {  	[tilespmem:s2+$0x74D0] =	vst v0;
	s16 =	sld [smem:$0x7ED]  }
0x7e: {  	[tilespmem:s2+$0x74E0] =	vst v0  }
0x7f: {  	[tilespmem:s2+$0x74F0] =	vst v0;
	s4 =	simm.s32 $0x5E40  }
0x80: {  	[spmem:s16] =	stream.linear.scatter [tilespmem:s4], [sflag:$0x8], $0x1680, $0x38;
	[tilespmem:$0x1FBD0] =	vst v63  }
0x81: {  	_ =	swait.ge [sflag:s31], $0x1680  }
0x82: {  	s17 =	sld [smem:$0x7EE]  }
0x83: {  	[sflag:s31] =	ssyncset.done $0x0  }
0x84: {  	[sflag:s31] =	ssyncadd.s32 $0xFFFFE980  }
0x85: {  	[spmem:s17] =	stream.linear.scatter [tilespmem:s4], [sflag:$0x8], $0x1680, $0x38;
	[tilespmem:$0x1FBD0] =	vst v63  }
0x86: {  	_ =	swait.ge [sflag:s31], $0x1680  }
0x87: {  	s18 =	sld [smem:$0x7EF]  }
0x88: {  	[sflag:s31] =	ssyncset.done $0x0  }
0x89: {  	[sflag:s31] =	ssyncadd.s32 $0xFFFFE980  }
0x8a: {  	[spmem:s18] =	stream.linear.scatter [tilespmem:s4], [sflag:$0x8], $0x1680, $0x38;
	[tilespmem:$0x1FBD0] =	vst v63  }
0x8b: {  	_ =	swait.ge [sflag:s31], $0x1680  }
0x8c: {  	[sflag:s31] =	ssyncset.done $0x0  }
0x8d: {  	[sflag:s31] =	ssyncadd.s32 $0xFFFFE980  }
0x8e: {  	[spmem:s8] =	stream.linear.scatter [tilespmem:s4], [sflag:$0x8], $0x1680, $0x38;
	[tilespmem:$0x1FBD0] =	vst v63  }
0x8f: {  	_ =	swait.ge [sflag:s31], $0x1680  }
0x90: {  	[sflag:s31] =	ssyncset.done $0x0  }
0x91: {  	[sflag:s31] =	ssyncadd.s32 $0xFFFFE980  }
0x92: {  	[spmem:s9] =	stream.linear.scatter [tilespmem:s4], [sflag:$0x8], $0x1680, $0x38;
	[tilespmem:$0x1FBD0] =	vst v63  }
0x93: {  	_ =	swait.ge [sflag:s31], $0x1680  }
0x94: {  	[sflag:s31] =	ssyncset.done $0x0  }
0x95: {  	[sflag:s31] =	ssyncadd.s32 $0xFFFFE980  }
0x96: {  	[spmem:s10] =	stream.linear.scatter [tilespmem:s4], [sflag:$0x8], $0x1680, $0x38;
	[tilespmem:$0x1FBD0] =	vst v63  }
0x97: {  	_ =	swait.ge [sflag:s31], $0x1680  }
0x98: {  	s19 =	sld [smem:$0x7F0]  }
0x99: {  	[sflag:s31] =	ssyncset.done $0x0  }
0x9a: {  	[sflag:s31] =	ssyncadd.s32 $0xFFFFE980  }
0x9b: {  	[spmem:s19] =	stream.linear.scatter [tilespmem:s4], [sflag:$0x8], $0x1680, $0x38;
	[tilespmem:$0x1FBD0] =	vst v63  }
0x9c: {  	_ =	swait.ge [sflag:s31], $0x1680  }
0x9d: {  	s21 =	sld [smem:$0x7F1]  }
0x9e: {  	[sflag:s31] =	ssyncset.done $0x0  }
0x9f: {  	[sflag:s31] =	ssyncadd.s32 $0xFFFFE980  }
0xa0: {  	[spmem:s21] =	stream.linear.scatter [tilespmem:s4], [sflag:$0x8], $0x1680, $0x38;
	[tilespmem:$0x1FBD0] =	vst v63  }
0xa1: {  	_ =	swait.ge [sflag:s31], $0x1680  }
0xa2: {  	[sflag:s31] =	ssyncset.done $0x0  }
0xa3: {  	[sflag:s31] =	ssyncadd.s32 $0xFFFFE980  }
0xa4: {  	[spmem:s6] =	stream.linear.scatter [tilespmem:s4], [sflag:$0x8], $0x1680, $0x38;
	[tilespmem:$0x1FBD0] =	vst v63  }
0xa5: {  	_ =	swait.ge [sflag:s31], $0x1680  }
0xa6: {  	s22 =	sld [smem:$0x7F2]  }
0xa7: {  	[sflag:s31] =	ssyncset.done $0x0  }
0xa8: {  	[sflag:s31] =	ssyncadd.s32 $0xFFFFE980  }
0xa9: {  	[spmem:s22] =	stream.linear.scatter [tilespmem:s4], [sflag:$0x8], $0x1680, $0x38;
	[tilespmem:$0x1FBD0] =	vst v63  }
0xaa: {  	_ =	swait.ge [sflag:s31], $0x1680  }
0xab: {  	[sflag:s31] =	ssyncset.done $0x0  }
0xac: {  	[sflag:s31] =	ssyncadd.s32 $0xFFFFE980  }
0xad: {  	[spmem:s7] =	stream.linear.scatter [tilespmem:s4], [sflag:$0x8], $0x1680, $0x38;
	[tilespmem:$0x1FBD0] =	vst v63  }
0xae: {  	_ =	swait.ge [sflag:s31], $0x1680  }
0xaf: {  	s24 =	sld [smem:$0x7F3]  }
0xb0: {  	[sflag:s31] =	ssyncset.done $0x0  }
0xb1: {  	[sflag:s31] =	ssyncadd.s32 $0xFFFFE980  }
0xb2: {  	[spmem:s24] =	stream.linear.scatter [tilespmem:s4], [sflag:$0x8], $0x1680, $0x38;
	[tilespmem:$0x1FBD0] =	vst v63  }
0xb3: {  	_ =	swait.ge [sflag:s31], $0x1680  }
0xb4: {  	s26 =	sld [smem:$0x7F4]  }
0xb5: {  	[sflag:s31] =	ssyncset.done $0x0  }
0xb6: {  	[sflag:s31] =	ssyncadd.s32 $0xFFFFE980  }
0xb7: {  	[spmem:s26] =	stream.linear.scatter [tilespmem:s4], [sflag:$0x8], $0x1680, $0x38;
	[tilespmem:$0x1FBD0] =	vst v63  }
0xb8: {  	_ =	swait.ge [sflag:s31], $0x1680  }
0xb9: {  	s28 =	sld [smem:$0x7F5]  }
0xba: {  	[sflag:s31] =	ssyncset.done $0x0  }
0xbb: {  	[sflag:s31] =	ssyncadd.s32 $0xFFFFE980  }
0xbc: {  	[spmem:s28] =	stream.linear.scatter [tilespmem:s4], [sflag:$0x8], $0x1680, $0x38;
	[tilespmem:$0x1FBD0] =	vst v63  }
0xbd: {  	_ =	swait.ge [sflag:s31], $0x1680  }
0xbe: {  	s29 =	sld [smem:$0x7F6]  }
0xbf: {  	[sflag:s31] =	ssyncset.done $0x0  }
0xc0: {  	[sflag:s31] =	ssyncadd.s32 $0xFFFFE980  }
0xc1: {  	[spmem:s29] =	stream.linear.scatter [tilespmem:s4], [sflag:$0x8], $0x1680, $0x38;
	[tilespmem:$0x1FBD0] =	vst v63  }
0xc2: {  	_ =	swait.ge [sflag:s31], $0x1680  }
0xc3: {  	s30 =	sld [smem:$0x7F7]  }
0xc4: {  	[sflag:s31] =	ssyncset.done $0x0  }
0xc5: {  	[sflag:s31] =	ssyncadd.s32 $0xFFFFE980  }
0xc6: {  	[spmem:s30] =	stream.linear.scatter [tilespmem:s4], [sflag:$0x8], $0x1680, $0x38;
	[tilespmem:$0x1FBD0] =	vst v63  }
0xc7: {  	_ =	swait.ge [sflag:s31], $0x1680  }
0xc8: {  	[sflag:s31] =	ssyncset.done $0x0  }
0xc9: {  	s2 =	simm.s32 $0x0;
	s4 =	simm.s32 $0x0;
	[sflag:s31] =	ssyncadd.s32 $0xFFFFE980  }
.LBB2_4:
0xca: {  	p0 =	sne.s32 s4, $0x57C0  }
.Ltmp1:
0xcb: {  	_ = 	snop;
	(pc) =	sbr.rel @p0 .LBB2_4-.Ltmp1, $4  }
0xcc: {  	_ = 	snop  }
0xcd: {  	s5 =	sshra.s32 s4, $0x2  }
0xce: {  	[tilespmem:s5+$0x5EC0] =	vst v1  }
0xcf: {  	s4 =	sadd.s32 $0x240, s4;
	[tilespmem:s5+$0x7540] =	vst v1  }
0xd0: {  	s2 =	scvt.s32.f32 s2;
	_ =	sdelay $0x1  }
0xd1: {  	s2 =	smul.f32 $1.600000000e+01, s2;
	_ =	sdelay $0x1  }
0xd2: {  	v4 =	vadd.f32 s2, v3;
	_ =	sdelay $0x1  }
0xd3: {  	s22 =	simm.s32 $0x1;
	v4 =	vmul.f32 v4, v2  }
0xd4: {  	s2 =	scvt.s32.f32 s22  }
0xd5: {  	v4 =	vadd.f32 $-1.600000000e+01, v4  }
0xd6: {  	s4 =	simm.s32 $0x2;
	s2 =	smul.f32 $1.600000000e+01, s2  }
0xd7: {  	s4 =	scvt.s32.f32 s4;
	v4 =	vsub.f32 $0.0e+00, v4  }
0xd8: {  	v5 =	vadd.f32 s2, v3  }
0xd9: {  	s4 =	smul.f32 $1.600000000e+01, s4;
	v4 =	vmul.f32 $1.442695020e+00, v4  }
0xda: {  	s24 =	simm.s32 $0x3;
	v5 =	vmul.f32 v5, v2  }
0xdb: {  	s2 =	scvt.s32.f32 s24;
	(erf) = vpow2.f32 v4;
	v4 =	vadd.f32 s4, v3  }
0xdc: {  	v5 =	vadd.f32 $-1.600000000e+01, v5  }
0xdd: {  	s2 =	smul.f32 $1.600000000e+01, s2;
	v4 =	vmul.f32 v4, v2  }
0xde: {  	v5 =	vsub.f32 $0.0e+00, v5  }
0xdf: {  	v6 =	vadd.f32 s2, v3;
	v4 =	vadd.f32 $-1.600000000e+01, v4  }
0xe0: {  	v5 =	vmul.f32 $1.442695020e+00, v5  }
0xe1: {  	v6 =	vmul.f32 v6, v2;
	v4 =	vsub.f32 $0.0e+00, v4  }
0xe2: {  	(erf) = vpow2.f32 v5  }
0xe3: {  	s26 =	simm.s32 $0x4;
	v6 =	vadd.f32 $-1.600000000e+01, v6;
	v4 =	vmul.f32 $1.442695020e+00, v4  }
0xe4: {  	s2 =	scvt.s32.f32 s26  }
0xe5: {  	v6 =	vsub.f32 $0.0e+00, v6;
	v5 =	vpop (erf);
	(erf) = vpow2.f32 v4  }
0xe6: {  	s2 =	smul.f32 $1.600000000e+01, s2  }
0xe7: {  	v6 =	vmul.f32 $1.442695020e+00, v6  }
0xe8: {  	v5 =	vadd.f32 $1.000000000e+00, v5;
	v4 =	vadd.f32 s2, v3;
	_ =	sdelay $0x1  }
0xe9: {  	s28 =	simm.s32 $0x5;
	(erf) = vrcp.f32 v5;
	v4 =	vmul.f32 v4, v2  }
0xea: {  	s29 =	scvt.s32.f32 s28;
	(erf) = vpow2.f32 v6;
	v6 =	vpop (erf)  }
0xeb: {  	v4 =	vadd.f32 $-1.600000000e+01, v4;
	v6 =	vadd.f32 $1.000000000e+00, v6  }
0xec: {  	s2 =	smul.f32 $1.600000000e+01, s29  }
0xed: {  	v4 =	vsub.f32 $0.0e+00, v4;
	v7 =	vpop (erf);
	(erf) = vrcp.f32 v6  }
0xee: {  	v5 =	vadd.f32 s2, v3  }
0xef: {  	s30 =	simm.s32 $0x6;
	v4 =	vmul.f32 $1.442695020e+00, v4  }
0xf0: {  	s2 =	scvt.s32.f32 s30;
	v5 =	vmul.f32 v5, v2;
	v6 =	vadd.f32 $1.000000000e+00, v7  }
0xf1: {  	(erf) = vpow2.f32 v4  }
0xf2: {  	s5 =	smul.f32 $1.600000000e+01, s2;
	v5 =	vadd.f32 $-1.600000000e+01, v5;
	v7 =	vpop (erf);
	(erf) = vrcp.f32 v6;
	_ =	sdelay $0x1  }
0xf3: {  	s2 =	simm.s32 $0x8BC0;
	v5 =	vsub.f32 $0.0e+00, v5;
	v6 =	vadd.f32 s5, v3  }
0xf4: {  	s4 =	simm.s32 $0x7;
	[tilespmem:s2+$0x0] =	vst v7;
	v4 =	vpop (erf)  }
.LBB2_6:
0xf5: {  	s5 =	scvt.s32.f32 s4;
	v6 =	vmul.f32 v6, v2;
	v5 =	vmul.f32 $1.442695020e+00, v5;
	v7 =	vpop (erf);
	s2 =	sadd.s32 $0x10, s2;
	p0 =	sne.s32 s4, $0x80  }
.Ltmp2:
0xf6: {  	s4 =	sadd.s32 $0x1, s4;
	v4 =	vadd.f32 $1.000000000e+00, v4;
	[tilespmem:s2+$0x0] =	vst v7;
	(pc) =	sbr.rel @p0 .LBB2_6-.Ltmp2, $4  }
0xf7: {  	s5 =	smul.f32 $1.600000000e+01, s5;
	v7 =	vadd.f32 $-1.600000000e+01, v6;
	(erf) = vpow2.f32 v5  }
0xf8: {  	(erf) = vrcp.f32 v4  }
0xf9: {  	v6 =	vadd.f32 s5, v3;
	v5 =	vsub.f32 $0.0e+00, v7  }
0xfa: {  	v4 =	vpop (erf)  }
0xfb: {  	v6 =	vmul.f32 v6, v2;
	_ =	sdelay $0x1  }
0xfc: {  	v6 =	vadd.f32 $-1.600000000e+01, v6;
	_ =	sdelay $0x1  }
0xfd: {  	v5 =	vmul.f32 $1.442695020e+00, v5;
	v6 =	vsub.f32 $0.0e+00, v6  }
0xfe: {  	v4 =	vadd.f32 $1.000000000e+00, v4  }
0xff: {  	(erf) = vpow2.f32 v5;
	v5 =	vmul.f32 $1.442695020e+00, v6  }
0x100: {  	(erf) = vrcp.f32 v4  }
0x101: {  	(erf) = vpow2.f32 v5;
	_ =	sdelay $0x3  }
0x102: {  	v4 =	vpop (erf)  }
0x103: {  	v5 =	vpop (erf)  }
0x104: {  	v63 =	vpop (erf)  }
0x105: {  	v7 =	vpop (erf)  }
0x106: {  	v5 =	vadd.f32 $1.000000000e+00, v5;
	v8 =	vpop (erf)  }
0x107: {  	v7 =	vadd.f32 $1.000000000e+00, v7;
	v9 =	vpop (erf)  }
0x108: {  	(erf) = vrcp.f32 v5;
	v5 =	vadd.f32 $1.000000000e+00, v9  }
0x109: {  	(erf) = vrcp.f32 v7  }
0x10a: {  	(erf) = vrcp.f32 v5;
	_ =	sdelay $0x3  }
0x10b: {  	s2 =	sadd.s32 $0x10, s2  }
0x10c: {  	[tilespmem:s2+$0x0] =	vst v4;
	s2 =	sadd.s32 $0x10, s2  }
0x10d: {  	[tilespmem:s2+$0x0] =	vst v63;
	s2 =	sadd.s32 $0x10, s2  }
0x10e: {  	[tilespmem:s2+$0x0] =	vst v8;
	s2 =	sadd.s32 $0x10, s2;
	v4 =	vpop (erf)  }
0x10f: {  	[tilespmem:s2+$0x0] =	vst v4;
	s2 =	sadd.s32 $0x10, s2;
	v4 =	vpop (erf)  }
0x110: {  	[tilespmem:s2+$0x0] =	vst v4;
	s2 =	sadd.s32 $0x10, s2;
	v4 =	vpop (erf)  }
0x111: {  	[tilespmem:s2+$0x0] =	vst v4  }
0x112: {  	s2 =	simm.s32 $0x0;
	[bflag:$0x0] =	sbarrier.arrive $0xFFFF  }
.LBB2_8:
0x113: {  	p0 =	seq.s32 s2, $0xFA  }
.Ltmp3:
0x114: {  	_ = 	snop;
	(pc) =	sbr.rel @p0 .LBB2_12-.Ltmp3, $2  }
0x115: {  	_ =	sdelay $0x2  }
0x116: {  	s4 =	sadd.s32 $0x1, s2  }
0x117: {  	s5 =	smul.u32 $0xCD, s2;
	_ =	sdelay $0x1  }
0x118: {  	s5 =	sshrl.u32 s5, $0xB  }
0x119: {  	s5 =	sand.u32 $0x1F, s5  }
0x11a: {  	s6 =	smul.u32 $0x56, s5  }
0x11b: {  	s7 =	smul.u32 $0xA, s5  }
0x11c: {  	s6 =	sshrl.u32 s6, $0x8  }
0x11d: {  	p0 =	seq.s32 s2, $0x0;
	s7 =	ssub.s32 s2, s7;
	s6 =	smul.u32 $0x3, s6  }
0x11e: {  	s8 =	sand.u32 @!p0 $0xFF, s7  }
0x11f: {  	p1 =	sne.s32 @!p0 s8, $0x0;
	s6 =	ssub.s32 s5, s6  }
0x120: {  	p1 =	por p1, p0;
	s6 =	sand.u32 $0xFF, s6  }
0x121: {  	s8 =	sadd.s32 @!p1 $0x5, s6  }
0x122: {  	_ =	swait.ge @!p1 [sflag:s8], $0x190  }
0x123: {  	[sflag:s8] =	ssyncset.done @!p1 $0x0  }
0x124: {  	[sflag:s8] =	ssyncadd.s32 @!p1 $0xFFFFFE70  }
0x125: {  	_ =	swait.ge @!p1 [sflag:s8], $0x190  }
0x126: {  	s9 =	sand.u32 $0x1, s2;
	[sflag:s8] =	ssyncset.done @!p1 $0x0  }
0x127: {  	s10 =	smul.u32 $0x1400, s9;
	s11 =	sand.u32 $0xFF, s7;
	[sflag:s8] =	ssyncadd.s32 @!p1 $0xFFFFFE70  }
0x128: {  	s11 =	smul.u32 $0x28, s11;
	_ =	swait.ge @!p1 [sflag:s8], $0x190  }
0x129: {  	s6 =	smul.u32 $0x190, s6;
	[sflag:s8] =	ssyncset.done @!p1 $0x0  }
0x12a: {  	s9 =	sadd.s32 $0x1, s9;
	[sflag:s8] =	ssyncadd.s32 @!p1 $0xFFFFFE70  }
0x12b: {  	s28 =	sadd.s32 $0xE40, s10;
	s6 =	sadd.s32 s11, s6;
	s29 =	rddreg [dreg:$0x0]  }
0x12c: {  	[tilespmem:s28], [sflag:s9] =	stream.indirect.gather [hbm4b:s29+s3], $0x80, s6, s3, $0xb8;
	[tilespmem:$0x1FBD0] =	vst v63  }
0x12d: {  	s30 =	sadd.s32 $0x3640, s10;
	p1 =	sgt.u32 s2, $0xE5;
	s6 =	sadd.s32 $0x4B0, s6  }
0x12e: {  	[tilespmem:s30], [sflag:s9] =	stream.indirect.gather [hbm4b:s23+s3], $0x80, s6, s3, $0xb8;
	[tilespmem:$0x1FBD0] =	vst v63  }
0x12f: {  	s6 =	sand.u32 @!p1 $0xFF, s7  }
0x130: {  	p2 =	sne.s32 @!p1 s6, $0x3  }
0x131: {  	p1 =	por p1, p2  }
.Ltmp4:
0x132: {  	_ = 	snop;
	(pc) =	sbr.rel @p1 .LBB2_11-.Ltmp4, $1  }
0x133: {  	_ =	sdelay $0x3  }
0x134: {  	s5 =	sadd.s32 $0x2, s5  }
0x135: {  	s6 =	smul.u32 $0x56, s5;
	_ =	sdelay $0x1  }
0x136: {  	s6 =	sshrl.u32 s6, $0x8  }
0x137: {  	s6 =	smul.u32 $0x3, s6  }
0x138: {  	s7 =	smul.u32 $0x190, s5  }
0x139: {  	s26 =	rddreg [dreg:$0x5];
	s5 =	ssub.s32 s5, s6  }
0x13a: {  	s6 =	sadd.s32 s26, s7;
	s5 =	sand.u32 $0xFF, s5  }
0x13b: {  	s9 =	rddreg [dreg:$0x16];
	s6 =	sshrl.u32 s6, $0x3;
	s28 =	smul.u32 $0x190, s5  }
0x13c: {  	s8 =	sadd.s32 $0x5, s5;
	s9 =	sadd.s32 s9, s6;
	s5 =	smul.u32 $0x680, s5  }
0x13d: {  	[tilespmem:s28], [sflag:s8] =	stream.linear.gather [hbm4b:s9+s1], $0x190, $0x38;
	[tilespmem:$0x1FBD0] =	vst v63  }
.Ltmp5:
0x13e: {  	s30 =	rddreg [dreg:$0x2];
	(pc) =	sbr.rel .LBB2_12-.Ltmp5, $4  }
0x13f: {  	s29 =	sadd.s32 s25, s6;
	s7 =	sadd.s32 $0x4B0, s28;
	s5 =	sshrl.u32 s5, $0x2  }
0x140: {  	[tilespmem:s7], [sflag:s8] =	stream.linear.gather [hbm4b:s29+s1], $0x190, $0x38;
	[tilespmem:$0x1FBD0] =	vst v63  }
0x141: {  	s6 =	sadd.s32 s30, s6;
	s5 =	sadd.s32 $0x960, s5  }
0x142: {  	[tilespmem:s5], [sflag:s8] =	stream.linear.gather [hbm4b:s6+s1], $0x190, $0x38;
	[tilespmem:$0x1FBD0] =	vst v63  }
.LBB2_11:
.Ltmp6:
0x143: {  	(pc) =	sbr.rel @p0 .LBB2_15-.Ltmp6, $1  }
0x144: {  	_ =	sdelay $0x3  }
.LBB2_12:
0x145: {  	s6 =	sadd.s32 $0xFFFFFFFF, s2  }
0x146: {  	s5 =	sand.u32 $0x1, s4;
	s7 =	sshll.u32 s6, $0x10  }
0x147: {  	s8 =	sadd.s32 $0x1, s5;
	s7 =	sshra.s32 s7, $0x10  }
0x148: {  	_ =	swait.ge [sflag:s8], $0x1400;
	s7 =	smul.u32 $0x6667, s7  }
0x149: {  	[sflag:s8] =	ssyncset.done $0x0  }
0x14a: {  	[sflag:s8] =	ssyncadd.s32 $0xFFFFEC00;
	s9 =	sshrl.u32 s7, $0x1F;
	s7 =	sshra.s32 s7, $0x12  }
0x14b: {  	_ =	swait.ge [sflag:s8], $0x1400;
	s7 =	sadd.s32 s9, s7  }
0x14c: {  	p0 =	slt.u32 s2, $0x3;
	[sflag:s8] =	ssyncset.done $0x0;
	s9 =	sand.u32 $0xFF, s7  }
0x14d: {  	s2 =	sadd.s32 @!p0 $0x3, s5;
	[sflag:s8] =	ssyncadd.s32 $0xFFFFEC00;
	s9 =	smul.u32 $0xAB, s9  }
0x14e: {  	_ =	swait.ge @!p0 [sflag:s2], $0x1680  }
0x14f: {  	s21 =	smul.u32 $0xFFFFFFF6, s7;
	[sflag:s2] =	ssyncset.done @!p0 $0x0;
	s9 =	sshrl.u32 s9, $0x9  }
0x150: {  	[sflag:s2] =	ssyncadd.s32 @!p0 $0xFFFFE980;
	s9 =	smul.u32 $0x3, s9  }
0x151: {  	s28 =	smul.u32 $0x5A00, s5;
	v4 =	vld [tilespmem:$0x8B40]  }
0x152: {  	s11 =	smul.u32 $0x1400, s5;
	s22 =	sadd.s32 s6, s21;
	v5 =	vld [tilespmem:$0x8B50];
	s24 =	ssub.s32 s7, s9  }
0x153: {  	s2 =	smul.u32 $0x280000, s22;
	v6 =	vld [tilespmem:$0x8B60];
	s6 =	sand.u32 $0xFF, s24  }
0x154: {  	v7 =	vld [tilespmem:$0x8B70];
	s26 =	smul.u32 $0x680, s6  }
0x155: {  	v12 =	vmov s11;
	v8 =	vld [tilespmem:$0x8B80]  }
0x156: {  	s30 =	sshrl.u32 s28, $0x2;
	v9 =	vld [tilespmem:$0x8B90];
	s7 =	sshra.s32 s2, $0x10;
	s29 =	sshrl.u32 s26, $0x2  }
0x157: {  	s8 =	sadd.s32 $0x5E40, s30;
	v10 =	vld [tilespmem:$0x8BA0];
	s2 =	sadd.s32 s7, s29  }
0x158: {  	s10 =	simm.s32 $0x0;
	v13 =	vmov s8;
	v11 =	vld [tilespmem:$0x8BB0];
	s9 =	sadd.s32 $0x960, s2  }
.LBB2_13:
0x159: {  	s21 =	sshll.u32 s10, $0x7  }
0x15a: {  	v14 =	vld.idx.msk [tilespmem:v12+s21+$0xE40 ss:$0x1], $0xffff  }
0x15b: {  	s2 =	sadd.s32 s10, s9;
	v15 =	vld.idx.msk [tilespmem:v12+s21+$0x3640 ss:$0x1], $0xffff  }
0x15c: {  	v16 =	vld.msk [tilespmem:s2+$0x0 ss:$0x0], $0xffff;
	_ =	sdelay $0x4  }
0x15d: {  	v14 =	vadd.f32 v15, v14;
	v15 =	vmul.f32 v16, v4;
	_ =	sdelay $0x1  }
0x15e: {  	v14 =	vadd.f32 v14, v15;
	_ =	sdelay $0x1  }
0x15f: {  	v15 =	vmul.f32 $6.400000000e+01, v14;
	_ =	sdelay $0x1  }
0x160: {  	v15 =	vadd.f32 $1.024000000e+03, v15;
	_ =	sdelay $0x1  }
0x161: {  	v15 =	vmax.f32 v15, $0.0e+00  }
0x162: {  	v15 =	vmin.f32 v15, $2.047000000e+03  }
0x163: {  	v17 =	vtrunc.f32 v15  }
0x164: {  	v17 =	vcvt.f32.s32 v17;
	_ =	sdelay $0x1  }
0x165: {  	v18 =	vadd.s32 $0x1, v17;
	_ =	sdelay $0x3  }
0x166: {  	v19 =	vld.idx.msk [tilespmem:v17+s0+$0x0], $0xffff  }
0x167: {  	v18 =	vld.idx.msk [tilespmem:v18+s0+$0x0], $0xffff;
	_ =	sdelay $0x2  }
0x168: {  	v17 =	vcvt.s32.f32 v17;
	_ =	sdelay $0x1  }
0x169: {  	v15 =	vsub.f32 v15, v17;
	v62 =	vsub.f32 v18, v19;
	_ =	sdelay $0x1  }
0x16a: {  	v15 =	vmul.f32 v15, v62;
	_ =	sdelay $0x1  }
0x16b: {  	v15 =	vadd.f32 v15, v19  }
0x16c: {  	s11 =	smul.u32 $0x240, s10  }
0x16d: {  	v14 =	vmul.f32 v15, v14  }
0x16e: {  	s11 =	sshra.s32 s11, $0x2  }
0x16f: {  	[tilespmem:v13+s11+$0x0 ss:$0x1] =	vst.idx.msk $0xffff, v14  }
0x170: {  	v14 =	vld.idx.msk [tilespmem:v12+s21+$0xE50 ss:$0x1], $0xffff  }
0x171: {  	v15 =	vld.idx.msk [tilespmem:v12+s21+$0x3650 ss:$0x1], $0xffff;
	_ =	sdelay $0x4  }
0x172: {  	v14 =	vadd.f32 v15, v14;
	v15 =	vmul.f32 v16, v5;
	_ =	sdelay $0x1  }
0x173: {  	v15 =	vadd.f32 v14, v15;
	_ =	sdelay $0x1  }
0x174: {  	v14 =	vmul.f32 $6.400000000e+01, v15;
	_ =	sdelay $0x1  }
0x175: {  	v14 =	vadd.f32 $1.024000000e+03, v14;
	_ =	sdelay $0x1  }
0x176: {  	v14 =	vmax.f32 v14, $0.0e+00  }
0x177: {  	v63 =	vmin.f32 v14, $2.047000000e+03  }
0x178: {  	v14 =	vtrunc.f32 v63  }
0x179: {  	v14 =	vcvt.f32.s32 v14;
	_ =	sdelay $0x1  }
0x17a: {  	v23 =	vadd.s32 $0x1, v14;
	_ =	sdelay $0x3  }
0x17b: {  	v24 =	vld.idx.msk [tilespmem:v14+s0+$0x0], $0xffff  }
0x17c: {  	v18 =	vld.idx.msk [tilespmem:v23+s0+$0x0], $0xffff  }
0x17d: {  	s12 =	sor.u32 $0x1, s10  }
0x17e: {  	s15 =	sshll.u32 s12, $0x7  }
0x17f: {  	v20 =	vld.idx.msk [tilespmem:v12+s15+$0xE40 ss:$0x1], $0xffff;
	v22 =	vcvt.s32.f32 v14  }
0x180: {  	v21 =	vld.idx.msk [tilespmem:v12+s15+$0x3640 ss:$0x1], $0xffff  }
0x181: {  	v17 =	vsub.f32 v63, v22;
	v14 =	vld.msk [tilespmem:s2+$0x1 ss:$0x0], $0xffff;
	v18 =	vsub.f32 v18, v24;
	_ =	sdelay $0x1  }
0x182: {  	v17 =	vmul.f32 v17, v18;
	_ =	sdelay $0x1  }
0x183: {  	v17 =	vadd.f32 v17, v24  }
0x184: {  	v25 =	vadd.f32 v21, v20;
	v26 =	vmul.f32 v14, v4  }
0x185: {  	v15 =	vmul.f32 v17, v15  }
0x186: {  	v18 =	vadd.f32 v25, v26  }
0x187: {  	[tilespmem:v13+s11+$0x10 ss:$0x1] =	vst.idx.msk $0xffff, v15  }
0x188: {  	v27 =	vmul.f32 $6.400000000e+01, v18;
	v15 =	vld.idx.msk [tilespmem:v12+s21+$0xE60 ss:$0x1], $0xffff  }
0x189: {  	v28 =	vld.idx.msk [tilespmem:v12+s21+$0x3660 ss:$0x1], $0xffff  }
0x18a: {  	v17 =	vadd.f32 $1.024000000e+03, v27;
	_ =	sdelay $0x1  }
0x18b: {  	v17 =	vmax.f32 v17, $0.0e+00  }
0x18c: {  	v17 =	vmin.f32 v17, $2.047000000e+03  }
0x18d: {  	v30 =	vmul.f32 v16, v6;
	v29 =	vtrunc.f32 v17;
	v15 =	vadd.f32 v28, v15  }
0x18e: {  	v20 =	vcvt.f32.s32 v29  }
0x18f: {  	v15 =	vadd.f32 v15, v30  }
0x190: {  	v31 =	vadd.s32 $0x1, v20  }
0x191: {  	v19 =	vmul.f32 $6.400000000e+01, v15;
	_ =	sdelay $0x1  }
0x192: {  	v19 =	vadd.f32 $1.024000000e+03, v19  }
0x193: {  	v32 =	vld.idx.msk [tilespmem:v20+s0+$0x0], $0xffff  }
0x194: {  	v21 =	vld.idx.msk [tilespmem:v31+s0+$0x0], $0xffff;
	v19 =	vmax.f32 v19, $0.0e+00  }
0x195: {  	v19 =	vmin.f32 v19, $2.047000000e+03  }
0x196: {  	v23 =	vtrunc.f32 v19  }
0x197: {  	v20 =	vcvt.s32.f32 v20;
	v23 =	vcvt.f32.s32 v23;
	_ =	sdelay $0x1  }
0x198: {  	v17 =	vsub.f32 v17, v20;
	v33 =	vsub.f32 v21, v32;
	v34 =	vadd.s32 $0x1, v23;
	_ =	sdelay $0x1  }
0x199: {  	v17 =	vmul.f32 v17, v33;
	_ =	sdelay $0x1  }
0x19a: {  	v17 =	vadd.f32 v17, v32;
	v35 =	vld.idx.msk [tilespmem:v23+s0+$0x0], $0xffff  }
0x19b: {  	s12 =	smul.u32 $0x240, s12;
	v36 =	vld.idx.msk [tilespmem:v34+s0+$0x0], $0xffff  }
0x19c: {  	v17 =	vmul.f32 v17, v18  }
0x19d: {  	s12 =	sshra.s32 s12, $0x2  }
0x19e: {  	v37 =	vcvt.s32.f32 v23;
	[tilespmem:v13+s12+$0x0 ss:$0x1] =	vst.idx.msk $0xffff, v17  }
0x19f: {  	v17 =	vld.idx.msk [tilespmem:v12+s15+$0xE50 ss:$0x1], $0xffff  }
0x1a0: {  	v19 =	vsub.f32 v19, v37;
	v38 =	vld.idx.msk [tilespmem:v12+s15+$0x3650 ss:$0x1], $0xffff;
	v18 =	vsub.f32 v36, v35;
	_ =	sdelay $0x1  }
0x1a1: {  	s13 =	sor.u32 $0x2, s10;
	v18 =	vmul.f32 v19, v18  }
0x1a2: {  	s16 =	sshll.u32 s13, $0x7  }
0x1a3: {  	v40 =	vld.idx.msk [tilespmem:v12+s16+$0xE40 ss:$0x1], $0xffff;
	v18 =	vadd.f32 v18, v35  }
0x1a4: {  	v41 =	vld.idx.msk [tilespmem:v12+s16+$0x3640 ss:$0x1], $0xffff;
	v39 =	vmul.f32 v14, v5;
	v17 =	vadd.f32 v38, v17  }
0x1a5: {  	v18 =	vmul.f32 v18, v15;
	v15 =	vld.msk [tilespmem:s2+$0x2 ss:$0x0], $0xffff  }
0x1a6: {  	v17 =	vadd.f32 v17, v39;
	_ =	sdelay $0x1  }
0x1a7: {  	v42 =	vmul.f32 $6.400000000e+01, v17  }
0x1a8: {  	[tilespmem:v13+s11+$0x20 ss:$0x1] =	vst.idx.msk $0xffff, v18  }
0x1a9: {  	v19 =	vadd.f32 v41, v40;
	v21 =	vadd.f32 $1.024000000e+03, v42;
	v18 =	vld.idx.msk [tilespmem:v12+s21+$0xE70 ss:$0x1], $0xffff;
	v44 =	vmul.f32 v15, v4  }
0x1aa: {  	v43 =	vld.idx.msk [tilespmem:v12+s21+$0x3670 ss:$0x1], $0xffff  }
0x1ab: {  	v21 =	vmax.f32 v21, $0.0e+00;
	v19 =	vadd.f32 v19, v44  }
0x1ac: {  	v21 =	vmin.f32 v21, $2.047000000e+03  }
0x1ad: {  	v45 =	vtrunc.f32 v21;
	v24 =	vmul.f32 $6.400000000e+01, v19  }
0x1ae: {  	v23 =	vcvt.f32.s32 v45  }
0x1af: {  	v46 =	vmul.f32 v16, v7;
	v18 =	vadd.f32 v43, v18;
	v48 =	vadd.f32 $1.024000000e+03, v24  }
0x1b0: {  	v47 =	vadd.s32 $0x1, v23  }
0x1b1: {  	v18 =	vadd.f32 v18, v46;
	v20 =	vmax.f32 v48, $0.0e+00  }
0x1b2: {  	v20 =	vmin.f32 v20, $2.047000000e+03  }
0x1b3: {  	v49 =	vmul.f32 $6.400000000e+01, v18;
	v26 =	vtrunc.f32 v20  }
0x1b4: {  	v25 =	vld.idx.msk [tilespmem:v23+s0+$0x0], $0xffff;
	v26 =	vcvt.f32.s32 v26  }
0x1b5: {  	v22 =	vld.idx.msk [tilespmem:v47+s0+$0x0], $0xffff;
	v24 =	vadd.f32 $1.024000000e+03, v49  }
0x1b6: {  	v27 =	vadd.s32 $0x1, v26  }
0x1b7: {  	v24 =	vmax.f32 v24, $0.0e+00  }
0x1b8: {  	v23 =	vcvt.s32.f32 v23;
	v24 =	vmin.f32 v24, $2.047000000e+03  }
0x1b9: {  	v28 =	vtrunc.f32 v24  }
0x1ba: {  	v21 =	vsub.f32 v21, v23;
	v22 =	vsub.f32 v22, v25;
	v50 =	vcvt.f32.s32 v28;
	v52 =	vld.idx.msk [tilespmem:v26+s0+$0x0], $0xffff  }
0x1bb: {  	v53 =	vld.idx.msk [tilespmem:v27+s0+$0x0], $0xffff  }
0x1bc: {  	v21 =	vmul.f32 v21, v22;
	v51 =	vadd.s32 $0x1, v50;
	_ =	sdelay $0x1  }
0x1bd: {  	v21 =	vadd.f32 v21, v25;
	v26 =	vcvt.s32.f32 v26;
	_ =	sdelay $0x1  }
0x1be: {  	s14 =	sor.u32 $0x3, s10;
	v17 =	vmul.f32 v21, v17;
	v56 =	vsub.f32 v20, v26;
	v54 =	vld.idx.msk [tilespmem:v50+s0+$0x0], $0xffff;
	v57 =	vsub.f32 v53, v52  }
0x1bf: {  	s22 =	sshll.u32 s14, $0x7;
	v22 =	vld.idx.msk [tilespmem:v51+s0+$0x0], $0xffff  }
0x1c0: {  	v59 =	vld.idx.msk [tilespmem:v12+s22+$0xE40 ss:$0x1], $0xffff;
	[tilespmem:v13+s12+$0x10 ss:$0x1] =	vst.idx.msk $0xffff, v17;
	v17 =	vmul.f32 v56, v57  }
0x1c1: {  	v60 =	vld.idx.msk [tilespmem:v12+s22+$0x3640 ss:$0x1], $0xffff  }
0x1c2: {  	v23 =	vcvt.s32.f32 v50;
	v28 =	vadd.f32 v17, v52;
	v17 =	vld.msk [tilespmem:s2+$0x3 ss:$0x0], $0xffff  }
0x1c3: {  	s13 =	smul.u32 $0x240, s13;
	v55 =	vld.idx.msk [tilespmem:v12+s15+$0xE60 ss:$0x1], $0xffff  }
0x1c4: {  	v23 =	vsub.f32 v24, v23;
	v58 =	vld.idx.msk [tilespmem:v12+s15+$0x3660 ss:$0x1], $0xffff;
	v22 =	vsub.f32 v22, v54;
	v19 =	vmul.f32 v28, v19  }
0x1c5: {  	s13 =	sshra.s32 s13, $0x2  }
0x1c6: {  	v22 =	vmul.f32 v23, v22;
	[tilespmem:v13+s13+$0x0 ss:$0x1] =	vst.idx.msk $0xffff, v19  }
0x1c7: {  	v20 =	vadd.f32 v60, v59;
	v19 =	vld.idx.msk [tilespmem:v12+s16+$0xE50 ss:$0x1], $0xffff;
	v30 =	vmul.f32 v17, v4  }
0x1c8: {  	v21 =	vadd.f32 v22, v54;
	v32 =	vld.idx.msk [tilespmem:v12+s16+$0x3650 ss:$0x1], $0xffff  }
0x1c9: {  	v62 =	vmul.f32 v14, v6;
	v61 =	vadd.f32 v58, v55;
	v20 =	vadd.f32 v20, v30  }
0x1ca: {  	v18 =	vmul.f32 v21, v18  }
0x1cb: {  	v63 =	vadd.f32 v61, v62;
	v34 =	vmul.f32 $6.400000000e+01, v20  }
0x1cc: {  	v37 =	vmul.f32 v15, v5;
	[tilespmem:v13+s11+$0x30 ss:$0x1] =	vst.idx.msk $0xffff, v18  }
0x1cd: {  	v31 =	vmul.f32 $6.400000000e+01, v63;
	v36 =	vld.idx.msk [tilespmem:v12+s21+$0xE80 ss:$0x1], $0xffff;
	v19 =	vadd.f32 v32, v19;
	v22 =	vadd.f32 $1.024000000e+03, v34  }
0x1ce: {  	v38 =	vld.idx.msk [tilespmem:v12+s21+$0x3680 ss:$0x1], $0xffff  }
0x1cf: {  	v33 =	vadd.f32 $1.024000000e+03, v31;
	v19 =	vadd.f32 v19, v37;
	v22 =	vmax.f32 v22, $0.0e+00  }
0x1d0: {  	v22 =	vmin.f32 v22, $2.047000000e+03  }
0x1d1: {  	v35 =	vmax.f32 v33, $0.0e+00;
	v41 =	vmul.f32 $6.400000000e+01, v19;
	v42 =	vtrunc.f32 v22  }
0x1d2: {  	v44 =	vmul.f32 v16, v8;
	v18 =	vmin.f32 v35, $2.047000000e+03;
	v27 =	vcvt.f32.s32 v42  }
0x1d3: {  	v39 =	vtrunc.f32 v18;
	v21 =	vadd.f32 v38, v36;
	v26 =	vadd.f32 $1.024000000e+03, v41  }
0x1d4: {  	v40 =	vcvt.f32.s32 v39;
	v29 =	vadd.s32 $0x1, v27  }
0x1d5: {  	v25 =	vadd.f32 v21, v44;
	v45 =	vmax.f32 v26, $0.0e+00  }
0x1d6: {  	v43 =	vadd.s32 $0x1, v40;
	v21 =	vmin.f32 v45, $2.047000000e+03  }
0x1d7: {  	v30 =	vmul.f32 $6.400000000e+01, v25;
	v31 =	vtrunc.f32 v21  }
0x1d8: {  	v31 =	vcvt.f32.s32 v31;
	v32 =	vld.idx.msk [tilespmem:v27+s0+$0x0], $0xffff  }
0x1d9: {  	v30 =	vadd.f32 $1.024000000e+03, v30;
	v29 =	vld.idx.msk [tilespmem:v29+s0+$0x0], $0xffff  }
0x1da: {  	s26 =	sor.u32 $0x4, s10;
	v46 =	vld.idx.msk [tilespmem:v40+s0+$0x0], $0xffff;
	v33 =	vadd.s32 $0x1, v31  }
0x1db: {  	s30 =	sshll.u32 s26, $0x7;
	v28 =	vld.idx.msk [tilespmem:v43+s0+$0x0], $0xffff;
	v30 =	vmax.f32 v30, $0.0e+00  }
0x1dc: {  	v59 =	vld.idx.msk [tilespmem:v12+s30+$0xE40 ss:$0x1], $0xffff;
	v30 =	vmin.f32 v30, $2.047000000e+03;
	v27 =	vcvt.s32.f32 v27  }
0x1dd: {  	v60 =	vld.idx.msk [tilespmem:v12+s30+$0x3640 ss:$0x1], $0xffff;
	v24 =	vcvt.s32.f32 v40;
	v34 =	vtrunc.f32 v30  }
0x1de: {  	s29 =	sor.u32 $0x5, s10;
	v48 =	vcvt.f32.s32 v34;
	v22 =	vsub.f32 v22, v27;
	v49 =	vld.idx.msk [tilespmem:v31+s0+$0x0], $0xffff;
	v50 =	vsub.f32 v29, v32  }
0x1df: {  	s19 =	sor.u32 $0x6, s10;
	s28 =	sshll.u32 s29, $0x7;
	v18 =	vsub.f32 v18, v24;
	v51 =	vld.idx.msk [tilespmem:v33+s0+$0x0], $0xffff  }
0x1e0: {  	s18 =	sshll.u32 s19, $0x7;
	v36 =	vld.idx.msk [tilespmem:v12+s28+$0x3640 ss:$0x1], $0xffff;
	v47 =	vsub.f32 v28, v46;
	v52 =	vadd.s32 $0x1, v48;
	v22 =	vmul.f32 v22, v50  }
0x1e1: {  	s24 =	sor.u32 $0x7, s10;
	v40 =	vld.idx.msk [tilespmem:v12+s18+$0xE40 ss:$0x1], $0xffff;
	v53 =	vcvt.s32.f32 v31  }
0x1e2: {  	s17 =	sshll.u32 s24, $0x7;
	v41 =	vld.idx.msk [tilespmem:v12+s18+$0x3640 ss:$0x1], $0xffff;
	v18 =	vmul.f32 v18, v47;
	v22 =	vadd.f32 v22, v32  }
0x1e3: {  	s14 =	smul.u32 $0x240, s14;
	v45 =	vld.idx.msk [tilespmem:v12+s17+$0xE40 ss:$0x1], $0xffff;
	v21 =	vsub.f32 v21, v53  }
0x1e4: {  	v18 =	vadd.f32 v18, v46;
	v54 =	vld.idx.msk [tilespmem:v48+s0+$0x0], $0xffff;
	v24 =	vsub.f32 v51, v49;
	v20 =	vmul.f32 v22, v20  }
0x1e5: {  	s14 =	sshra.s32 s14, $0x2;
	v55 =	vld.idx.msk [tilespmem:v52+s0+$0x0], $0xffff  }
0x1e6: {  	v18 =	vmul.f32 v18, v63;
	v57 =	vmul.f32 v21, v24;
	v21 =	vld.msk [tilespmem:s2+$0x4 ss:$0x0], $0xffff;
	[tilespmem:v13+s14+$0x0 ss:$0x1] =	vst.idx.msk $0xffff, v20  }
0x1e7: {  	v20 =	vld.idx.msk [tilespmem:v12+s22+$0xE50 ss:$0x1], $0xffff  }
0x1e8: {  	[tilespmem:v13+s12+$0x20 ss:$0x1] =	vst.idx.msk $0xffff, v18;
	v18 =	vadd.f32 v57, v49;
	v58 =	vld.idx.msk [tilespmem:v12+s22+$0x3650 ss:$0x1], $0xffff  }
0x1e9: {  	v47 =	vld.idx.msk [tilespmem:v12+s17+$0x3640 ss:$0x1], $0xffff  }
0x1ea: {  	v28 =	vcvt.s32.f32 v48;
	v63 =	vld.idx.msk [tilespmem:v12+s28+$0xE40 ss:$0x1], $0xffff;
	v18 =	vmul.f32 v18, v19  }
0x1eb: {  	v56 =	vld.idx.msk [tilespmem:v12+s15+$0xE70 ss:$0x1], $0xffff;
	v19 =	vadd.f32 v60, v59;
	v38 =	vmul.f32 v21, v4  }
0x1ec: {  	v28 =	vsub.f32 v30, v28;
	v22 =	vsub.f32 v55, v54;
	[tilespmem:v13+s13+$0x10 ss:$0x1] =	vst.idx.msk $0xffff, v18;
	v18 =	vld.msk [tilespmem:s2+$0x5 ss:$0x0], $0xffff  }
0x1ed: {  	v37 =	vmul.f32 v17, v5;
	v61 =	vld.idx.msk [tilespmem:v12+s15+$0x3670 ss:$0x1], $0xffff;
	v20 =	vadd.f32 v58, v20;
	v27 =	vadd.f32 v19, v38  }
0x1ee: {  	v46 =	vmul.f32 v14, v7;
	v22 =	vmul.f32 v28, v22;
	v19 =	vld.msk [tilespmem:s2+$0x7 ss:$0x0], $0xffff  }
0x1ef: {  	v29 =	vadd.f32 v47, v45;
	v28 =	vadd.f32 v20, v37;
	v35 =	vmul.f32 $6.400000000e+01, v27;
	v20 =	vld.msk [tilespmem:s2+$0x6 ss:$0x0], $0xffff  }
0x1f0: {  	v48 =	vmul.f32 v15, v6;
	v24 =	vadd.f32 v36, v63;
	v22 =	vadd.f32 v22, v54  }
0x1f1: {  	v42 =	vmul.f32 $6.400000000e+01, v28;
	v43 =	vmul.f32 v18, v4;
	v44 =	vadd.f32 $1.024000000e+03, v35  }
0x1f2: {  	v32 =	vadd.f32 v41, v40;
	v26 =	vadd.f32 v61, v56;
	v62 =	vld.idx.msk [tilespmem:v12+s16+$0xE60 ss:$0x1], $0xffff;
	v22 =	vmul.f32 v22, v25  }
0x1f3: {  	v39 =	vld.idx.msk [tilespmem:v12+s16+$0x3660 ss:$0x1], $0xffff;
	v23 =	vadd.f32 $1.024000000e+03, v42;
	v24 =	vadd.f32 v24, v43;
	v25 =	vmax.f32 v44, $0.0e+00  }
0x1f4: {  	v51 =	vmul.f32 v19, v4;
	v25 =	vmin.f32 v25, $2.047000000e+03;
	v50 =	vmul.f32 v20, v4  }
0x1f5: {  	v23 =	vmax.f32 v23, $0.0e+00;
	v49 =	vmul.f32 $6.400000000e+01, v24;
	v37 =	vtrunc.f32 v25  }
0x1f6: {  	v29 =	vadd.f32 v29, v51;
	v36 =	vmin.f32 v23, $2.047000000e+03;
	v37 =	vcvt.f32.s32 v37  }
0x1f7: {  	v32 =	vadd.f32 v32, v50;
	v38 =	vtrunc.f32 v36;
	v23 =	vadd.f32 $1.024000000e+03, v49  }
0x1f8: {  	v31 =	vadd.f32 v39, v62;
	v41 =	vmul.f32 $6.400000000e+01, v29;
	v52 =	vcvt.f32.s32 v38  }
0x1f9: {  	v53 =	vadd.s32 $0x1, v37;
	v54 =	vmul.f32 $6.400000000e+01, v32;
	v23 =	vmax.f32 v23, $0.0e+00  }
0x1fa: {  	v30 =	vadd.f32 v31, v48;
	v41 =	vadd.f32 $1.024000000e+03, v41;
	v39 =	vmin.f32 v23, $2.047000000e+03  }
0x1fb: {  	v55 =	vadd.s32 $0x1, v52;
	v40 =	vadd.f32 $1.024000000e+03, v54;
	v56 =	vtrunc.f32 v39  }
0x1fc: {  	v57 =	vmul.f32 $6.400000000e+01, v30;
	v41 =	vmax.f32 v41, $0.0e+00;
	v33 =	vcvt.f32.s32 v56  }
0x1fd: {  	v23 =	vadd.f32 v26, v46;
	v41 =	vmin.f32 v41, $2.047000000e+03;
	v58 =	vld.idx.msk [tilespmem:v37+s0+$0x0], $0xffff;
	v40 =	vmax.f32 v40, $0.0e+00  }
0x1fe: {  	v46 =	vtrunc.f32 v41;
	v59 =	vld.idx.msk [tilespmem:v53+s0+$0x0], $0xffff;
	v40 =	vmin.f32 v40, $2.047000000e+03;
	v60 =	vadd.s32 $0x1, v33  }
0x1ff: {  	v26 =	vadd.f32 $1.024000000e+03, v57;
	v46 =	vcvt.f32.s32 v46;
	v44 =	vld.idx.msk [tilespmem:v52+s0+$0x0], $0xffff;
	v45 =	vtrunc.f32 v40  }
0x200: {  	[tilespmem:v13+s11+$0x40 ss:$0x1] =	vst.idx.msk $0xffff, v22;
	v37 =	vcvt.s32.f32 v37;
	v31 =	vld.idx.msk [tilespmem:v55+s0+$0x0], $0xffff;
	v45 =	vcvt.f32.s32 v45  }
0x201: {  	v42 =	vld.idx.msk [tilespmem:v12+s21+$0xE90 ss:$0x1], $0xffff;
	v34 =	vcvt.s32.f32 v52;
	v43 =	vmul.f32 $6.400000000e+01, v23;
	v26 =	vmax.f32 v26, $0.0e+00  }
0x202: {  	v26 =	vmin.f32 v26, $2.047000000e+03;
	v25 =	vsub.f32 v25, v37;
	v47 =	vadd.s32 $0x1, v45;
	v61 =	vld.idx.msk [tilespmem:v33+s0+$0x0], $0xffff  }
0x203: {  	v49 =	vtrunc.f32 v26;
	v62 =	vadd.s32 $0x1, v46;
	v22 =	vsub.f32 v59, v58;
	v38 =	vld.idx.msk [tilespmem:v60+s0+$0x0], $0xffff  }
0x204: {  	v48 =	vld.idx.msk [tilespmem:v12+s21+$0x3690 ss:$0x1], $0xffff;
	v63 =	vadd.f32 $1.024000000e+03, v43;
	v49 =	vcvt.f32.s32 v49  }
0x205: {  	v34 =	vsub.f32 v36, v34;
	v55 =	vld.idx.msk [tilespmem:v46+s0+$0x0], $0xffff;
	v22 =	vmul.f32 v25, v22;
	v31 =	vsub.f32 v31, v44  }
0x206: {  	v36 =	vmax.f32 v63, $0.0e+00;
	v54 =	vadd.s32 $0x1, v49;
	v33 =	vcvt.s32.f32 v33;
	v50 =	vld.idx.msk [tilespmem:v45+s0+$0x0], $0xffff  }
0x207: {  	v36 =	vmin.f32 v36, $2.047000000e+03;
	v22 =	vadd.f32 v22, v58;
	v31 =	vmul.f32 v34, v31;
	v52 =	vld.idx.msk [tilespmem:v47+s0+$0x0], $0xffff  }
0x208: {  	s26 =	smul.u32 $0x240, s26;
	v57 =	vcvt.s32.f32 v45;
	v33 =	vsub.f32 v39, v33;
	v25 =	vld.idx.msk [tilespmem:v62+s0+$0x0], $0xffff;
	v51 =	vsub.f32 v38, v61  }
0x209: {  	v58 =	vtrunc.f32 v36;
	v22 =	vmul.f32 v22, v27;
	v31 =	vadd.f32 v31, v44  }
0x20a: {  	s26 =	sshra.s32 s26, $0x2;
	v53 =	vadd.f32 v48, v42;
	v43 =	vld.idx.msk [tilespmem:v49+s0+$0x0], $0xffff;
	v44 =	vcvt.f32.s32 v58;
	v33 =	vmul.f32 v33, v51  }
0x20b: {  	v42 =	vld.idx.msk [tilespmem:v54+s0+$0x0], $0xffff;
	[tilespmem:v13+s26+$0x0 ss:$0x1] =	vst.idx.msk $0xffff, v22;
	v28 =	vmul.f32 v31, v28;
	v22 =	vsub.f32 v40, v57  }
0x20c: {  	v56 =	vmul.f32 v16, v9;
	v59 =	vld.idx.msk [tilespmem:v12+s30+$0xE50 ss:$0x1], $0xffff;
	v38 =	vsub.f32 v52, v50;
	v33 =	vadd.f32 v33, v61  }
0x20d: {  	s29 =	smul.u32 $0x240, s29;
	v25 =	vsub.f32 v25, v55;
	v60 =	vld.idx.msk [tilespmem:v12+s30+$0x3650 ss:$0x1], $0xffff;
	v61 =	vcvt.s32.f32 v46;
	[tilespmem:v13+s14+$0x10 ss:$0x1] =	vst.idx.msk $0xffff, v28  }
0x20e: {  	v45 =	vadd.s32 $0x1, v44;
	v28 =	vld.idx.msk [tilespmem:v12+s22+$0xE60 ss:$0x1], $0xffff;
	v62 =	vmul.f32 v22, v38;
	v24 =	vmul.f32 v33, v24  }
0x20f: {  	s29 =	sshra.s32 s29, $0x2;
	v48 =	vcvt.s32.f32 v44;
	v46 =	vcvt.s32.f32 v49;
	v47 =	vld.idx.msk [tilespmem:v12+s22+$0x3660 ss:$0x1], $0xffff;
	v63 =	vsub.f32 v41, v61  }
0x210: {  	v52 =	vsub.f32 v42, v43;
	v54 =	vld.idx.msk [tilespmem:v44+s0+$0x0], $0xffff;
	v33 =	vadd.f32 v62, v50;
	[tilespmem:v13+s29+$0x0 ss:$0x1] =	vst.idx.msk $0xffff, v24  }
0x211: {  	s19 =	smul.u32 $0x240, s19;
	v22 =	vadd.f32 v53, v56;
	v26 =	vsub.f32 v26, v46;
	v25 =	vmul.f32 v63, v25;
	v49 =	vld.idx.msk [tilespmem:v12+s28+$0xE50 ss:$0x1], $0xffff  }
0x212: {  	v50 =	vmul.f32 v21, v5;
	v31 =	vadd.f32 v60, v59;
	v51 =	vld.idx.msk [tilespmem:v12+s28+$0x3650 ss:$0x1], $0xffff;
	v32 =	vmul.f32 v33, v32  }
0x213: {  	s19 =	sshra.s32 s19, $0x2;
	v57 =	vmul.f32 v17, v6;
	v53 =	vsub.f32 v36, v48;
	v34 =	vld.idx.msk [tilespmem:v45+s0+$0x0], $0xffff;
	v25 =	vadd.f32 v25, v55  }
0x214: {  	s24 =	smul.u32 $0x240, s24;
	v31 =	vadd.f32 v31, v50;
	v55 =	vmul.f32 v26, v52;
	[tilespmem:v13+s19+$0x0 ss:$0x1] =	vst.idx.msk $0xffff, v32  }
0x215: {  	v48 =	vmul.f32 v19, v5;
	v56 =	vadd.f32 v47, v28;
	v25 =	vmul.f32 v25, v29;
	v32 =	vld.idx.msk [tilespmem:v12+s18+$0xE50 ss:$0x1], $0xffff  }
0x216: {  	s2 =	sshra.s32 s24, $0x2;
	v60 =	vmul.f32 v18, v5;
	v58 =	vmul.f32 $6.400000000e+01, v31;
	v61 =	vld.idx.msk [tilespmem:v12+s18+$0x3650 ss:$0x1], $0xffff;
	v62 =	vadd.f32 v55, v43  }
0x217: {  	v24 =	vadd.f32 v56, v57;
	v59 =	vadd.f32 v51, v49;
	[tilespmem:v13+s2+$0x0 ss:$0x1] =	vst.idx.msk $0xffff, v25  }
0x218: {  	v45 =	vmul.f32 v20, v5;
	v34 =	vsub.f32 v34, v54;
	v29 =	vadd.f32 $1.024000000e+03, v58;
	v63 =	vld.idx.msk [tilespmem:v12+s17+$0xE50 ss:$0x1], $0xffff  }
0x219: {  	v25 =	vmul.f32 v62, v30;
	v43 =	vmul.f32 $6.400000000e+01, v24;
	v42 =	vld.idx.msk [tilespmem:v12+s17+$0x3650 ss:$0x1], $0xffff;
	v26 =	vadd.f32 v59, v60  }
0x21a: {  	v27 =	vmul.f32 v53, v34;
	v58 =	vmul.f32 v15, v7;
	v29 =	vmax.f32 v29, $0.0e+00  }
0x21b: {  	v29 =	vmin.f32 v29, $2.047000000e+03;
	v32 =	vadd.f32 v61, v32;
	v35 =	vmul.f32 $6.400000000e+01, v26  }
0x21c: {  	[tilespmem:v13+s13+$0x20 ss:$0x1] =	vst.idx.msk $0xffff, v25;
	v30 =	vadd.f32 $1.024000000e+03, v43;
	v27 =	vadd.f32 v27, v54;
	v44 =	vtrunc.f32 v29  }
0x21d: {  	v46 =	vld.idx.msk [tilespmem:v12+s16+$0xE70 ss:$0x1], $0xffff;
	v25 =	vcvt.f32.s32 v44;
	v32 =	vadd.f32 v32, v45;
	v35 =	vadd.f32 $1.024000000e+03, v35  }
0x21e: {  	v47 =	vld.idx.msk [tilespmem:v12+s16+$0x3670 ss:$0x1], $0xffff;
	v30 =	vmax.f32 v30, $0.0e+00;
	v23 =	vmul.f32 v27, v23;
	v28 =	vadd.f32 v42, v63  }
0x21f: {  	v49 =	vadd.s32 $0x1, v25;
	v50 =	vmul.f32 $6.400000000e+01, v32;
	v35 =	vmax.f32 v35, $0.0e+00  }
0x220: {  	v30 =	vmin.f32 v30, $2.047000000e+03;
	v28 =	vadd.f32 v28, v48;
	v35 =	vmin.f32 v35, $2.047000000e+03  }
0x221: {  	v55 =	vtrunc.f32 v30;
	v52 =	vadd.f32 $1.024000000e+03, v50;
	v51 =	vtrunc.f32 v35  }
0x222: {  	v53 =	vmul.f32 $6.400000000e+01, v28;
	v34 =	vcvt.f32.s32 v51  }
0x223: {  	v37 =	vcvt.f32.s32 v55;
	v54 =	vadd.f32 v47, v46;
	v56 =	vld.idx.msk [tilespmem:v25+s0+$0x0], $0xffff;
	v36 =	vmax.f32 v52, $0.0e+00  }
0x224: {  	v38 =	vld.idx.msk [tilespmem:v49+s0+$0x0], $0xffff;
	v40 =	vadd.f32 $1.024000000e+03, v53;
	v36 =	vmin.f32 v36, $2.047000000e+03;
	v57 =	vadd.s32 $0x1, v34  }
0x225: {  	v55 =	vadd.s32 $0x1, v37;
	v33 =	vadd.f32 v54, v58;
	v59 =	vtrunc.f32 v36  }
0x226: {  	[tilespmem:v13+s12+$0x30 ss:$0x1] =	vst.idx.msk $0xffff, v23;
	v25 =	vcvt.s32.f32 v25;
	v40 =	vmax.f32 v40, $0.0e+00;
	v27 =	vcvt.f32.s32 v59  }
0x227: {  	v44 =	vld.idx.msk [tilespmem:v12+s15+$0xE80 ss:$0x1], $0xffff;
	v52 =	vmul.f32 $6.400000000e+01, v22;
	v53 =	vmul.f32 $6.400000000e+01, v33;
	v40 =	vmin.f32 v40, $2.047000000e+03  }
0x228: {  	v25 =	vsub.f32 v29, v25;
	v60 =	vtrunc.f32 v40;
	v63 =	vadd.s32 $0x1, v27;
	v29 =	vld.idx.msk [tilespmem:v34+s0+$0x0], $0xffff  }
0x229: {  	v46 =	vadd.f32 $1.024000000e+03, v53;
	v61 =	vsub.f32 v38, v56;
	v42 =	vcvt.f32.s32 v60;
	v62 =	vld.idx.msk [tilespmem:v57+s0+$0x0], $0xffff  }
0x22a: {  	v45 =	vld.idx.msk [tilespmem:v12+s15+$0x3680 ss:$0x1], $0xffff;
	v43 =	vadd.f32 $1.024000000e+03, v52  }
0x22b: {  	v47 =	vld.idx.msk [tilespmem:v37+s0+$0x0], $0xffff;
	v58 =	vmax.f32 v46, $0.0e+00;
	v23 =	vmul.f32 v25, v61;
	v54 =	vadd.s32 $0x1, v42  }
0x22c: {  	v34 =	vcvt.s32.f32 v34;
	v41 =	vmin.f32 v58, $2.047000000e+03;
	v39 =	vld.idx.msk [tilespmem:v27+s0+$0x0], $0xffff  }
0x22d: {  	v43 =	vmax.f32 v43, $0.0e+00;
	v59 =	vtrunc.f32 v41;
	v23 =	vadd.f32 v23, v56;
	v57 =	vld.idx.msk [tilespmem:v63+s0+$0x0], $0xffff  }
0x22e: {  	v60 =	vld.idx.msk [tilespmem:v55+s0+$0x0], $0xffff;
	v34 =	vsub.f32 v35, v34;
	v61 =	vcvt.s32.f32 v27;
	v56 =	vsub.f32 v62, v29  }
0x22f: {  	v35 =	vmin.f32 v43, $2.047000000e+03;
	v43 =	vcvt.f32.s32 v59;
	v23 =	vmul.f32 v23, v31;
	v31 =	vld.idx.msk [tilespmem:v42+s0+$0x0], $0xffff  }
0x230: {  	v25 =	vld.idx.msk [tilespmem:v54+s0+$0x0], $0xffff;
	v34 =	vmul.f32 v34, v56  }
0x231: {  	v53 =	vadd.s32 $0x1, v43;
	[tilespmem:v13+s26+$0x10 ss:$0x1] =	vst.idx.msk $0xffff, v23;
	v23 =	vsub.f32 v36, v61  }
0x232: {  	v63 =	vld.idx.msk [tilespmem:v12+s30+$0xE60 ss:$0x1], $0xffff;
	v51 =	vsub.f32 v57, v39;
	v29 =	vadd.f32 v34, v29  }
0x233: {  	v55 =	vadd.f32 v45, v44;
	v52 =	vcvt.s32.f32 v42;
	v46 =	vcvt.s32.f32 v43;
	v50 =	vld.idx.msk [tilespmem:v12+s30+$0x3660 ss:$0x1], $0xffff  }
0x234: {  	v60 =	vsub.f32 v60, v47;
	v23 =	vmul.f32 v23, v51;
	v26 =	vmul.f32 v29, v26  }
0x235: {  	v62 =	vtrunc.f32 v35;
	v54 =	vsub.f32 v40, v52;
	v36 =	vld.idx.msk [tilespmem:v43+s0+$0x0], $0xffff;
	v25 =	vsub.f32 v25, v31  }
0x236: {  	v37 =	vcvt.s32.f32 v37;
	v27 =	vcvt.f32.s32 v62;
	v44 =	vld.idx.msk [tilespmem:v53+s0+$0x0], $0xffff;
	v59 =	vadd.f32 v23, v39;
	[tilespmem:v13+s29+$0x10 ss:$0x1] =	vst.idx.msk $0xffff, v26  }
0x237: {  	v52 =	vsub.f32 v41, v46;
	v56 =	vmul.f32 v14, v8;
	v25 =	vmul.f32 v54, v25;
	v58 =	vld.idx.msk [tilespmem:v12+s28+$0xE60 ss:$0x1], $0xffff  }
0x238: {  	v61 =	vmul.f32 v21, v6;
	v34 =	vadd.f32 v50, v63;
	v62 =	vld.idx.msk [tilespmem:v12+s28+$0x3660 ss:$0x1], $0xffff;
	v32 =	vmul.f32 v59, v32  }
0x239: {  	v57 =	vsub.f32 v30, v37;
	v25 =	vadd.f32 v25, v31  }
0x23a: {  	v23 =	vadd.f32 v55, v56;
	v63 =	vcvt.s32.f32 v27;
	v29 =	vadd.f32 v34, v61;
	[tilespmem:v13+s19+$0x10 ss:$0x1] =	vst.idx.msk $0xffff, v32  }
0x23b: {  	v55 =	vadd.s32 $0x1, v27;
	v26 =	vmul.f32 v57, v60;
	v25 =	vmul.f32 v25, v28;
	v49 =	vld.idx.msk [tilespmem:v12+s18+$0xE60 ss:$0x1], $0xffff  }
0x23c: {  	v50 =	vmul.f32 v18, v6;
	v37 =	vsub.f32 v44, v36;
	v48 =	vmul.f32 $6.400000000e+01, v29;
	v51 =	vld.idx.msk [tilespmem:v12+s18+$0x3660 ss:$0x1], $0xffff  }
0x23d: {  	v45 =	vmul.f32 $6.400000000e+01, v23;
	v26 =	vadd.f32 v26, v47;
	v30 =	vadd.f32 v62, v58;
	[tilespmem:v13+s2+$0x10 ss:$0x1] =	vst.idx.msk $0xffff, v25  }
0x23e: {  	v31 =	vsub.f32 v35, v63;
	v53 =	vadd.f32 $1.024000000e+03, v48;
	v54 =	vld.idx.msk [tilespmem:v12+s17+$0xE60 ss:$0x1], $0xffff  }
0x23f: {  	v34 =	vadd.f32 $1.024000000e+03, v45;
	v24 =	vmul.f32 v26, v24;
	v56 =	vld.idx.msk [tilespmem:v12+s17+$0x3660 ss:$0x1], $0xffff;
	v30 =	vadd.f32 v30, v50  }
0x240: {  	v25 =	vmul.f32 v52, v37;
	v62 =	vmul.f32 v20, v6;
	v57 =	vmax.f32 v53, $0.0e+00  }
0x241: {  	v27 =	vld.idx.msk [tilespmem:v27+s0+$0x0], $0xffff;
	[tilespmem:v13+s14+$0x20 ss:$0x1] =	vst.idx.msk $0xffff, v24;
	v24 =	vmin.f32 v57, $2.047000000e+03;
	v38 =	vadd.f32 v51, v49;
	v59 =	vmul.f32 $6.400000000e+01, v30  }
0x242: {  	v32 =	vld.idx.msk [tilespmem:v55+s0+$0x0], $0xffff;
	v34 =	vmax.f32 v34, $0.0e+00;
	v25 =	vadd.f32 v25, v36;
	v61 =	vtrunc.f32 v24  }
0x243: {  	v58 =	vld.idx.msk [tilespmem:v12+s22+$0xE70 ss:$0x1], $0xffff;
	v63 =	vcvt.f32.s32 v61;
	v38 =	vadd.f32 v38, v62;
	v35 =	vadd.f32 $1.024000000e+03, v59  }
0x244: {  	v48 =	vmul.f32 v19, v6;
	v60 =	vld.idx.msk [tilespmem:v12+s22+$0x3670 ss:$0x1], $0xffff;
	v25 =	vmul.f32 v25, v33;
	v28 =	vadd.f32 v56, v54  }
0x245: {  	v49 =	vadd.s32 $0x1, v63;
	v40 =	vmul.f32 $6.400000000e+01, v38;
	v35 =	vmax.f32 v35, $0.0e+00  }
0x246: {  	v51 =	vmul.f32 v17, v7;
	v28 =	vadd.f32 v28, v48;
	v35 =	vmin.f32 v35, $2.047000000e+03  }
0x247: {  	v32 =	vsub.f32 v32, v27;
	[tilespmem:v13+s13+$0x30 ss:$0x1] =	vst.idx.msk $0xffff, v25;
	v40 =	vadd.f32 $1.024000000e+03, v40;
	v52 =	vtrunc.f32 v35  }
0x248: {  	v34 =	vmin.f32 v34, $2.047000000e+03;
	v53 =	vld.idx.msk [tilespmem:v12+s16+$0xE80 ss:$0x1], $0xffff;
	v54 =	vmul.f32 $6.400000000e+01, v28;
	v37 =	vcvt.f32.s32 v52  }
0x249: {  	v31 =	vmul.f32 v31, v32;
	v50 =	vadd.f32 v60, v58;
	v55 =	vld.idx.msk [tilespmem:v63+s0+$0x0], $0xffff;
	v40 =	vmax.f32 v40, $0.0e+00  }
0x24a: {  	v33 =	vld.idx.msk [tilespmem:v49+s0+$0x0], $0xffff;
	v41 =	vadd.f32 $1.024000000e+03, v54;
	v40 =	vmin.f32 v40, $2.047000000e+03;
	v56 =	vadd.s32 $0x1, v37  }
0x24b: {  	v60 =	vtrunc.f32 v34;
	v57 =	vld.idx.msk [tilespmem:v12+s16+$0x3680 ss:$0x1], $0xffff;
	v25 =	vadd.f32 v50, v51;
	v59 =	vtrunc.f32 v40  }
0x24c: {  	v36 =	vcvt.s32.f32 v63;
	v41 =	vmax.f32 v41, $0.0e+00;
	v45 =	vcvt.f32.s32 v59  }
0x24d: {  	v46 =	vcvt.f32.s32 v60;
	v58 =	vmul.f32 $6.400000000e+01, v25;
	v41 =	vmin.f32 v41, $2.047000000e+03  }
0x24e: {  	v24 =	vsub.f32 v24, v36;
	v62 =	vtrunc.f32 v41;
	v63 =	vadd.s32 $0x1, v45;
	v61 =	vld.idx.msk [tilespmem:v37+s0+$0x0], $0xffff  }
0x24f: {  	v44 =	vadd.f32 $1.024000000e+03, v58;
	v33 =	vsub.f32 v33, v55;
	v47 =	vcvt.f32.s32 v62;
	v42 =	vld.idx.msk [tilespmem:v56+s0+$0x0], $0xffff  }
0x250: {  	v50 =	vmul.f32 v15, v8;
	v39 =	vadd.f32 v57, v53;
	v57 =	vadd.s32 $0x1, v46  }
0x251: {  	v44 =	vmax.f32 v44, $0.0e+00;
	v24 =	vmul.f32 v24, v33;
	v51 =	vadd.s32 $0x1, v47  }
0x252: {  	v39 =	vadd.f32 v39, v50;
	v32 =	vmin.f32 v44, $2.047000000e+03;
	v37 =	vcvt.s32.f32 v37;
	v26 =	vld.idx.msk [tilespmem:v45+s0+$0x0], $0xffff  }
0x253: {  	v52 =	vtrunc.f32 v32;
	v58 =	vcvt.s32.f32 v45;
	v24 =	vadd.f32 v24, v55;
	v54 =	vld.idx.msk [tilespmem:v63+s0+$0x0], $0xffff  }
0x254: {  	v43 =	vcvt.f32.s32 v52;
	v35 =	vsub.f32 v35, v37;
	v53 =	vsub.f32 v42, v61  }
0x255: {  	v55 =	vmul.f32 $6.400000000e+01, v39;
	v24 =	vmul.f32 v24, v29;
	v29 =	vld.idx.msk [tilespmem:v47+s0+$0x0], $0xffff  }
0x256: {  	v27 =	vadd.f32 v31, v27;
	v56 =	vadd.s32 $0x1, v43;
	v33 =	vld.idx.msk [tilespmem:v51+s0+$0x0], $0xffff;
	v35 =	vmul.f32 v35, v53  }
0x257: {  	v52 =	vld.idx.msk [tilespmem:v57+s0+$0x0], $0xffff;
	v63 =	vcvt.s32.f32 v47;
	v59 =	vadd.f32 $1.024000000e+03, v55;
	[tilespmem:v13+s26+$0x20 ss:$0x1] =	vst.idx.msk $0xffff, v24;
	v24 =	vsub.f32 v40, v58  }
0x258: {  	v60 =	vld.idx.msk [tilespmem:v12+s30+$0xE70 ss:$0x1], $0xffff;
	v62 =	vsub.f32 v54, v26;
	v35 =	vadd.f32 v35, v61  }
0x259: {  	v22 =	vmul.f32 v27, v22;
	v51 =	vsub.f32 v41, v63;
	v61 =	vld.idx.msk [tilespmem:v12+s30+$0x3670 ss:$0x1], $0xffff  }
0x25a: {  	v45 =	vld.idx.msk [tilespmem:v43+s0+$0x0], $0xffff;
	v27 =	vmax.f32 v59, $0.0e+00;
	v24 =	vmul.f32 v24, v62;
	v30 =	vmul.f32 v35, v30  }
0x25b: {  	[tilespmem:v13+s11+$0x50 ss:$0x1] =	vst.idx.msk $0xffff, v22;
	v50 =	vld.idx.msk [tilespmem:v56+s0+$0x0], $0xffff;
	v53 =	vcvt.s32.f32 v43;
	v27 =	vmin.f32 v27, $2.047000000e+03;
	v33 =	vsub.f32 v33, v29  }
0x25c: {  	v49 =	vcvt.s32.f32 v46;
	v37 =	vld.idx.msk [tilespmem:v46+s0+$0x0], $0xffff;
	v56 =	vtrunc.f32 v27;
	v24 =	vadd.f32 v24, v26;
	[tilespmem:v13+s29+$0x20 ss:$0x1] =	vst.idx.msk $0xffff, v30  }
0x25d: {  	v55 =	vmul.f32 v51, v33;
	v30 =	vsub.f32 v32, v53;
	v32 =	vcvt.f32.s32 v56;
	v54 =	vld.idx.msk [tilespmem:v12+s28+$0xE70 ss:$0x1], $0xffff  }
0x25e: {  	v57 =	vmul.f32 v21, v7;
	v31 =	vadd.f32 v61, v60;
	v58 =	vld.idx.msk [tilespmem:v12+s28+$0x3670 ss:$0x1], $0xffff;
	v24 =	vmul.f32 v24, v38  }
0x25f: {  	v22 =	vsub.f32 v34, v49;
	v59 =	vld.idx.msk [tilespmem:v12+s21+$0xEA0 ss:$0x1], $0xffff;
	v26 =	vadd.f32 v55, v29  }
0x260: {  	v60 =	vld.idx.msk [tilespmem:v12+s21+$0x36A0 ss:$0x1], $0xffff;
	v61 =	vsub.f32 v50, v45;
	v31 =	vadd.f32 v31, v57;
	[tilespmem:v13+s19+$0x20 ss:$0x1] =	vst.idx.msk $0xffff, v24  }
0x261: {  	v34 =	vsub.f32 v52, v37;
	v63 =	vadd.s32 $0x1, v32;
	v62 =	vmul.f32 v26, v28;
	v46 =	vld.idx.msk [tilespmem:v12+s18+$0xE70 ss:$0x1], $0xffff  }
0x262: {  	v43 =	vmul.f32 v30, v61;
	v49 =	vld.idx.msk [tilespmem:v12+s18+$0x3670 ss:$0x1], $0xffff;
	v44 =	vmul.f32 $6.400000000e+01, v31  }
0x263: {  	v22 =	vmul.f32 v22, v34;
	v47 =	vadd.f32 v58, v54;
	[tilespmem:v13+s2+$0x20 ss:$0x1] =	vst.idx.msk $0xffff, v62;
	v54 =	vld.idx.msk [tilespmem:v32+s0+$0x0], $0xffff  }
0x264: {  	v48 =	vmul.f32 v18, v7;
	v50 =	vadd.f32 v43, v45;
	v51 =	vadd.f32 $1.024000000e+03, v44;
	v52 =	vld.idx.msk [tilespmem:v12+s17+$0xE70 ss:$0x1], $0xffff  }
0x265: {  	v22 =	vadd.f32 v22, v37;
	v53 =	vld.idx.msk [tilespmem:v12+s17+$0x3670 ss:$0x1], $0xffff  }
0x266: {  	v24 =	vmul.f32 v50, v25;
	v26 =	vld.idx.msk [tilespmem:v63+s0+$0x0], $0xffff;
	v34 =	vadd.f32 v47, v48;
	v55 =	vmax.f32 v51, $0.0e+00  }
0x267: {  	v58 =	vmul.f32 v20, v7;
	v33 =	vadd.f32 v49, v46;
	v25 =	vmin.f32 v55, $2.047000000e+03  }
0x268: {  	v29 =	vadd.f32 v60, v59;
	[tilespmem:v13+s14+$0x30 ss:$0x1] =	vst.idx.msk $0xffff, v24;
	v56 =	vmul.f32 $6.400000000e+01, v34;
	v57 =	vtrunc.f32 v25  }
0x269: {  	v32 =	vcvt.s32.f32 v32;
	v59 =	vld.idx.msk [tilespmem:v12+s22+$0xE80 ss:$0x1], $0xffff;
	v33 =	vadd.f32 v33, v58;
	v24 =	vcvt.f32.s32 v57  }
0x26a: {  	v61 =	vmul.f32 v19, v7;
	v60 =	vld.idx.msk [tilespmem:v12+s22+$0x3680 ss:$0x1], $0xffff;
	v28 =	vadd.f32 $1.024000000e+03, v56;
	v30 =	vadd.f32 v53, v52  }
0x26b: {  	v27 =	vsub.f32 v27, v32;
	v26 =	vsub.f32 v26, v54;
	v62 =	vadd.s32 $0x1, v24  }
0x26c: {  	v63 =	vmul.f32 $6.400000000e+01, v33;
	v28 =	vmax.f32 v28, $0.0e+00;
	v30 =	vadd.f32 v30, v61  }
0x26d: {  	v22 =	vmul.f32 v22, v23;
	v26 =	vmul.f32 v27, v26;
	v28 =	vmin.f32 v28, $2.047000000e+03  }
0x26e: {  	v45 =	vadd.f32 $1.024000000e+03, v63;
	v44 =	vtrunc.f32 v28;
	v46 =	vmul.f32 $6.400000000e+01, v30  }
0x26f: {  	v47 =	vmul.f32 v17, v8;
	v23 =	vadd.f32 v60, v59;
	v32 =	vcvt.f32.s32 v44;
	v48 =	vld.idx.msk [tilespmem:v24+s0+$0x0], $0xffff  }
0x270: {  	v26 =	vadd.f32 v26, v54;
	v35 =	vmax.f32 v45, $0.0e+00;
	v41 =	vadd.f32 $1.024000000e+03, v46;
	v37 =	vld.idx.msk [tilespmem:v62+s0+$0x0], $0xffff  }
0x271: {  	v27 =	vadd.f32 v23, v47;
	v23 =	vmin.f32 v35, $2.047000000e+03;
	v49 =	vadd.s32 $0x1, v32  }
0x272: {  	v24 =	vcvt.s32.f32 v24;
	v35 =	vtrunc.f32 v23;
	v50 =	vmax.f32 v41, $0.0e+00  }
0x273: {  	[tilespmem:v13+s12+$0x40 ss:$0x1] =	vst.idx.msk $0xffff, v22;
	v26 =	vmul.f32 v26, v39;
	v35 =	vcvt.f32.s32 v35;
	v39 =	vmin.f32 v50, $2.047000000e+03  }
0x274: {  	v55 =	vld.idx.msk [tilespmem:v12+s15+$0xE90 ss:$0x1], $0xffff;
	v51 =	vmul.f32 $6.400000000e+01, v27;
	v24 =	vsub.f32 v25, v24;
	v53 =	vtrunc.f32 v39  }
0x275: {  	v54 =	vadd.s32 $0x1, v35;
	v52 =	vld.idx.msk [tilespmem:v32+s0+$0x0], $0xffff;
	v41 =	vcvt.f32.s32 v53;
	v37 =	vsub.f32 v37, v48  }
0x276: {  	v36 =	vmul.f32 v16, v10;
	v56 =	vadd.f32 $1.024000000e+03, v51;
	v42 =	vld.idx.msk [tilespmem:v49+s0+$0x0], $0xffff  }
0x277: {  	v57 =	vld.idx.msk [tilespmem:v12+s15+$0x3690 ss:$0x1], $0xffff;
	[tilespmem:v13+s13+$0x40 ss:$0x1] =	vst.idx.msk $0xffff, v26;
	v58 =	vadd.s32 $0x1, v41;
	v24 =	vmul.f32 v24, v37  }
0x278: {  	v22 =	vadd.f32 v29, v36;
	v50 =	vld.idx.msk [tilespmem:v12+s16+$0x3690 ss:$0x1], $0xffff;
	v36 =	vmax.f32 v56, $0.0e+00  }
0x279: {  	v32 =	vcvt.s32.f32 v32;
	v36 =	vmin.f32 v36, $2.047000000e+03;
	v38 =	vld.idx.msk [tilespmem:v35+s0+$0x0], $0xffff;
	v24 =	vadd.f32 v24, v48  }
0x27a: {  	v59 =	vmul.f32 $6.400000000e+01, v22;
	v60 =	vtrunc.f32 v36;
	v62 =	vld.idx.msk [tilespmem:v54+s0+$0x0], $0xffff  }
0x27b: {  	v28 =	vsub.f32 v28, v32;
	v61 =	vsub.f32 v42, v52;
	v48 =	vld.idx.msk [tilespmem:v41+s0+$0x0], $0xffff;
	v24 =	vmul.f32 v24, v31  }
0x27c: {  	v44 =	vcvt.f32.s32 v60;
	v35 =	vcvt.s32.f32 v35;
	v26 =	vld.idx.msk [tilespmem:v58+s0+$0x0], $0xffff  }
0x27d: {  	v37 =	vld.idx.msk [tilespmem:v12+s16+$0xE90 ss:$0x1], $0xffff;
	v28 =	vmul.f32 v28, v61;
	[tilespmem:v13+s26+$0x30 ss:$0x1] =	vst.idx.msk $0xffff, v24  }
0x27e: {  	v63 =	vadd.f32 $1.024000000e+03, v59;
	v45 =	vadd.s32 $0x1, v44;
	v23 =	vsub.f32 v23, v35;
	v51 =	vld.idx.msk [tilespmem:v12+s30+$0xE80 ss:$0x1], $0xffff  }
0x27f: {  	v54 =	vcvt.s32.f32 v41;
	v53 =	vsub.f32 v62, v38;
	v25 =	vadd.f32 v28, v52;
	v52 =	vld.idx.msk [tilespmem:v12+s30+$0x3680 ss:$0x1], $0xffff  }
0x280: {  	v29 =	vadd.f32 v57, v55;
	v43 =	vmax.f32 v63, $0.0e+00;
	v49 =	vmul.f32 v14, v9  }
0x281: {  	v57 =	vsub.f32 v39, v54;
	v23 =	vmul.f32 v23, v53;
	v26 =	vsub.f32 v26, v48  }
0x282: {  	v41 =	vmin.f32 v43, $2.047000000e+03;
	v24 =	vadd.f32 v29, v49;
	v56 =	vld.idx.msk [tilespmem:v44+s0+$0x0], $0xffff;
	v25 =	vmul.f32 v25, v34  }
0x283: {  	v32 =	vadd.f32 v50, v37;
	v59 =	vld.idx.msk [tilespmem:v45+s0+$0x0], $0xffff;
	v23 =	vadd.f32 v23, v38;
	v26 =	vmul.f32 v57, v26  }
0x284: {  	v62 =	vmul.f32 v21, v8;
	v55 =	vmul.f32 $6.400000000e+01, v24;
	[tilespmem:v13+s29+$0x30 ss:$0x1] =	vst.idx.msk $0xffff, v25;
	v28 =	vadd.f32 v52, v51  }
0x285: {  	v44 =	vcvt.s32.f32 v44;
	v61 =	vld.idx.msk [tilespmem:v12+s28+$0xE80 ss:$0x1], $0xffff;
	v33 =	vmul.f32 v23, v33;
	v26 =	vadd.f32 v26, v48  }
0x286: {  	v43 =	vmul.f32 v15, v9;
	v60 =	vadd.f32 $1.024000000e+03, v55;
	v63 =	vld.idx.msk [tilespmem:v12+s28+$0x3680 ss:$0x1], $0xffff;
	v28 =	vadd.f32 v28, v62  }
0x287: {  	v58 =	vtrunc.f32 v41;
	v45 =	vsub.f32 v36, v44;
	[tilespmem:v13+s19+$0x30 ss:$0x1] =	vst.idx.msk $0xffff, v33;
	v26 =	vmul.f32 v26, v30  }
0x288: {  	v25 =	vmax.f32 v60, $0.0e+00;
	v46 =	vsub.f32 v59, v56;
	v33 =	vld.idx.msk [tilespmem:v12+s18+$0xE80 ss:$0x1], $0xffff;
	v47 =	vmul.f32 $6.400000000e+01, v28  }
0x289: {  	v23 =	vadd.f32 v32, v43;
	v48 =	vmul.f32 v18, v8;
	v49 =	vld.idx.msk [tilespmem:v12+s18+$0x3680 ss:$0x1], $0xffff;
	[tilespmem:v13+s2+$0x30 ss:$0x1] =	vst.idx.msk $0xffff, v26  }
0x28a: {  	v25 =	vmin.f32 v25, $2.047000000e+03;
	v29 =	vmul.f32 v45, v46;
	v32 =	vadd.f32 $1.024000000e+03, v47;
	v51 =	vld.idx.msk [tilespmem:v12+s17+$0xE80 ss:$0x1], $0xffff  }
0x28b: {  	v50 =	vmul.f32 $6.400000000e+01, v23;
	v52 =	vtrunc.f32 v25;
	v35 =	vadd.f32 v63, v61;
	v53 =	vld.idx.msk [tilespmem:v12+s17+$0x3680 ss:$0x1], $0xffff  }
0x28c: {  	v29 =	vadd.f32 v29, v56;
	v56 =	vmul.f32 v20, v8;
	v32 =	vmax.f32 v32, $0.0e+00  }
0x28d: {  	v26 =	vadd.f32 $1.024000000e+03, v50;
	v30 =	vadd.f32 v35, v48;
	v32 =	vmin.f32 v32, $2.047000000e+03  }
0x28e: {  	v50 =	vmul.f32 v19, v8;
	v33 =	vadd.f32 v49, v33;
	v55 =	vtrunc.f32 v32  }
0x28f: {  	v54 =	vmul.f32 $6.400000000e+01, v30;
	v57 =	vcvt.f32.s32 v55  }
0x290: {  	v27 =	vmul.f32 v29, v27;
	v33 =	vadd.f32 v33, v56;
	v35 =	vadd.f32 v53, v51  }
0x291: {  	v36 =	vcvt.f32.s32 v52;
	v34 =	vadd.f32 $1.024000000e+03, v54;
	v51 =	vadd.s32 $0x1, v57  }
0x292: {  	v31 =	vcvt.f32.s32 v58;
	[tilespmem:v13+s14+$0x40 ss:$0x1] =	vst.idx.msk $0xffff, v27;
	v52 =	vmul.f32 $6.400000000e+01, v33;
	v35 =	vadd.f32 v35, v50  }
0x293: {  	v26 =	vmax.f32 v26, $0.0e+00;
	v59 =	vld.idx.msk [tilespmem:v12+s22+$0x3690 ss:$0x1], $0xffff;
	v53 =	vadd.s32 $0x1, v36;
	v34 =	vmax.f32 v34, $0.0e+00  }
0x294: {  	v54 =	vld.idx.msk [tilespmem:v12+s22+$0xE90 ss:$0x1], $0xffff;
	v27 =	vmin.f32 v34, $2.047000000e+03;
	v34 =	vadd.f32 $1.024000000e+03, v52;
	v60 =	vmul.f32 $6.400000000e+01, v35  }
0x295: {  	v61 =	vadd.s32 $0x1, v31;
	v26 =	vmin.f32 v26, $2.047000000e+03;
	v58 =	vtrunc.f32 v27;
	v63 =	vld.idx.msk [tilespmem:v57+s0+$0x0], $0xffff  }
0x296: {  	v40 =	vcvt.f32.s32 v58;
	v34 =	vmax.f32 v34, $0.0e+00;
	v43 =	vadd.f32 $1.024000000e+03, v60;
	v38 =	vld.idx.msk [tilespmem:v51+s0+$0x0], $0xffff  }
0x297: {  	v56 =	vcvt.s32.f32 v36;
	v36 =	vld.idx.msk [tilespmem:v36+s0+$0x0], $0xffff;
	v29 =	vcvt.s32.f32 v57;
	v34 =	vmin.f32 v34, $2.047000000e+03  }
0x298: {  	v37 =	vld.idx.msk [tilespmem:v53+s0+$0x0], $0xffff;
	v55 =	vadd.s32 $0x1, v40;
	v57 =	vtrunc.f32 v34;
	v43 =	vmax.f32 v43, $0.0e+00  }
0x299: {  	v62 =	vtrunc.f32 v26;
	v58 =	vcvt.f32.s32 v57;
	v43 =	vmin.f32 v43, $2.047000000e+03  }
0x29a: {  	v45 =	vcvt.f32.s32 v62;
	v29 =	vsub.f32 v32, v29;
	v50 =	vtrunc.f32 v43  }
0x29b: {  	v44 =	vld.idx.msk [tilespmem:v61+s0+$0x0], $0xffff;
	v51 =	vadd.s32 $0x1, v58;
	v50 =	vcvt.f32.s32 v50;
	v38 =	vsub.f32 v38, v63  }
0x29c: {  	v25 =	vsub.f32 v25, v56;
	v39 =	vadd.f32 v59, v54;
	v59 =	vmul.f32 v17, v9;
	v32 =	vld.idx.msk [tilespmem:v40+s0+$0x0], $0xffff  }
0x29d: {  	v37 =	vsub.f32 v37, v36;
	v47 =	vld.idx.msk [tilespmem:v55+s0+$0x0], $0xffff;
	v61 =	vadd.s32 $0x1, v50;
	v29 =	vmul.f32 v29, v38  }
0x29e: {  	v62 =	vadd.s32 $0x1, v45;
	v52 =	vld.idx.msk [tilespmem:v31+s0+$0x0], $0xffff;
	v39 =	vadd.f32 v39, v59  }
0x29f: {  	v60 =	vcvt.s32.f32 v40;
	v25 =	vmul.f32 v25, v37;
	v38 =	vld.idx.msk [tilespmem:v58+s0+$0x0], $0xffff;
	v29 =	vadd.f32 v29, v63  }
0x2a0: {  	v53 =	vmul.f32 $6.400000000e+01, v39;
	v54 =	vld.idx.msk [tilespmem:v51+s0+$0x0], $0xffff  }
0x2a1: {  	v27 =	vsub.f32 v27, v60;
	v25 =	vadd.f32 v25, v36;
	v28 =	vmul.f32 v29, v28;
	v29 =	vld.idx.msk [tilespmem:v50+s0+$0x0], $0xffff  }
0x2a2: {  	v31 =	vcvt.s32.f32 v31;
	v63 =	vadd.f32 $1.024000000e+03, v53;
	v53 =	vsub.f32 v47, v32;
	v56 =	vld.idx.msk [tilespmem:v61+s0+$0x0], $0xffff  }
0x2a3: {  	v48 =	vld.idx.msk [tilespmem:v45+s0+$0x0], $0xffff;
	v58 =	vcvt.s32.f32 v58;
	v24 =	vmul.f32 v25, v24  }
0x2a4: {  	v57 =	vld.idx.msk [tilespmem:v62+s0+$0x0], $0xffff;
	v55 =	vmax.f32 v63, $0.0e+00;
	v63 =	vcvt.s32.f32 v50;
	v27 =	vmul.f32 v27, v53  }
0x2a5: {  	v34 =	vsub.f32 v34, v58;
	v36 =	vmin.f32 v55, $2.047000000e+03;
	[tilespmem:v13+s26+$0x40 ss:$0x1] =	vst.idx.msk $0xffff, v28;
	v62 =	vsub.f32 v54, v38  }
0x2a6: {  	v59 =	vtrunc.f32 v36;
	v47 =	vsub.f32 v43, v63;
	v27 =	vadd.f32 v27, v32;
	v60 =	vld.idx.msk [tilespmem:v12+s30+$0xE90 ss:$0x1], $0xffff  }
0x2a7: {  	v61 =	vld.idx.msk [tilespmem:v12+s30+$0x3690 ss:$0x1], $0xffff;
	v25 =	vcvt.f32.s32 v59;
	v34 =	vmul.f32 v34, v62;
	v37 =	vsub.f32 v56, v29  }
0x2a8: {  	v31 =	vsub.f32 v41, v31;
	v45 =	vcvt.s32.f32 v45;
	[tilespmem:v13+s12+$0x50 ss:$0x1] =	vst.idx.msk $0xffff, v24;
	v50 =	vmul.f32 v27, v30  }
0x2a9: {  	v44 =	vsub.f32 v44, v52;
	v51 =	vld.idx.msk [tilespmem:v12+s15+$0xEA0 ss:$0x1], $0xffff;
	v53 =	vadd.f32 v34, v38;
	v54 =	vmul.f32 v47, v37  }
0x2aa: {  	v49 =	vsub.f32 v26, v45;
	v55 =	vld.idx.msk [tilespmem:v12+s15+$0x36A0 ss:$0x1], $0xffff;
	[tilespmem:v13+s29+$0x40 ss:$0x1] =	vst.idx.msk $0xffff, v50  }
0x2ab: {  	v31 =	vmul.f32 v31, v44;
	v26 =	vld.idx.msk [tilespmem:v12+s28+$0xE90 ss:$0x1], $0xffff;
	v30 =	vmul.f32 v53, v33;
	v29 =	vadd.f32 v54, v29  }
0x2ac: {  	v28 =	vsub.f32 v57, v48;
	v56 =	vmul.f32 v21, v9;
	v32 =	vadd.f32 v61, v60;
	v57 =	vld.idx.msk [tilespmem:v12+s28+$0x3690 ss:$0x1], $0xffff  }
0x2ad: {  	v58 =	vadd.s32 $0x1, v25;
	v33 =	vld.idx.msk [tilespmem:v25+s0+$0x0], $0xffff;
	[tilespmem:v13+s19+$0x40 ss:$0x1] =	vst.idx.msk $0xffff, v30;
	v29 =	vmul.f32 v29, v35  }
0x2ae: {  	v59 =	vadd.f32 v31, v52;
	v24 =	vmul.f32 v49, v28;
	v28 =	vadd.f32 v32, v56;
	v61 =	vld.idx.msk [tilespmem:v12+s18+$0xE90 ss:$0x1], $0xffff  }
0x2af: {  	v45 =	vmul.f32 v14, v10;
	v43 =	vmul.f32 v18, v9;
	v62 =	vld.idx.msk [tilespmem:v12+s18+$0x3690 ss:$0x1], $0xffff;
	[tilespmem:v13+s2+$0x40 ss:$0x1] =	vst.idx.msk $0xffff, v29  }
0x2b0: {  	v63 =	vmul.f32 v59, v22;
	v60 =	vmul.f32 $6.400000000e+01, v28;
	v42 =	vld.idx.msk [tilespmem:v12+s17+$0xE90 ss:$0x1], $0xffff  }
0x2b1: {  	v59 =	vmul.f32 v15, v10;
	v24 =	vadd.f32 v24, v48;
	v26 =	vadd.f32 v57, v26;
	v44 =	vld.idx.msk [tilespmem:v12+s17+$0x3690 ss:$0x1], $0xffff  }
0x2b2: {  	v27 =	vadd.f32 v55, v51;
	v50 =	vmul.f32 v20, v9;
	v46 =	vld.idx.msk [tilespmem:v58+s0+$0x0], $0xffff;
	v41 =	vadd.f32 $1.024000000e+03, v60  }
0x2b3: {  	v40 =	vmul.f32 v24, v23;
	v25 =	vcvt.s32.f32 v25;
	v26 =	vadd.f32 v26, v43  }
0x2b4: {  	v53 =	vmul.f32 v19, v9;
	v23 =	vmax.f32 v41, $0.0e+00;
	v35 =	vadd.f32 v62, v61  }
0x2b5: {  	v25 =	vsub.f32 v36, v25;
	v23 =	vmin.f32 v23, $2.047000000e+03;
	v52 =	vmul.f32 $6.400000000e+01, v26  }
0x2b6: {  	[tilespmem:v13+s13+$0x50 ss:$0x1] =	vst.idx.msk $0xffff, v40;
	v49 =	vtrunc.f32 v23;
	v35 =	vadd.f32 v35, v50;
	v24 =	vadd.f32 v44, v42  }
0x2b7: {  	v47 =	vld.idx.msk [tilespmem:v12+s16+$0xEA0 ss:$0x1], $0xffff;
	v54 =	vsub.f32 v46, v33;
	v51 =	vcvt.f32.s32 v49;
	v37 =	vadd.f32 $1.024000000e+03, v52  }
0x2b8: {  	v22 =	vadd.f32 v27, v45;
	v48 =	vld.idx.msk [tilespmem:v12+s16+$0x36A0 ss:$0x1], $0xffff;
	v56 =	vmul.f32 $6.400000000e+01, v35;
	v24 =	vadd.f32 v24, v53  }
0x2b9: {  	v25 =	vmul.f32 v25, v54;
	v55 =	vadd.s32 $0x1, v51;
	v57 =	vmax.f32 v37, $0.0e+00  }
0x2ba: {  	v31 =	vmin.f32 v57, $2.047000000e+03;
	v27 =	vadd.f32 $1.024000000e+03, v56;
	v58 =	vmul.f32 $6.400000000e+01, v24  }
0x2bb: {  	v46 =	vmul.f32 $6.400000000e+01, v22;
	v25 =	vadd.f32 v25, v33;
	v61 =	vtrunc.f32 v31  }
0x2bc: {  	v37 =	vcvt.f32.s32 v61;
	v27 =	vmax.f32 v27, $0.0e+00;
	v32 =	vadd.f32 $1.024000000e+03, v58  }
0x2bd: {  	v30 =	vadd.f32 v48, v47;
	v25 =	vmul.f32 v25, v39;
	v60 =	vld.idx.msk [tilespmem:v51+s0+$0x0], $0xffff;
	v27 =	vmin.f32 v27, $2.047000000e+03  }
0x2be: {  	[tilespmem:v13+s11+$0x60 ss:$0x1] =	vst.idx.msk $0xffff, v63;
	v62 =	vld.idx.msk [tilespmem:v55+s0+$0x0], $0xffff;
	v63 =	vadd.s32 $0x1, v37;
	v45 =	vtrunc.f32 v27;
	v32 =	vmax.f32 v32, $0.0e+00  }
0x2bf: {  	v39 =	vcvt.f32.s32 v45;
	v32 =	vmin.f32 v32, $2.047000000e+03  }
0x2c0: {  	v40 =	vld.idx.msk [tilespmem:v12+s21+$0xEB0 ss:$0x1], $0xffff;
	v41 =	vadd.f32 $1.024000000e+03, v46;
	v30 =	vadd.f32 v30, v59;
	[tilespmem:v13+s14+$0x50 ss:$0x1] =	vst.idx.msk $0xffff, v25;
	v47 =	vtrunc.f32 v32  }
0x2c1: {  	v36 =	vcvt.s32.f32 v51;
	v34 =	vld.idx.msk [tilespmem:v12+s22+$0xEA0 ss:$0x1], $0xffff;
	v49 =	vadd.s32 $0x1, v39;
	v25 =	vcvt.f32.s32 v47  }
0x2c2: {  	v41 =	vmax.f32 v41, $0.0e+00;
	v51 =	vmul.f32 $6.400000000e+01, v30;
	v50 =	vld.idx.msk [tilespmem:v37+s0+$0x0], $0xffff  }
0x2c3: {  	v23 =	vsub.f32 v23, v36;
	v48 =	vsub.f32 v62, v60;
	v29 =	vld.idx.msk [tilespmem:v63+s0+$0x0], $0xffff;
	v52 =	vadd.s32 $0x1, v25  }
0x2c4: {  	v41 =	vmin.f32 v41, $2.047000000e+03;
	v53 =	vld.idx.msk [tilespmem:v12+s22+$0x36A0 ss:$0x1], $0xffff;
	v43 =	vadd.f32 $1.024000000e+03, v51  }
0x2c5: {  	v55 =	vtrunc.f32 v41;
	v23 =	vmul.f32 v23, v48;
	v54 =	vld.idx.msk [tilespmem:v39+s0+$0x0], $0xffff  }
0x2c6: {  	v45 =	vcvt.f32.s32 v55;
	v43 =	vmax.f32 v43, $0.0e+00;
	v37 =	vcvt.s32.f32 v37;
	v38 =	vld.idx.msk [tilespmem:v49+s0+$0x0], $0xffff  }
0x2c7: {  	v59 =	vcvt.s32.f32 v39;
	v43 =	vmin.f32 v43, $2.047000000e+03;
	v23 =	vadd.f32 v23, v60;
	v56 =	vld.idx.msk [tilespmem:v25+s0+$0x0], $0xffff  }
0x2c8: {  	v58 =	vtrunc.f32 v43;
	v31 =	vsub.f32 v31, v37;
	v29 =	vsub.f32 v29, v50;
	v36 =	vld.idx.msk [tilespmem:v52+s0+$0x0], $0xffff  }
0x2c9: {  	v57 =	vld.idx.msk [tilespmem:v12+s21+$0x36B0 ss:$0x1], $0xffff;
	v34 =	vadd.f32 v53, v34;
	v46 =	vcvt.f32.s32 v58;
	v23 =	vmul.f32 v23, v28  }
0x2ca: {  	v48 =	vmul.f32 v17, v10;
	v60 =	vadd.s32 $0x1, v45;
	v29 =	vmul.f32 v31, v29  }
0x2cb: {  	v25 =	vcvt.s32.f32 v25;
	[tilespmem:v13+s26+$0x50 ss:$0x1] =	vst.idx.msk $0xffff, v23;
	v23 =	vsub.f32 v27, v59;
	v63 =	vsub.f32 v38, v54  }
0x2cc: {  	v34 =	vadd.f32 v34, v48;
	v61 =	vld.idx.msk [tilespmem:v12+s30+$0xEA0 ss:$0x1], $0xffff;
	v29 =	vadd.f32 v29, v50  }
0x2cd: {  	v25 =	vsub.f32 v32, v25;
	v62 =	vld.idx.msk [tilespmem:v12+s30+$0x36A0 ss:$0x1], $0xffff;
	v23 =	vmul.f32 v23, v63;
	v49 =	vsub.f32 v36, v56  }
0x2ce: {  	v51 =	vld.idx.msk [tilespmem:v45+s0+$0x0], $0xffff;
	v50 =	vadd.f32 v57, v40;
	v57 =	vadd.s32 $0x1, v46;
	v26 =	vmul.f32 v29, v26  }
0x2cf: {  	v27 =	vld.idx.msk [tilespmem:v46+s0+$0x0], $0xffff;
	v23 =	vadd.f32 v23, v54;
	v25 =	vmul.f32 v25, v49  }
0x2d0: {  	v16 =	vmul.f32 v16, v11;
	v53 =	vmul.f32 $6.400000000e+01, v34;
	v52 =	vld.idx.msk [tilespmem:v60+s0+$0x0], $0xffff;
	[tilespmem:v13+s29+$0x50 ss:$0x1] =	vst.idx.msk $0xffff, v26  }
0x2d1: {  	v47 =	vmul.f32 v18, v10;
	v55 =	vld.idx.msk [tilespmem:v12+s28+$0xEA0 ss:$0x1], $0xffff;
	v23 =	vmul.f32 v23, v35;
	v25 =	vadd.f32 v25, v56  }
0x2d2: {  	v33 =	vadd.f32 $1.024000000e+03, v53;
	v54 =	vmul.f32 v21, v10;
	v31 =	vadd.f32 v62, v61;
	v58 =	vld.idx.msk [tilespmem:v12+s28+$0x36A0 ss:$0x1], $0xffff  }
0x2d3: {  	v16 =	vadd.f32 v50, v16;
	v32 =	vld.idx.msk [tilespmem:v57+s0+$0x0], $0xffff;
	[tilespmem:v13+s19+$0x50 ss:$0x1] =	vst.idx.msk $0xffff, v23;
	v59 =	vmul.f32 v25, v24  }
0x2d4: {  	v50 =	vmul.f32 v20, v10;
	v56 =	vcvt.s32.f32 v45;
	v26 =	vadd.f32 v31, v54;
	v62 =	vld.idx.msk [tilespmem:v12+s18+$0xEA0 ss:$0x1], $0xffff  }
0x2d5: {  	v40 =	vmax.f32 v33, $0.0e+00;
	v63 =	vmul.f32 $6.400000000e+01, v16;
	v61 =	vsub.f32 v52, v51;
	v42 =	vld.idx.msk [tilespmem:v12+s18+$0x36A0 ss:$0x1], $0xffff;
	[tilespmem:v13+s2+$0x50 ss:$0x1] =	vst.idx.msk $0xffff, v59  }
0x2d6: {  	v45 =	vcvt.s32.f32 v46;
	v60 =	vsub.f32 v41, v56;
	v41 =	vmul.f32 $6.400000000e+01, v26;
	v46 =	vld.idx.msk [tilespmem:v12+s17+$0xEA0 ss:$0x1], $0xffff  }
0x2d7: {  	v54 =	vmul.f32 v19, v10;
	v25 =	vmin.f32 v40, $2.047000000e+03;
	v35 =	vadd.f32 v58, v55;
	v48 =	vld.idx.msk [tilespmem:v12+s17+$0x36A0 ss:$0x1], $0xffff  }
0x2d8: {  	v24 =	vsub.f32 v43, v45;
	v49 =	vtrunc.f32 v25;
	v33 =	vadd.f32 $1.024000000e+03, v41  }
0x2d9: {  	v44 =	vmul.f32 v60, v61;
	v36 =	vcvt.f32.s32 v49;
	v35 =	vadd.f32 v35, v47  }
0x2da: {  	v32 =	vsub.f32 v32, v27;
	v33 =	vmax.f32 v33, $0.0e+00;
	v28 =	vadd.f32 v42, v62  }
0x2db: {  	v23 =	vadd.f32 v44, v51;
	v33 =	vmin.f32 v33, $2.047000000e+03;
	v53 =	vmul.f32 $6.400000000e+01, v35  }
0x2dc: {  	v52 =	vtrunc.f32 v33;
	v28 =	vadd.f32 v28, v50;
	v31 =	vadd.f32 v48, v46  }
0x2dd: {  	v51 =	vadd.s32 $0x1, v36;
	v39 =	vcvt.f32.s32 v52;
	v55 =	vadd.f32 $1.024000000e+03, v53  }
0x2de: {  	v24 =	vmul.f32 v24, v32;
	v56 =	vmul.f32 $6.400000000e+01, v28;
	v31 =	vadd.f32 v31, v54  }
0x2df: {  	v22 =	vmul.f32 v23, v22;
	v57 =	vadd.s32 $0x1, v39;
	v58 =	vmax.f32 v55, $0.0e+00  }
0x2e0: {  	v37 =	vmin.f32 v58, $2.047000000e+03;
	v23 =	vadd.f32 $1.024000000e+03, v56;
	v59 =	vmul.f32 $6.400000000e+01, v31  }
0x2e1: {  	v29 =	vadd.f32 $1.024000000e+03, v63;
	v60 =	vadd.f32 v24, v27;
	v40 =	vld.idx.msk [tilespmem:v36+s0+$0x0], $0xffff;
	v62 =	vtrunc.f32 v37  }
0x2e2: {  	[tilespmem:v13+s12+$0x60 ss:$0x1] =	vst.idx.msk $0xffff, v22;
	v61 =	vld.idx.msk [tilespmem:v51+s0+$0x0], $0xffff;
	v27 =	vcvt.f32.s32 v62;
	v23 =	vmax.f32 v23, $0.0e+00;
	v41 =	vadd.f32 $1.024000000e+03, v59  }
0x2e3: {  	v63 =	vcvt.s32.f32 v36;
	v22 =	vmul.f32 v60, v30;
	v38 =	vld.idx.msk [tilespmem:v12+s15+$0xEB0 ss:$0x1], $0xffff;
	v23 =	vmin.f32 v23, $2.047000000e+03  }
0x2e4: {  	v48 =	vld.idx.msk [tilespmem:v39+s0+$0x0], $0xffff;
	v49 =	vadd.s32 $0x1, v27;
	v50 =	vtrunc.f32 v23;
	v41 =	vmax.f32 v41, $0.0e+00  }
0x2e5: {  	v32 =	vld.idx.msk [tilespmem:v57+s0+$0x0], $0xffff;
	v43 =	vcvt.f32.s32 v50;
	v41 =	vmin.f32 v41, $2.047000000e+03  }
0x2e6: {  	v52 =	vsub.f32 v25, v63;
	v51 =	vld.idx.msk [tilespmem:v12+s15+$0x36B0 ss:$0x1], $0xffff;
	[tilespmem:v13+s13+$0x60 ss:$0x1] =	vst.idx.msk $0xffff, v22;
	v53 =	vtrunc.f32 v41  }
0x2e7: {  	v54 =	vld.idx.msk [tilespmem:v12+s16+$0xEB0 ss:$0x1], $0xffff;
	v24 =	vsub.f32 v61, v40;
	v55 =	vadd.s32 $0x1, v43;
	v25 =	vcvt.f32.s32 v53  }
0x2e8: {  	v39 =	vcvt.s32.f32 v39;
	v56 =	vld.idx.msk [tilespmem:v27+s0+$0x0], $0xffff  }
0x2e9: {  	v14 =	vmul.f32 v14, v11;
	v22 =	vmul.f32 v52, v24;
	v57 =	vld.idx.msk [tilespmem:v49+s0+$0x0], $0xffff;
	v58 =	vadd.s32 $0x1, v25  }
0x2ea: {  	v15 =	vmul.f32 v15, v11;
	v59 =	vld.idx.msk [tilespmem:v12+s16+$0x36B0 ss:$0x1], $0xffff;
	v33 =	vsub.f32 v33, v39;
	v32 =	vsub.f32 v32, v48  }
0x2eb: {  	v18 =	vmul.f32 v18, v11;
	v22 =	vadd.f32 v22, v40;
	v27 =	vcvt.s32.f32 v27;
	v61 =	vld.idx.msk [tilespmem:v43+s0+$0x0], $0xffff  }
0x2ec: {  	v17 =	vmul.f32 v17, v11;
	v32 =	vmul.f32 v33, v32;
	v62 =	vld.idx.msk [tilespmem:v55+s0+$0x0], $0xffff  }
0x2ed: {  	v38 =	vadd.f32 v51, v38;
	v22 =	vmul.f32 v22, v34;
	v63 =	vsub.f32 v37, v27;
	v36 =	vld.idx.msk [tilespmem:v25+s0+$0x0], $0xffff  }
0x2ee: {  	v29 =	vmax.f32 v29, $0.0e+00;
	v32 =	vadd.f32 v32, v48;
	v45 =	vsub.f32 v57, v56;
	v47 =	vld.idx.msk [tilespmem:v58+s0+$0x0], $0xffff  }
0x2ef: {  	v20 =	vmul.f32 v20, v11;
	v29 =	vmin.f32 v29, $2.047000000e+03;
	v49 =	vcvt.s32.f32 v43;
	[tilespmem:v13+s14+$0x60 ss:$0x1] =	vst.idx.msk $0xffff, v22  }
0x2f0: {  	v38 =	vadd.f32 v38, v14;
	v50 =	vld.idx.msk [tilespmem:v12+s22+$0x36B0 ss:$0x1], $0xffff;
	v26 =	vmul.f32 v32, v26;
	v14 =	vmul.f32 v63, v45  }
0x2f1: {  	v52 =	vsub.f32 v23, v49;
	v48 =	vld.idx.msk [tilespmem:v12+s22+$0xEB0 ss:$0x1], $0xffff;
	v25 =	vcvt.s32.f32 v25;
	v53 =	vsub.f32 v62, v61  }
0x2f2: {  	v60 =	vtrunc.f32 v29;
	v54 =	vadd.f32 v59, v54;
	[tilespmem:v13+s26+$0x60 ss:$0x1] =	vst.idx.msk $0xffff, v26;
	v14 =	vadd.f32 v14, v56  }
0x2f3: {  	v57 =	vsub.f32 v41, v25;
	v55 =	vld.idx.msk [tilespmem:v12+s30+$0xEB0 ss:$0x1], $0xffff;
	v22 =	vmul.f32 v52, v53;
	v58 =	vsub.f32 v47, v36  }
0x2f4: {  	v40 =	vcvt.f32.s32 v60;
	v56 =	vld.idx.msk [tilespmem:v12+s30+$0x36B0 ss:$0x1], $0xffff;
	v60 =	vmul.f32 v14, v35  }
0x2f5: {  	v14 =	vadd.f32 v54, v15;
	v15 =	vadd.f32 v22, v61;
	v61 =	vmul.f32 v57, v58  }
0x2f6: {  	v21 =	vmul.f32 v21, v11;
	v59 =	vmul.f32 $6.400000000e+01, v38;
	v41 =	vadd.f32 v50, v48  }
0x2f7: {  	[tilespmem:v13+s29+$0x60 ss:$0x1] =	vst.idx.msk $0xffff, v60;
	v15 =	vmul.f32 v15, v28;
	v22 =	vadd.f32 v61, v36  }
0x2f8: {  	v62 =	vadd.f32 $1.024000000e+03, v59;
	v17 =	vadd.f32 v41, v17;
	v26 =	vmul.f32 $6.400000000e+01, v14;
	v63 =	vld.idx.msk [tilespmem:v12+s28+$0xEB0 ss:$0x1], $0xffff  }
0x2f9: {  	v37 =	vld.idx.msk [tilespmem:v12+s28+$0x36B0 ss:$0x1], $0xffff;
	v24 =	vadd.f32 v56, v55;
	[tilespmem:v13+s19+$0x60 ss:$0x1] =	vst.idx.msk $0xffff, v15;
	v15 =	vmul.f32 v22, v31  }
0x2fa: {  	v19 =	vmul.f32 v19, v11;
	v51 =	vcvt.s32.f32 v40;
	v25 =	vmax.f32 v62, $0.0e+00;
	v43 =	vld.idx.msk [tilespmem:v12+s18+$0xEB0 ss:$0x1], $0xffff  }
0x2fb: {  	v48 =	vmul.f32 $6.400000000e+01, v17;
	v42 =	vadd.f32 $1.024000000e+03, v26;
	v21 =	vadd.f32 v24, v21;
	v44 =	vld.idx.msk [tilespmem:v12+s18+$0x36B0 ss:$0x1], $0xffff;
	[tilespmem:v13+s2+$0x60 ss:$0x1] =	vst.idx.msk $0xffff, v15  }
0x2fc: {  	v23 =	vsub.f32 v29, v51;
	v45 =	vadd.s32 $0x1, v40;
	v22 =	vmin.f32 v25, $2.047000000e+03;
	v49 =	vld.idx.msk [tilespmem:v12+s17+$0xEB0 ss:$0x1], $0xffff  }
0x2fd: {  	v47 =	vmax.f32 v42, $0.0e+00;
	v25 =	vadd.f32 $1.024000000e+03, v48;
	v51 =	vmul.f32 $6.400000000e+01, v21;
	v50 =	vld.idx.msk [tilespmem:v12+s17+$0x36B0 ss:$0x1], $0xffff  }
0x2fe: {  	v46 =	vtrunc.f32 v22;
	v24 =	vmin.f32 v47, $2.047000000e+03;
	v28 =	vadd.f32 v37, v63  }
0x2ff: {  	v15 =	vcvt.f32.s32 v46;
	v53 =	vtrunc.f32 v24;
	v33 =	vadd.f32 $1.024000000e+03, v51  }
0x300: {  	v25 =	vmax.f32 v25, $0.0e+00;
	v18 =	vadd.f32 v28, v18;
	v26 =	vadd.f32 v44, v43  }
0x301: {  	v25 =	vmin.f32 v25, $2.047000000e+03;
	v56 =	vcvt.f32.s32 v53;
	v54 =	vmax.f32 v33, $0.0e+00  }
0x302: {  	v28 =	vmul.f32 $6.400000000e+01, v18;
	v20 =	vadd.f32 v26, v20;
	v55 =	vadd.f32 v50, v49  }
0x303: {  	v52 =	vadd.s32 $0x1, v15;
	v57 =	vtrunc.f32 v25;
	v27 =	vmin.f32 v54, $2.047000000e+03  }
0x304: {  	v59 =	vld.idx.msk [tilespmem:v45+s0+$0x0], $0xffff;
	v28 =	vadd.f32 $1.024000000e+03, v28;
	v58 =	vmul.f32 $6.400000000e+01, v20;
	v19 =	vadd.f32 v55, v19  }
0x305: {  	v33 =	vld.idx.msk [tilespmem:v40+s0+$0x0], $0xffff;
	v60 =	vadd.s32 $0x1, v56;
	v32 =	vcvt.f32.s32 v57;
	v61 =	vtrunc.f32 v27  }
0x306: {  	v28 =	vmax.f32 v28, $0.0e+00;
	v34 =	vadd.f32 $1.024000000e+03, v58;
	v62 =	vmul.f32 $6.400000000e+01, v19  }
0x307: {  	v63 =	vadd.s32 $0x1, v32;
	v37 =	vld.idx.msk [tilespmem:v15+s0+$0x0], $0xffff;
	v35 =	vcvt.f32.s32 v61;
	v28 =	vmin.f32 v28, $2.047000000e+03  }
0x308: {  	v29 =	vld.idx.msk [tilespmem:v52+s0+$0x0], $0xffff;
	v48 =	vtrunc.f32 v28;
	v34 =	vmax.f32 v34, $0.0e+00;
	v36 =	vadd.f32 $1.024000000e+03, v62  }
0x309: {  	v41 =	vld.idx.msk [tilespmem:v56+s0+$0x0], $0xffff;
	v49 =	vadd.s32 $0x1, v35;
	v40 =	vcvt.f32.s32 v48;
	v34 =	vmin.f32 v34, $2.047000000e+03  }
0x30a: {  	v26 =	vsub.f32 v59, v33;
	v30 =	vld.idx.msk [tilespmem:v60+s0+$0x0], $0xffff;
	v50 =	vtrunc.f32 v34;
	v36 =	vmax.f32 v36, $0.0e+00  }
0x30b: {  	v51 =	vld.idx.msk [tilespmem:v32+s0+$0x0], $0xffff;
	v52 =	vadd.s32 $0x1, v40;
	v43 =	vcvt.f32.s32 v50;
	v36 =	vmin.f32 v36, $2.047000000e+03  }
0x30c: {  	v15 =	vcvt.s32.f32 v15;
	v39 =	vld.idx.msk [tilespmem:v63+s0+$0x0], $0xffff;
	v53 =	vtrunc.f32 v36  }
0x30d: {  	v23 =	vmul.f32 v23, v26;
	v26 =	vld.idx.msk [tilespmem:v35+s0+$0x0], $0xffff;
	v54 =	vadd.s32 $0x1, v43;
	v46 =	vcvt.f32.s32 v53  }
0x30e: {  	v56 =	vcvt.s32.f32 v56;
	v15 =	vsub.f32 v22, v15;
	v32 =	vcvt.s32.f32 v32;
	v57 =	vld.idx.msk [tilespmem:v49+s0+$0x0], $0xffff  }
0x30f: {  	v55 =	vsub.f32 v29, v37;
	v23 =	vadd.f32 v23, v33;
	v33 =	vld.idx.msk [tilespmem:v40+s0+$0x0], $0xffff;
	v58 =	vadd.s32 $0x1, v46  }
0x310: {  	v59 =	vsub.f32 v24, v56;
	v60 =	vsub.f32 v30, v41;
	v61 =	vld.idx.msk [tilespmem:v52+s0+$0x0], $0xffff  }
0x311: {  	v25 =	vsub.f32 v25, v32;
	v15 =	vmul.f32 v15, v55;
	v62 =	vsub.f32 v39, v51;
	v63 =	vld.idx.msk [tilespmem:v43+s0+$0x0], $0xffff  }
0x312: {  	v22 =	vmul.f32 v59, v60;
	v45 =	vld.idx.msk [tilespmem:v54+s0+$0x0], $0xffff  }
0x313: {  	v15 =	vadd.f32 v15, v37;
	v47 =	vmul.f32 v25, v62;
	v48 =	vld.idx.msk [tilespmem:v46+s0+$0x0], $0xffff  }
0x314: {  	v49 =	vcvt.s32.f32 v35;
	v16 =	vmul.f32 v23, v16;
	v22 =	vadd.f32 v22, v41;
	v50 =	vld.idx.msk [tilespmem:v58+s0+$0x0], $0xffff  }
0x315: {  	v15 =	vmul.f32 v15, v38;
	v24 =	vadd.f32 v47, v51;
	v51 =	vcvt.s32.f32 v40  }
0x316: {  	[tilespmem:v13+s11+$0x70 ss:$0x1] =	vst.idx.msk $0xffff, v16;
	v52 =	vsub.f32 v27, v49;
	v53 =	vsub.f32 v57, v26;
	v54 =	vcvt.s32.f32 v43  }
0x317: {  	v56 =	vcvt.s32.f32 v46;
	[tilespmem:v13+s12+$0x70 ss:$0x1] =	vst.idx.msk $0xffff, v15;
	v15 =	vsub.f32 v28, v51;
	v55 =	vsub.f32 v61, v33  }
0x318: {  	v16 =	vmul.f32 v52, v53;
	v57 =	vsub.f32 v34, v54;
	v23 =	vsub.f32 v45, v63  }
0x319: {  	v58 =	vsub.f32 v36, v56;
	v15 =	vmul.f32 v15, v55;
	v59 =	vsub.f32 v50, v48  }
0x31a: {  	v14 =	vmul.f32 v22, v14;
	v16 =	vadd.f32 v16, v26;
	v60 =	vmul.f32 v57, v23  }
0x31b: {  	v17 =	vmul.f32 v24, v17;
	v15 =	vadd.f32 v15, v33;
	v61 =	vmul.f32 v58, v59  }
0x31c: {  	p0 =	slt.u32 s10, $0x20;
	[tilespmem:v13+s13+$0x70 ss:$0x1] =	vst.idx.msk $0xffff, v14;
	v14 =	vmul.f32 v16, v21;
	v62 =	vadd.f32 v60, v63  }
.Ltmp7:
0x31d: {  	[tilespmem:v13+s14+$0x70 ss:$0x1] =	vst.idx.msk $0xffff, v17;
	v15 =	vmul.f32 v15, v18;
	v63 =	vadd.f32 v61, v48;
	(pc) =	sbr.rel @p0 .LBB2_13-.Ltmp7, $4  }
0x31e: {  	[tilespmem:v13+s26+$0x70 ss:$0x1] =	vst.idx.msk $0xffff, v14;
	v14 =	vmul.f32 v62, v20  }
0x31f: {  	[tilespmem:v13+s29+$0x70 ss:$0x1] =	vst.idx.msk $0xffff, v15;
	v15 =	vmul.f32 v63, v19  }
0x320: {  	s30 =	sadd.s32 $0x8, s10;
	[tilespmem:v13+s19+$0x70 ss:$0x1] =	vst.idx.msk $0xffff, v14  }
0x321: {  	s10 =	smov.u32 s30;
	[tilespmem:v13+s2+$0x70 ss:$0x1] =	vst.idx.msk $0xffff, v15  }
0x322: {  	s2 =	smul.u32 $0x640, s6;
	_ =	sdelay $0x1  }
0x323: {  	s2 =	sshrl.u32 s2, $0x2  }
0x324: {  	s2 =	sadd.s32 s7, s2  }
0x325: {  	s5 =	sadd.s32 $0x3, s5;
	s2 =	sadd.s32 $0x4B0, s2  }
0x326: {  	[spmem:s20] =	stream.indirect.scatter.add.f32 [tilespmem:s8], [sflag:s5], $0x90, s2, s3, $0xb8;
	[tilespmem:$0x1FBD0] =	vst v63  }
.LBB2_15:
0x327: {  	p0 =	sne.s32 s4, $0xFB  }
.Ltmp8:
0x328: {  	_ = 	snop;
	(pc) =	sbr.rel @p0 .LBB2_8-.Ltmp8, $2  }
0x329: {  	_ =	sdelay $0x2  }
0x32a: {  	s2 =	smov.u32 s4  }
0x32b: {  	s2 =	simm.s32 $0x3  }
0x32c: {  	_ =	swait.ge [sflag:s2], $0x1680  }
0x32d: {  	[sflag:s2] =	ssyncset.done $0x0  }
0x32e: {  	s11 =	simm.s32 $0x4;
	[sflag:s2] =	ssyncadd.s32 $0xFFFFE980  }
0x32f: {  	_ =	swait.ge [sflag:s11], $0x1680  }
0x330: {  	[sflag:s11] =	ssyncset.done $0x0  }
0x331: {  	[sflag:s11] =	ssyncadd.s32 $0xFFFFE980  }
0x332: {  	[bflag:$0x0] =	sbarrier.arrive $0xFFFF  }
0x333: {  	s4 =	sld [smem:$0x7ED]  }
0x334: {  	s12 =	stileid.u32  }
0x335: {  	s2 =	sshll.u32 s12, $0x6  }
0x336: {  	s2 =	sor.u32 $0x1C08, s2;
	s5 =	rddreg [dreg:$0x6];
	s4 =	sshrl.u32 s4, $0x3  }
0x337: {  	[hbm:s5], [sflag:s2] =	dma.local [spmem:s4], $0x2D0  }
0x338: {  	_ =	swait.ge [sflag:s31], $0x2D0  }
0x339: {  	s13 =	sld [smem:$0x7EE];
	_ =	sdelay $0x1  }
0x33a: {  	[sflag:s31] =	ssyncset.done $0x0  }
0x33b: {  	s14 =	rddreg [dreg:$0x7];
	[sflag:s31] =	ssyncadd.s32 $0xFFFFFD30;
	s4 =	sshrl.u32 s13, $0x3  }
0x33c: {  	[hbm:s14], [sflag:s2] =	dma.local [spmem:s4], $0x2D0  }
0x33d: {  	_ =	swait.ge [sflag:s31], $0x2D0  }
0x33e: {  	s15 =	sld [smem:$0x7EF];
	_ =	sdelay $0x1  }
0x33f: {  	[sflag:s31] =	ssyncset.done $0x0  }
0x340: {  	s16 =	rddreg [dreg:$0x8];
	[sflag:s31] =	ssyncadd.s32 $0xFFFFFD30;
	s4 =	sshrl.u32 s15, $0x3  }
0x341: {  	[hbm:s16], [sflag:s2] =	dma.local [spmem:s4], $0x2D0  }
0x342: {  	_ =	swait.ge [sflag:s31], $0x2D0  }
0x343: {  	s8 =	sld [smem:$0x7F9];
	_ =	sdelay $0x1  }
0x344: {  	[sflag:s31] =	ssyncset.done $0x0  }
0x345: {  	s18 =	rddreg [dreg:$0x9];
	[sflag:s31] =	ssyncadd.s32 $0xFFFFFD30;
	s17 =	sshrl.u32 s8, $0x3  }
0x346: {  	[hbm:s18], [sflag:s2] =	dma.local [spmem:s17], $0x2D0  }
0x347: {  	_ =	swait.ge [sflag:s31], $0x2D0  }
0x348: {  	s9 =	sld [smem:$0x7FA];
	_ =	sdelay $0x1  }
0x349: {  	[sflag:s31] =	ssyncset.done $0x0  }
0x34a: {  	s21 =	rddreg [dreg:$0xa];
	[sflag:s31] =	ssyncadd.s32 $0xFFFFFD30;
	s19 =	sshrl.u32 s9, $0x3  }
0x34b: {  	[hbm:s21], [sflag:s2] =	dma.local [spmem:s19], $0x2D0  }
0x34c: {  	_ =	swait.ge [sflag:s31], $0x2D0  }
0x34d: {  	s10 =	sld [smem:$0x7FB];
	_ =	sdelay $0x1  }
0x34e: {  	[sflag:s31] =	ssyncset.done $0x0  }
0x34f: {  	s24 =	rddreg [dreg:$0xb];
	[sflag:s31] =	ssyncadd.s32 $0xFFFFFD30;
	s22 =	sshrl.u32 s10, $0x3  }
0x350: {  	[hbm:s24], [sflag:s2] =	dma.local [spmem:s22], $0x2D0  }
0x351: {  	_ =	swait.ge [sflag:s31], $0x2D0  }
0x352: {  	s26 =	sld [smem:$0x7F0];
	_ =	sdelay $0x1  }
0x353: {  	[sflag:s31] =	ssyncset.done $0x0  }
0x354: {  	s28 =	rddreg [dreg:$0xc];
	[sflag:s31] =	ssyncadd.s32 $0xFFFFFD30;
	s4 =	sshrl.u32 s26, $0x3  }
0x355: {  	[hbm:s28], [sflag:s2] =	dma.local [spmem:s4], $0x2D0  }
0x356: {  	_ =	swait.ge [sflag:s31], $0x2D0  }
0x357: {  	s29 =	sld [smem:$0x7F1];
	_ =	sdelay $0x1  }
0x358: {  	[sflag:s31] =	ssyncset.done $0x0  }
0x359: {  	s30 =	rddreg [dreg:$0xd];
	[sflag:s31] =	ssyncadd.s32 $0xFFFFFD30;
	s4 =	sshrl.u32 s29, $0x3  }
0x35a: {  	[hbm:s30], [sflag:s2] =	dma.local [spmem:s4], $0x2D0  }
0x35b: {  	_ =	swait.ge [sflag:s31], $0x2D0  }
0x35c: {  	s6 =	sld [smem:$0x7FC];
	_ =	sdelay $0x1  }
0x35d: {  	[sflag:s31] =	ssyncset.done $0x0  }
0x35e: {  	s7 =	rddreg [dreg:$0xe];
	[sflag:s31] =	ssyncadd.s32 $0xFFFFFD30;
	s5 =	sshrl.u32 s6, $0x3  }
0x35f: {  	[hbm:s7], [sflag:s2] =	dma.local [spmem:s5], $0x2D0  }
0x360: {  	_ =	swait.ge [sflag:s31], $0x2D0  }
0x361: {  	s11 =	sld [smem:$0x7F2];
	_ =	sdelay $0x1  }
0x362: {  	[sflag:s31] =	ssyncset.done $0x0  }
0x363: {  	s12 =	rddreg [dreg:$0xf];
	[sflag:s31] =	ssyncadd.s32 $0xFFFFFD30;
	s4 =	sshrl.u32 s11, $0x3  }
0x364: {  	[hbm:s12], [sflag:s2] =	dma.local [spmem:s4], $0x2D0  }
0x365: {  	_ =	swait.ge [sflag:s31], $0x2D0  }
0x366: {  	s7 =	sld [smem:$0x7FD];
	_ =	sdelay $0x1  }
0x367: {  	[sflag:s31] =	ssyncset.done $0x0  }
0x368: {  	s14 =	rddreg [dreg:$0x10];
	[sflag:s31] =	ssyncadd.s32 $0xFFFFFD30;
	s13 =	sshrl.u32 s7, $0x3  }
0x369: {  	[hbm:s14], [sflag:s2] =	dma.local [spmem:s13], $0x2D0  }
0x36a: {  	_ =	swait.ge [sflag:s31], $0x2D0  }
0x36b: {  	s15 =	sld [smem:$0x7F3];
	_ =	sdelay $0x1  }
0x36c: {  	[sflag:s31] =	ssyncset.done $0x0  }
0x36d: {  	s16 =	rddreg [dreg:$0x11];
	[sflag:s31] =	ssyncadd.s32 $0xFFFFFD30;
	s4 =	sshrl.u32 s15, $0x3  }
0x36e: {  	[hbm:s16], [sflag:s2] =	dma.local [spmem:s4], $0x2D0  }
0x36f: {  	_ =	swait.ge [sflag:s31], $0x2D0  }
0x370: {  	s17 =	sld [smem:$0x7F4];
	_ =	sdelay $0x1  }
0x371: {  	[sflag:s31] =	ssyncset.done $0x0  }
0x372: {  	s18 =	rddreg [dreg:$0x12];
	[sflag:s31] =	ssyncadd.s32 $0xFFFFFD30;
	s4 =	sshrl.u32 s17, $0x3  }
0x373: {  	[hbm:s18], [sflag:s2] =	dma.local [spmem:s4], $0x2D0  }
0x374: {  	_ =	swait.ge [sflag:s31], $0x2D0  }
0x375: {  	s19 =	sld [smem:$0x7F5];
	_ =	sdelay $0x1  }
0x376: {  	[sflag:s31] =	ssyncset.done $0x0  }
0x377: {  	s21 =	rddreg [dreg:$0x13];
	[sflag:s31] =	ssyncadd.s32 $0xFFFFFD30;
	s4 =	sshrl.u32 s19, $0x3  }
0x378: {  	[hbm:s21], [sflag:s2] =	dma.local [spmem:s4], $0x2D0  }
0x379: {  	_ =	swait.ge [sflag:s31], $0x2D0  }
0x37a: {  	s22 =	sld [smem:$0x7F6];
	_ =	sdelay $0x1  }
0x37b: {  	[sflag:s31] =	ssyncset.done $0x0  }
0x37c: {  	s24 =	rddreg [dreg:$0x14];
	[sflag:s31] =	ssyncadd.s32 $0xFFFFFD30;
	s4 =	sshrl.u32 s22, $0x3  }
0x37d: {  	[hbm:s24], [sflag:s2] =	dma.local [spmem:s4], $0x2D0  }
0x37e: {  	_ =	swait.ge [sflag:s31], $0x2D0  }
0x37f: {  	s26 =	sld [smem:$0x7F7];
	_ =	sdelay $0x1  }
0x380: {  	[sflag:s31] =	ssyncset.done $0x0  }
0x381: {  	s28 =	rddreg [dreg:$0x15];
	[sflag:s31] =	ssyncadd.s32 $0xFFFFFD30;
	s4 =	sshrl.u32 s26, $0x3  }
0x382: {  	[hbm:s28], [sflag:s2] =	dma.local [spmem:s4], $0x2D0  }
0x383: {  	_ =	swait.ge [sflag:s31], $0x2D0  }
0x384: {  	s29 =	sld [smem:$0x7EB]  }
0x385: {  	s30 =	sld [smem:$0x7F8];
	_ =	sdelay $0x1  }
0x386: {  	s4 =	sadd.s32 $0x1, s29  }
0x387: {  	p0 =	sne.s32 s4, s30  }
.Ltmp9:
0x388: {  	_ = 	snop;
	(pc) =	sbr.rel @p0 .LBB2_1-.Ltmp9, $3  }
0x389: {  	_ =	sdelay $0x1  }
0x38a: {  	[sflag:s31] =	ssyncset.done $0x0  }
0x38b: {  	[sflag:s31] =	ssyncadd.s32 $0xFFFFFD30  }
0x38c: {  	_ =	sfence.sel $0x180000  }
0x38d: {  	[bflag:$0x0] =	sbarrier.arrive $0xFFFF  }
0x38e: {  	_ =	strace $0x90000047  }
0x38f: {  	s0 =	stileid.u32;
	[bflag:$0x2] =	sbarrier.arrive $0xFFFF  }
0x390: {  	p0 =	sne.s32 s0, $0x0;
	s0 =	rddreg [dreg:$0x4]  }
0x391: {  	s0 =	sadd.s32 @!p0 $0x100000, s0  }
0x392: {  	[sflag:s0] =	ssyncadd.tile.s32 @!p0 $0x1;
	_ =	shalt  }
.Lfunc_end2:
_tile_overlayer_lowered:
.L_overlay_start_2:
0x393: {  	(tag) =	ssettag $0x2  }
0x394: {  	s0 =	rddreg [dreg:$0x0];
	s2 =	stileid.u32  }
0x395: {  	s1 =	rddreg [dreg:$0x1];
	p0 =	sne.s32 s2, $0x0  }
0x396: {  	s3 =	rddreg [dreg:$0x2];
	[bflag:$0x3] =	sbarrier.arrive $0xFFFF;
	s2 =	simm.s32 @!p0 $0x1C08  }
0x397: {  	[timem:s3], [sflag:s2] =	dma.local @!p0 [hbm:s0], s1  }
0x398: {  	s0 =	simm.s32 @!p0 $0x8  }
0x399: {  	_ =	swait.ge @!p0 [sflag:s0], s1  }
0x39a: {  	s1 =	ssub.s32 @!p0 $0x0, s1;
	[sflag:s0] =	ssyncset.done @!p0 $0x0  }
0x39b: {  	[sflag:s0] =	ssyncadd.s32 @!p0 s1  }
0x39c: {  	[bflag:$0x3] =	sbarrier.arrive $0xFFFF  }
0x39d: {  	_ =	shalt  }

</sc_bundles>
